<compile_context>
chip_gen: v7x
topology: tpu7x:2x2x1
jax: 0.10.2.dev20260603
libtpu: 0.0.44.dev20260713+nightly
codegen_flags: <defaults>
</compile_context>

<pallas_src>
import functools
import jax
import jax.numpy as jnp
from jax import lax
from jax.experimental import pallas as pl
from jax.experimental.pallas import tpu as pltpu
from jax.experimental.pallas import tpu_sc as plsc

N_PTS = 16384
N_IN = 256
N_OUT = 256
B = 4
R = 1024
NBLK = N_PTS // R
SEG = (N_PTS // B) * 8


def _sortable_i32(f32):
    i = lax.bitcast_convert_type(f32, jnp.int32)
    return i ^ (lax.shift_right_arithmetic(i, 31) & jnp.int32(0x7FFFFFFF))


def _scores_body(x_ref, wupf_ref, bupt_ref, w1_ref, b1_ref, w2_ref, b2_ref,
                 s_ref):
    xb = x_ref[...]
    up_all = jnp.dot(xb, wupf_ref[...], preferred_element_type=jnp.float32)
    up_all = up_all + bupt_ref[...]
    for o in range(8):
        up_o = up_all[:, 256 * o:256 * (o + 1)].astype(jnp.bfloat16)
        h = jnp.dot(up_o, w1_ref[...], preferred_element_type=jnp.float32)
        h = jnp.maximum(h + b1_ref[...], 0.0).astype(jnp.bfloat16)
        s = jnp.dot(h, w2_ref[...], preferred_element_type=jnp.float32)
        s_ref[:, o:o + 1] = s[:, 0:1] + b2_ref[0, 0]


def _thresh_body(s2_ref, k_ref, thr_ref):
    i32 = _sortable_i32(s2_ref[...])
    ukey = lax.bitcast_convert_type(i32, jnp.uint32) ^ jnp.uint32(0x80000000)
    rows = SEG // 128
    idx = (lax.broadcasted_iota(jnp.int32, (rows, 128), 0) * 128
           + lax.broadcasted_iota(jnp.int32, (rows, 128), 1))
    ones = jnp.ones((128, 128), jnp.float32)

    def total(pred_f32):
        part = jnp.sum(pred_f32, axis=0, keepdims=True)
        return jnp.dot(part, ones, preferred_element_type=jnp.float32)

    usegs = [ukey[b * rows:(b + 1) * rows, :] for b in range(B)]
    kbs = [(k_ref[b]).astype(jnp.float32) for b in range(B)]

    def tbody(j, ts):
        bit = jnp.uint32(31) - j.astype(jnp.uint32)
        out = []
        for b in range(B):
            tt = ts[b] | (jnp.uint32(1) << bit)
            cnt = total((usegs[b] >= tt).astype(jnp.float32))
            out.append(jnp.where(cnt >= kbs[b], tt, ts[b]))
        return tuple(out)

    ts = lax.fori_loop(0, 32, tbody,
                       tuple(jnp.zeros((1, 128), jnp.uint32)
                             for _ in range(B)), unroll=True)
    rs = [kbs[b] - total((usegs[b] > ts[b]).astype(jnp.float32))
          for b in range(B)]
    eqs = [usegs[b] == ts[b] for b in range(B)]

    def abody(j, aa):
        bit = jnp.int32(14) - j
        out = []
        for b in range(B):
            at = aa[b] & ~(jnp.int32(1) << bit)
            cnt = total((eqs[b] & (idx <= at)).astype(jnp.float32))
            out.append(jnp.where(cnt >= rs[b], at, aa[b]))
        return tuple(out)

    aa = lax.fori_loop(0, 15, abody,
                       tuple(jnp.full((1, 128), SEG - 1, jnp.int32)
                             for _ in range(B)), unroll=True)
    for b in range(B):
        ts_i = lax.bitcast_convert_type(ts[b] ^ jnp.uint32(0x80000000),
                                        jnp.int32)
        thr_ref[2 * b:2 * b + 1, :] = ts_i
        thr_ref[2 * b + 1:2 * b + 2, :] = aa[b]


def _apply_body(x_ref, s_ref, thr_ref, wupf_ref, bupt_ref, xp_ref):
    i = pl.program_id(0)
    b = i // (NBLK // B)
    thr = thr_ref[...]

    def sel(row0):
        v = thr[row0 + 6:row0 + 7, 0:1]
        for bb in (2, 1, 0):
            v = jnp.where(b == bb, thr[row0 + 2 * bb:row0 + 2 * bb + 1, 0:1],
                          v)
        return v

    t = sel(0)
    a = sel(1)
    keys = _sortable_i32(s_ref[...])
    n_loc = lax.broadcasted_iota(jnp.int32, (R, 8), 0)
    o_idx = lax.broadcasted_iota(jnp.int32, (R, 8), 1)
    flat = ((i % (NBLK // B)) * R + n_loc) * 8 + o_idx
    mask = (keys > t) | ((keys == t) & (flat <= a))

    up_all = jnp.dot(x_ref[...].astype(jnp.bfloat16), wupf_ref[...],
                     preferred_element_type=jnp.float32) + bupt_ref[...]
    for o in range(8):
        mo = mask[:, o:o + 1]
        xp_ref[:, o, :] = jnp.where(
            mo, up_all[:, 256 * o:256 * (o + 1)], 0.0)


NW = 32
CPW = N_PTS // NW
CCW = CPW * 8


def _sc_coords_body(s2_hbm, cb_hbm, cx_hbm, cy_hbm, cz_hbm, thr_hbm,
                    ob_hbm, ox_hbm, oy_hbm, oz_hbm,
                    sv, cbv, cxv, cyv, czv, tv, obv, oxv, oyv, ozv):
    c = lax.axis_index("c")
    s = lax.axis_index("s")
    wid = s * 2 + c
    pbase = wid * CPW
    fbase = wid * CCW
    pltpu.sync_copy(s2_hbm.at[pl.ds(fbase, CCW)], sv)
    pltpu.sync_copy(cb_hbm.at[pl.ds(fbase, CCW)], cbv)
    pltpu.sync_copy(cx_hbm.at[pl.ds(fbase, CCW)], cxv)
    pltpu.sync_copy(cy_hbm.at[pl.ds(fbase, CCW)], cyv)
    pltpu.sync_copy(cz_hbm.at[pl.ds(fbase, CCW)], czv)
    pltpu.sync_copy(thr_hbm, tv)

    b = pbase // (N_PTS // B)

    def selv(row0):
        v = tv[row0 + 6, 0:16]
        for bb in (2, 1, 0):
            v = jnp.where(b == bb, tv[row0 + 2 * bb, 0:16], v)
        return v

    tkey = selv(0)
    akey = selv(1)
    lane = lax.iota(jnp.int32, 16)
    o_v = lane & 7
    dx = (o_v >> 2) & 1
    dy = (o_v >> 1) & 1
    dz = o_v & 1
    neg1 = jnp.full((16,), -1, jnp.int32)

    def row_body(row, carry):
        for cc in range(8):
            st = row * 128 + cc * 16
            floc = st + lane
            sval = sv[pl.ds(st, 16)]
            ik = _sortable_i32(sval)
            flat = fbase + floc - b * SEG
            m = (ik > tkey) | ((ik == tkey) & (flat <= akey))
            pb = cbv[pl.ds(st, 16)]
            px = cxv[pl.ds(st, 16)]
            py = cyv[pl.ds(st, 16)]
            pz = czv[pl.ds(st, 16)]
            obv[pl.ds(st, 16)] = jnp.where(m, pb, neg1)
            oxv[pl.ds(st, 16)] = jnp.where(m, 2 * px + dx, neg1)
            oyv[pl.ds(st, 16)] = jnp.where(m, 2 * py + dy, neg1)
            ozv[pl.ds(st, 16)] = jnp.where(m, 2 * pz + dz, neg1)
        return carry

    lax.fori_loop(0, CCW // 128, row_body, jnp.int32(0))
    pltpu.sync_copy(obv, ob_hbm.at[pl.ds(fbase, CCW)])
    pltpu.sync_copy(oxv, ox_hbm.at[pl.ds(fbase, CCW)])
    pltpu.sync_copy(oyv, oy_hbm.at[pl.ds(fbase, CCW)])
    pltpu.sync_copy(ozv, oz_hbm.at[pl.ds(fbase, CCW)])


@jax.jit
def kernel(x, coords, k, W_up, b_up, W1, b1, W2, b2):
    wupf = W_up.transpose(1, 0, 2).reshape(N_IN, 8 * N_OUT)
    bupt = jnp.tile(b_up, 8).reshape(1, 8 * N_OUT)
    w1 = W1.astype(jnp.bfloat16)
    b1r = b1.reshape(1, N_OUT)
    w2r = jnp.pad(W2, ((0, 0), (0, 127))).astype(jnp.bfloat16)
    b2r = b2.reshape(1, 1)
    wupf16 = wupf.astype(jnp.bfloat16)
    coords32 = coords.astype(jnp.int32)
    k32 = k.astype(jnp.int32)

    full = lambda shape: pl.BlockSpec(shape, lambda i: (0,) * len(shape))

    s_nat = pl.pallas_call(
        _scores_body,
        grid=(NBLK,),
        in_specs=[
            pl.BlockSpec((R, N_IN), lambda i: (i, 0)),
            full((N_IN, 8 * N_OUT)),
            full((1, 8 * N_OUT)),
            full((N_OUT, N_OUT)),
            full((1, N_OUT)),
            full((N_OUT, 128)),
            full((1, 1)),
        ],
        out_specs=pl.BlockSpec((R, 8), lambda i: (i, 0)),
        out_shape=jax.ShapeDtypeStruct((N_PTS, 8), jnp.float32),
        compiler_params=pltpu.CompilerParams(
            dimension_semantics=("parallel",)),
    )(x, wupf, bupt, w1, b1r, w2r, b2r)

    s2 = s_nat.reshape(N_PTS * 8 // 128, 128)
    thr = pl.pallas_call(
        _thresh_body,
        in_specs=[
            pl.BlockSpec(memory_space=pltpu.VMEM),
            pl.BlockSpec(memory_space=pltpu.SMEM),
        ],
        out_specs=pl.BlockSpec(memory_space=pltpu.VMEM),
        out_shape=jax.ShapeDtypeStruct((2 * B, 128), jnp.int32),
    )(s2, k32)

    xp_wide = pl.pallas_call(
        _apply_body,
        grid=(NBLK,),
        in_specs=[
            pl.BlockSpec((R, N_IN), lambda i: (i, 0)),
            pl.BlockSpec((R, 8), lambda i: (i, 0)),
            full((2 * B, 128)),
            full((N_IN, 8 * N_OUT)),
            full((1, 8 * N_OUT)),
        ],
        out_specs=pl.BlockSpec((R, 8, N_OUT), lambda i: (i, 0, 0)),
        out_shape=jax.ShapeDtypeStruct((N_PTS, 8, N_OUT), jnp.float32),
        compiler_params=pltpu.CompilerParams(
            dimension_semantics=("parallel",)),
    )(x, s_nat, thr, wupf16, bupt)

    sc_kernel = pl.kernel(
        _sc_coords_body,
        mesh=plsc.VectorSubcoreMesh(core_axis_name="c", subcore_axis_name="s"),
        out_type=[jax.ShapeDtypeStruct((N_PTS * 8,), jnp.int32)
                  for _ in range(4)],
        scratch_types=[
            pltpu.VMEM((CCW,), jnp.float32),
            pltpu.VMEM((CCW,), jnp.int32),
            pltpu.VMEM((CCW,), jnp.int32),
            pltpu.VMEM((CCW,), jnp.int32),
            pltpu.VMEM((CCW,), jnp.int32),
            pltpu.VMEM((2 * B, 128), jnp.int32),
            pltpu.VMEM((CCW,), jnp.int32),
            pltpu.VMEM((CCW,), jnp.int32),
            pltpu.VMEM((CCW,), jnp.int32),
            pltpu.VMEM((CCW,), jnp.int32),
        ],
    )
    ob, ox, oy, oz = sc_kernel(
        s2.reshape(N_PTS * 8),
        jnp.repeat(coords32[:, 0], 8), jnp.repeat(coords32[:, 1], 8),
        jnp.repeat(coords32[:, 2], 8), jnp.repeat(coords32[:, 3], 8), thr)

    x_pruned = xp_wide.reshape(N_PTS * 8, N_OUT)
    predictions = s_nat.reshape(N_PTS * 8, 1)
    sel_coords = jnp.stack([ob, ox, oy, oz], axis=1).astype(jnp.int64)
    return x_pruned, predictions, sel_coords

# --- scband reference (transcript-rebuilt; emitter-appended) ---
"""Pipeline reference for scband-generative-up-block-81475529605506 (READ-ONLY COPY).

The authoritative reference and input builder live on the scoring server;
editing this copy changes nothing except your own understanding.
"""

import jax, jax.numpy as jnp
import numpy as np

N_IN = 256
N_OUT = 256
N_PTS = 16384
B = 4


def setup_inputs(seed: int = 0) -> dict:
    key = jax.random.key(seed)
    ks = jax.random.split(key, 10)
    x = jax.random.normal(ks[0], (N_PTS, N_IN), dtype=jnp.float32)
    spatial = jax.random.randint(ks[1], (N_PTS, 3), 0, 64)
    batch = jnp.arange(N_PTS) // (N_PTS // B)
    coords = jnp.concatenate([batch[:, None], spatial], axis=1).astype(jnp.int64)
    k = jax.random.randint(ks[2], (B,), 1024, 16384).astype(jnp.int64)
    # generative conv-transpose surrogate: per-offset linear maps (8 children per voxel)
    W_up = jax.random.normal(ks[3], (8, N_IN, N_OUT), dtype=jnp.float32) * 0.05
    b_up = jnp.zeros((N_OUT,), jnp.float32)
    # occupancy prediction head (conv -> relu -> 1x1 conv surrogate)
    W1 = jax.random.normal(ks[4], (N_OUT, N_OUT), dtype=jnp.float32) * 0.05
    b1 = jnp.zeros((N_OUT,), jnp.float32)
    W2 = jax.random.normal(ks[5], (N_OUT, 1), dtype=jnp.float32) * 0.05
    b2 = jnp.zeros((1,), jnp.float32)
    return dict(x=x, coords=coords, k=k, W_up=W_up, b_up=b_up, W1=W1, b1=b1, W2=W2, b2=b2)


def reference(x, coords, k, W_up, b_up, W1, b1, W2, b2):
    # --- up_conv: generative transpose conv, stride 2 -> each point emits 8 children ---
    offsets = jnp.array([[dx, dy, dz] for dx in (0, 1) for dy in (0, 1) for dz in (0, 1)], dtype=jnp.int64)
    new_spatial = (coords[:, 1:] * 2)[:, None, :] + offsets[None, :, :]  # [N,8,3]
    new_spatial = new_spatial.reshape(-1, 3)
    new_batch = jnp.repeat(coords[:, 0], 8)  # [N*8]
    up_coords = jnp.concatenate([new_batch[:, None], new_spatial], axis=1)  # [N*8,4]
    up_f = jnp.einsum('ni,oij->noj', x, W_up) + b_up  # [N,8,N_OUT]
    up_f = up_f.reshape(-1, N_OUT)  # [N*8, N_OUT]
    # --- occ_predict ---
    h = jnp.maximum(up_f @ W1 + b1, 0.0)
    predictions = h @ W2 + b2  # [N*8, 1]
    # --- _topk_prediction: per-batch top-k occupancy mask ---
    scores = predictions[:, 0]
    mask = jnp.zeros((scores.shape[0],), dtype=bool)
    positions = jnp.arange(scores.shape[0])
    for b in range(B):
        m = jnp.where(new_batch == b, scores, -jnp.inf)
        order = jnp.argsort(-m)
        rank = jnp.zeros_like(positions).at[order].set(positions)
        mask = mask | (rank < k[b])
    # --- prune (static-shape masking surrogate for MinkowskiPruning) ---
    x_pruned = jnp.where(mask[:, None], up_f, 0.0)
    sel_coords = jnp.where(mask[:, None], up_coords, -1)
    return x_pruned, predictions, sel_coords

if __name__ == "__main__":
    import jax
    _d = setup_inputs()
    print(jax.jit(kernel)(*tuple(_d.values())))

</pallas_src>

<mosaic_0001>
#map = affine_map<(d0, d1) -> (0)>
#map1 = affine_map<(d0, d1) -> (0, 0)>
module attributes {stable_mosaic.version = 14 : i64} {
  func.func @_sc_coords_body(%arg0: i32, %arg1: i32, %arg2: memref<131072xf32, #tpu.memory_space<hbm>>, %arg3: memref<131072xi32, #tpu.memory_space<hbm>>, %arg4: memref<131072xi32, #tpu.memory_space<hbm>>, %arg5: memref<131072xi32, #tpu.memory_space<hbm>>, %arg6: memref<131072xi32, #tpu.memory_space<hbm>>, %arg7: memref<8x128xi32, #tpu.memory_space<hbm>>, %arg8: memref<131072xi32, #tpu.memory_space<hbm>>, %arg9: memref<131072xi32, #tpu.memory_space<hbm>>, %arg10: memref<131072xi32, #tpu.memory_space<hbm>>, %arg11: memref<131072xi32, #tpu.memory_space<hbm>>, %arg12: memref<4096xf32, #tpu.memory_space<vmem>>, %arg13: memref<4096xi32, #tpu.memory_space<vmem>>, %arg14: memref<4096xi32, #tpu.memory_space<vmem>>, %arg15: memref<4096xi32, #tpu.memory_space<vmem>>, %arg16: memref<4096xi32, #tpu.memory_space<vmem>>, %arg17: memref<8x128xi32, #tpu.memory_space<vmem>>, %arg18: memref<4096xi32, #tpu.memory_space<vmem>>, %arg19: memref<4096xi32, #tpu.memory_space<vmem>>, %arg20: memref<4096xi32, #tpu.memory_space<vmem>>, %arg21: memref<4096xi32, #tpu.memory_space<vmem>>) attributes {dimension_semantics = [#tpu.dimension_semantics<core_parallel>, #tpu.dimension_semantics<subcore_parallel>], iteration_bounds = array<i64: 2, 16>, scalar_prefetch = 0 : i64, scratch_operands = 10 : i64, tpu.core_type = #tpu.core_type<sc_vector_subcore>, window_params = [{transform_indices = #map}, {transform_indices = #map}, {transform_indices = #map}, {transform_indices = #map}, {transform_indices = #map}, {transform_indices = #map1}, {transform_indices = #map}, {transform_indices = #map}, {transform_indices = #map}, {transform_indices = #map}]} {
    %mul3A = arith.constant 2 : i32
    %mul3A_0 = arith.muli %arg1, %mul3A : i32
    %add3A = arith.addi %mul3A_0, %arg0 : i32
    %mul3A_1 = arith.constant 512 : i32
    %mul3A_2 = arith.muli %add3A, %mul3A_1 : i32
    %mul3A_3 = arith.constant 4096 : i32
    %mul3A_4 = arith.muli %add3A, %mul3A_3 : i32
    "tpu.region"() ({
      %run_scoped3A = tpu.sem_alloc : memref<!tpu.dma_semaphore, #tpu.memory_space<semaphore_mem>>
      %dma_start3A = tpu.memref_slice %arg2[%mul3A_4] : memref<131072xf32, #tpu.memory_space<hbm>> -> memref<4096xf32, #tpu.memory_space<hbm>>
      %dma_start3A_100 = tpu.memref_slice %arg2[%mul3A_4] : memref<131072xf32, #tpu.memory_space<hbm>> -> memref<4096xf32, #tpu.memory_space<hbm>>
      tpu.enqueue_dma source(%dma_start3A_100 : memref<4096xf32, #tpu.memory_space<hbm>>) target(%arg12 : memref<4096xf32, #tpu.memory_space<vmem>>) target_semaphore(%run_scoped3A : memref<!tpu.dma_semaphore, #tpu.memory_space<semaphore_mem>>)
      %dma_wait3A = tpu.memref_slice %arg2[%mul3A_4] : memref<131072xf32, #tpu.memory_space<hbm>> -> memref<4096xf32, #tpu.memory_space<hbm>>
      %dma_wait3A_101 = tpu.memref_slice %arg2[%mul3A_4] : memref<131072xf32, #tpu.memory_space<hbm>> -> memref<4096xf32, #tpu.memory_space<hbm>>
      tpu.wait_dma2 semaphore(%run_scoped3A : memref<!tpu.dma_semaphore, #tpu.memory_space<semaphore_mem>>) src(%dma_wait3A_101 : memref<4096xf32, #tpu.memory_space<hbm>>) dst(%arg12 : memref<4096xf32, #tpu.memory_space<vmem>>)
      tpu.yield
    }) : () -> ()
    "tpu.region"() ({
      %run_scoped3A = tpu.sem_alloc : memref<!tpu.dma_semaphore, #tpu.memory_space<semaphore_mem>>
      %dma_start3A = tpu.memref_slice %arg3[%mul3A_4] : memref<131072xi32, #tpu.memory_space<hbm>> -> memref<4096xi32, #tpu.memory_space<hbm>>
      %dma_start3A_100 = tpu.memref_slice %arg3[%mul3A_4] : memref<131072xi32, #tpu.memory_space<hbm>> -> memref<4096xi32, #tpu.memory_space<hbm>>
      tpu.enqueue_dma source(%dma_start3A_100 : memref<4096xi32, #tpu.memory_space<hbm>>) target(%arg13 : memref<4096xi32, #tpu.memory_space<vmem>>) target_semaphore(%run_scoped3A : memref<!tpu.dma_semaphore, #tpu.memory_space<semaphore_mem>>)
      %dma_wait3A = tpu.memref_slice %arg3[%mul3A_4] : memref<131072xi32, #tpu.memory_space<hbm>> -> memref<4096xi32, #tpu.memory_space<hbm>>
      %dma_wait3A_101 = tpu.memref_slice %arg3[%mul3A_4] : memref<131072xi32, #tpu.memory_space<hbm>> -> memref<4096xi32, #tpu.memory_space<hbm>>
      tpu.wait_dma2 semaphore(%run_scoped3A : memref<!tpu.dma_semaphore, #tpu.memory_space<semaphore_mem>>) src(%dma_wait3A_101 : memref<4096xi32, #tpu.memory_space<hbm>>) dst(%arg13 : memref<4096xi32, #tpu.memory_space<vmem>>)
      tpu.yield
    }) : () -> ()
    "tpu.region"() ({
      %run_scoped3A = tpu.sem_alloc : memref<!tpu.dma_semaphore, #tpu.memory_space<semaphore_mem>>
      %dma_start3A = tpu.memref_slice %arg4[%mul3A_4] : memref<131072xi32, #tpu.memory_space<hbm>> -> memref<4096xi32, #tpu.memory_space<hbm>>
      %dma_start3A_100 = tpu.memref_slice %arg4[%mul3A_4] : memref<131072xi32, #tpu.memory_space<hbm>> -> memref<4096xi32, #tpu.memory_space<hbm>>
      tpu.enqueue_dma source(%dma_start3A_100 : memref<4096xi32, #tpu.memory_space<hbm>>) target(%arg14 : memref<4096xi32, #tpu.memory_space<vmem>>) target_semaphore(%run_scoped3A : memref<!tpu.dma_semaphore, #tpu.memory_space<semaphore_mem>>)
      %dma_wait3A = tpu.memref_slice %arg4[%mul3A_4] : memref<131072xi32, #tpu.memory_space<hbm>> -> memref<4096xi32, #tpu.memory_space<hbm>>
      %dma_wait3A_101 = tpu.memref_slice %arg4[%mul3A_4] : memref<131072xi32, #tpu.memory_space<hbm>> -> memref<4096xi32, #tpu.memory_space<hbm>>
      tpu.wait_dma2 semaphore(%run_scoped3A : memref<!tpu.dma_semaphore, #tpu.memory_space<semaphore_mem>>) src(%dma_wait3A_101 : memref<4096xi32, #tpu.memory_space<hbm>>) dst(%arg14 : memref<4096xi32, #tpu.memory_space<vmem>>)
      tpu.yield
    }) : () -> ()
    "tpu.region"() ({
      %run_scoped3A = tpu.sem_alloc : memref<!tpu.dma_semaphore, #tpu.memory_space<semaphore_mem>>
      %dma_start3A = tpu.memref_slice %arg5[%mul3A_4] : memref<131072xi32, #tpu.memory_space<hbm>> -> memref<4096xi32, #tpu.memory_space<hbm>>
      %dma_start3A_100 = tpu.memref_slice %arg5[%mul3A_4] : memref<131072xi32, #tpu.memory_space<hbm>> -> memref<4096xi32, #tpu.memory_space<hbm>>
      tpu.enqueue_dma source(%dma_start3A_100 : memref<4096xi32, #tpu.memory_space<hbm>>) target(%arg15 : memref<4096xi32, #tpu.memory_space<vmem>>) target_semaphore(%run_scoped3A : memref<!tpu.dma_semaphore, #tpu.memory_space<semaphore_mem>>)
      %dma_wait3A = tpu.memref_slice %arg5[%mul3A_4] : memref<131072xi32, #tpu.memory_space<hbm>> -> memref<4096xi32, #tpu.memory_space<hbm>>
      %dma_wait3A_101 = tpu.memref_slice %arg5[%mul3A_4] : memref<131072xi32, #tpu.memory_space<hbm>> -> memref<4096xi32, #tpu.memory_space<hbm>>
      tpu.wait_dma2 semaphore(%run_scoped3A : memref<!tpu.dma_semaphore, #tpu.memory_space<semaphore_mem>>) src(%dma_wait3A_101 : memref<4096xi32, #tpu.memory_space<hbm>>) dst(%arg15 : memref<4096xi32, #tpu.memory_space<vmem>>)
      tpu.yield
    }) : () -> ()
    "tpu.region"() ({
      %run_scoped3A = tpu.sem_alloc : memref<!tpu.dma_semaphore, #tpu.memory_space<semaphore_mem>>
      %dma_start3A = tpu.memref_slice %arg6[%mul3A_4] : memref<131072xi32, #tpu.memory_space<hbm>> -> memref<4096xi32, #tpu.memory_space<hbm>>
      %dma_start3A_100 = tpu.memref_slice %arg6[%mul3A_4] : memref<131072xi32, #tpu.memory_space<hbm>> -> memref<4096xi32, #tpu.memory_space<hbm>>
      tpu.enqueue_dma source(%dma_start3A_100 : memref<4096xi32, #tpu.memory_space<hbm>>) target(%arg16 : memref<4096xi32, #tpu.memory_space<vmem>>) target_semaphore(%run_scoped3A : memref<!tpu.dma_semaphore, #tpu.memory_space<semaphore_mem>>)
      %dma_wait3A = tpu.memref_slice %arg6[%mul3A_4] : memref<131072xi32, #tpu.memory_space<hbm>> -> memref<4096xi32, #tpu.memory_space<hbm>>
      %dma_wait3A_101 = tpu.memref_slice %arg6[%mul3A_4] : memref<131072xi32, #tpu.memory_space<hbm>> -> memref<4096xi32, #tpu.memory_space<hbm>>
      tpu.wait_dma2 semaphore(%run_scoped3A : memref<!tpu.dma_semaphore, #tpu.memory_space<semaphore_mem>>) src(%dma_wait3A_101 : memref<4096xi32, #tpu.memory_space<hbm>>) dst(%arg16 : memref<4096xi32, #tpu.memory_space<vmem>>)
      tpu.yield
    }) : () -> ()
    "tpu.region"() ({
      %run_scoped3A = tpu.sem_alloc : memref<!tpu.dma_semaphore, #tpu.memory_space<semaphore_mem>>
      tpu.enqueue_dma source(%arg7 : memref<8x128xi32, #tpu.memory_space<hbm>>) target(%arg17 : memref<8x128xi32, #tpu.memory_space<vmem>>) target_semaphore(%run_scoped3A : memref<!tpu.dma_semaphore, #tpu.memory_space<semaphore_mem>>)
      tpu.wait_dma2 semaphore(%run_scoped3A : memref<!tpu.dma_semaphore, #tpu.memory_space<semaphore_mem>>) src(%arg7 : memref<8x128xi32, #tpu.memory_space<hbm>>) dst(%arg17 : memref<8x128xi32, #tpu.memory_space<vmem>>)
      tpu.yield
    }) : () -> ()
    %jit3A = arith.constant 4096 : i32
    %div3A = arith.divsi %mul3A_2, %jit3A : i32
    %sign3A = arith.constant 0 : i32
    %sign3A_5 = arith.cmpi sgt, %mul3A_2, %sign3A : i32
    %sign3A_6 = arith.extui %sign3A_5 : i1 to i32
    %sign3A_7 = arith.constant 0 : i32
    %sign3A_8 = arith.cmpi slt, %mul3A_2, %sign3A_7 : i32
    %sign3A_9 = arith.extui %sign3A_8 : i1 to i32
    %sign3A_10 = arith.subi %sign3A_6, %sign3A_9 : i32
    %sign3A_11 = arith.constant 0 : i32
    %sign3A_12 = arith.cmpi sgt, %jit3A, %sign3A_11 : i32
    %sign3A_13 = arith.extui %sign3A_12 : i1 to i32
    %sign3A_14 = arith.constant 0 : i32
    %sign3A_15 = arith.cmpi slt, %jit3A, %sign3A_14 : i32
    %sign3A_16 = arith.extui %sign3A_15 : i1 to i32
    %sign3A_17 = arith.subi %sign3A_13, %sign3A_16 : i32
    %ne3A = arith.cmpi ne, %sign3A_10, %sign3A_17 : i32
    %rem3A = arith.remsi %mul3A_2, %jit3A : i32
    %ne3A_18 = arith.constant 0 : i32
    %ne3A_19 = arith.cmpi ne, %rem3A, %ne3A_18 : i32
    %and3A = arith.andi %ne3A, %ne3A_19 : i1
    %sub3A = arith.constant 1 : i32
    %sub3A_20 = arith.subi %div3A, %sub3A : i32
    %select_n3A = arith.select %and3A, %sub3A_20, %div3A : i32
    %get3A = arith.constant 6 : i32
    %get3A_21 = arith.index_cast %get3A : i32 to index
    %get3A_22 = arith.constant 0 : index
    %get3A_23 = tpu.vector_load %arg17[%get3A_21, %get3A_22] {strides = array<i32>} : memref<8x128xi32, #tpu.memory_space<vmem>>, vector<1x16xi32>,
    %get3A_24 = vector.shape_cast %get3A_23 : vector<1x16xi32> to vector<16xi32>
    %eq3A = arith.constant 2 : i32
    %eq3A_25 = arith.cmpi eq, %select_n3A, %eq3A : i32
    %get3A_26 = arith.constant 4 : i32
    %get3A_27 = arith.index_cast %get3A_26 : i32 to index
    %get3A_28 = arith.constant 0 : index
    %get3A_29 = tpu.vector_load %arg17[%get3A_27, %get3A_28] {strides = array<i32>} : memref<8x128xi32, #tpu.memory_space<vmem>>, vector<1x16xi32>,
    %get3A_30 = vector.shape_cast %get3A_29 : vector<1x16xi32> to vector<16xi32>
    %select_n3A_31 = arith.select %eq3A_25, %get3A_30, %get3A_24 : vector<16xi32>
    %eq3A_32 = arith.constant 1 : i32
    %eq3A_33 = arith.cmpi eq, %select_n3A, %eq3A_32 : i32
    %get3A_34 = arith.constant 2 : i32
    %get3A_35 = arith.index_cast %get3A_34 : i32 to index
    %get3A_36 = arith.constant 0 : index
    %get3A_37 = tpu.vector_load %arg17[%get3A_35, %get3A_36] {strides = array<i32>} : memref<8x128xi32, #tpu.memory_space<vmem>>, vector<1x16xi32>,
    %get3A_38 = vector.shape_cast %get3A_37 : vector<1x16xi32> to vector<16xi32>
    %select_n3A_39 = arith.select %eq3A_33, %get3A_38, %select_n3A_31 : vector<16xi32>
    %eq3A_40 = arith.constant 0 : i32
    %eq3A_41 = arith.cmpi eq, %select_n3A, %eq3A_40 : i32
    %get3A_42 = arith.constant 0 : i32
    %get3A_43 = arith.index_cast %get3A_42 : i32 to index
    %get3A_44 = arith.constant 0 : index
    %get3A_45 = tpu.vector_load %arg17[%get3A_43, %get3A_44] {strides = array<i32>} : memref<8x128xi32, #tpu.memory_space<vmem>>, vector<1x16xi32>,
    %get3A_46 = vector.shape_cast %get3A_45 : vector<1x16xi32> to vector<16xi32>
    %select_n3A_47 = arith.select %eq3A_41, %get3A_46, %select_n3A_39 : vector<16xi32>
    %get3A_48 = arith.constant 7 : i32
    %get3A_49 = arith.index_cast %get3A_48 : i32 to index
    %get3A_50 = arith.constant 0 : index
    %get3A_51 = tpu.vector_load %arg17[%get3A_49, %get3A_50] {strides = array<i32>} : memref<8x128xi32, #tpu.memory_space<vmem>>, vector<1x16xi32>,
    %get3A_52 = vector.shape_cast %get3A_51 : vector<1x16xi32> to vector<16xi32>
    %eq3A_53 = arith.constant 2 : i32
    %eq3A_54 = arith.cmpi eq, %select_n3A, %eq3A_53 : i32
    %get3A_55 = arith.constant 5 : i32
    %get3A_56 = arith.index_cast %get3A_55 : i32 to index
    %get3A_57 = arith.constant 0 : index
    %get3A_58 = tpu.vector_load %arg17[%get3A_56, %get3A_57] {strides = array<i32>} : memref<8x128xi32, #tpu.memory_space<vmem>>, vector<1x16xi32>,
    %get3A_59 = vector.shape_cast %get3A_58 : vector<1x16xi32> to vector<16xi32>
    %select_n3A_60 = arith.select %eq3A_54, %get3A_59, %get3A_52 : vector<16xi32>
    %eq3A_61 = arith.constant 1 : i32
    %eq3A_62 = arith.cmpi eq, %select_n3A, %eq3A_61 : i32
    %get3A_63 = arith.constant 3 : i32
    %get3A_64 = arith.index_cast %get3A_63 : i32 to index
    %get3A_65 = arith.constant 0 : index
    %get3A_66 = tpu.vector_load %arg17[%get3A_64, %get3A_65] {strides = array<i32>} : memref<8x128xi32, #tpu.memory_space<vmem>>, vector<1x16xi32>,
    %get3A_67 = vector.shape_cast %get3A_66 : vector<1x16xi32> to vector<16xi32>
    %select_n3A_68 = arith.select %eq3A_62, %get3A_67, %select_n3A_60 : vector<16xi32>
    %eq3A_69 = arith.constant 0 : i32
    %eq3A_70 = arith.cmpi eq, %select_n3A, %eq3A_69 : i32
    %get3A_71 = arith.constant 1 : i32
    %get3A_72 = arith.index_cast %get3A_71 : i32 to index
    %get3A_73 = arith.constant 0 : index
    %get3A_74 = tpu.vector_load %arg17[%get3A_72, %get3A_73] {strides = array<i32>} : memref<8x128xi32, #tpu.memory_space<vmem>>, vector<1x16xi32>,
    %get3A_75 = vector.shape_cast %get3A_74 : vector<1x16xi32> to vector<16xi32>
    %select_n3A_76 = arith.select %eq3A_70, %get3A_75, %select_n3A_68 : vector<16xi32>
    %iota3A = tpu.iota {dimensions = array<i32: 0>} : vector<16xi32>
    %and3A_77 = arith.constant 7 : i32
    %and3A_78 = vector.broadcast %and3A_77 : i32 to vector<16xi32>
    %and3A_79 = arith.andi %iota3A, %and3A_78 : vector<16xi32>
    %shift_right_arithmetic3A = arith.constant 2 : i32
    %shift_right_arithmetic3A_80 = vector.broadcast %shift_right_arithmetic3A : i32 to vector<16xi32>
    %shift_right_arithmetic3A_81 = arith.shrsi %and3A_79, %shift_right_arithmetic3A_80 : vector<16xi32>
    %and3A_82 = arith.constant 1 : i32
    %and3A_83 = vector.broadcast %and3A_82 : i32 to vector<16xi32>
    %and3A_84 = arith.andi %shift_right_arithmetic3A_81, %and3A_83 : vector<16xi32>
    %shift_right_arithmetic3A_85 = arith.constant 1 : i32
    %shift_right_arithmetic3A_86 = vector.broadcast %shift_right_arithmetic3A_85 : i32 to vector<16xi32>
    %shift_right_arithmetic3A_87 = arith.shrsi %and3A_79, %shift_right_arithmetic3A_86 : vector<16xi32>
    %and3A_88 = arith.constant 1 : i32
    %and3A_89 = vector.broadcast %and3A_88 : i32 to vector<16xi32>
    %and3A_90 = arith.andi %shift_right_arithmetic3A_87, %and3A_89 : vector<16xi32>
    %and3A_91 = arith.constant 1 : i32
    %and3A_92 = vector.broadcast %and3A_91 : i32 to vector<16xi32>
    %and3A_93 = arith.andi %and3A_79, %and3A_92 : vector<16xi32>
    %broadcast_in_dim3A = arith.constant -1 : i32
    %broadcast_in_dim3A_94 = vector.broadcast %broadcast_in_dim3A : i32 to vector<16xi32>
    %scan3A = arith.constant 0 : i32
    %scan3A_95 = arith.constant 0 : i32
    %scan3A_96 = arith.constant 32 : i32
    %scan3A_97 = arith.addi %scan3A_95, %scan3A_96 : i32
    %scan3A_98 = arith.constant 1 : i32
    scf.for %scan3A_100 = %scan3A_95 to %scan3A_97 step %scan3A_98  : i32 {
      %mul3A_101 = arith.constant 128 : i32
      %mul3A_102 = arith.muli %scan3A_100, %mul3A_101 : i32
      %add3A_103 = arith.constant 0 : i32
      %add3A_104 = arith.addi %mul3A_102, %add3A_103 : i32
      %add3A_105 = vector.broadcast %add3A_104 : i32 to vector<16xi32>
      %add3A_106 = arith.addi %add3A_105, %iota3A : vector<16xi32>
      %get3A_107 = arith.index_cast %add3A_104 : i32 to index
      %get3A_108 = tpu.vector_load %arg12[%get3A_107] {strides = array<i32>} : memref<4096xf32, #tpu.memory_space<vmem>>, vector<16xf32>,
      %get3A_109 = vector.shape_cast %get3A_108 : vector<16xf32> to vector<16xf32>
      %bitcast_convert_type3A = tpu.bitcast %get3A_109 : vector<16xf32> -> vector<16xi32>
      %shift_right_arithmetic3A_110 = arith.constant 31 : i32
      %shift_right_arithmetic3A_111 = vector.broadcast %shift_right_arithmetic3A_110 : i32 to vector<16xi32>
      %shift_right_arithmetic3A_112 = arith.shrsi %bitcast_convert_type3A, %shift_right_arithmetic3A_111 : vector<16xi32>
      %and3A_113 = arith.constant 2147483647 : i32
      %and3A_114 = vector.broadcast %and3A_113 : i32 to vector<16xi32>
      %and3A_115 = arith.andi %shift_right_arithmetic3A_112, %and3A_114 : vector<16xi32>
      %xor3A = arith.xori %bitcast_convert_type3A, %and3A_115 : vector<16xi32>
      %add3A_116 = vector.broadcast %mul3A_4 : i32 to vector<16xi32>
      %add3A_117 = arith.addi %add3A_116, %add3A_106 : vector<16xi32>
      %mul3A_118 = arith.constant 32768 : i32
      %mul3A_119 = arith.muli %select_n3A, %mul3A_118 : i32
      %sub3A_120 = vector.broadcast %mul3A_119 : i32 to vector<16xi32>
      %sub3A_121 = arith.subi %add3A_117, %sub3A_120 : vector<16xi32>
      %gt3A = arith.cmpi sgt, %xor3A, %select_n3A_47 : vector<16xi32>
      %eq3A_122 = arith.cmpi eq, %xor3A, %select_n3A_47 : vector<16xi32>
      %le3A = arith.cmpi sle, %sub3A_121, %select_n3A_76 : vector<16xi32>
      %and3A_123 = arith.andi %eq3A_122, %le3A : vector<16xi1>
      %or3A = arith.ori %gt3A, %and3A_123 : vector<16xi1>
      %get3A_124 = arith.index_cast %add3A_104 : i32 to index
      %get3A_125 = tpu.vector_load %arg13[%get3A_124] {strides = array<i32>} : memref<4096xi32, #tpu.memory_space<vmem>>, vector<16xi32>,
      %get3A_126 = vector.shape_cast %get3A_125 : vector<16xi32> to vector<16xi32>
      %get3A_127 = arith.index_cast %add3A_104 : i32 to index
      %get3A_128 = tpu.vector_load %arg14[%get3A_127] {strides = array<i32>} : memref<4096xi32, #tpu.memory_space<vmem>>, vector<16xi32>,
      %get3A_129 = vector.shape_cast %get3A_128 : vector<16xi32> to vector<16xi32>
      %get3A_130 = arith.index_cast %add3A_104 : i32 to index
      %get3A_131 = tpu.vector_load %arg15[%get3A_130] {strides = array<i32>} : memref<4096xi32, #tpu.memory_space<vmem>>, vector<16xi32>,
      %get3A_132 = vector.shape_cast %get3A_131 : vector<16xi32> to vector<16xi32>
      %get3A_133 = arith.index_cast %add3A_104 : i32 to index
      %get3A_134 = tpu.vector_load %arg16[%get3A_133] {strides = array<i32>} : memref<4096xi32, #tpu.memory_space<vmem>>, vector<16xi32>,
      %get3A_135 = vector.shape_cast %get3A_134 : vector<16xi32> to vector<16xi32>
      %select_n3A_136 = arith.select %or3A, %get3A_126, %broadcast_in_dim3A_94 : vector<16xi1>, vector<16xi32>
      %swap3A = arith.index_cast %add3A_104 : i32 to index
      %swap3A_137 = tpu.vector_load %arg18[%swap3A] {strides = array<i32>} : memref<4096xi32, #tpu.memory_space<vmem>>, vector<16xi32>,
      %swap3A_138 = vector.shape_cast %swap3A_137 : vector<16xi32> to vector<16xi32>
      %swap3A_139 = vector.shape_cast %select_n3A_136 : vector<16xi32> to vector<16xi32>
      tpu.vector_store %arg18[%swap3A], %swap3A_139 {strides = array<i32>} : memref<4096xi32, #tpu.memory_space<vmem>>, vector<16xi32>,
      %mul3A_140 = arith.constant 2 : i32
      %mul3A_141 = vector.broadcast %mul3A_140 : i32 to vector<16xi32>
      %mul3A_142 = arith.muli %mul3A_141, %get3A_129 : vector<16xi32>
      %add3A_143 = arith.addi %mul3A_142, %and3A_84 : vector<16xi32>
      %select_n3A_144 = arith.select %or3A, %add3A_143, %broadcast_in_dim3A_94 : vector<16xi1>, vector<16xi32>
      %swap3A_145 = arith.index_cast %add3A_104 : i32 to index
      %swap3A_146 = tpu.vector_load %arg19[%swap3A_145] {strides = array<i32>} : memref<4096xi32, #tpu.memory_space<vmem>>, vector<16xi32>,
      %swap3A_147 = vector.shape_cast %swap3A_146 : vector<16xi32> to vector<16xi32>
      %swap3A_148 = vector.shape_cast %select_n3A_144 : vector<16xi32> to vector<16xi32>
      tpu.vector_store %arg19[%swap3A_145], %swap3A_148 {strides = array<i32>} : memref<4096xi32, #tpu.memory_space<vmem>>, vector<16xi32>,
      %mul3A_149 = arith.constant 2 : i32
      %mul3A_150 = vector.broadcast %mul3A_149 : i32 to vector<16xi32>
      %mul3A_151 = arith.muli %mul3A_150, %get3A_132 : vector<16xi32>
      %add3A_152 = arith.addi %mul3A_151, %and3A_90 : vector<16xi32>
      %select_n3A_153 = arith.select %or3A, %add3A_152, %broadcast_in_dim3A_94 : vector<16xi1>, vector<16xi32>
      %swap3A_154 = arith.index_cast %add3A_104 : i32 to index
      %swap3A_155 = tpu.vector_load %arg20[%swap3A_154] {strides = array<i32>} : memref<4096xi32, #tpu.memory_space<vmem>>, vector<16xi32>,
      %swap3A_156 = vector.shape_cast %swap3A_155 : vector<16xi32> to vector<16xi32>
      %swap3A_157 = vector.shape_cast %select_n3A_153 : vector<16xi32> to vector<16xi32>
      tpu.vector_store %arg20[%swap3A_154], %swap3A_157 {strides = array<i32>} : memref<4096xi32, #tpu.memory_space<vmem>>, vector<16xi32>,
      %mul3A_158 = arith.constant 2 : i32
      %mul3A_159 = vector.broadcast %mul3A_158 : i32 to vector<16xi32>
      %mul3A_160 = arith.muli %mul3A_159, %get3A_135 : vector<16xi32>
      %add3A_161 = arith.addi %mul3A_160, %and3A_93 : vector<16xi32>
      %select_n3A_162 = arith.select %or3A, %add3A_161, %broadcast_in_dim3A_94 : vector<16xi1>, vector<16xi32>
      %swap3A_163 = arith.index_cast %add3A_104 : i32 to index
      %swap3A_164 = tpu.vector_load %arg21[%swap3A_163] {strides = array<i32>} : memref<4096xi32, #tpu.memory_space<vmem>>, vector<16xi32>,
      %swap3A_165 = vector.shape_cast %swap3A_164 : vector<16xi32> to vector<16xi32>
      %swap3A_166 = vector.shape_cast %select_n3A_162 : vector<16xi32> to vector<16xi32>
      tpu.vector_store %arg21[%swap3A_163], %swap3A_166 {strides = array<i32>} : memref<4096xi32, #tpu.memory_space<vmem>>, vector<16xi32>,
      %mul3A_167 = arith.constant 128 : i32
      %mul3A_168 = arith.muli %scan3A_100, %mul3A_167 : i32
      %add3A_169 = arith.constant 16 : i32
      %add3A_170 = arith.addi %mul3A_168, %add3A_169 : i32
      %add3A_171 = vector.broadcast %add3A_170 : i32 to vector<16xi32>
      %add3A_172 = arith.addi %add3A_171, %iota3A : vector<16xi32>
      %get3A_173 = arith.index_cast %add3A_170 : i32 to index
      %get3A_174 = tpu.vector_load %arg12[%get3A_173] {strides = array<i32>} : memref<4096xf32, #tpu.memory_space<vmem>>, vector<16xf32>,
      %get3A_175 = vector.shape_cast %get3A_174 : vector<16xf32> to vector<16xf32>
      %bitcast_convert_type3A_176 = tpu.bitcast %get3A_175 : vector<16xf32> -> vector<16xi32>
      %shift_right_arithmetic3A_177 = arith.constant 31 : i32
      %shift_right_arithmetic3A_178 = vector.broadcast %shift_right_arithmetic3A_177 : i32 to vector<16xi32>
      %shift_right_arithmetic3A_179 = arith.shrsi %bitcast_convert_type3A_176, %shift_right_arithmetic3A_178 : vector<16xi32>
      %and3A_180 = arith.constant 2147483647 : i32
      %and3A_181 = vector.broadcast %and3A_180 : i32 to vector<16xi32>
      %and3A_182 = arith.andi %shift_right_arithmetic3A_179, %and3A_181 : vector<16xi32>
      %xor3A_183 = arith.xori %bitcast_convert_type3A_176, %and3A_182 : vector<16xi32>
      %add3A_184 = vector.broadcast %mul3A_4 : i32 to vector<16xi32>
      %add3A_185 = arith.addi %add3A_184, %add3A_172 : vector<16xi32>
      %mul3A_186 = arith.constant 32768 : i32
      %mul3A_187 = arith.muli %select_n3A, %mul3A_186 : i32
      %sub3A_188 = vector.broadcast %mul3A_187 : i32 to vector<16xi32>
      %sub3A_189 = arith.subi %add3A_185, %sub3A_188 : vector<16xi32>
      %gt3A_190 = arith.cmpi sgt, %xor3A_183, %select_n3A_47 : vector<16xi32>
      %eq3A_191 = arith.cmpi eq, %xor3A_183, %select_n3A_47 : vector<16xi32>
      %le3A_192 = arith.cmpi sle, %sub3A_189, %select_n3A_76 : vector<16xi32>
      %and3A_193 = arith.andi %eq3A_191, %le3A_192 : vector<16xi1>
      %or3A_194 = arith.ori %gt3A_190, %and3A_193 : vector<16xi1>
      %get3A_195 = arith.index_cast %add3A_170 : i32 to index
      %get3A_196 = tpu.vector_load %arg13[%get3A_195] {strides = array<i32>} : memref<4096xi32, #tpu.memory_space<vmem>>, vector<16xi32>,
      %get3A_197 = vector.shape_cast %get3A_196 : vector<16xi32> to vector<16xi32>
      %get3A_198 = arith.index_cast %add3A_170 : i32 to index
      %get3A_199 = tpu.vector_load %arg14[%get3A_198] {strides = array<i32>} : memref<4096xi32, #tpu.memory_space<vmem>>, vector<16xi32>,
      %get3A_200 = vector.shape_cast %get3A_199 : vector<16xi32> to vector<16xi32>
      %get3A_201 = arith.index_cast %add3A_170 : i32 to index
      %get3A_202 = tpu.vector_load %arg15[%get3A_201] {strides = array<i32>} : memref<4096xi32, #tpu.memory_space<vmem>>, vector<16xi32>,
      %get3A_203 = vector.shape_cast %get3A_202 : vector<16xi32> to vector<16xi32>
      %get3A_204 = arith.index_cast %add3A_170 : i32 to index
      %get3A_205 = tpu.vector_load %arg16[%get3A_204] {strides = array<i32>} : memref<4096xi32, #tpu.memory_space<vmem>>, vector<16xi32>,
      %get3A_206 = vector.shape_cast %get3A_205 : vector<16xi32> to vector<16xi32>
      %select_n3A_207 = arith.select %or3A_194, %get3A_197, %broadcast_in_dim3A_94 : vector<16xi1>, vector<16xi32>
      %swap3A_208 = arith.index_cast %add3A_170 : i32 to index
      %swap3A_209 = tpu.vector_load %arg18[%swap3A_208] {strides = array<i32>} : memref<4096xi32, #tpu.memory_space<vmem>>, vector<16xi32>,
      %swap3A_210 = vector.shape_cast %swap3A_209 : vector<16xi32> to vector<16xi32>
      %swap3A_211 = vector.shape_cast %select_n3A_207 : vector<16xi32> to vector<16xi32>
      tpu.vector_store %arg18[%swap3A_208], %swap3A_211 {strides = array<i32>} : memref<4096xi32, #tpu.memory_space<vmem>>, vector<16xi32>,
      %mul3A_212 = arith.constant 2 : i32
      %mul3A_213 = vector.broadcast %mul3A_212 : i32 to vector<16xi32>
      %mul3A_214 = arith.muli %mul3A_213, %get3A_200 : vector<16xi32>
      %add3A_215 = arith.addi %mul3A_214, %and3A_84 : vector<16xi32>
      %select_n3A_216 = arith.select %or3A_194, %add3A_215, %broadcast_in_dim3A_94 : vector<16xi1>, vector<16xi32>
      %swap3A_217 = arith.index_cast %add3A_170 : i32 to index
      %swap3A_218 = tpu.vector_load %arg19[%swap3A_217] {strides = array<i32>} : memref<4096xi32, #tpu.memory_space<vmem>>, vector<16xi32>,
      %swap3A_219 = vector.shape_cast %swap3A_218 : vector<16xi32> to vector<16xi32>
      %swap3A_220 = vector.shape_cast %select_n3A_216 : vector<16xi32> to vector<16xi32>
      tpu.vector_store %arg19[%swap3A_217], %swap3A_220 {strides = array<i32>} : memref<4096xi32, #tpu.memory_space<vmem>>, vector<16xi32>,
      %mul3A_221 = arith.constant 2 : i32
      %mul3A_222 = vector.broadcast %mul3A_221 : i32 to vector<16xi32>
      %mul3A_223 = arith.muli %mul3A_222, %get3A_203 : vector<16xi32>
      %add3A_224 = arith.addi %mul3A_223, %and3A_90 : vector<16xi32>
      %select_n3A_225 = arith.select %or3A_194, %add3A_224, %broadcast_in_dim3A_94 : vector<16xi1>, vector<16xi32>
      %swap3A_226 = arith.index_cast %add3A_170 : i32 to index
      %swap3A_227 = tpu.vector_load %arg20[%swap3A_226] {strides = array<i32>} : memref<4096xi32, #tpu.memory_space<vmem>>, vector<16xi32>,
      %swap3A_228 = vector.shape_cast %swap3A_227 : vector<16xi32> to vector<16xi32>
      %swap3A_229 = vector.shape_cast %select_n3A_225 : vector<16xi32> to vector<16xi32>
      tpu.vector_store %arg20[%swap3A_226], %swap3A_229 {strides = array<i32>} : memref<4096xi32, #tpu.memory_space<vmem>>, vector<16xi32>,
      %mul3A_230 = arith.constant 2 : i32
      %mul3A_231 = vector.broadcast %mul3A_230 : i32 to vector<16xi32>
      %mul3A_232 = arith.muli %mul3A_231, %get3A_206 : vector<16xi32>
      %add3A_233 = arith.addi %mul3A_232, %and3A_93 : vector<16xi32>
      %select_n3A_234 = arith.select %or3A_194, %add3A_233, %broadcast_in_dim3A_94 : vector<16xi1>, vector<16xi32>
      %swap3A_235 = arith.index_cast %add3A_170 : i32 to index
      %swap3A_236 = tpu.vector_load %arg21[%swap3A_235] {strides = array<i32>} : memref<4096xi32, #tpu.memory_space<vmem>>, vector<16xi32>,
      %swap3A_237 = vector.shape_cast %swap3A_236 : vector<16xi32> to vector<16xi32>
      %swap3A_238 = vector.shape_cast %select_n3A_234 : vector<16xi32> to vector<16xi32>
      tpu.vector_store %arg21[%swap3A_235], %swap3A_238 {strides = array<i32>} : memref<4096xi32, #tpu.memory_space<vmem>>, vector<16xi32>,
      %mul3A_239 = arith.constant 128 : i32
      %mul3A_240 = arith.muli %scan3A_100, %mul3A_239 : i32
      %add3A_241 = arith.constant 32 : i32
      %add3A_242 = arith.addi %mul3A_240, %add3A_241 : i32
      %add3A_243 = vector.broadcast %add3A_242 : i32 to vector<16xi32>
      %add3A_244 = arith.addi %add3A_243, %iota3A : vector<16xi32>
      %get3A_245 = arith.index_cast %add3A_242 : i32 to index
      %get3A_246 = tpu.vector_load %arg12[%get3A_245] {strides = array<i32>} : memref<4096xf32, #tpu.memory_space<vmem>>, vector<16xf32>,
      %get3A_247 = vector.shape_cast %get3A_246 : vector<16xf32> to vector<16xf32>
      %bitcast_convert_type3A_248 = tpu.bitcast %get3A_247 : vector<16xf32> -> vector<16xi32>
      %shift_right_arithmetic3A_249 = arith.constant 31 : i32
      %shift_right_arithmetic3A_250 = vector.broadcast %shift_right_arithmetic3A_249 : i32 to vector<16xi32>
      %shift_right_arithmetic3A_251 = arith.shrsi %bitcast_convert_type3A_248, %shift_right_arithmetic3A_250 : vector<16xi32>
      %and3A_252 = arith.constant 2147483647 : i32
      %and3A_253 = vector.broadcast %and3A_252 : i32 to vector<16xi32>
      %and3A_254 = arith.andi %shift_right_arithmetic3A_251, %and3A_253 : vector<16xi32>
      %xor3A_255 = arith.xori %bitcast_convert_type3A_248, %and3A_254 : vector<16xi32>
      %add3A_256 = vector.broadcast %mul3A_4 : i32 to vector<16xi32>
      %add3A_257 = arith.addi %add3A_256, %add3A_244 : vector<16xi32>
      %mul3A_258 = arith.constant 32768 : i32
      %mul3A_259 = arith.muli %select_n3A, %mul3A_258 : i32
      %sub3A_260 = vector.broadcast %mul3A_259 : i32 to vector<16xi32>
      %sub3A_261 = arith.subi %add3A_257, %sub3A_260 : vector<16xi32>
      %gt3A_262 = arith.cmpi sgt, %xor3A_255, %select_n3A_47 : vector<16xi32>
      %eq3A_263 = arith.cmpi eq, %xor3A_255, %select_n3A_47 : vector<16xi32>
      %le3A_264 = arith.cmpi sle, %sub3A_261, %select_n3A_76 : vector<16xi32>
      %and3A_265 = arith.andi %eq3A_263, %le3A_264 : vector<16xi1>
      %or3A_266 = arith.ori %gt3A_262, %and3A_265 : vector<16xi1>
      %get3A_267 = arith.index_cast %add3A_242 : i32 to index
      %get3A_268 = tpu.vector_load %arg13[%get3A_267] {strides = array<i32>} : memref<4096xi32, #tpu.memory_space<vmem>>, vector<16xi32>,
      %get3A_269 = vector.shape_cast %get3A_268 : vector<16xi32> to vector<16xi32>
      %get3A_270 = arith.index_cast %add3A_242 : i32 to index
      %get3A_271 = tpu.vector_load %arg14[%get3A_270] {strides = array<i32>} : memref<4096xi32, #tpu.memory_space<vmem>>, vector<16xi32>,
      %get3A_272 = vector.shape_cast %get3A_271 : vector<16xi32> to vector<16xi32>
      %get3A_273 = arith.index_cast %add3A_242 : i32 to index
      %get3A_274 = tpu.vector_load %arg15[%get3A_273] {strides = array<i32>} : memref<4096xi32, #tpu.memory_space<vmem>>, vector<16xi32>,
      %get3A_275 = vector.shape_cast %get3A_274 : vector<16xi32> to vector<16xi32>
      %get3A_276 = arith.index_cast %add3A_242 : i32 to index
      %get3A_277 = tpu.vector_load %arg16[%get3A_276] {strides = array<i32>} : memref<4096xi32, #tpu.memory_space<vmem>>, vector<16xi32>,
      %get3A_278 = vector.shape_cast %get3A_277 : vector<16xi32> to vector<16xi32>
      %select_n3A_279 = arith.select %or3A_266, %get3A_269, %broadcast_in_dim3A_94 : vector<16xi1>, vector<16xi32>
      %swap3A_280 = arith.index_cast %add3A_242 : i32 to index
      %swap3A_281 = tpu.vector_load %arg18[%swap3A_280] {strides = array<i32>} : memref<4096xi32, #tpu.memory_space<vmem>>, vector<16xi32>,
      %swap3A_282 = vector.shape_cast %swap3A_281 : vector<16xi32> to vector<16xi32>
      %swap3A_283 = vector.shape_cast %select_n3A_279 : vector<16xi32> to vector<16xi32>
      tpu.vector_store %arg18[%swap3A_280], %swap3A_283 {strides = array<i32>} : memref<4096xi32, #tpu.memory_space<vmem>>, vector<16xi32>,
      %mul3A_284 = arith.constant 2 : i32
      %mul3A_285 = vector.broadcast %mul3A_284 : i32 to vector<16xi32>
      %mul3A_286 = arith.muli %mul3A_285, %get3A_272 : vector<16xi32>
      %add3A_287 = arith.addi %mul3A_286, %and3A_84 : vector<16xi32>
      %select_n3A_288 = arith.select %or3A_266, %add3A_287, %broadcast_in_dim3A_94 : vector<16xi1>, vector<16xi32>
      %swap3A_289 = arith.index_cast %add3A_242 : i32 to index
      %swap3A_290 = tpu.vector_load %arg19[%swap3A_289] {strides = array<i32>} : memref<4096xi32, #tpu.memory_space<vmem>>, vector<16xi32>,
      %swap3A_291 = vector.shape_cast %swap3A_290 : vector<16xi32> to vector<16xi32>
      %swap3A_292 = vector.shape_cast %select_n3A_288 : vector<16xi32> to vector<16xi32>
      tpu.vector_store %arg19[%swap3A_289], %swap3A_292 {strides = array<i32>} : memref<4096xi32, #tpu.memory_space<vmem>>, vector<16xi32>,
      %mul3A_293 = arith.constant 2 : i32
      %mul3A_294 = vector.broadcast %mul3A_293 : i32 to vector<16xi32>
      %mul3A_295 = arith.muli %mul3A_294, %get3A_275 : vector<16xi32>
      %add3A_296 = arith.addi %mul3A_295, %and3A_90 : vector<16xi32>
      %select_n3A_297 = arith.select %or3A_266, %add3A_296, %broadcast_in_dim3A_94 : vector<16xi1>, vector<16xi32>
      %swap3A_298 = arith.index_cast %add3A_242 : i32 to index
      %swap3A_299 = tpu.vector_load %arg20[%swap3A_298] {strides = array<i32>} : memref<4096xi32, #tpu.memory_space<vmem>>, vector<16xi32>,
      %swap3A_300 = vector.shape_cast %swap3A_299 : vector<16xi32> to vector<16xi32>
      %swap3A_301 = vector.shape_cast %select_n3A_297 : vector<16xi32> to vector<16xi32>
      tpu.vector_store %arg20[%swap3A_298], %swap3A_301 {strides = array<i32>} : memref<4096xi32, #tpu.memory_space<vmem>>, vector<16xi32>,
      %mul3A_302 = arith.constant 2 : i32
      %mul3A_303 = vector.broadcast %mul3A_302 : i32 to vector<16xi32>
      %mul3A_304 = arith.muli %mul3A_303, %get3A_278 : vector<16xi32>
      %add3A_305 = arith.addi %mul3A_304, %and3A_93 : vector<16xi32>
      %select_n3A_306 = arith.select %or3A_266, %add3A_305, %broadcast_in_dim3A_94 : vector<16xi1>, vector<16xi32>
      %swap3A_307 = arith.index_cast %add3A_242 : i32 to index
      %swap3A_308 = tpu.vector_load %arg21[%swap3A_307] {strides = array<i32>} : memref<4096xi32, #tpu.memory_space<vmem>>, vector<16xi32>,
      %swap3A_309 = vector.shape_cast %swap3A_308 : vector<16xi32> to vector<16xi32>
      %swap3A_310 = vector.shape_cast %select_n3A_306 : vector<16xi32> to vector<16xi32>
      tpu.vector_store %arg21[%swap3A_307], %swap3A_310 {strides = array<i32>} : memref<4096xi32, #tpu.memory_space<vmem>>, vector<16xi32>,
      %mul3A_311 = arith.constant 128 : i32
      %mul3A_312 = arith.muli %scan3A_100, %mul3A_311 : i32
      %add3A_313 = arith.constant 48 : i32
      %add3A_314 = arith.addi %mul3A_312, %add3A_313 : i32
      %add3A_315 = vector.broadcast %add3A_314 : i32 to vector<16xi32>
      %add3A_316 = arith.addi %add3A_315, %iota3A : vector<16xi32>
      %get3A_317 = arith.index_cast %add3A_314 : i32 to index
      %get3A_318 = tpu.vector_load %arg12[%get3A_317] {strides = array<i32>} : memref<4096xf32, #tpu.memory_space<vmem>>, vector<16xf32>,
      %get3A_319 = vector.shape_cast %get3A_318 : vector<16xf32> to vector<16xf32>
      %bitcast_convert_type3A_320 = tpu.bitcast %get3A_319 : vector<16xf32> -> vector<16xi32>
      %shift_right_arithmetic3A_321 = arith.constant 31 : i32
      %shift_right_arithmetic3A_322 = vector.broadcast %shift_right_arithmetic3A_321 : i32 to vector<16xi32>
      %shift_right_arithmetic3A_323 = arith.shrsi %bitcast_convert_type3A_320, %shift_right_arithmetic3A_322 : vector<16xi32>
      %and3A_324 = arith.constant 2147483647 : i32
      %and3A_325 = vector.broadcast %and3A_324 : i32 to vector<16xi32>
      %and3A_326 = arith.andi %shift_right_arithmetic3A_323, %and3A_325 : vector<16xi32>
      %xor3A_327 = arith.xori %bitcast_convert_type3A_320, %and3A_326 : vector<16xi32>
      %add3A_328 = vector.broadcast %mul3A_4 : i32 to vector<16xi32>
      %add3A_329 = arith.addi %add3A_328, %add3A_316 : vector<16xi32>
      %mul3A_330 = arith.constant 32768 : i32
      %mul3A_331 = arith.muli %select_n3A, %mul3A_330 : i32
      %sub3A_332 = vector.broadcast %mul3A_331 : i32 to vector<16xi32>
      %sub3A_333 = arith.subi %add3A_329, %sub3A_332 : vector<16xi32>
      %gt3A_334 = arith.cmpi sgt, %xor3A_327, %select_n3A_47 : vector<16xi32>
      %eq3A_335 = arith.cmpi eq, %xor3A_327, %select_n3A_47 : vector<16xi32>
      %le3A_336 = arith.cmpi sle, %sub3A_333, %select_n3A_76 : vector<16xi32>
      %and3A_337 = arith.andi %eq3A_335, %le3A_336 : vector<16xi1>
      %or3A_338 = arith.ori %gt3A_334, %and3A_337 : vector<16xi1>
      %get3A_339 = arith.index_cast %add3A_314 : i32 to index
      %get3A_340 = tpu.vector_load %arg13[%get3A_339] {strides = array<i32>} : memref<4096xi32, #tpu.memory_space<vmem>>, vector<16xi32>,
      %get3A_341 = vector.shape_cast %get3A_340 : vector<16xi32> to vector<16xi32>
      %get3A_342 = arith.index_cast %add3A_314 : i32 to index
      %get3A_343 = tpu.vector_load %arg14[%get3A_342] {strides = array<i32>} : memref<4096xi32, #tpu.memory_space<vmem>>, vector<16xi32>,
      %get3A_344 = vector.shape_cast %get3A_343 : vector<16xi32> to vector<16xi32>
      %get3A_345 = arith.index_cast %add3A_314 : i32 to index
      %get3A_346 = tpu.vector_load %arg15[%get3A_345] {strides = array<i32>} : memref<4096xi32, #tpu.memory_space<vmem>>, vector<16xi32>,
      %get3A_347 = vector.shape_cast %get3A_346 : vector<16xi32> to vector<16xi32>
      %get3A_348 = arith.index_cast %add3A_314 : i32 to index
      %get3A_349 = tpu.vector_load %arg16[%get3A_348] {strides = array<i32>} : memref<4096xi32, #tpu.memory_space<vmem>>, vector<16xi32>,
      %get3A_350 = vector.shape_cast %get3A_349 : vector<16xi32> to vector<16xi32>
      %select_n3A_351 = arith.select %or3A_338, %get3A_341, %broadcast_in_dim3A_94 : vector<16xi1>, vector<16xi32>
      %swap3A_352 = arith.index_cast %add3A_314 : i32 to index
      %swap3A_353 = tpu.vector_load %arg18[%swap3A_352] {strides = array<i32>} : memref<4096xi32, #tpu.memory_space<vmem>>, vector<16xi32>,
      %swap3A_354 = vector.shape_cast %swap3A_353 : vector<16xi32> to vector<16xi32>
      %swap3A_355 = vector.shape_cast %select_n3A_351 : vector<16xi32> to vector<16xi32>
      tpu.vector_store %arg18[%swap3A_352], %swap3A_355 {strides = array<i32>} : memref<4096xi32, #tpu.memory_space<vmem>>, vector<16xi32>,
      %mul3A_356 = arith.constant 2 : i32
      %mul3A_357 = vector.broadcast %mul3A_356 : i32 to vector<16xi32>
      %mul3A_358 = arith.muli %mul3A_357, %get3A_344 : vector<16xi32>
      %add3A_359 = arith.addi %mul3A_358, %and3A_84 : vector<16xi32>
      %select_n3A_360 = arith.select %or3A_338, %add3A_359, %broadcast_in_dim3A_94 : vector<16xi1>, vector<16xi32>
      %swap3A_361 = arith.index_cast %add3A_314 : i32 to index
      %swap3A_362 = tpu.vector_load %arg19[%swap3A_361] {strides = array<i32>} : memref<4096xi32, #tpu.memory_space<vmem>>, vector<16xi32>,
      %swap3A_363 = vector.shape_cast %swap3A_362 : vector<16xi32> to vector<16xi32>
      %swap3A_364 = vector.shape_cast %select_n3A_360 : vector<16xi32> to vector<16xi32>
      tpu.vector_store %arg19[%swap3A_361], %swap3A_364 {strides = array<i32>} : memref<4096xi32, #tpu.memory_space<vmem>>, vector<16xi32>,
      %mul3A_365 = arith.constant 2 : i32
      %mul3A_366 = vector.broadcast %mul3A_365 : i32 to vector<16xi32>
      %mul3A_367 = arith.muli %mul3A_366, %get3A_347 : vector<16xi32>
      %add3A_368 = arith.addi %mul3A_367, %and3A_90 : vector<16xi32>
      %select_n3A_369 = arith.select %or3A_338, %add3A_368, %broadcast_in_dim3A_94 : vector<16xi1>, vector<16xi32>
      %swap3A_370 = arith.index_cast %add3A_314 : i32 to index
      %swap3A_371 = tpu.vector_load %arg20[%swap3A_370] {strides = array<i32>} : memref<4096xi32, #tpu.memory_space<vmem>>, vector<16xi32>,
      %swap3A_372 = vector.shape_cast %swap3A_371 : vector<16xi32> to vector<16xi32>
      %swap3A_373 = vector.shape_cast %select_n3A_369 : vector<16xi32> to vector<16xi32>
      tpu.vector_store %arg20[%swap3A_370], %swap3A_373 {strides = array<i32>} : memref<4096xi32, #tpu.memory_space<vmem>>, vector<16xi32>,
      %mul3A_374 = arith.constant 2 : i32
      %mul3A_375 = vector.broadcast %mul3A_374 : i32 to vector<16xi32>
      %mul3A_376 = arith.muli %mul3A_375, %get3A_350 : vector<16xi32>
      %add3A_377 = arith.addi %mul3A_376, %and3A_93 : vector<16xi32>
      %select_n3A_378 = arith.select %or3A_338, %add3A_377, %broadcast_in_dim3A_94 : vector<16xi1>, vector<16xi32>
      %swap3A_379 = arith.index_cast %add3A_314 : i32 to index
      %swap3A_380 = tpu.vector_load %arg21[%swap3A_379] {strides = array<i32>} : memref<4096xi32, #tpu.memory_space<vmem>>, vector<16xi32>,
      %swap3A_381 = vector.shape_cast %swap3A_380 : vector<16xi32> to vector<16xi32>
      %swap3A_382 = vector.shape_cast %select_n3A_378 : vector<16xi32> to vector<16xi32>
      tpu.vector_store %arg21[%swap3A_379], %swap3A_382 {strides = array<i32>} : memref<4096xi32, #tpu.memory_space<vmem>>, vector<16xi32>,
      %mul3A_383 = arith.constant 128 : i32
      %mul3A_384 = arith.muli %scan3A_100, %mul3A_383 : i32
      %add3A_385 = arith.constant 64 : i32
      %add3A_386 = arith.addi %mul3A_384, %add3A_385 : i32
      %add3A_387 = vector.broadcast %add3A_386 : i32 to vector<16xi32>
      %add3A_388 = arith.addi %add3A_387, %iota3A : vector<16xi32>
      %get3A_389 = arith.index_cast %add3A_386 : i32 to index
      %get3A_390 = tpu.vector_load %arg12[%get3A_389] {strides = array<i32>} : memref<4096xf32, #tpu.memory_space<vmem>>, vector<16xf32>,
      %get3A_391 = vector.shape_cast %get3A_390 : vector<16xf32> to vector<16xf32>
      %bitcast_convert_type3A_392 = tpu.bitcast %get3A_391 : vector<16xf32> -> vector<16xi32>
      %shift_right_arithmetic3A_393 = arith.constant 31 : i32
      %shift_right_arithmetic3A_394 = vector.broadcast %shift_right_arithmetic3A_393 : i32 to vector<16xi32>
      %shift_right_arithmetic3A_395 = arith.shrsi %bitcast_convert_type3A_392, %shift_right_arithmetic3A_394 : vector<16xi32>
      %and3A_396 = arith.constant 2147483647 : i32
      %and3A_397 = vector.broadcast %and3A_396 : i32 to vector<16xi32>
      %and3A_398 = arith.andi %shift_right_arithmetic3A_395, %and3A_397 : vector<16xi32>
      %xor3A_399 = arith.xori %bitcast_convert_type3A_392, %and3A_398 : vector<16xi32>
      %add3A_400 = vector.broadcast %mul3A_4 : i32 to vector<16xi32>
      %add3A_401 = arith.addi %add3A_400, %add3A_388 : vector<16xi32>
      %mul3A_402 = arith.constant 32768 : i32
      %mul3A_403 = arith.muli %select_n3A, %mul3A_402 : i32
      %sub3A_404 = vector.broadcast %mul3A_403 : i32 to vector<16xi32>
      %sub3A_405 = arith.subi %add3A_401, %sub3A_404 : vector<16xi32>
      %gt3A_406 = arith.cmpi sgt, %xor3A_399, %select_n3A_47 : vector<16xi32>
      %eq3A_407 = arith.cmpi eq, %xor3A_399, %select_n3A_47 : vector<16xi32>
      %le3A_408 = arith.cmpi sle, %sub3A_405, %select_n3A_76 : vector<16xi32>
      %and3A_409 = arith.andi %eq3A_407, %le3A_408 : vector<16xi1>
      %or3A_410 = arith.ori %gt3A_406, %and3A_409 : vector<16xi1>
      %get3A_411 = arith.index_cast %add3A_386 : i32 to index
      %get3A_412 = tpu.vector_load %arg13[%get3A_411] {strides = array<i32>} : memref<4096xi32, #tpu.memory_space<vmem>>, vector<16xi32>,
      %get3A_413 = vector.shape_cast %get3A_412 : vector<16xi32> to vector<16xi32>
      %get3A_414 = arith.index_cast %add3A_386 : i32 to index
      %get3A_415 = tpu.vector_load %arg14[%get3A_414] {strides = array<i32>} : memref<4096xi32, #tpu.memory_space<vmem>>, vector<16xi32>,
      %get3A_416 = vector.shape_cast %get3A_415 : vector<16xi32> to vector<16xi32>
      %get3A_417 = arith.index_cast %add3A_386 : i32 to index
      %get3A_418 = tpu.vector_load %arg15[%get3A_417] {strides = array<i32>} : memref<4096xi32, #tpu.memory_space<vmem>>, vector<16xi32>,
      %get3A_419 = vector.shape_cast %get3A_418 : vector<16xi32> to vector<16xi32>
      %get3A_420 = arith.index_cast %add3A_386 : i32 to index
      %get3A_421 = tpu.vector_load %arg16[%get3A_420] {strides = array<i32>} : memref<4096xi32, #tpu.memory_space<vmem>>, vector<16xi32>,
      %get3A_422 = vector.shape_cast %get3A_421 : vector<16xi32> to vector<16xi32>
      %select_n3A_423 = arith.select %or3A_410, %get3A_413, %broadcast_in_dim3A_94 : vector<16xi1>, vector<16xi32>
      %swap3A_424 = arith.index_cast %add3A_386 : i32 to index
      %swap3A_425 = tpu.vector_load %arg18[%swap3A_424] {strides = array<i32>} : memref<4096xi32, #tpu.memory_space<vmem>>, vector<16xi32>,
      %swap3A_426 = vector.shape_cast %swap3A_425 : vector<16xi32> to vector<16xi32>
      %swap3A_427 = vector.shape_cast %select_n3A_423 : vector<16xi32> to vector<16xi32>
      tpu.vector_store %arg18[%swap3A_424], %swap3A_427 {strides = array<i32>} : memref<4096xi32, #tpu.memory_space<vmem>>, vector<16xi32>,
      %mul3A_428 = arith.constant 2 : i32
      %mul3A_429 = vector.broadcast %mul3A_428 : i32 to vector<16xi32>
      %mul3A_430 = arith.muli %mul3A_429, %get3A_416 : vector<16xi32>
      %add3A_431 = arith.addi %mul3A_430, %and3A_84 : vector<16xi32>
      %select_n3A_432 = arith.select %or3A_410, %add3A_431, %broadcast_in_dim3A_94 : vector<16xi1>, vector<16xi32>
      %swap3A_433 = arith.index_cast %add3A_386 : i32 to index
      %swap3A_434 = tpu.vector_load %arg19[%swap3A_433] {strides = array<i32>} : memref<4096xi32, #tpu.memory_space<vmem>>, vector<16xi32>,
      %swap3A_435 = vector.shape_cast %swap3A_434 : vector<16xi32> to vector<16xi32>
      %swap3A_436 = vector.shape_cast %select_n3A_432 : vector<16xi32> to vector<16xi32>
      tpu.vector_store %arg19[%swap3A_433], %swap3A_436 {strides = array<i32>} : memref<4096xi32, #tpu.memory_space<vmem>>, vector<16xi32>,
      %mul3A_437 = arith.constant 2 : i32
      %mul3A_438 = vector.broadcast %mul3A_437 : i32 to vector<16xi32>
      %mul3A_439 = arith.muli %mul3A_438, %get3A_419 : vector<16xi32>
      %add3A_440 = arith.addi %mul3A_439, %and3A_90 : vector<16xi32>
      %select_n3A_441 = arith.select %or3A_410, %add3A_440, %broadcast_in_dim3A_94 : vector<16xi1>, vector<16xi32>
      %swap3A_442 = arith.index_cast %add3A_386 : i32 to index
      %swap3A_443 = tpu.vector_load %arg20[%swap3A_442] {strides = array<i32>} : memref<4096xi32, #tpu.memory_space<vmem>>, vector<16xi32>,
      %swap3A_444 = vector.shape_cast %swap3A_443 : vector<16xi32> to vector<16xi32>
      %swap3A_445 = vector.shape_cast %select_n3A_441 : vector<16xi32> to vector<16xi32>
      tpu.vector_store %arg20[%swap3A_442], %swap3A_445 {strides = array<i32>} : memref<4096xi32, #tpu.memory_space<vmem>>, vector<16xi32>,
      %mul3A_446 = arith.constant 2 : i32
      %mul3A_447 = vector.broadcast %mul3A_446 : i32 to vector<16xi32>
      %mul3A_448 = arith.muli %mul3A_447, %get3A_422 : vector<16xi32>
      %add3A_449 = arith.addi %mul3A_448, %and3A_93 : vector<16xi32>
      %select_n3A_450 = arith.select %or3A_410, %add3A_449, %broadcast_in_dim3A_94 : vector<16xi1>, vector<16xi32>
      %swap3A_451 = arith.index_cast %add3A_386 : i32 to index
      %swap3A_452 = tpu.vector_load %arg21[%swap3A_451] {strides = array<i32>} : memref<4096xi32, #tpu.memory_space<vmem>>, vector<16xi32>,
      %swap3A_453 = vector.shape_cast %swap3A_452 : vector<16xi32> to vector<16xi32>
      %swap3A_454 = vector.shape_cast %select_n3A_450 : vector<16xi32> to vector<16xi32>
      tpu.vector_store %arg21[%swap3A_451], %swap3A_454 {strides = array<i32>} : memref<4096xi32, #tpu.memory_space<vmem>>, vector<16xi32>,
      %mul3A_455 = arith.constant 128 : i32
      %mul3A_456 = arith.muli %scan3A_100, %mul3A_455 : i32
      %add3A_457 = arith.constant 80 : i32
      %add3A_458 = arith.addi %mul3A_456, %add3A_457 : i32
      %add3A_459 = vector.broadcast %add3A_458 : i32 to vector<16xi32>
      %add3A_460 = arith.addi %add3A_459, %iota3A : vector<16xi32>
      %get3A_461 = arith.index_cast %add3A_458 : i32 to index
      %get3A_462 = tpu.vector_load %arg12[%get3A_461] {strides = array<i32>} : memref<4096xf32, #tpu.memory_space<vmem>>, vector<16xf32>,
      %get3A_463 = vector.shape_cast %get3A_462 : vector<16xf32> to vector<16xf32>
      %bitcast_convert_type3A_464 = tpu.bitcast %get3A_463 : vector<16xf32> -> vector<16xi32>
      %shift_right_arithmetic3A_465 = arith.constant 31 : i32
      %shift_right_arithmetic3A_466 = vector.broadcast %shift_right_arithmetic3A_465 : i32 to vector<16xi32>
      %shift_right_arithmetic3A_467 = arith.shrsi %bitcast_convert_type3A_464, %shift_right_arithmetic3A_466 : vector<16xi32>
      %and3A_468 = arith.constant 2147483647 : i32
      %and3A_469 = vector.broadcast %and3A_468 : i32 to vector<16xi32>
      %and3A_470 = arith.andi %shift_right_arithmetic3A_467, %and3A_469 : vector<16xi32>
      %xor3A_471 = arith.xori %bitcast_convert_type3A_464, %and3A_470 : vector<16xi32>
      %add3A_472 = vector.broadcast %mul3A_4 : i32 to vector<16xi32>
      %add3A_473 = arith.addi %add3A_472, %add3A_460 : vector<16xi32>
      %mul3A_474 = arith.constant 32768 : i32
      %mul3A_475 = arith.muli %select_n3A, %mul3A_474 : i32
      %sub3A_476 = vector.broadcast %mul3A_475 : i32 to vector<16xi32>
      %sub3A_477 = arith.subi %add3A_473, %sub3A_476 : vector<16xi32>
      %gt3A_478 = arith.cmpi sgt, %xor3A_471, %select_n3A_47 : vector<16xi32>
      %eq3A_479 = arith.cmpi eq, %xor3A_471, %select_n3A_47 : vector<16xi32>
      %le3A_480 = arith.cmpi sle, %sub3A_477, %select_n3A_76 : vector<16xi32>
      %and3A_481 = arith.andi %eq3A_479, %le3A_480 : vector<16xi1>
      %or3A_482 = arith.ori %gt3A_478, %and3A_481 : vector<16xi1>
      %get3A_483 = arith.index_cast %add3A_458 : i32 to index
      %get3A_484 = tpu.vector_load %arg13[%get3A_483] {strides = array<i32>} : memref<4096xi32, #tpu.memory_space<vmem>>, vector<16xi32>,
      %get3A_485 = vector.shape_cast %get3A_484 : vector<16xi32> to vector<16xi32>
      %get3A_486 = arith.index_cast %add3A_458 : i32 to index
      %get3A_487 = tpu.vector_load %arg14[%get3A_486] {strides = array<i32>} : memref<4096xi32, #tpu.memory_space<vmem>>, vector<16xi32>,
      %get3A_488 = vector.shape_cast %get3A_487 : vector<16xi32> to vector<16xi32>
      %get3A_489 = arith.index_cast %add3A_458 : i32 to index
      %get3A_490 = tpu.vector_load %arg15[%get3A_489] {strides = array<i32>} : memref<4096xi32, #tpu.memory_space<vmem>>, vector<16xi32>,
      %get3A_491 = vector.shape_cast %get3A_490 : vector<16xi32> to vector<16xi32>
      %get3A_492 = arith.index_cast %add3A_458 : i32 to index
      %get3A_493 = tpu.vector_load %arg16[%get3A_492] {strides = array<i32>} : memref<4096xi32, #tpu.memory_space<vmem>>, vector<16xi32>,
      %get3A_494 = vector.shape_cast %get3A_493 : vector<16xi32> to vector<16xi32>
      %select_n3A_495 = arith.select %or3A_482, %get3A_485, %broadcast_in_dim3A_94 : vector<16xi1>, vector<16xi32>
      %swap3A_496 = arith.index_cast %add3A_458 : i32 to index
      %swap3A_497 = tpu.vector_load %arg18[%swap3A_496] {strides = array<i32>} : memref<4096xi32, #tpu.memory_space<vmem>>, vector<16xi32>,
      %swap3A_498 = vector.shape_cast %swap3A_497 : vector<16xi32> to vector<16xi32>
      %swap3A_499 = vector.shape_cast %select_n3A_495 : vector<16xi32> to vector<16xi32>
      tpu.vector_store %arg18[%swap3A_496], %swap3A_499 {strides = array<i32>} : memref<4096xi32, #tpu.memory_space<vmem>>, vector<16xi32>,
      %mul3A_500 = arith.constant 2 : i32
      %mul3A_501 = vector.broadcast %mul3A_500 : i32 to vector<16xi32>
      %mul3A_502 = arith.muli %mul3A_501, %get3A_488 : vector<16xi32>
      %add3A_503 = arith.addi %mul3A_502, %and3A_84 : vector<16xi32>
      %select_n3A_504 = arith.select %or3A_482, %add3A_503, %broadcast_in_dim3A_94 : vector<16xi1>, vector<16xi32>
      %swap3A_505 = arith.index_cast %add3A_458 : i32 to index
      %swap3A_506 = tpu.vector_load %arg19[%swap3A_505] {strides = array<i32>} : memref<4096xi32, #tpu.memory_space<vmem>>, vector<16xi32>,
      %swap3A_507 = vector.shape_cast %swap3A_506 : vector<16xi32> to vector<16xi32>
      %swap3A_508 = vector.shape_cast %select_n3A_504 : vector<16xi32> to vector<16xi32>
      tpu.vector_store %arg19[%swap3A_505], %swap3A_508 {strides = array<i32>} : memref<4096xi32, #tpu.memory_space<vmem>>, vector<16xi32>,
      %mul3A_509 = arith.constant 2 : i32
      %mul3A_510 = vector.broadcast %mul3A_509 : i32 to vector<16xi32>
      %mul3A_511 = arith.muli %mul3A_510, %get3A_491 : vector<16xi32>
      %add3A_512 = arith.addi %mul3A_511, %and3A_90 : vector<16xi32>
      %select_n3A_513 = arith.select %or3A_482, %add3A_512, %broadcast_in_dim3A_94 : vector<16xi1>, vector<16xi32>
      %swap3A_514 = arith.index_cast %add3A_458 : i32 to index
      %swap3A_515 = tpu.vector_load %arg20[%swap3A_514] {strides = array<i32>} : memref<4096xi32, #tpu.memory_space<vmem>>, vector<16xi32>,
      %swap3A_516 = vector.shape_cast %swap3A_515 : vector<16xi32> to vector<16xi32>
      %swap3A_517 = vector.shape_cast %select_n3A_513 : vector<16xi32> to vector<16xi32>
      tpu.vector_store %arg20[%swap3A_514], %swap3A_517 {strides = array<i32>} : memref<4096xi32, #tpu.memory_space<vmem>>, vector<16xi32>,
      %mul3A_518 = arith.constant 2 : i32
      %mul3A_519 = vector.broadcast %mul3A_518 : i32 to vector<16xi32>
      %mul3A_520 = arith.muli %mul3A_519, %get3A_494 : vector<16xi32>
      %add3A_521 = arith.addi %mul3A_520, %and3A_93 : vector<16xi32>
      %select_n3A_522 = arith.select %or3A_482, %add3A_521, %broadcast_in_dim3A_94 : vector<16xi1>, vector<16xi32>
      %swap3A_523 = arith.index_cast %add3A_458 : i32 to index
      %swap3A_524 = tpu.vector_load %arg21[%swap3A_523] {strides = array<i32>} : memref<4096xi32, #tpu.memory_space<vmem>>, vector<16xi32>,
      %swap3A_525 = vector.shape_cast %swap3A_524 : vector<16xi32> to vector<16xi32>
      %swap3A_526 = vector.shape_cast %select_n3A_522 : vector<16xi32> to vector<16xi32>
      tpu.vector_store %arg21[%swap3A_523], %swap3A_526 {strides = array<i32>} : memref<4096xi32, #tpu.memory_space<vmem>>, vector<16xi32>,
      %mul3A_527 = arith.constant 128 : i32
      %mul3A_528 = arith.muli %scan3A_100, %mul3A_527 : i32
      %add3A_529 = arith.constant 96 : i32
      %add3A_530 = arith.addi %mul3A_528, %add3A_529 : i32
      %add3A_531 = vector.broadcast %add3A_530 : i32 to vector<16xi32>
      %add3A_532 = arith.addi %add3A_531, %iota3A : vector<16xi32>
      %get3A_533 = arith.index_cast %add3A_530 : i32 to index
      %get3A_534 = tpu.vector_load %arg12[%get3A_533] {strides = array<i32>} : memref<4096xf32, #tpu.memory_space<vmem>>, vector<16xf32>,
      %get3A_535 = vector.shape_cast %get3A_534 : vector<16xf32> to vector<16xf32>
      %bitcast_convert_type3A_536 = tpu.bitcast %get3A_535 : vector<16xf32> -> vector<16xi32>
      %shift_right_arithmetic3A_537 = arith.constant 31 : i32
      %shift_right_arithmetic3A_538 = vector.broadcast %shift_right_arithmetic3A_537 : i32 to vector<16xi32>
      %shift_right_arithmetic3A_539 = arith.shrsi %bitcast_convert_type3A_536, %shift_right_arithmetic3A_538 : vector<16xi32>
      %and3A_540 = arith.constant 2147483647 : i32
      %and3A_541 = vector.broadcast %and3A_540 : i32 to vector<16xi32>
      %and3A_542 = arith.andi %shift_right_arithmetic3A_539, %and3A_541 : vector<16xi32>
      %xor3A_543 = arith.xori %bitcast_convert_type3A_536, %and3A_542 : vector<16xi32>
      %add3A_544 = vector.broadcast %mul3A_4 : i32 to vector<16xi32>
      %add3A_545 = arith.addi %add3A_544, %add3A_532 : vector<16xi32>
      %mul3A_546 = arith.constant 32768 : i32
      %mul3A_547 = arith.muli %select_n3A, %mul3A_546 : i32
      %sub3A_548 = vector.broadcast %mul3A_547 : i32 to vector<16xi32>
      %sub3A_549 = arith.subi %add3A_545, %sub3A_548 : vector<16xi32>
      %gt3A_550 = arith.cmpi sgt, %xor3A_543, %select_n3A_47 : vector<16xi32>
      %eq3A_551 = arith.cmpi eq, %xor3A_543, %select_n3A_47 : vector<16xi32>
      %le3A_552 = arith.cmpi sle, %sub3A_549, %select_n3A_76 : vector<16xi32>
      %and3A_553 = arith.andi %eq3A_551, %le3A_552 : vector<16xi1>
      %or3A_554 = arith.ori %gt3A_550, %and3A_553 : vector<16xi1>
      %get3A_555 = arith.index_cast %add3A_530 : i32 to index
      %get3A_556 = tpu.vector_load %arg13[%get3A_555] {strides = array<i32>} : memref<4096xi32, #tpu.memory_space<vmem>>, vector<16xi32>,
      %get3A_557 = vector.shape_cast %get3A_556 : vector<16xi32> to vector<16xi32>
      %get3A_558 = arith.index_cast %add3A_530 : i32 to index
      %get3A_559 = tpu.vector_load %arg14[%get3A_558] {strides = array<i32>} : memref<4096xi32, #tpu.memory_space<vmem>>, vector<16xi32>,
      %get3A_560 = vector.shape_cast %get3A_559 : vector<16xi32> to vector<16xi32>
      %get3A_561 = arith.index_cast %add3A_530 : i32 to index
      %get3A_562 = tpu.vector_load %arg15[%get3A_561] {strides = array<i32>} : memref<4096xi32, #tpu.memory_space<vmem>>, vector<16xi32>,
      %get3A_563 = vector.shape_cast %get3A_562 : vector<16xi32> to vector<16xi32>
      %get3A_564 = arith.index_cast %add3A_530 : i32 to index
      %get3A_565 = tpu.vector_load %arg16[%get3A_564] {strides = array<i32>} : memref<4096xi32, #tpu.memory_space<vmem>>, vector<16xi32>,
      %get3A_566 = vector.shape_cast %get3A_565 : vector<16xi32> to vector<16xi32>
      %select_n3A_567 = arith.select %or3A_554, %get3A_557, %broadcast_in_dim3A_94 : vector<16xi1>, vector<16xi32>
      %swap3A_568 = arith.index_cast %add3A_530 : i32 to index
      %swap3A_569 = tpu.vector_load %arg18[%swap3A_568] {strides = array<i32>} : memref<4096xi32, #tpu.memory_space<vmem>>, vector<16xi32>,
      %swap3A_570 = vector.shape_cast %swap3A_569 : vector<16xi32> to vector<16xi32>
      %swap3A_571 = vector.shape_cast %select_n3A_567 : vector<16xi32> to vector<16xi32>
      tpu.vector_store %arg18[%swap3A_568], %swap3A_571 {strides = array<i32>} : memref<4096xi32, #tpu.memory_space<vmem>>, vector<16xi32>,
      %mul3A_572 = arith.constant 2 : i32
      %mul3A_573 = vector.broadcast %mul3A_572 : i32 to vector<16xi32>
      %mul3A_574 = arith.muli %mul3A_573, %get3A_560 : vector<16xi32>
      %add3A_575 = arith.addi %mul3A_574, %and3A_84 : vector<16xi32>
      %select_n3A_576 = arith.select %or3A_554, %add3A_575, %broadcast_in_dim3A_94 : vector<16xi1>, vector<16xi32>
      %swap3A_577 = arith.index_cast %add3A_530 : i32 to index
      %swap3A_578 = tpu.vector_load %arg19[%swap3A_577] {strides = array<i32>} : memref<4096xi32, #tpu.memory_space<vmem>>, vector<16xi32>,
      %swap3A_579 = vector.shape_cast %swap3A_578 : vector<16xi32> to vector<16xi32>
      %swap3A_580 = vector.shape_cast %select_n3A_576 : vector<16xi32> to vector<16xi32>
      tpu.vector_store %arg19[%swap3A_577], %swap3A_580 {strides = array<i32>} : memref<4096xi32, #tpu.memory_space<vmem>>, vector<16xi32>,
      %mul3A_581 = arith.constant 2 : i32
      %mul3A_582 = vector.broadcast %mul3A_581 : i32 to vector<16xi32>
      %mul3A_583 = arith.muli %mul3A_582, %get3A_563 : vector<16xi32>
      %add3A_584 = arith.addi %mul3A_583, %and3A_90 : vector<16xi32>
      %select_n3A_585 = arith.select %or3A_554, %add3A_584, %broadcast_in_dim3A_94 : vector<16xi1>, vector<16xi32>
      %swap3A_586 = arith.index_cast %add3A_530 : i32 to index
      %swap3A_587 = tpu.vector_load %arg20[%swap3A_586] {strides = array<i32>} : memref<4096xi32, #tpu.memory_space<vmem>>, vector<16xi32>,
      %swap3A_588 = vector.shape_cast %swap3A_587 : vector<16xi32> to vector<16xi32>
      %swap3A_589 = vector.shape_cast %select_n3A_585 : vector<16xi32> to vector<16xi32>
      tpu.vector_store %arg20[%swap3A_586], %swap3A_589 {strides = array<i32>} : memref<4096xi32, #tpu.memory_space<vmem>>, vector<16xi32>,
      %mul3A_590 = arith.constant 2 : i32
      %mul3A_591 = vector.broadcast %mul3A_590 : i32 to vector<16xi32>
      %mul3A_592 = arith.muli %mul3A_591, %get3A_566 : vector<16xi32>
      %add3A_593 = arith.addi %mul3A_592, %and3A_93 : vector<16xi32>
      %select_n3A_594 = arith.select %or3A_554, %add3A_593, %broadcast_in_dim3A_94 : vector<16xi1>, vector<16xi32>
      %swap3A_595 = arith.index_cast %add3A_530 : i32 to index
      %swap3A_596 = tpu.vector_load %arg21[%swap3A_595] {strides = array<i32>} : memref<4096xi32, #tpu.memory_space<vmem>>, vector<16xi32>,
      %swap3A_597 = vector.shape_cast %swap3A_596 : vector<16xi32> to vector<16xi32>
      %swap3A_598 = vector.shape_cast %select_n3A_594 : vector<16xi32> to vector<16xi32>
      tpu.vector_store %arg21[%swap3A_595], %swap3A_598 {strides = array<i32>} : memref<4096xi32, #tpu.memory_space<vmem>>, vector<16xi32>,
      %mul3A_599 = arith.constant 128 : i32
      %mul3A_600 = arith.muli %scan3A_100, %mul3A_599 : i32
      %add3A_601 = arith.constant 112 : i32
      %add3A_602 = arith.addi %mul3A_600, %add3A_601 : i32
      %add3A_603 = vector.broadcast %add3A_602 : i32 to vector<16xi32>
      %add3A_604 = arith.addi %add3A_603, %iota3A : vector<16xi32>
      %get3A_605 = arith.index_cast %add3A_602 : i32 to index
      %get3A_606 = tpu.vector_load %arg12[%get3A_605] {strides = array<i32>} : memref<4096xf32, #tpu.memory_space<vmem>>, vector<16xf32>,
      %get3A_607 = vector.shape_cast %get3A_606 : vector<16xf32> to vector<16xf32>
      %bitcast_convert_type3A_608 = tpu.bitcast %get3A_607 : vector<16xf32> -> vector<16xi32>
      %shift_right_arithmetic3A_609 = arith.constant 31 : i32
      %shift_right_arithmetic3A_610 = vector.broadcast %shift_right_arithmetic3A_609 : i32 to vector<16xi32>
      %shift_right_arithmetic3A_611 = arith.shrsi %bitcast_convert_type3A_608, %shift_right_arithmetic3A_610 : vector<16xi32>
      %and3A_612 = arith.constant 2147483647 : i32
      %and3A_613 = vector.broadcast %and3A_612 : i32 to vector<16xi32>
      %and3A_614 = arith.andi %shift_right_arithmetic3A_611, %and3A_613 : vector<16xi32>
      %xor3A_615 = arith.xori %bitcast_convert_type3A_608, %and3A_614 : vector<16xi32>
      %add3A_616 = vector.broadcast %mul3A_4 : i32 to vector<16xi32>
      %add3A_617 = arith.addi %add3A_616, %add3A_604 : vector<16xi32>
      %mul3A_618 = arith.constant 32768 : i32
      %mul3A_619 = arith.muli %select_n3A, %mul3A_618 : i32
      %sub3A_620 = vector.broadcast %mul3A_619 : i32 to vector<16xi32>
      %sub3A_621 = arith.subi %add3A_617, %sub3A_620 : vector<16xi32>
      %gt3A_622 = arith.cmpi sgt, %xor3A_615, %select_n3A_47 : vector<16xi32>
      %eq3A_623 = arith.cmpi eq, %xor3A_615, %select_n3A_47 : vector<16xi32>
      %le3A_624 = arith.cmpi sle, %sub3A_621, %select_n3A_76 : vector<16xi32>
      %and3A_625 = arith.andi %eq3A_623, %le3A_624 : vector<16xi1>
      %or3A_626 = arith.ori %gt3A_622, %and3A_625 : vector<16xi1>
      %get3A_627 = arith.index_cast %add3A_602 : i32 to index
      %get3A_628 = tpu.vector_load %arg13[%get3A_627] {strides = array<i32>} : memref<4096xi32, #tpu.memory_space<vmem>>, vector<16xi32>,
      %get3A_629 = vector.shape_cast %get3A_628 : vector<16xi32> to vector<16xi32>
      %get3A_630 = arith.index_cast %add3A_602 : i32 to index
      %get3A_631 = tpu.vector_load %arg14[%get3A_630] {strides = array<i32>} : memref<4096xi32, #tpu.memory_space<vmem>>, vector<16xi32>,
      %get3A_632 = vector.shape_cast %get3A_631 : vector<16xi32> to vector<16xi32>
      %get3A_633 = arith.index_cast %add3A_602 : i32 to index
      %get3A_634 = tpu.vector_load %arg15[%get3A_633] {strides = array<i32>} : memref<4096xi32, #tpu.memory_space<vmem>>, vector<16xi32>,
      %get3A_635 = vector.shape_cast %get3A_634 : vector<16xi32> to vector<16xi32>
      %get3A_636 = arith.index_cast %add3A_602 : i32 to index
      %get3A_637 = tpu.vector_load %arg16[%get3A_636] {strides = array<i32>} : memref<4096xi32, #tpu.memory_space<vmem>>, vector<16xi32>,
      %get3A_638 = vector.shape_cast %get3A_637 : vector<16xi32> to vector<16xi32>
      %select_n3A_639 = arith.select %or3A_626, %get3A_629, %broadcast_in_dim3A_94 : vector<16xi1>, vector<16xi32>
      %swap3A_640 = arith.index_cast %add3A_602 : i32 to index
      %swap3A_641 = tpu.vector_load %arg18[%swap3A_640] {strides = array<i32>} : memref<4096xi32, #tpu.memory_space<vmem>>, vector<16xi32>,
      %swap3A_642 = vector.shape_cast %swap3A_641 : vector<16xi32> to vector<16xi32>
      %swap3A_643 = vector.shape_cast %select_n3A_639 : vector<16xi32> to vector<16xi32>
      tpu.vector_store %arg18[%swap3A_640], %swap3A_643 {strides = array<i32>} : memref<4096xi32, #tpu.memory_space<vmem>>, vector<16xi32>,
      %mul3A_644 = arith.constant 2 : i32
      %mul3A_645 = vector.broadcast %mul3A_644 : i32 to vector<16xi32>
      %mul3A_646 = arith.muli %mul3A_645, %get3A_632 : vector<16xi32>
      %add3A_647 = arith.addi %mul3A_646, %and3A_84 : vector<16xi32>
      %select_n3A_648 = arith.select %or3A_626, %add3A_647, %broadcast_in_dim3A_94 : vector<16xi1>, vector<16xi32>
      %swap3A_649 = arith.index_cast %add3A_602 : i32 to index
      %swap3A_650 = tpu.vector_load %arg19[%swap3A_649] {strides = array<i32>} : memref<4096xi32, #tpu.memory_space<vmem>>, vector<16xi32>,
      %swap3A_651 = vector.shape_cast %swap3A_650 : vector<16xi32> to vector<16xi32>
      %swap3A_652 = vector.shape_cast %select_n3A_648 : vector<16xi32> to vector<16xi32>
      tpu.vector_store %arg19[%swap3A_649], %swap3A_652 {strides = array<i32>} : memref<4096xi32, #tpu.memory_space<vmem>>, vector<16xi32>,
      %mul3A_653 = arith.constant 2 : i32
      %mul3A_654 = vector.broadcast %mul3A_653 : i32 to vector<16xi32>
      %mul3A_655 = arith.muli %mul3A_654, %get3A_635 : vector<16xi32>
      %add3A_656 = arith.addi %mul3A_655, %and3A_90 : vector<16xi32>
      %select_n3A_657 = arith.select %or3A_626, %add3A_656, %broadcast_in_dim3A_94 : vector<16xi1>, vector<16xi32>
      %swap3A_658 = arith.index_cast %add3A_602 : i32 to index
      %swap3A_659 = tpu.vector_load %arg20[%swap3A_658] {strides = array<i32>} : memref<4096xi32, #tpu.memory_space<vmem>>, vector<16xi32>,
      %swap3A_660 = vector.shape_cast %swap3A_659 : vector<16xi32> to vector<16xi32>
      %swap3A_661 = vector.shape_cast %select_n3A_657 : vector<16xi32> to vector<16xi32>
      tpu.vector_store %arg20[%swap3A_658], %swap3A_661 {strides = array<i32>} : memref<4096xi32, #tpu.memory_space<vmem>>, vector<16xi32>,
      %mul3A_662 = arith.constant 2 : i32
      %mul3A_663 = vector.broadcast %mul3A_662 : i32 to vector<16xi32>
      %mul3A_664 = arith.muli %mul3A_663, %get3A_638 : vector<16xi32>
      %add3A_665 = arith.addi %mul3A_664, %and3A_93 : vector<16xi32>
      %select_n3A_666 = arith.select %or3A_626, %add3A_665, %broadcast_in_dim3A_94 : vector<16xi1>, vector<16xi32>
      %swap3A_667 = arith.index_cast %add3A_602 : i32 to index
      %swap3A_668 = tpu.vector_load %arg21[%swap3A_667] {strides = array<i32>} : memref<4096xi32, #tpu.memory_space<vmem>>, vector<16xi32>,
      %swap3A_669 = vector.shape_cast %swap3A_668 : vector<16xi32> to vector<16xi32>
      %swap3A_670 = vector.shape_cast %select_n3A_666 : vector<16xi32> to vector<16xi32>
      tpu.vector_store %arg21[%swap3A_667], %swap3A_670 {strides = array<i32>} : memref<4096xi32, #tpu.memory_space<vmem>>, vector<16xi32>,
    }
    %scan3A_99 = arith.constant 32 : i32
    "tpu.region"() ({
      %run_scoped3A = tpu.sem_alloc : memref<!tpu.dma_semaphore, #tpu.memory_space<semaphore_mem>>
      %dma_start3A = tpu.memref_slice %arg8[%mul3A_4] : memref<131072xi32, #tpu.memory_space<hbm>> -> memref<4096xi32, #tpu.memory_space<hbm>>
      %dma_start3A_100 = tpu.memref_slice %arg8[%mul3A_4] : memref<131072xi32, #tpu.memory_space<hbm>> -> memref<4096xi32, #tpu.memory_space<hbm>>
      tpu.enqueue_dma source(%arg18 : memref<4096xi32, #tpu.memory_space<vmem>>) target(%dma_start3A_100 : memref<4096xi32, #tpu.memory_space<hbm>>) target_semaphore(%run_scoped3A : memref<!tpu.dma_semaphore, #tpu.memory_space<semaphore_mem>>)
      %dma_wait3A = tpu.memref_slice %arg8[%mul3A_4] : memref<131072xi32, #tpu.memory_space<hbm>> -> memref<4096xi32, #tpu.memory_space<hbm>>
      %dma_wait3A_101 = tpu.memref_slice %arg8[%mul3A_4] : memref<131072xi32, #tpu.memory_space<hbm>> -> memref<4096xi32, #tpu.memory_space<hbm>>
      tpu.wait_dma2 semaphore(%run_scoped3A : memref<!tpu.dma_semaphore, #tpu.memory_space<semaphore_mem>>) src(%arg18 : memref<4096xi32, #tpu.memory_space<vmem>>) dst(%dma_wait3A_101 : memref<4096xi32, #tpu.memory_space<hbm>>)
      tpu.yield
    }) : () -> ()
    "tpu.region"() ({
      %run_scoped3A = tpu.sem_alloc : memref<!tpu.dma_semaphore, #tpu.memory_space<semaphore_mem>>
      %dma_start3A = tpu.memref_slice %arg9[%mul3A_4] : memref<131072xi32, #tpu.memory_space<hbm>> -> memref<4096xi32, #tpu.memory_space<hbm>>
      %dma_start3A_100 = tpu.memref_slice %arg9[%mul3A_4] : memref<131072xi32, #tpu.memory_space<hbm>> -> memref<4096xi32, #tpu.memory_space<hbm>>
      tpu.enqueue_dma source(%arg19 : memref<4096xi32, #tpu.memory_space<vmem>>) target(%dma_start3A_100 : memref<4096xi32, #tpu.memory_space<hbm>>) target_semaphore(%run_scoped3A : memref<!tpu.dma_semaphore, #tpu.memory_space<semaphore_mem>>)
      %dma_wait3A = tpu.memref_slice %arg9[%mul3A_4] : memref<131072xi32, #tpu.memory_space<hbm>> -> memref<4096xi32, #tpu.memory_space<hbm>>
      %dma_wait3A_101 = tpu.memref_slice %arg9[%mul3A_4] : memref<131072xi32, #tpu.memory_space<hbm>> -> memref<4096xi32, #tpu.memory_space<hbm>>
      tpu.wait_dma2 semaphore(%run_scoped3A : memref<!tpu.dma_semaphore, #tpu.memory_space<semaphore_mem>>) src(%arg19 : memref<4096xi32, #tpu.memory_space<vmem>>) dst(%dma_wait3A_101 : memref<4096xi32, #tpu.memory_space<hbm>>)
      tpu.yield
    }) : () -> ()
    "tpu.region"() ({
      %run_scoped3A = tpu.sem_alloc : memref<!tpu.dma_semaphore, #tpu.memory_space<semaphore_mem>>
      %dma_start3A = tpu.memref_slice %arg10[%mul3A_4] : memref<131072xi32, #tpu.memory_space<hbm>> -> memref<4096xi32, #tpu.memory_space<hbm>>
      %dma_start3A_100 = tpu.memref_slice %arg10[%mul3A_4] : memref<131072xi32, #tpu.memory_space<hbm>> -> memref<4096xi32, #tpu.memory_space<hbm>>
      tpu.enqueue_dma source(%arg20 : memref<4096xi32, #tpu.memory_space<vmem>>) target(%dma_start3A_100 : memref<4096xi32, #tpu.memory_space<hbm>>) target_semaphore(%run_scoped3A : memref<!tpu.dma_semaphore, #tpu.memory_space<semaphore_mem>>)
      %dma_wait3A = tpu.memref_slice %arg10[%mul3A_4] : memref<131072xi32, #tpu.memory_space<hbm>> -> memref<4096xi32, #tpu.memory_space<hbm>>
      %dma_wait3A_101 = tpu.memref_slice %arg10[%mul3A_4] : memref<131072xi32, #tpu.memory_space<hbm>> -> memref<4096xi32, #tpu.memory_space<hbm>>
      tpu.wait_dma2 semaphore(%run_scoped3A : memref<!tpu.dma_semaphore, #tpu.memory_space<semaphore_mem>>) src(%arg20 : memref<4096xi32, #tpu.memory_space<vmem>>) dst(%dma_wait3A_101 : memref<4096xi32, #tpu.memory_space<hbm>>)
      tpu.yield
    }) : () -> ()
    "tpu.region"() ({
      %run_scoped3A = tpu.sem_alloc : memref<!tpu.dma_semaphore, #tpu.memory_space<semaphore_mem>>
      %dma_start3A = tpu.memref_slice %arg11[%mul3A_4] : memref<131072xi32, #tpu.memory_space<hbm>> -> memref<4096xi32, #tpu.memory_space<hbm>>
      %dma_start3A_100 = tpu.memref_slice %arg11[%mul3A_4] : memref<131072xi32, #tpu.memory_space<hbm>> -> memref<4096xi32, #tpu.memory_space<hbm>>
      tpu.enqueue_dma source(%arg21 : memref<4096xi32, #tpu.memory_space<vmem>>) target(%dma_start3A_100 : memref<4096xi32, #tpu.memory_space<hbm>>) target_semaphore(%run_scoped3A : memref<!tpu.dma_semaphore, #tpu.memory_space<semaphore_mem>>)
      %dma_wait3A = tpu.memref_slice %arg11[%mul3A_4] : memref<131072xi32, #tpu.memory_space<hbm>> -> memref<4096xi32, #tpu.memory_space<hbm>>
      %dma_wait3A_101 = tpu.memref_slice %arg11[%mul3A_4] : memref<131072xi32, #tpu.memory_space<hbm>> -> memref<4096xi32, #tpu.memory_space<hbm>>
      tpu.wait_dma2 semaphore(%run_scoped3A : memref<!tpu.dma_semaphore, #tpu.memory_space<semaphore_mem>>) src(%arg21 : memref<4096xi32, #tpu.memory_space<vmem>>) dst(%dma_wait3A_101 : memref<4096xi32, #tpu.memory_space<hbm>>)
      tpu.yield
    }) : () -> ()
    return
  }
}

module attributes {stable_mosaic.version = 14 : i64} {
  func.func @_scores_body(%arg0: i32, %arg1: memref<1024x256xf32, #tpu.memory_space<vmem>>, %arg2: memref<256x2048xf32, #tpu.memory_space<vmem>>, %arg3: memref<1x2048xf32, #tpu.memory_space<vmem>>, %arg4: memref<256x256xbf16, #tpu.memory_space<vmem>>, %arg5: memref<1x256xf32, #tpu.memory_space<vmem>>, %arg6: memref<256x128xbf16, #tpu.memory_space<vmem>>, %arg7: memref<1x1xf32, #tpu.memory_space<vmem>>, %arg8: memref<1024x8xf32, #tpu.memory_space<vmem>>) attributes {dimension_semantics = [#tpu.dimension_semantics<parallel>], iteration_bounds = array<i64: 16>, scalar_prefetch = 0 : i64, scratch_operands = 0 : i64, tpu.core_type = #tpu.core_type<tc>, window_params = [{transform_indices = @transform_0, window_bounds = array<i64: 1024, 256>}, {pipeline_mode = #tpu.pipeline_mode<synchronous>, transform_indices = @transform_1, window_bounds = array<i64: 256, 2048>}, {pipeline_mode = #tpu.pipeline_mode<synchronous>, transform_indices = @transform_2, window_bounds = array<i64: 1, 2048>}, {pipeline_mode = #tpu.pipeline_mode<synchronous>, transform_indices = @transform_3, window_bounds = array<i64: 256, 256>}, {pipeline_mode = #tpu.pipeline_mode<synchronous>, transform_indices = @transform_4, window_bounds = array<i64: 1, 256>}, {pipeline_mode = #tpu.pipeline_mode<synchronous>, transform_indices = @transform_5, window_bounds = array<i64: 256, 128>}, {pipeline_mode = #tpu.pipeline_mode<synchronous>, transform_indices = @transform_6, window_bounds = array<i64: 1, 1>}, {transform_indices = @transform_7, window_bounds = array<i64: 1024, 8>}]} {
    %get3A = arith.constant 0 : index
    %get3A_0 = arith.constant 0 : index
    %get3A_1 = vector.load %arg1[%get3A, %get3A_0] : memref<1024x256xf32, #tpu.memory_space<vmem>>, vector<1024x256xf32>
    %get3A_2 = arith.constant 0 : index
    %get3A_3 = arith.constant 0 : index
    %get3A_4 = vector.load %arg2[%get3A_2, %get3A_3] : memref<256x2048xf32, #tpu.memory_space<vmem>>, vector<256x2048xf32>
    %dot_general3A = arith.constant dense<0.000000e+00> : vector<1024x2048xf32>
    %dot_general3A_5 = tpu.matmul %get3A_1, %get3A_4, %dot_general3A {dimension_numbers = #tpu.dot_dimension_numbers<[1], [0], [0], [1], [0, 0, 1, 1], [], []>, transpose_lhs_hint = false} : vector<1024x256xf32>, vector<256x2048xf32>, vector<1024x2048xf32> -> vector<1024x2048xf32>
    %get3A_6 = arith.constant 0 : index
    %get3A_7 = arith.constant 0 : index
    %get3A_8 = vector.load %arg3[%get3A_6, %get3A_7] : memref<1x2048xf32, #tpu.memory_space<vmem>>, vector<1x2048xf32>
    %add3A = vector.broadcast %get3A_8 : vector<1x2048xf32> to vector<1024x2048xf32>
    %add3A_9 = arith.addf %dot_general3A_5, %add3A : vector<1024x2048xf32>
    %slice3A = vector.extract_strided_slice %add3A_9 {offsets = [0, 0], sizes = [1024, 256], strides = [1, 1]} : vector<1024x2048xf32> to vector<1024x256xf32>
    %convert_element_type3A = arith.truncf %slice3A : vector<1024x256xf32> to vector<1024x256xbf16>
    %get3A_10 = arith.constant 0 : index
    %get3A_11 = arith.constant 0 : index
    %get3A_12 = vector.load %arg4[%get3A_10, %get3A_11] : memref<256x256xbf16, #tpu.memory_space<vmem>>, vector<256x256xbf16>
    %dot_general3A_13 = arith.constant dense<0.000000e+00> : vector<1024x256xf32>
    %dot_general3A_14 = tpu.matmul %convert_element_type3A, %get3A_12, %dot_general3A_13 {dimension_numbers = #tpu.dot_dimension_numbers<[1], [0], [0], [1], [0, 0, 1, 1], [], []>, transpose_lhs_hint = false} : vector<1024x256xbf16>, vector<256x256xbf16>, vector<1024x256xf32> -> vector<1024x256xf32>
    %get3A_15 = arith.constant 0 : index
    %get3A_16 = arith.constant 0 : index
    %get3A_17 = vector.load %arg5[%get3A_15, %get3A_16] : memref<1x256xf32, #tpu.memory_space<vmem>>, vector<1x256xf32>
    %add3A_18 = vector.broadcast %get3A_17 : vector<1x256xf32> to vector<1024x256xf32>
    %add3A_19 = arith.addf %dot_general3A_14, %add3A_18 : vector<1024x256xf32>
    %max3A = arith.constant 0.000000e+00 : f32
    %max3A_20 = vector.broadcast %max3A : f32 to vector<1024x256xf32>
    %max3A_21 = arith.maximumf %add3A_19, %max3A_20 : vector<1024x256xf32>
    %convert_element_type3A_22 = arith.truncf %max3A_21 : vector<1024x256xf32> to vector<1024x256xbf16>
    %get3A_23 = arith.constant 0 : index
    %get3A_24 = arith.constant 0 : index
    %get3A_25 = vector.load %arg6[%get3A_23, %get3A_24] : memref<256x128xbf16, #tpu.memory_space<vmem>>, vector<256x128xbf16>
    %dot_general3A_26 = arith.constant dense<0.000000e+00> : vector<1024x128xf32>
    %dot_general3A_27 = tpu.matmul %convert_element_type3A_22, %get3A_25, %dot_general3A_26 {dimension_numbers = #tpu.dot_dimension_numbers<[1], [0], [0], [1], [0, 0, 1, 1], [], []>, transpose_lhs_hint = false} : vector<1024x256xbf16>, vector<256x128xbf16>, vector<1024x128xf32> -> vector<1024x128xf32>
    %slice3A_28 = vector.extract_strided_slice %dot_general3A_27 {offsets = [0, 0], sizes = [1024, 1], strides = [1, 1]} : vector<1024x128xf32> to vector<1024x1xf32>
    %get3A_29 = arith.constant 0 : index
    %get3A_30 = arith.constant 0 : index
    %get3A_31 = vector.load %arg7[%get3A_29, %get3A_30] : memref<1x1xf32, #tpu.memory_space<vmem>>, vector<1x1xf32>
    %get3A_32 = vector.extract %get3A_31[0, 0] : f32 from vector<1x1xf32>
    %add3A_33 = vector.broadcast %get3A_32 : f32 to vector<1024x1xf32>
    %add3A_34 = arith.addf %slice3A_28, %add3A_33 : vector<1024x1xf32>
    %swap3A = arith.constant 0 : index
    %swap3A_35 = arith.constant 0 : index
    %swap3A_36 = vector.load %arg8[%swap3A, %swap3A_35] : memref<1024x8xf32, #tpu.memory_space<vmem>>, vector<1024x1xf32>
    tpu.vector_store %arg8[%swap3A, %swap3A_35], %add3A_34 {strides = array<i32>} : memref<1024x8xf32, #tpu.memory_space<vmem>>, vector<1024x1xf32>,
    %slice3A_37 = vector.extract_strided_slice %add3A_9 {offsets = [0, 256], sizes = [1024, 256], strides = [1, 1]} : vector<1024x2048xf32> to vector<1024x256xf32>
    %convert_element_type3A_38 = arith.truncf %slice3A_37 : vector<1024x256xf32> to vector<1024x256xbf16>
    %get3A_39 = arith.constant 0 : index
    %get3A_40 = arith.constant 0 : index
    %get3A_41 = vector.load %arg4[%get3A_39, %get3A_40] : memref<256x256xbf16, #tpu.memory_space<vmem>>, vector<256x256xbf16>
    %dot_general3A_42 = arith.constant dense<0.000000e+00> : vector<1024x256xf32>
    %dot_general3A_43 = tpu.matmul %convert_element_type3A_38, %get3A_41, %dot_general3A_42 {dimension_numbers = #tpu.dot_dimension_numbers<[1], [0], [0], [1], [0, 0, 1, 1], [], []>, transpose_lhs_hint = false} : vector<1024x256xbf16>, vector<256x256xbf16>, vector<1024x256xf32> -> vector<1024x256xf32>
    %get3A_44 = arith.constant 0 : index
    %get3A_45 = arith.constant 0 : index
    %get3A_46 = vector.load %arg5[%get3A_44, %get3A_45] : memref<1x256xf32, #tpu.memory_space<vmem>>, vector<1x256xf32>
    %add3A_47 = vector.broadcast %get3A_46 : vector<1x256xf32> to vector<1024x256xf32>
    %add3A_48 = arith.addf %dot_general3A_43, %add3A_47 : vector<1024x256xf32>
    %max3A_49 = arith.constant 0.000000e+00 : f32
    %max3A_50 = vector.broadcast %max3A_49 : f32 to vector<1024x256xf32>
    %max3A_51 = arith.maximumf %add3A_48, %max3A_50 : vector<1024x256xf32>
    %convert_element_type3A_52 = arith.truncf %max3A_51 : vector<1024x256xf32> to vector<1024x256xbf16>
    %get3A_53 = arith.constant 0 : index
    %get3A_54 = arith.constant 0 : index
    %get3A_55 = vector.load %arg6[%get3A_53, %get3A_54] : memref<256x128xbf16, #tpu.memory_space<vmem>>, vector<256x128xbf16>
    %dot_general3A_56 = arith.constant dense<0.000000e+00> : vector<1024x128xf32>
    %dot_general3A_57 = tpu.matmul %convert_element_type3A_52, %get3A_55, %dot_general3A_56 {dimension_numbers = #tpu.dot_dimension_numbers<[1], [0], [0], [1], [0, 0, 1, 1], [], []>, transpose_lhs_hint = false} : vector<1024x256xbf16>, vector<256x128xbf16>, vector<1024x128xf32> -> vector<1024x128xf32>
    %slice3A_58 = vector.extract_strided_slice %dot_general3A_57 {offsets = [0, 0], sizes = [1024, 1], strides = [1, 1]} : vector<1024x128xf32> to vector<1024x1xf32>
    %get3A_59 = arith.constant 0 : index
    %get3A_60 = arith.constant 0 : index
    %get3A_61 = vector.load %arg7[%get3A_59, %get3A_60] : memref<1x1xf32, #tpu.memory_space<vmem>>, vector<1x1xf32>
    %get3A_62 = vector.extract %get3A_61[0, 0] : f32 from vector<1x1xf32>
    %add3A_63 = vector.broadcast %get3A_62 : f32 to vector<1024x1xf32>
    %add3A_64 = arith.addf %slice3A_58, %add3A_63 : vector<1024x1xf32>
    %swap3A_65 = arith.constant 0 : index
    %swap3A_66 = arith.constant 1 : index
    %swap3A_67 = vector.load %arg8[%swap3A_65, %swap3A_66] : memref<1024x8xf32, #tpu.memory_space<vmem>>, vector<1024x1xf32>
    tpu.vector_store %arg8[%swap3A_65, %swap3A_66], %add3A_64 {strides = array<i32>} : memref<1024x8xf32, #tpu.memory_space<vmem>>, vector<1024x1xf32>,
    %slice3A_68 = vector.extract_strided_slice %add3A_9 {offsets = [0, 512], sizes = [1024, 256], strides = [1, 1]} : vector<1024x2048xf32> to vector<1024x256xf32>
    %convert_element_type3A_69 = arith.truncf %slice3A_68 : vector<1024x256xf32> to vector<1024x256xbf16>
    %get3A_70 = arith.constant 0 : index
    %get3A_71 = arith.constant 0 : index
    %get3A_72 = vector.load %arg4[%get3A_70, %get3A_71] : memref<256x256xbf16, #tpu.memory_space<vmem>>, vector<256x256xbf16>
    %dot_general3A_73 = arith.constant dense<0.000000e+00> : vector<1024x256xf32>
    %dot_general3A_74 = tpu.matmul %convert_element_type3A_69, %get3A_72, %dot_general3A_73 {dimension_numbers = #tpu.dot_dimension_numbers<[1], [0], [0], [1], [0, 0, 1, 1], [], []>, transpose_lhs_hint = false} : vector<1024x256xbf16>, vector<256x256xbf16>, vector<1024x256xf32> -> vector<1024x256xf32>
    %get3A_75 = arith.constant 0 : index
    %get3A_76 = arith.constant 0 : index
    %get3A_77 = vector.load %arg5[%get3A_75, %get3A_76] : memref<1x256xf32, #tpu.memory_space<vmem>>, vector<1x256xf32>
    %add3A_78 = vector.broadcast %get3A_77 : vector<1x256xf32> to vector<1024x256xf32>
    %add3A_79 = arith.addf %dot_general3A_74, %add3A_78 : vector<1024x256xf32>
    %max3A_80 = arith.constant 0.000000e+00 : f32
    %max3A_81 = vector.broadcast %max3A_80 : f32 to vector<1024x256xf32>
    %max3A_82 = arith.maximumf %add3A_79, %max3A_81 : vector<1024x256xf32>
    %convert_element_type3A_83 = arith.truncf %max3A_82 : vector<1024x256xf32> to vector<1024x256xbf16>
    %get3A_84 = arith.constant 0 : index
    %get3A_85 = arith.constant 0 : index
    %get3A_86 = vector.load %arg6[%get3A_84, %get3A_85] : memref<256x128xbf16, #tpu.memory_space<vmem>>, vector<256x128xbf16>
    %dot_general3A_87 = arith.constant dense<0.000000e+00> : vector<1024x128xf32>
    %dot_general3A_88 = tpu.matmul %convert_element_type3A_83, %get3A_86, %dot_general3A_87 {dimension_numbers = #tpu.dot_dimension_numbers<[1], [0], [0], [1], [0, 0, 1, 1], [], []>, transpose_lhs_hint = false} : vector<1024x256xbf16>, vector<256x128xbf16>, vector<1024x128xf32> -> vector<1024x128xf32>
    %slice3A_89 = vector.extract_strided_slice %dot_general3A_88 {offsets = [0, 0], sizes = [1024, 1], strides = [1, 1]} : vector<1024x128xf32> to vector<1024x1xf32>
    %get3A_90 = arith.constant 0 : index
    %get3A_91 = arith.constant 0 : index
    %get3A_92 = vector.load %arg7[%get3A_90, %get3A_91] : memref<1x1xf32, #tpu.memory_space<vmem>>, vector<1x1xf32>
    %get3A_93 = vector.extract %get3A_92[0, 0] : f32 from vector<1x1xf32>
    %add3A_94 = vector.broadcast %get3A_93 : f32 to vector<1024x1xf32>
    %add3A_95 = arith.addf %slice3A_89, %add3A_94 : vector<1024x1xf32>
    %swap3A_96 = arith.constant 0 : index
    %swap3A_97 = arith.constant 2 : index
    %swap3A_98 = vector.load %arg8[%swap3A_96, %swap3A_97] : memref<1024x8xf32, #tpu.memory_space<vmem>>, vector<1024x1xf32>
    tpu.vector_store %arg8[%swap3A_96, %swap3A_97], %add3A_95 {strides = array<i32>} : memref<1024x8xf32, #tpu.memory_space<vmem>>, vector<1024x1xf32>,
    %slice3A_99 = vector.extract_strided_slice %add3A_9 {offsets = [0, 768], sizes = [1024, 256], strides = [1, 1]} : vector<1024x2048xf32> to vector<1024x256xf32>
    %convert_element_type3A_100 = arith.truncf %slice3A_99 : vector<1024x256xf32> to vector<1024x256xbf16>
    %get3A_101 = arith.constant 0 : index
    %get3A_102 = arith.constant 0 : index
    %get3A_103 = vector.load %arg4[%get3A_101, %get3A_102] : memref<256x256xbf16, #tpu.memory_space<vmem>>, vector<256x256xbf16>
    %dot_general3A_104 = arith.constant dense<0.000000e+00> : vector<1024x256xf32>
    %dot_general3A_105 = tpu.matmul %convert_element_type3A_100, %get3A_103, %dot_general3A_104 {dimension_numbers = #tpu.dot_dimension_numbers<[1], [0], [0], [1], [0, 0, 1, 1], [], []>, transpose_lhs_hint = false} : vector<1024x256xbf16>, vector<256x256xbf16>, vector<1024x256xf32> -> vector<1024x256xf32>
    %get3A_106 = arith.constant 0 : index
    %get3A_107 = arith.constant 0 : index
    %get3A_108 = vector.load %arg5[%get3A_106, %get3A_107] : memref<1x256xf32, #tpu.memory_space<vmem>>, vector<1x256xf32>
    %add3A_109 = vector.broadcast %get3A_108 : vector<1x256xf32> to vector<1024x256xf32>
    %add3A_110 = arith.addf %dot_general3A_105, %add3A_109 : vector<1024x256xf32>
    %max3A_111 = arith.constant 0.000000e+00 : f32
    %max3A_112 = vector.broadcast %max3A_111 : f32 to vector<1024x256xf32>
    %max3A_113 = arith.maximumf %add3A_110, %max3A_112 : vector<1024x256xf32>
    %convert_element_type3A_114 = arith.truncf %max3A_113 : vector<1024x256xf32> to vector<1024x256xbf16>
    %get3A_115 = arith.constant 0 : index
    %get3A_116 = arith.constant 0 : index
    %get3A_117 = vector.load %arg6[%get3A_115, %get3A_116] : memref<256x128xbf16, #tpu.memory_space<vmem>>, vector<256x128xbf16>
    %dot_general3A_118 = arith.constant dense<0.000000e+00> : vector<1024x128xf32>
    %dot_general3A_119 = tpu.matmul %convert_element_type3A_114, %get3A_117, %dot_general3A_118 {dimension_numbers = #tpu.dot_dimension_numbers<[1], [0], [0], [1], [0, 0, 1, 1], [], []>, transpose_lhs_hint = false} : vector<1024x256xbf16>, vector<256x128xbf16>, vector<1024x128xf32> -> vector<1024x128xf32>
    %slice3A_120 = vector.extract_strided_slice %dot_general3A_119 {offsets = [0, 0], sizes = [1024, 1], strides = [1, 1]} : vector<1024x128xf32> to vector<1024x1xf32>
    %get3A_121 = arith.constant 0 : index
    %get3A_122 = arith.constant 0 : index
    %get3A_123 = vector.load %arg7[%get3A_121, %get3A_122] : memref<1x1xf32, #tpu.memory_space<vmem>>, vector<1x1xf32>
    %get3A_124 = vector.extract %get3A_123[0, 0] : f32 from vector<1x1xf32>
    %add3A_125 = vector.broadcast %get3A_124 : f32 to vector<1024x1xf32>
    %add3A_126 = arith.addf %slice3A_120, %add3A_125 : vector<1024x1xf32>
    %swap3A_127 = arith.constant 0 : index
    %swap3A_128 = arith.constant 3 : index
    %swap3A_129 = vector.load %arg8[%swap3A_127, %swap3A_128] : memref<1024x8xf32, #tpu.memory_space<vmem>>, vector<1024x1xf32>
    tpu.vector_store %arg8[%swap3A_127, %swap3A_128], %add3A_126 {strides = array<i32>} : memref<1024x8xf32, #tpu.memory_space<vmem>>, vector<1024x1xf32>,
    %slice3A_130 = vector.extract_strided_slice %add3A_9 {offsets = [0, 1024], sizes = [1024, 256], strides = [1, 1]} : vector<1024x2048xf32> to vector<1024x256xf32>
    %convert_element_type3A_131 = arith.truncf %slice3A_130 : vector<1024x256xf32> to vector<1024x256xbf16>
    %get3A_132 = arith.constant 0 : index
    %get3A_133 = arith.constant 0 : index
    %get3A_134 = vector.load %arg4[%get3A_132, %get3A_133] : memref<256x256xbf16, #tpu.memory_space<vmem>>, vector<256x256xbf16>
    %dot_general3A_135 = arith.constant dense<0.000000e+00> : vector<1024x256xf32>
    %dot_general3A_136 = tpu.matmul %convert_element_type3A_131, %get3A_134, %dot_general3A_135 {dimension_numbers = #tpu.dot_dimension_numbers<[1], [0], [0], [1], [0, 0, 1, 1], [], []>, transpose_lhs_hint = false} : vector<1024x256xbf16>, vector<256x256xbf16>, vector<1024x256xf32> -> vector<1024x256xf32>
    %get3A_137 = arith.constant 0 : index
    %get3A_138 = arith.constant 0 : index
    %get3A_139 = vector.load %arg5[%get3A_137, %get3A_138] : memref<1x256xf32, #tpu.memory_space<vmem>>, vector<1x256xf32>
    %add3A_140 = vector.broadcast %get3A_139 : vector<1x256xf32> to vector<1024x256xf32>
    %add3A_141 = arith.addf %dot_general3A_136, %add3A_140 : vector<1024x256xf32>
    %max3A_142 = arith.constant 0.000000e+00 : f32
    %max3A_143 = vector.broadcast %max3A_142 : f32 to vector<1024x256xf32>
    %max3A_144 = arith.maximumf %add3A_141, %max3A_143 : vector<1024x256xf32>
    %convert_element_type3A_145 = arith.truncf %max3A_144 : vector<1024x256xf32> to vector<1024x256xbf16>
    %get3A_146 = arith.constant 0 : index
    %get3A_147 = arith.constant 0 : index
    %get3A_148 = vector.load %arg6[%get3A_146, %get3A_147] : memref<256x128xbf16, #tpu.memory_space<vmem>>, vector<256x128xbf16>
    %dot_general3A_149 = arith.constant dense<0.000000e+00> : vector<1024x128xf32>
    %dot_general3A_150 = tpu.matmul %convert_element_type3A_145, %get3A_148, %dot_general3A_149 {dimension_numbers = #tpu.dot_dimension_numbers<[1], [0], [0], [1], [0, 0, 1, 1], [], []>, transpose_lhs_hint = false} : vector<1024x256xbf16>, vector<256x128xbf16>, vector<1024x128xf32> -> vector<1024x128xf32>
    %slice3A_151 = vector.extract_strided_slice %dot_general3A_150 {offsets = [0, 0], sizes = [1024, 1], strides = [1, 1]} : vector<1024x128xf32> to vector<1024x1xf32>
    %get3A_152 = arith.constant 0 : index
    %get3A_153 = arith.constant 0 : index
    %get3A_154 = vector.load %arg7[%get3A_152, %get3A_153] : memref<1x1xf32, #tpu.memory_space<vmem>>, vector<1x1xf32>
    %get3A_155 = vector.extract %get3A_154[0, 0] : f32 from vector<1x1xf32>
    %add3A_156 = vector.broadcast %get3A_155 : f32 to vector<1024x1xf32>
    %add3A_157 = arith.addf %slice3A_151, %add3A_156 : vector<1024x1xf32>
    %swap3A_158 = arith.constant 0 : index
    %swap3A_159 = arith.constant 4 : index
    %swap3A_160 = vector.load %arg8[%swap3A_158, %swap3A_159] : memref<1024x8xf32, #tpu.memory_space<vmem>>, vector<1024x1xf32>
    tpu.vector_store %arg8[%swap3A_158, %swap3A_159], %add3A_157 {strides = array<i32>} : memref<1024x8xf32, #tpu.memory_space<vmem>>, vector<1024x1xf32>,
    %slice3A_161 = vector.extract_strided_slice %add3A_9 {offsets = [0, 1280], sizes = [1024, 256], strides = [1, 1]} : vector<1024x2048xf32> to vector<1024x256xf32>
    %convert_element_type3A_162 = arith.truncf %slice3A_161 : vector<1024x256xf32> to vector<1024x256xbf16>
    %get3A_163 = arith.constant 0 : index
    %get3A_164 = arith.constant 0 : index
    %get3A_165 = vector.load %arg4[%get3A_163, %get3A_164] : memref<256x256xbf16, #tpu.memory_space<vmem>>, vector<256x256xbf16>
    %dot_general3A_166 = arith.constant dense<0.000000e+00> : vector<1024x256xf32>
    %dot_general3A_167 = tpu.matmul %convert_element_type3A_162, %get3A_165, %dot_general3A_166 {dimension_numbers = #tpu.dot_dimension_numbers<[1], [0], [0], [1], [0, 0, 1, 1], [], []>, transpose_lhs_hint = false} : vector<1024x256xbf16>, vector<256x256xbf16>, vector<1024x256xf32> -> vector<1024x256xf32>
    %get3A_168 = arith.constant 0 : index
    %get3A_169 = arith.constant 0 : index
    %get3A_170 = vector.load %arg5[%get3A_168, %get3A_169] : memref<1x256xf32, #tpu.memory_space<vmem>>, vector<1x256xf32>
    %add3A_171 = vector.broadcast %get3A_170 : vector<1x256xf32> to vector<1024x256xf32>
    %add3A_172 = arith.addf %dot_general3A_167, %add3A_171 : vector<1024x256xf32>
    %max3A_173 = arith.constant 0.000000e+00 : f32
    %max3A_174 = vector.broadcast %max3A_173 : f32 to vector<1024x256xf32>
    %max3A_175 = arith.maximumf %add3A_172, %max3A_174 : vector<1024x256xf32>
    %convert_element_type3A_176 = arith.truncf %max3A_175 : vector<1024x256xf32> to vector<1024x256xbf16>
    %get3A_177 = arith.constant 0 : index
    %get3A_178 = arith.constant 0 : index
    %get3A_179 = vector.load %arg6[%get3A_177, %get3A_178] : memref<256x128xbf16, #tpu.memory_space<vmem>>, vector<256x128xbf16>
    %dot_general3A_180 = arith.constant dense<0.000000e+00> : vector<1024x128xf32>
    %dot_general3A_181 = tpu.matmul %convert_element_type3A_176, %get3A_179, %dot_general3A_180 {dimension_numbers = #tpu.dot_dimension_numbers<[1], [0], [0], [1], [0, 0, 1, 1], [], []>, transpose_lhs_hint = false} : vector<1024x256xbf16>, vector<256x128xbf16>, vector<1024x128xf32> -> vector<1024x128xf32>
    %slice3A_182 = vector.extract_strided_slice %dot_general3A_181 {offsets = [0, 0], sizes = [1024, 1], strides = [1, 1]} : vector<1024x128xf32> to vector<1024x1xf32>
    %get3A_183 = arith.constant 0 : index
    %get3A_184 = arith.constant 0 : index
    %get3A_185 = vector.load %arg7[%get3A_183, %get3A_184] : memref<1x1xf32, #tpu.memory_space<vmem>>, vector<1x1xf32>
    %get3A_186 = vector.extract %get3A_185[0, 0] : f32 from vector<1x1xf32>
    %add3A_187 = vector.broadcast %get3A_186 : f32 to vector<1024x1xf32>
    %add3A_188 = arith.addf %slice3A_182, %add3A_187 : vector<1024x1xf32>
    %swap3A_189 = arith.constant 0 : index
    %swap3A_190 = arith.constant 5 : index
    %swap3A_191 = vector.load %arg8[%swap3A_189, %swap3A_190] : memref<1024x8xf32, #tpu.memory_space<vmem>>, vector<1024x1xf32>
    tpu.vector_store %arg8[%swap3A_189, %swap3A_190], %add3A_188 {strides = array<i32>} : memref<1024x8xf32, #tpu.memory_space<vmem>>, vector<1024x1xf32>,
    %slice3A_192 = vector.extract_strided_slice %add3A_9 {offsets = [0, 1536], sizes = [1024, 256], strides = [1, 1]} : vector<1024x2048xf32> to vector<1024x256xf32>
    %convert_element_type3A_193 = arith.truncf %slice3A_192 : vector<1024x256xf32> to vector<1024x256xbf16>
    %get3A_194 = arith.constant 0 : index
    %get3A_195 = arith.constant 0 : index
    %get3A_196 = vector.load %arg4[%get3A_194, %get3A_195] : memref<256x256xbf16, #tpu.memory_space<vmem>>, vector<256x256xbf16>
    %dot_general3A_197 = arith.constant dense<0.000000e+00> : vector<1024x256xf32>
    %dot_general3A_198 = tpu.matmul %convert_element_type3A_193, %get3A_196, %dot_general3A_197 {dimension_numbers = #tpu.dot_dimension_numbers<[1], [0], [0], [1], [0, 0, 1, 1], [], []>, transpose_lhs_hint = false} : vector<1024x256xbf16>, vector<256x256xbf16>, vector<1024x256xf32> -> vector<1024x256xf32>
    %get3A_199 = arith.constant 0 : index
    %get3A_200 = arith.constant 0 : index
    %get3A_201 = vector.load %arg5[%get3A_199, %get3A_200] : memref<1x256xf32, #tpu.memory_space<vmem>>, vector<1x256xf32>
    %add3A_202 = vector.broadcast %get3A_201 : vector<1x256xf32> to vector<1024x256xf32>
    %add3A_203 = arith.addf %dot_general3A_198, %add3A_202 : vector<1024x256xf32>
    %max3A_204 = arith.constant 0.000000e+00 : f32
    %max3A_205 = vector.broadcast %max3A_204 : f32 to vector<1024x256xf32>
    %max3A_206 = arith.maximumf %add3A_203, %max3A_205 : vector<1024x256xf32>
    %convert_element_type3A_207 = arith.truncf %max3A_206 : vector<1024x256xf32> to vector<1024x256xbf16>
    %get3A_208 = arith.constant 0 : index
    %get3A_209 = arith.constant 0 : index
    %get3A_210 = vector.load %arg6[%get3A_208, %get3A_209] : memref<256x128xbf16, #tpu.memory_space<vmem>>, vector<256x128xbf16>
    %dot_general3A_211 = arith.constant dense<0.000000e+00> : vector<1024x128xf32>
    %dot_general3A_212 = tpu.matmul %convert_element_type3A_207, %get3A_210, %dot_general3A_211 {dimension_numbers = #tpu.dot_dimension_numbers<[1], [0], [0], [1], [0, 0, 1, 1], [], []>, transpose_lhs_hint = false} : vector<1024x256xbf16>, vector<256x128xbf16>, vector<1024x128xf32> -> vector<1024x128xf32>
    %slice3A_213 = vector.extract_strided_slice %dot_general3A_212 {offsets = [0, 0], sizes = [1024, 1], strides = [1, 1]} : vector<1024x128xf32> to vector<1024x1xf32>
    %get3A_214 = arith.constant 0 : index
    %get3A_215 = arith.constant 0 : index
    %get3A_216 = vector.load %arg7[%get3A_214, %get3A_215] : memref<1x1xf32, #tpu.memory_space<vmem>>, vector<1x1xf32>
    %get3A_217 = vector.extract %get3A_216[0, 0] : f32 from vector<1x1xf32>
    %add3A_218 = vector.broadcast %get3A_217 : f32 to vector<1024x1xf32>
    %add3A_219 = arith.addf %slice3A_213, %add3A_218 : vector<1024x1xf32>
    %swap3A_220 = arith.constant 0 : index
    %swap3A_221 = arith.constant 6 : index
    %swap3A_222 = vector.load %arg8[%swap3A_220, %swap3A_221] : memref<1024x8xf32, #tpu.memory_space<vmem>>, vector<1024x1xf32>
    tpu.vector_store %arg8[%swap3A_220, %swap3A_221], %add3A_219 {strides = array<i32>} : memref<1024x8xf32, #tpu.memory_space<vmem>>, vector<1024x1xf32>,
    %slice3A_223 = vector.extract_strided_slice %add3A_9 {offsets = [0, 1792], sizes = [1024, 256], strides = [1, 1]} : vector<1024x2048xf32> to vector<1024x256xf32>
    %convert_element_type3A_224 = arith.truncf %slice3A_223 : vector<1024x256xf32> to vector<1024x256xbf16>
    %get3A_225 = arith.constant 0 : index
    %get3A_226 = arith.constant 0 : index
    %get3A_227 = vector.load %arg4[%get3A_225, %get3A_226] : memref<256x256xbf16, #tpu.memory_space<vmem>>, vector<256x256xbf16>
    %dot_general3A_228 = arith.constant dense<0.000000e+00> : vector<1024x256xf32>
    %dot_general3A_229 = tpu.matmul %convert_element_type3A_224, %get3A_227, %dot_general3A_228 {dimension_numbers = #tpu.dot_dimension_numbers<[1], [0], [0], [1], [0, 0, 1, 1], [], []>, transpose_lhs_hint = false} : vector<1024x256xbf16>, vector<256x256xbf16>, vector<1024x256xf32> -> vector<1024x256xf32>
    %get3A_230 = arith.constant 0 : index
    %get3A_231 = arith.constant 0 : index
    %get3A_232 = vector.load %arg5[%get3A_230, %get3A_231] : memref<1x256xf32, #tpu.memory_space<vmem>>, vector<1x256xf32>
    %add3A_233 = vector.broadcast %get3A_232 : vector<1x256xf32> to vector<1024x256xf32>
    %add3A_234 = arith.addf %dot_general3A_229, %add3A_233 : vector<1024x256xf32>
    %max3A_235 = arith.constant 0.000000e+00 : f32
    %max3A_236 = vector.broadcast %max3A_235 : f32 to vector<1024x256xf32>
    %max3A_237 = arith.maximumf %add3A_234, %max3A_236 : vector<1024x256xf32>
    %convert_element_type3A_238 = arith.truncf %max3A_237 : vector<1024x256xf32> to vector<1024x256xbf16>
    %get3A_239 = arith.constant 0 : index
    %get3A_240 = arith.constant 0 : index
    %get3A_241 = vector.load %arg6[%get3A_239, %get3A_240] : memref<256x128xbf16, #tpu.memory_space<vmem>>, vector<256x128xbf16>
    %dot_general3A_242 = arith.constant dense<0.000000e+00> : vector<1024x128xf32>
    %dot_general3A_243 = tpu.matmul %convert_element_type3A_238, %get3A_241, %dot_general3A_242 {dimension_numbers = #tpu.dot_dimension_numbers<[1], [0], [0], [1], [0, 0, 1, 1], [], []>, transpose_lhs_hint = false} : vector<1024x256xbf16>, vector<256x128xbf16>, vector<1024x128xf32> -> vector<1024x128xf32>
    %slice3A_244 = vector.extract_strided_slice %dot_general3A_243 {offsets = [0, 0], sizes = [1024, 1], strides = [1, 1]} : vector<1024x128xf32> to vector<1024x1xf32>
    %get3A_245 = arith.constant 0 : index
    %get3A_246 = arith.constant 0 : index
    %get3A_247 = vector.load %arg7[%get3A_245, %get3A_246] : memref<1x1xf32, #tpu.memory_space<vmem>>, vector<1x1xf32>
    %get3A_248 = vector.extract %get3A_247[0, 0] : f32 from vector<1x1xf32>
    %add3A_249 = vector.broadcast %get3A_248 : f32 to vector<1024x1xf32>
    %add3A_250 = arith.addf %slice3A_244, %add3A_249 : vector<1024x1xf32>
    %swap3A_251 = arith.constant 0 : index
    %swap3A_252 = arith.constant 7 : index
    %swap3A_253 = vector.load %arg8[%swap3A_251, %swap3A_252] : memref<1024x8xf32, #tpu.memory_space<vmem>>, vector<1024x1xf32>
    tpu.vector_store %arg8[%swap3A_251, %swap3A_252], %add3A_250 {strides = array<i32>} : memref<1024x8xf32, #tpu.memory_space<vmem>>, vector<1024x1xf32>,
    return
  }
  func.func @transform_0(%arg0: i32) -> (i32, i32) {
    %c0_i32 = arith.constant 0 : i32
    %c0_i32_0 = arith.constant 0 : i32
    return %arg0, %c0_i32 : i32, i32
  }
  func.func @transform_1(%arg0: i32) -> (i32, i32) {
    %c0_i32 = arith.constant 0 : i32
    %c0_i32_0 = arith.constant 0 : i32
    %c0_i32_1 = arith.constant 0 : i32
    return %c0_i32, %c0_i32_0 : i32, i32
  }
  func.func @transform_2(%arg0: i32) -> (i32, i32) {
    %c0_i32 = arith.constant 0 : i32
    %c0_i32_0 = arith.constant 0 : i32
    %c0_i32_1 = arith.constant 0 : i32
    return %c0_i32, %c0_i32_0 : i32, i32
  }
  func.func @transform_3(%arg0: i32) -> (i32, i32) {
    %c0_i32 = arith.constant 0 : i32
    %c0_i32_0 = arith.constant 0 : i32
    %c0_i32_1 = arith.constant 0 : i32
    return %c0_i32, %c0_i32_0 : i32, i32
  }
  func.func @transform_4(%arg0: i32) -> (i32, i32) {
    %c0_i32 = arith.constant 0 : i32
    %c0_i32_0 = arith.constant 0 : i32
    %c0_i32_1 = arith.constant 0 : i32
    return %c0_i32, %c0_i32_0 : i32, i32
  }
  func.func @transform_5(%arg0: i32) -> (i32, i32) {
    %c0_i32 = arith.constant 0 : i32
    %c0_i32_0 = arith.constant 0 : i32
    %c0_i32_1 = arith.constant 0 : i32
    return %c0_i32, %c0_i32_0 : i32, i32
  }
  func.func @transform_6(%arg0: i32) -> (i32, i32) {
    %c0_i32 = arith.constant 0 : i32
    %c0_i32_0 = arith.constant 0 : i32
    %c0_i32_1 = arith.constant 0 : i32
    return %c0_i32, %c0_i32_0 : i32, i32
  }
  func.func @transform_7(%arg0: i32) -> (i32, i32) {
    %c0_i32 = arith.constant 0 : i32
    %c0_i32_0 = arith.constant 0 : i32
    return %arg0, %c0_i32 : i32, i32
  }
}

module attributes {stable_mosaic.version = 14 : i64} {
  func.func @_thresh_body(%arg0: memref<1024x128xf32, #tpu.memory_space<vmem>>, %arg1: memref<4xi32, #tpu.memory_space<smem>>, %arg2: memref<8x128xi32, #tpu.memory_space<vmem>>) attributes {dimension_semantics = [], scalar_prefetch = 0 : i64, scratch_operands = 0 : i64, tpu.core_type = #tpu.core_type<tc>} {
    %get3A = arith.constant 0 : index
    %get3A_0 = arith.constant 0 : index
    %get3A_1 = vector.load %arg0[%get3A, %get3A_0] : memref<1024x128xf32, #tpu.memory_space<vmem>>, vector<1024x128xf32>
    %bitcast_convert_type3A = tpu.bitcast %get3A_1 : vector<1024x128xf32> -> vector<1024x128xi32>
    %shift_right_arithmetic3A = arith.constant 31 : i32
    %shift_right_arithmetic3A_2 = vector.broadcast %shift_right_arithmetic3A : i32 to vector<1024x128xi32>
    %shift_right_arithmetic3A_3 = arith.shrsi %bitcast_convert_type3A, %shift_right_arithmetic3A_2 : vector<1024x128xi32>
    %and3A = arith.constant 2147483647 : i32
    %and3A_4 = vector.broadcast %and3A : i32 to vector<1024x128xi32>
    %and3A_5 = arith.andi %shift_right_arithmetic3A_3, %and3A_4 : vector<1024x128xi32>
    %xor3A = arith.xori %bitcast_convert_type3A, %and3A_5 : vector<1024x128xi32>
    %bitcast_convert_type3A_6 = tpu.bitcast %xor3A : vector<1024x128xi32> -> vector<1024x128xi32>
    %xor3A_7 = arith.constant -2147483648 : i32
    %xor3A_8 = vector.broadcast %xor3A_7 : i32 to vector<1024x128xi32>
    %xor3A_9 = arith.xori %bitcast_convert_type3A_6, %xor3A_8 : vector<1024x128xi32>
    %iota3A = tpu.iota {dimensions = array<i32: 0>} : vector<256x128xi32>
    %mul3A = arith.constant 128 : i32
    %mul3A_10 = vector.broadcast %mul3A : i32 to vector<256x128xi32>
    %mul3A_11 = arith.muli %iota3A, %mul3A_10 : vector<256x128xi32>
    %iota3A_12 = tpu.iota {dimensions = array<i32: 1>} : vector<256x128xi32>
    %add3A = arith.addi %mul3A_11, %iota3A_12 : vector<256x128xi32>
    %broadcast_in_dim3A = arith.constant 1.000000e+00 : f32
    %broadcast_in_dim3A_13 = vector.broadcast %broadcast_in_dim3A : f32 to vector<128x128xf32>
    %slice3A = vector.extract_strided_slice %xor3A_9 {offsets = [0, 0], sizes = [256, 128], strides = [1, 1]} : vector<1024x128xi32> to vector<256x128xi32>
    %slice3A_14 = vector.extract_strided_slice %xor3A_9 {offsets = [256, 0], sizes = [256, 128], strides = [1, 1]} : vector<1024x128xi32> to vector<256x128xi32>
    %slice3A_15 = vector.extract_strided_slice %xor3A_9 {offsets = [512, 0], sizes = [256, 128], strides = [1, 1]} : vector<1024x128xi32> to vector<256x128xi32>
    %slice3A_16 = vector.extract_strided_slice %xor3A_9 {offsets = [768, 0], sizes = [256, 128], strides = [1, 1]} : vector<1024x128xi32> to vector<256x128xi32>
    %get3A_17 = arith.constant 0 : index
    %get3A_18 = memref.load %arg1[%get3A_17] : memref<4xi32, #tpu.memory_space<smem>>
    %convert_element_type3A = arith.sitofp %get3A_18 : i32 to f32
    %get3A_19 = arith.constant 1 : index
    %get3A_20 = memref.load %arg1[%get3A_19] : memref<4xi32, #tpu.memory_space<smem>>
    %convert_element_type3A_21 = arith.sitofp %get3A_20 : i32 to f32
    %get3A_22 = arith.constant 2 : index
    %get3A_23 = memref.load %arg1[%get3A_22] : memref<4xi32, #tpu.memory_space<smem>>
    %convert_element_type3A_24 = arith.sitofp %get3A_23 : i32 to f32
    %get3A_25 = arith.constant 3 : index
    %get3A_26 = memref.load %arg1[%get3A_25] : memref<4xi32, #tpu.memory_space<smem>>
    %convert_element_type3A_27 = arith.sitofp %get3A_26 : i32 to f32
    %broadcast_in_dim3A_28 = arith.constant 0 : i32
    %broadcast_in_dim3A_29 = vector.broadcast %broadcast_in_dim3A_28 : i32 to vector<1x128xi32>
    %broadcast_in_dim3A_30 = arith.constant 0 : i32
    %broadcast_in_dim3A_31 = vector.broadcast %broadcast_in_dim3A_30 : i32 to vector<1x128xi32>
    %broadcast_in_dim3A_32 = arith.constant 0 : i32
    %broadcast_in_dim3A_33 = vector.broadcast %broadcast_in_dim3A_32 : i32 to vector<1x128xi32>
    %broadcast_in_dim3A_34 = arith.constant 0 : i32
    %broadcast_in_dim3A_35 = vector.broadcast %broadcast_in_dim3A_34 : i32 to vector<1x128xi32>
    %scan3A = arith.constant 0 : i32
    %sub3A = arith.constant 31 : i32
    %sub3A_36 = arith.subi %sub3A, %scan3A : i32
    %shift_left3A = arith.constant 1 : i32
    %shift_left3A_37 = arith.shli %shift_left3A, %sub3A_36 : i32
    %or3A = vector.broadcast %shift_left3A_37 : i32 to vector<1x128xi32>
    %or3A_38 = arith.ori %broadcast_in_dim3A_29, %or3A : vector<1x128xi32>
    %ge3A = vector.broadcast %or3A_38 : vector<1x128xi32> to vector<256x128xi32>
    %ge3A_39 = arith.cmpi uge, %slice3A, %ge3A : vector<256x128xi32>
    %convert_element_type3A_40 = arith.extui %ge3A_39 : vector<256x128xi1> to vector<256x128xi32>
    %convert_element_type3A_41 = arith.sitofp %convert_element_type3A_40 : vector<256x128xi32> to vector<256x128xf32>
    %reduce_sum3A = arith.constant dense<0.000000e+00> : vector<128xf32>
    %reduce_sum3A_42 = vector.multi_reduction <add>, %convert_element_type3A_41, %reduce_sum3A [0] : vector<256x128xf32> to vector<128xf32>
    %broadcast_in_dim3A_43 = vector.shape_cast %reduce_sum3A_42 : vector<128xf32> to vector<1x128xf32>
    %dot_general3A = arith.constant dense<0.000000e+00> : vector<1x128xf32>
    %dot_general3A_44 = tpu.matmul %broadcast_in_dim3A_43, %broadcast_in_dim3A_13, %dot_general3A {dimension_numbers = #tpu.dot_dimension_numbers<[1], [0], [0], [1], [0, 0, 1, 1], [], []>, transpose_lhs_hint = false} : vector<1x128xf32>, vector<128x128xf32>, vector<1x128xf32> -> vector<1x128xf32>
    %ge3A_45 = vector.broadcast %convert_element_type3A : f32 to vector<1x128xf32>
    %ge3A_46 = arith.cmpf oge, %dot_general3A_44, %ge3A_45 : vector<1x128xf32>
    %select_n3A = arith.select %ge3A_46, %or3A_38, %broadcast_in_dim3A_29 : vector<1x128xi1>, vector<1x128xi32>
    %shift_left3A_47 = arith.constant 1 : i32
    %shift_left3A_48 = arith.shli %shift_left3A_47, %sub3A_36 : i32
    %or3A_49 = vector.broadcast %shift_left3A_48 : i32 to vector<1x128xi32>
    %or3A_50 = arith.ori %broadcast_in_dim3A_31, %or3A_49 : vector<1x128xi32>
    %ge3A_51 = vector.broadcast %or3A_50 : vector<1x128xi32> to vector<256x128xi32>
    %ge3A_52 = arith.cmpi uge, %slice3A_14, %ge3A_51 : vector<256x128xi32>
    %convert_element_type3A_53 = arith.extui %ge3A_52 : vector<256x128xi1> to vector<256x128xi32>
    %convert_element_type3A_54 = arith.sitofp %convert_element_type3A_53 : vector<256x128xi32> to vector<256x128xf32>
    %reduce_sum3A_55 = arith.constant dense<0.000000e+00> : vector<128xf32>
    %reduce_sum3A_56 = vector.multi_reduction <add>, %convert_element_type3A_54, %reduce_sum3A_55 [0] : vector<256x128xf32> to vector<128xf32>
    %broadcast_in_dim3A_57 = vector.shape_cast %reduce_sum3A_56 : vector<128xf32> to vector<1x128xf32>
    %dot_general3A_58 = arith.constant dense<0.000000e+00> : vector<1x128xf32>
    %dot_general3A_59 = tpu.matmul %broadcast_in_dim3A_57, %broadcast_in_dim3A_13, %dot_general3A_58 {dimension_numbers = #tpu.dot_dimension_numbers<[1], [0], [0], [1], [0, 0, 1, 1], [], []>, transpose_lhs_hint = false} : vector<1x128xf32>, vector<128x128xf32>, vector<1x128xf32> -> vector<1x128xf32>
    %ge3A_60 = vector.broadcast %convert_element_type3A_21 : f32 to vector<1x128xf32>
    %ge3A_61 = arith.cmpf oge, %dot_general3A_59, %ge3A_60 : vector<1x128xf32>
    %select_n3A_62 = arith.select %ge3A_61, %or3A_50, %broadcast_in_dim3A_31 : vector<1x128xi1>, vector<1x128xi32>
    %shift_left3A_63 = arith.constant 1 : i32
    %shift_left3A_64 = arith.shli %shift_left3A_63, %sub3A_36 : i32
    %or3A_65 = vector.broadcast %shift_left3A_64 : i32 to vector<1x128xi32>
    %or3A_66 = arith.ori %broadcast_in_dim3A_33, %or3A_65 : vector<1x128xi32>
    %ge3A_67 = vector.broadcast %or3A_66 : vector<1x128xi32> to vector<256x128xi32>
    %ge3A_68 = arith.cmpi uge, %slice3A_15, %ge3A_67 : vector<256x128xi32>
    %convert_element_type3A_69 = arith.extui %ge3A_68 : vector<256x128xi1> to vector<256x128xi32>
    %convert_element_type3A_70 = arith.sitofp %convert_element_type3A_69 : vector<256x128xi32> to vector<256x128xf32>
    %reduce_sum3A_71 = arith.constant dense<0.000000e+00> : vector<128xf32>
    %reduce_sum3A_72 = vector.multi_reduction <add>, %convert_element_type3A_70, %reduce_sum3A_71 [0] : vector<256x128xf32> to vector<128xf32>
    %broadcast_in_dim3A_73 = vector.shape_cast %reduce_sum3A_72 : vector<128xf32> to vector<1x128xf32>
    %dot_general3A_74 = arith.constant dense<0.000000e+00> : vector<1x128xf32>
    %dot_general3A_75 = tpu.matmul %broadcast_in_dim3A_73, %broadcast_in_dim3A_13, %dot_general3A_74 {dimension_numbers = #tpu.dot_dimension_numbers<[1], [0], [0], [1], [0, 0, 1, 1], [], []>, transpose_lhs_hint = false} : vector<1x128xf32>, vector<128x128xf32>, vector<1x128xf32> -> vector<1x128xf32>
    %ge3A_76 = vector.broadcast %convert_element_type3A_24 : f32 to vector<1x128xf32>
    %ge3A_77 = arith.cmpf oge, %dot_general3A_75, %ge3A_76 : vector<1x128xf32>
    %select_n3A_78 = arith.select %ge3A_77, %or3A_66, %broadcast_in_dim3A_33 : vector<1x128xi1>, vector<1x128xi32>
    %shift_left3A_79 = arith.constant 1 : i32
    %shift_left3A_80 = arith.shli %shift_left3A_79, %sub3A_36 : i32
    %or3A_81 = vector.broadcast %shift_left3A_80 : i32 to vector<1x128xi32>
    %or3A_82 = arith.ori %broadcast_in_dim3A_35, %or3A_81 : vector<1x128xi32>
    %ge3A_83 = vector.broadcast %or3A_82 : vector<1x128xi32> to vector<256x128xi32>
    %ge3A_84 = arith.cmpi uge, %slice3A_16, %ge3A_83 : vector<256x128xi32>
    %convert_element_type3A_85 = arith.extui %ge3A_84 : vector<256x128xi1> to vector<256x128xi32>
    %convert_element_type3A_86 = arith.sitofp %convert_element_type3A_85 : vector<256x128xi32> to vector<256x128xf32>
    %reduce_sum3A_87 = arith.constant dense<0.000000e+00> : vector<128xf32>
    %reduce_sum3A_88 = vector.multi_reduction <add>, %convert_element_type3A_86, %reduce_sum3A_87 [0] : vector<256x128xf32> to vector<128xf32>
    %broadcast_in_dim3A_89 = vector.shape_cast %reduce_sum3A_88 : vector<128xf32> to vector<1x128xf32>
    %dot_general3A_90 = arith.constant dense<0.000000e+00> : vector<1x128xf32>
    %dot_general3A_91 = tpu.matmul %broadcast_in_dim3A_89, %broadcast_in_dim3A_13, %dot_general3A_90 {dimension_numbers = #tpu.dot_dimension_numbers<[1], [0], [0], [1], [0, 0, 1, 1], [], []>, transpose_lhs_hint = false} : vector<1x128xf32>, vector<128x128xf32>, vector<1x128xf32> -> vector<1x128xf32>
    %ge3A_92 = vector.broadcast %convert_element_type3A_27 : f32 to vector<1x128xf32>
    %ge3A_93 = arith.cmpf oge, %dot_general3A_91, %ge3A_92 : vector<1x128xf32>
    %select_n3A_94 = arith.select %ge3A_93, %or3A_82, %broadcast_in_dim3A_35 : vector<1x128xi1>, vector<1x128xi32>
    %scan3A_95 = arith.constant 1 : i32
    %sub3A_96 = arith.constant 31 : i32
    %sub3A_97 = arith.subi %sub3A_96, %scan3A_95 : i32
    %shift_left3A_98 = arith.constant 1 : i32
    %shift_left3A_99 = arith.shli %shift_left3A_98, %sub3A_97 : i32
    %or3A_100 = vector.broadcast %shift_left3A_99 : i32 to vector<1x128xi32>
    %or3A_101 = arith.ori %select_n3A, %or3A_100 : vector<1x128xi32>
    %ge3A_102 = vector.broadcast %or3A_101 : vector<1x128xi32> to vector<256x128xi32>
    %ge3A_103 = arith.cmpi uge, %slice3A, %ge3A_102 : vector<256x128xi32>
    %convert_element_type3A_104 = arith.extui %ge3A_103 : vector<256x128xi1> to vector<256x128xi32>
    %convert_element_type3A_105 = arith.sitofp %convert_element_type3A_104 : vector<256x128xi32> to vector<256x128xf32>
    %reduce_sum3A_106 = arith.constant dense<0.000000e+00> : vector<128xf32>
    %reduce_sum3A_107 = vector.multi_reduction <add>, %convert_element_type3A_105, %reduce_sum3A_106 [0] : vector<256x128xf32> to vector<128xf32>
    %broadcast_in_dim3A_108 = vector.shape_cast %reduce_sum3A_107 : vector<128xf32> to vector<1x128xf32>
    %dot_general3A_109 = arith.constant dense<0.000000e+00> : vector<1x128xf32>
    %dot_general3A_110 = tpu.matmul %broadcast_in_dim3A_108, %broadcast_in_dim3A_13, %dot_general3A_109 {dimension_numbers = #tpu.dot_dimension_numbers<[1], [0], [0], [1], [0, 0, 1, 1], [], []>, transpose_lhs_hint = false} : vector<1x128xf32>, vector<128x128xf32>, vector<1x128xf32> -> vector<1x128xf32>
    %ge3A_111 = vector.broadcast %convert_element_type3A : f32 to vector<1x128xf32>
    %ge3A_112 = arith.cmpf oge, %dot_general3A_110, %ge3A_111 : vector<1x128xf32>
    %select_n3A_113 = arith.select %ge3A_112, %or3A_101, %select_n3A : vector<1x128xi1>, vector<1x128xi32>
    %shift_left3A_114 = arith.constant 1 : i32
    %shift_left3A_115 = arith.shli %shift_left3A_114, %sub3A_97 : i32
    %or3A_116 = vector.broadcast %shift_left3A_115 : i32 to vector<1x128xi32>
    %or3A_117 = arith.ori %select_n3A_62, %or3A_116 : vector<1x128xi32>
    %ge3A_118 = vector.broadcast %or3A_117 : vector<1x128xi32> to vector<256x128xi32>
    %ge3A_119 = arith.cmpi uge, %slice3A_14, %ge3A_118 : vector<256x128xi32>
    %convert_element_type3A_120 = arith.extui %ge3A_119 : vector<256x128xi1> to vector<256x128xi32>
    %convert_element_type3A_121 = arith.sitofp %convert_element_type3A_120 : vector<256x128xi32> to vector<256x128xf32>
    %reduce_sum3A_122 = arith.constant dense<0.000000e+00> : vector<128xf32>
    %reduce_sum3A_123 = vector.multi_reduction <add>, %convert_element_type3A_121, %reduce_sum3A_122 [0] : vector<256x128xf32> to vector<128xf32>
    %broadcast_in_dim3A_124 = vector.shape_cast %reduce_sum3A_123 : vector<128xf32> to vector<1x128xf32>
    %dot_general3A_125 = arith.constant dense<0.000000e+00> : vector<1x128xf32>
    %dot_general3A_126 = tpu.matmul %broadcast_in_dim3A_124, %broadcast_in_dim3A_13, %dot_general3A_125 {dimension_numbers = #tpu.dot_dimension_numbers<[1], [0], [0], [1], [0, 0, 1, 1], [], []>, transpose_lhs_hint = false} : vector<1x128xf32>, vector<128x128xf32>, vector<1x128xf32> -> vector<1x128xf32>
    %ge3A_127 = vector.broadcast %convert_element_type3A_21 : f32 to vector<1x128xf32>
    %ge3A_128 = arith.cmpf oge, %dot_general3A_126, %ge3A_127 : vector<1x128xf32>
    %select_n3A_129 = arith.select %ge3A_128, %or3A_117, %select_n3A_62 : vector<1x128xi1>, vector<1x128xi32>
    %shift_left3A_130 = arith.constant 1 : i32
    %shift_left3A_131 = arith.shli %shift_left3A_130, %sub3A_97 : i32
    %or3A_132 = vector.broadcast %shift_left3A_131 : i32 to vector<1x128xi32>
    %or3A_133 = arith.ori %select_n3A_78, %or3A_132 : vector<1x128xi32>
    %ge3A_134 = vector.broadcast %or3A_133 : vector<1x128xi32> to vector<256x128xi32>
    %ge3A_135 = arith.cmpi uge, %slice3A_15, %ge3A_134 : vector<256x128xi32>
    %convert_element_type3A_136 = arith.extui %ge3A_135 : vector<256x128xi1> to vector<256x128xi32>
    %convert_element_type3A_137 = arith.sitofp %convert_element_type3A_136 : vector<256x128xi32> to vector<256x128xf32>
    %reduce_sum3A_138 = arith.constant dense<0.000000e+00> : vector<128xf32>
    %reduce_sum3A_139 = vector.multi_reduction <add>, %convert_element_type3A_137, %reduce_sum3A_138 [0] : vector<256x128xf32> to vector<128xf32>
    %broadcast_in_dim3A_140 = vector.shape_cast %reduce_sum3A_139 : vector<128xf32> to vector<1x128xf32>
    %dot_general3A_141 = arith.constant dense<0.000000e+00> : vector<1x128xf32>
    %dot_general3A_142 = tpu.matmul %broadcast_in_dim3A_140, %broadcast_in_dim3A_13, %dot_general3A_141 {dimension_numbers = #tpu.dot_dimension_numbers<[1], [0], [0], [1], [0, 0, 1, 1], [], []>, transpose_lhs_hint = false} : vector<1x128xf32>, vector<128x128xf32>, vector<1x128xf32> -> vector<1x128xf32>
    %ge3A_143 = vector.broadcast %convert_element_type3A_24 : f32 to vector<1x128xf32>
    %ge3A_144 = arith.cmpf oge, %dot_general3A_142, %ge3A_143 : vector<1x128xf32>
    %select_n3A_145 = arith.select %ge3A_144, %or3A_133, %select_n3A_78 : vector<1x128xi1>, vector<1x128xi32>
    %shift_left3A_146 = arith.constant 1 : i32
    %shift_left3A_147 = arith.shli %shift_left3A_146, %sub3A_97 : i32
    %or3A_148 = vector.broadcast %shift_left3A_147 : i32 to vector<1x128xi32>
    %or3A_149 = arith.ori %select_n3A_94, %or3A_148 : vector<1x128xi32>
    %ge3A_150 = vector.broadcast %or3A_149 : vector<1x128xi32> to vector<256x128xi32>
    %ge3A_151 = arith.cmpi uge, %slice3A_16, %ge3A_150 : vector<256x128xi32>
    %convert_element_type3A_152 = arith.extui %ge3A_151 : vector<256x128xi1> to vector<256x128xi32>
    %convert_element_type3A_153 = arith.sitofp %convert_element_type3A_152 : vector<256x128xi32> to vector<256x128xf32>
    %reduce_sum3A_154 = arith.constant dense<0.000000e+00> : vector<128xf32>
    %reduce_sum3A_155 = vector.multi_reduction <add>, %convert_element_type3A_153, %reduce_sum3A_154 [0] : vector<256x128xf32> to vector<128xf32>
    %broadcast_in_dim3A_156 = vector.shape_cast %reduce_sum3A_155 : vector<128xf32> to vector<1x128xf32>
    %dot_general3A_157 = arith.constant dense<0.000000e+00> : vector<1x128xf32>
    %dot_general3A_158 = tpu.matmul %broadcast_in_dim3A_156, %broadcast_in_dim3A_13, %dot_general3A_157 {dimension_numbers = #tpu.dot_dimension_numbers<[1], [0], [0], [1], [0, 0, 1, 1], [], []>, transpose_lhs_hint = false} : vector<1x128xf32>, vector<128x128xf32>, vector<1x128xf32> -> vector<1x128xf32>
    %ge3A_159 = vector.broadcast %convert_element_type3A_27 : f32 to vector<1x128xf32>
    %ge3A_160 = arith.cmpf oge, %dot_general3A_158, %ge3A_159 : vector<1x128xf32>
    %select_n3A_161 = arith.select %ge3A_160, %or3A_149, %select_n3A_94 : vector<1x128xi1>, vector<1x128xi32>
    %scan3A_162 = arith.constant 2 : i32
    %sub3A_163 = arith.constant 31 : i32
    %sub3A_164 = arith.subi %sub3A_163, %scan3A_162 : i32
    %shift_left3A_165 = arith.constant 1 : i32
    %shift_left3A_166 = arith.shli %shift_left3A_165, %sub3A_164 : i32
    %or3A_167 = vector.broadcast %shift_left3A_166 : i32 to vector<1x128xi32>
    %or3A_168 = arith.ori %select_n3A_113, %or3A_167 : vector<1x128xi32>
    %ge3A_169 = vector.broadcast %or3A_168 : vector<1x128xi32> to vector<256x128xi32>
    %ge3A_170 = arith.cmpi uge, %slice3A, %ge3A_169 : vector<256x128xi32>
    %convert_element_type3A_171 = arith.extui %ge3A_170 : vector<256x128xi1> to vector<256x128xi32>
    %convert_element_type3A_172 = arith.sitofp %convert_element_type3A_171 : vector<256x128xi32> to vector<256x128xf32>
    %reduce_sum3A_173 = arith.constant dense<0.000000e+00> : vector<128xf32>
    %reduce_sum3A_174 = vector.multi_reduction <add>, %convert_element_type3A_172, %reduce_sum3A_173 [0] : vector<256x128xf32> to vector<128xf32>
    %broadcast_in_dim3A_175 = vector.shape_cast %reduce_sum3A_174 : vector<128xf32> to vector<1x128xf32>
    %dot_general3A_176 = arith.constant dense<0.000000e+00> : vector<1x128xf32>
    %dot_general3A_177 = tpu.matmul %broadcast_in_dim3A_175, %broadcast_in_dim3A_13, %dot_general3A_176 {dimension_numbers = #tpu.dot_dimension_numbers<[1], [0], [0], [1], [0, 0, 1, 1], [], []>, transpose_lhs_hint = false} : vector<1x128xf32>, vector<128x128xf32>, vector<1x128xf32> -> vector<1x128xf32>
    %ge3A_178 = vector.broadcast %convert_element_type3A : f32 to vector<1x128xf32>
    %ge3A_179 = arith.cmpf oge, %dot_general3A_177, %ge3A_178 : vector<1x128xf32>
    %select_n3A_180 = arith.select %ge3A_179, %or3A_168, %select_n3A_113 : vector<1x128xi1>, vector<1x128xi32>
    %shift_left3A_181 = arith.constant 1 : i32
    %shift_left3A_182 = arith.shli %shift_left3A_181, %sub3A_164 : i32
    %or3A_183 = vector.broadcast %shift_left3A_182 : i32 to vector<1x128xi32>
    %or3A_184 = arith.ori %select_n3A_129, %or3A_183 : vector<1x128xi32>
    %ge3A_185 = vector.broadcast %or3A_184 : vector<1x128xi32> to vector<256x128xi32>
    %ge3A_186 = arith.cmpi uge, %slice3A_14, %ge3A_185 : vector<256x128xi32>
    %convert_element_type3A_187 = arith.extui %ge3A_186 : vector<256x128xi1> to vector<256x128xi32>
    %convert_element_type3A_188 = arith.sitofp %convert_element_type3A_187 : vector<256x128xi32> to vector<256x128xf32>
    %reduce_sum3A_189 = arith.constant dense<0.000000e+00> : vector<128xf32>
    %reduce_sum3A_190 = vector.multi_reduction <add>, %convert_element_type3A_188, %reduce_sum3A_189 [0] : vector<256x128xf32> to vector<128xf32>
    %broadcast_in_dim3A_191 = vector.shape_cast %reduce_sum3A_190 : vector<128xf32> to vector<1x128xf32>
    %dot_general3A_192 = arith.constant dense<0.000000e+00> : vector<1x128xf32>
    %dot_general3A_193 = tpu.matmul %broadcast_in_dim3A_191, %broadcast_in_dim3A_13, %dot_general3A_192 {dimension_numbers = #tpu.dot_dimension_numbers<[1], [0], [0], [1], [0, 0, 1, 1], [], []>, transpose_lhs_hint = false} : vector<1x128xf32>, vector<128x128xf32>, vector<1x128xf32> -> vector<1x128xf32>
    %ge3A_194 = vector.broadcast %convert_element_type3A_21 : f32 to vector<1x128xf32>
    %ge3A_195 = arith.cmpf oge, %dot_general3A_193, %ge3A_194 : vector<1x128xf32>
    %select_n3A_196 = arith.select %ge3A_195, %or3A_184, %select_n3A_129 : vector<1x128xi1>, vector<1x128xi32>
    %shift_left3A_197 = arith.constant 1 : i32
    %shift_left3A_198 = arith.shli %shift_left3A_197, %sub3A_164 : i32
    %or3A_199 = vector.broadcast %shift_left3A_198 : i32 to vector<1x128xi32>
    %or3A_200 = arith.ori %select_n3A_145, %or3A_199 : vector<1x128xi32>
    %ge3A_201 = vector.broadcast %or3A_200 : vector<1x128xi32> to vector<256x128xi32>
    %ge3A_202 = arith.cmpi uge, %slice3A_15, %ge3A_201 : vector<256x128xi32>
    %convert_element_type3A_203 = arith.extui %ge3A_202 : vector<256x128xi1> to vector<256x128xi32>
    %convert_element_type3A_204 = arith.sitofp %convert_element_type3A_203 : vector<256x128xi32> to vector<256x128xf32>
    %reduce_sum3A_205 = arith.constant dense<0.000000e+00> : vector<128xf32>
    %reduce_sum3A_206 = vector.multi_reduction <add>, %convert_element_type3A_204, %reduce_sum3A_205 [0] : vector<256x128xf32> to vector<128xf32>
    %broadcast_in_dim3A_207 = vector.shape_cast %reduce_sum3A_206 : vector<128xf32> to vector<1x128xf32>
    %dot_general3A_208 = arith.constant dense<0.000000e+00> : vector<1x128xf32>
    %dot_general3A_209 = tpu.matmul %broadcast_in_dim3A_207, %broadcast_in_dim3A_13, %dot_general3A_208 {dimension_numbers = #tpu.dot_dimension_numbers<[1], [0], [0], [1], [0, 0, 1, 1], [], []>, transpose_lhs_hint = false} : vector<1x128xf32>, vector<128x128xf32>, vector<1x128xf32> -> vector<1x128xf32>
    %ge3A_210 = vector.broadcast %convert_element_type3A_24 : f32 to vector<1x128xf32>
    %ge3A_211 = arith.cmpf oge, %dot_general3A_209, %ge3A_210 : vector<1x128xf32>
    %select_n3A_212 = arith.select %ge3A_211, %or3A_200, %select_n3A_145 : vector<1x128xi1>, vector<1x128xi32>
    %shift_left3A_213 = arith.constant 1 : i32
    %shift_left3A_214 = arith.shli %shift_left3A_213, %sub3A_164 : i32
    %or3A_215 = vector.broadcast %shift_left3A_214 : i32 to vector<1x128xi32>
    %or3A_216 = arith.ori %select_n3A_161, %or3A_215 : vector<1x128xi32>
    %ge3A_217 = vector.broadcast %or3A_216 : vector<1x128xi32> to vector<256x128xi32>
    %ge3A_218 = arith.cmpi uge, %slice3A_16, %ge3A_217 : vector<256x128xi32>
    %convert_element_type3A_219 = arith.extui %ge3A_218 : vector<256x128xi1> to vector<256x128xi32>
    %convert_element_type3A_220 = arith.sitofp %convert_element_type3A_219 : vector<256x128xi32> to vector<256x128xf32>
    %reduce_sum3A_221 = arith.constant dense<0.000000e+00> : vector<128xf32>
    %reduce_sum3A_222 = vector.multi_reduction <add>, %convert_element_type3A_220, %reduce_sum3A_221 [0] : vector<256x128xf32> to vector<128xf32>
    %broadcast_in_dim3A_223 = vector.shape_cast %reduce_sum3A_222 : vector<128xf32> to vector<1x128xf32>
    %dot_general3A_224 = arith.constant dense<0.000000e+00> : vector<1x128xf32>
    %dot_general3A_225 = tpu.matmul %broadcast_in_dim3A_223, %broadcast_in_dim3A_13, %dot_general3A_224 {dimension_numbers = #tpu.dot_dimension_numbers<[1], [0], [0], [1], [0, 0, 1, 1], [], []>, transpose_lhs_hint = false} : vector<1x128xf32>, vector<128x128xf32>, vector<1x128xf32> -> vector<1x128xf32>
    %ge3A_226 = vector.broadcast %convert_element_type3A_27 : f32 to vector<1x128xf32>
    %ge3A_227 = arith.cmpf oge, %dot_general3A_225, %ge3A_226 : vector<1x128xf32>
    %select_n3A_228 = arith.select %ge3A_227, %or3A_216, %select_n3A_161 : vector<1x128xi1>, vector<1x128xi32>
    %scan3A_229 = arith.constant 3 : i32
    %sub3A_230 = arith.constant 31 : i32
    %sub3A_231 = arith.subi %sub3A_230, %scan3A_229 : i32
    %shift_left3A_232 = arith.constant 1 : i32
    %shift_left3A_233 = arith.shli %shift_left3A_232, %sub3A_231 : i32
    %or3A_234 = vector.broadcast %shift_left3A_233 : i32 to vector<1x128xi32>
    %or3A_235 = arith.ori %select_n3A_180, %or3A_234 : vector<1x128xi32>
    %ge3A_236 = vector.broadcast %or3A_235 : vector<1x128xi32> to vector<256x128xi32>
    %ge3A_237 = arith.cmpi uge, %slice3A, %ge3A_236 : vector<256x128xi32>
    %convert_element_type3A_238 = arith.extui %ge3A_237 : vector<256x128xi1> to vector<256x128xi32>
    %convert_element_type3A_239 = arith.sitofp %convert_element_type3A_238 : vector<256x128xi32> to vector<256x128xf32>
    %reduce_sum3A_240 = arith.constant dense<0.000000e+00> : vector<128xf32>
    %reduce_sum3A_241 = vector.multi_reduction <add>, %convert_element_type3A_239, %reduce_sum3A_240 [0] : vector<256x128xf32> to vector<128xf32>
    %broadcast_in_dim3A_242 = vector.shape_cast %reduce_sum3A_241 : vector<128xf32> to vector<1x128xf32>
    %dot_general3A_243 = arith.constant dense<0.000000e+00> : vector<1x128xf32>
    %dot_general3A_244 = tpu.matmul %broadcast_in_dim3A_242, %broadcast_in_dim3A_13, %dot_general3A_243 {dimension_numbers = #tpu.dot_dimension_numbers<[1], [0], [0], [1], [0, 0, 1, 1], [], []>, transpose_lhs_hint = false} : vector<1x128xf32>, vector<128x128xf32>, vector<1x128xf32> -> vector<1x128xf32>
    %ge3A_245 = vector.broadcast %convert_element_type3A : f32 to vector<1x128xf32>
    %ge3A_246 = arith.cmpf oge, %dot_general3A_244, %ge3A_245 : vector<1x128xf32>
    %select_n3A_247 = arith.select %ge3A_246, %or3A_235, %select_n3A_180 : vector<1x128xi1>, vector<1x128xi32>
    %shift_left3A_248 = arith.constant 1 : i32
    %shift_left3A_249 = arith.shli %shift_left3A_248, %sub3A_231 : i32
    %or3A_250 = vector.broadcast %shift_left3A_249 : i32 to vector<1x128xi32>
    %or3A_251 = arith.ori %select_n3A_196, %or3A_250 : vector<1x128xi32>
    %ge3A_252 = vector.broadcast %or3A_251 : vector<1x128xi32> to vector<256x128xi32>
    %ge3A_253 = arith.cmpi uge, %slice3A_14, %ge3A_252 : vector<256x128xi32>
    %convert_element_type3A_254 = arith.extui %ge3A_253 : vector<256x128xi1> to vector<256x128xi32>
    %convert_element_type3A_255 = arith.sitofp %convert_element_type3A_254 : vector<256x128xi32> to vector<256x128xf32>
    %reduce_sum3A_256 = arith.constant dense<0.000000e+00> : vector<128xf32>
    %reduce_sum3A_257 = vector.multi_reduction <add>, %convert_element_type3A_255, %reduce_sum3A_256 [0] : vector<256x128xf32> to vector<128xf32>
    %broadcast_in_dim3A_258 = vector.shape_cast %reduce_sum3A_257 : vector<128xf32> to vector<1x128xf32>
    %dot_general3A_259 = arith.constant dense<0.000000e+00> : vector<1x128xf32>
    %dot_general3A_260 = tpu.matmul %broadcast_in_dim3A_258, %broadcast_in_dim3A_13, %dot_general3A_259 {dimension_numbers = #tpu.dot_dimension_numbers<[1], [0], [0], [1], [0, 0, 1, 1], [], []>, transpose_lhs_hint = false} : vector<1x128xf32>, vector<128x128xf32>, vector<1x128xf32> -> vector<1x128xf32>
    %ge3A_261 = vector.broadcast %convert_element_type3A_21 : f32 to vector<1x128xf32>
    %ge3A_262 = arith.cmpf oge, %dot_general3A_260, %ge3A_261 : vector<1x128xf32>
    %select_n3A_263 = arith.select %ge3A_262, %or3A_251, %select_n3A_196 : vector<1x128xi1>, vector<1x128xi32>
    %shift_left3A_264 = arith.constant 1 : i32
    %shift_left3A_265 = arith.shli %shift_left3A_264, %sub3A_231 : i32
    %or3A_266 = vector.broadcast %shift_left3A_265 : i32 to vector<1x128xi32>
    %or3A_267 = arith.ori %select_n3A_212, %or3A_266 : vector<1x128xi32>
    %ge3A_268 = vector.broadcast %or3A_267 : vector<1x128xi32> to vector<256x128xi32>
    %ge3A_269 = arith.cmpi uge, %slice3A_15, %ge3A_268 : vector<256x128xi32>
    %convert_element_type3A_270 = arith.extui %ge3A_269 : vector<256x128xi1> to vector<256x128xi32>
    %convert_element_type3A_271 = arith.sitofp %convert_element_type3A_270 : vector<256x128xi32> to vector<256x128xf32>
    %reduce_sum3A_272 = arith.constant dense<0.000000e+00> : vector<128xf32>
    %reduce_sum3A_273 = vector.multi_reduction <add>, %convert_element_type3A_271, %reduce_sum3A_272 [0] : vector<256x128xf32> to vector<128xf32>
    %broadcast_in_dim3A_274 = vector.shape_cast %reduce_sum3A_273 : vector<128xf32> to vector<1x128xf32>
    %dot_general3A_275 = arith.constant dense<0.000000e+00> : vector<1x128xf32>
    %dot_general3A_276 = tpu.matmul %broadcast_in_dim3A_274, %broadcast_in_dim3A_13, %dot_general3A_275 {dimension_numbers = #tpu.dot_dimension_numbers<[1], [0], [0], [1], [0, 0, 1, 1], [], []>, transpose_lhs_hint = false} : vector<1x128xf32>, vector<128x128xf32>, vector<1x128xf32> -> vector<1x128xf32>
    %ge3A_277 = vector.broadcast %convert_element_type3A_24 : f32 to vector<1x128xf32>
    %ge3A_278 = arith.cmpf oge, %dot_general3A_276, %ge3A_277 : vector<1x128xf32>
    %select_n3A_279 = arith.select %ge3A_278, %or3A_267, %select_n3A_212 : vector<1x128xi1>, vector<1x128xi32>
    %shift_left3A_280 = arith.constant 1 : i32
    %shift_left3A_281 = arith.shli %shift_left3A_280, %sub3A_231 : i32
    %or3A_282 = vector.broadcast %shift_left3A_281 : i32 to vector<1x128xi32>
    %or3A_283 = arith.ori %select_n3A_228, %or3A_282 : vector<1x128xi32>
    %ge3A_284 = vector.broadcast %or3A_283 : vector<1x128xi32> to vector<256x128xi32>
    %ge3A_285 = arith.cmpi uge, %slice3A_16, %ge3A_284 : vector<256x128xi32>
    %convert_element_type3A_286 = arith.extui %ge3A_285 : vector<256x128xi1> to vector<256x128xi32>
    %convert_element_type3A_287 = arith.sitofp %convert_element_type3A_286 : vector<256x128xi32> to vector<256x128xf32>
    %reduce_sum3A_288 = arith.constant dense<0.000000e+00> : vector<128xf32>
    %reduce_sum3A_289 = vector.multi_reduction <add>, %convert_element_type3A_287, %reduce_sum3A_288 [0] : vector<256x128xf32> to vector<128xf32>
    %broadcast_in_dim3A_290 = vector.shape_cast %reduce_sum3A_289 : vector<128xf32> to vector<1x128xf32>
    %dot_general3A_291 = arith.constant dense<0.000000e+00> : vector<1x128xf32>
    %dot_general3A_292 = tpu.matmul %broadcast_in_dim3A_290, %broadcast_in_dim3A_13, %dot_general3A_291 {dimension_numbers = #tpu.dot_dimension_numbers<[1], [0], [0], [1], [0, 0, 1, 1], [], []>, transpose_lhs_hint = false} : vector<1x128xf32>, vector<128x128xf32>, vector<1x128xf32> -> vector<1x128xf32>
    %ge3A_293 = vector.broadcast %convert_element_type3A_27 : f32 to vector<1x128xf32>
    %ge3A_294 = arith.cmpf oge, %dot_general3A_292, %ge3A_293 : vector<1x128xf32>
    %select_n3A_295 = arith.select %ge3A_294, %or3A_283, %select_n3A_228 : vector<1x128xi1>, vector<1x128xi32>
    %scan3A_296 = arith.constant 4 : i32
    %sub3A_297 = arith.constant 31 : i32
    %sub3A_298 = arith.subi %sub3A_297, %scan3A_296 : i32
    %shift_left3A_299 = arith.constant 1 : i32
    %shift_left3A_300 = arith.shli %shift_left3A_299, %sub3A_298 : i32
    %or3A_301 = vector.broadcast %shift_left3A_300 : i32 to vector<1x128xi32>
    %or3A_302 = arith.ori %select_n3A_247, %or3A_301 : vector<1x128xi32>
    %ge3A_303 = vector.broadcast %or3A_302 : vector<1x128xi32> to vector<256x128xi32>
    %ge3A_304 = arith.cmpi uge, %slice3A, %ge3A_303 : vector<256x128xi32>
    %convert_element_type3A_305 = arith.extui %ge3A_304 : vector<256x128xi1> to vector<256x128xi32>
    %convert_element_type3A_306 = arith.sitofp %convert_element_type3A_305 : vector<256x128xi32> to vector<256x128xf32>
    %reduce_sum3A_307 = arith.constant dense<0.000000e+00> : vector<128xf32>
    %reduce_sum3A_308 = vector.multi_reduction <add>, %convert_element_type3A_306, %reduce_sum3A_307 [0] : vector<256x128xf32> to vector<128xf32>
    %broadcast_in_dim3A_309 = vector.shape_cast %reduce_sum3A_308 : vector<128xf32> to vector<1x128xf32>
    %dot_general3A_310 = arith.constant dense<0.000000e+00> : vector<1x128xf32>
    %dot_general3A_311 = tpu.matmul %broadcast_in_dim3A_309, %broadcast_in_dim3A_13, %dot_general3A_310 {dimension_numbers = #tpu.dot_dimension_numbers<[1], [0], [0], [1], [0, 0, 1, 1], [], []>, transpose_lhs_hint = false} : vector<1x128xf32>, vector<128x128xf32>, vector<1x128xf32> -> vector<1x128xf32>
    %ge3A_312 = vector.broadcast %convert_element_type3A : f32 to vector<1x128xf32>
    %ge3A_313 = arith.cmpf oge, %dot_general3A_311, %ge3A_312 : vector<1x128xf32>
    %select_n3A_314 = arith.select %ge3A_313, %or3A_302, %select_n3A_247 : vector<1x128xi1>, vector<1x128xi32>
    %shift_left3A_315 = arith.constant 1 : i32
    %shift_left3A_316 = arith.shli %shift_left3A_315, %sub3A_298 : i32
    %or3A_317 = vector.broadcast %shift_left3A_316 : i32 to vector<1x128xi32>
    %or3A_318 = arith.ori %select_n3A_263, %or3A_317 : vector<1x128xi32>
    %ge3A_319 = vector.broadcast %or3A_318 : vector<1x128xi32> to vector<256x128xi32>
    %ge3A_320 = arith.cmpi uge, %slice3A_14, %ge3A_319 : vector<256x128xi32>
    %convert_element_type3A_321 = arith.extui %ge3A_320 : vector<256x128xi1> to vector<256x128xi32>
    %convert_element_type3A_322 = arith.sitofp %convert_element_type3A_321 : vector<256x128xi32> to vector<256x128xf32>
    %reduce_sum3A_323 = arith.constant dense<0.000000e+00> : vector<128xf32>
    %reduce_sum3A_324 = vector.multi_reduction <add>, %convert_element_type3A_322, %reduce_sum3A_323 [0] : vector<256x128xf32> to vector<128xf32>
    %broadcast_in_dim3A_325 = vector.shape_cast %reduce_sum3A_324 : vector<128xf32> to vector<1x128xf32>
    %dot_general3A_326 = arith.constant dense<0.000000e+00> : vector<1x128xf32>
    %dot_general3A_327 = tpu.matmul %broadcast_in_dim3A_325, %broadcast_in_dim3A_13, %dot_general3A_326 {dimension_numbers = #tpu.dot_dimension_numbers<[1], [0], [0], [1], [0, 0, 1, 1], [], []>, transpose_lhs_hint = false} : vector<1x128xf32>, vector<128x128xf32>, vector<1x128xf32> -> vector<1x128xf32>
    %ge3A_328 = vector.broadcast %convert_element_type3A_21 : f32 to vector<1x128xf32>
    %ge3A_329 = arith.cmpf oge, %dot_general3A_327, %ge3A_328 : vector<1x128xf32>
    %select_n3A_330 = arith.select %ge3A_329, %or3A_318, %select_n3A_263 : vector<1x128xi1>, vector<1x128xi32>
    %shift_left3A_331 = arith.constant 1 : i32
    %shift_left3A_332 = arith.shli %shift_left3A_331, %sub3A_298 : i32
    %or3A_333 = vector.broadcast %shift_left3A_332 : i32 to vector<1x128xi32>
    %or3A_334 = arith.ori %select_n3A_279, %or3A_333 : vector<1x128xi32>
    %ge3A_335 = vector.broadcast %or3A_334 : vector<1x128xi32> to vector<256x128xi32>
    %ge3A_336 = arith.cmpi uge, %slice3A_15, %ge3A_335 : vector<256x128xi32>
    %convert_element_type3A_337 = arith.extui %ge3A_336 : vector<256x128xi1> to vector<256x128xi32>
    %convert_element_type3A_338 = arith.sitofp %convert_element_type3A_337 : vector<256x128xi32> to vector<256x128xf32>
    %reduce_sum3A_339 = arith.constant dense<0.000000e+00> : vector<128xf32>
    %reduce_sum3A_340 = vector.multi_reduction <add>, %convert_element_type3A_338, %reduce_sum3A_339 [0] : vector<256x128xf32> to vector<128xf32>
    %broadcast_in_dim3A_341 = vector.shape_cast %reduce_sum3A_340 : vector<128xf32> to vector<1x128xf32>
    %dot_general3A_342 = arith.constant dense<0.000000e+00> : vector<1x128xf32>
    %dot_general3A_343 = tpu.matmul %broadcast_in_dim3A_341, %broadcast_in_dim3A_13, %dot_general3A_342 {dimension_numbers = #tpu.dot_dimension_numbers<[1], [0], [0], [1], [0, 0, 1, 1], [], []>, transpose_lhs_hint = false} : vector<1x128xf32>, vector<128x128xf32>, vector<1x128xf32> -> vector<1x128xf32>
    %ge3A_344 = vector.broadcast %convert_element_type3A_24 : f32 to vector<1x128xf32>
    %ge3A_345 = arith.cmpf oge, %dot_general3A_343, %ge3A_344 : vector<1x128xf32>
    %select_n3A_346 = arith.select %ge3A_345, %or3A_334, %select_n3A_279 : vector<1x128xi1>, vector<1x128xi32>
    %shift_left3A_347 = arith.constant 1 : i32
    %shift_left3A_348 = arith.shli %shift_left3A_347, %sub3A_298 : i32
    %or3A_349 = vector.broadcast %shift_left3A_348 : i32 to vector<1x128xi32>
    %or3A_350 = arith.ori %select_n3A_295, %or3A_349 : vector<1x128xi32>
    %ge3A_351 = vector.broadcast %or3A_350 : vector<1x128xi32> to vector<256x128xi32>
    %ge3A_352 = arith.cmpi uge, %slice3A_16, %ge3A_351 : vector<256x128xi32>
    %convert_element_type3A_353 = arith.extui %ge3A_352 : vector<256x128xi1> to vector<256x128xi32>
    %convert_element_type3A_354 = arith.sitofp %convert_element_type3A_353 : vector<256x128xi32> to vector<256x128xf32>
    %reduce_sum3A_355 = arith.constant dense<0.000000e+00> : vector<128xf32>
    %reduce_sum3A_356 = vector.multi_reduction <add>, %convert_element_type3A_354, %reduce_sum3A_355 [0] : vector<256x128xf32> to vector<128xf32>
    %broadcast_in_dim3A_357 = vector.shape_cast %reduce_sum3A_356 : vector<128xf32> to vector<1x128xf32>
    %dot_general3A_358 = arith.constant dense<0.000000e+00> : vector<1x128xf32>
    %dot_general3A_359 = tpu.matmul %broadcast_in_dim3A_357, %broadcast_in_dim3A_13, %dot_general3A_358 {dimension_numbers = #tpu.dot_dimension_numbers<[1], [0], [0], [1], [0, 0, 1, 1], [], []>, transpose_lhs_hint = false} : vector<1x128xf32>, vector<128x128xf32>, vector<1x128xf32> -> vector<1x128xf32>
    %ge3A_360 = vector.broadcast %convert_element_type3A_27 : f32 to vector<1x128xf32>
    %ge3A_361 = arith.cmpf oge, %dot_general3A_359, %ge3A_360 : vector<1x128xf32>
    %select_n3A_362 = arith.select %ge3A_361, %or3A_350, %select_n3A_295 : vector<1x128xi1>, vector<1x128xi32>
    %scan3A_363 = arith.constant 5 : i32
    %sub3A_364 = arith.constant 31 : i32
    %sub3A_365 = arith.subi %sub3A_364, %scan3A_363 : i32
    %shift_left3A_366 = arith.constant 1 : i32
    %shift_left3A_367 = arith.shli %shift_left3A_366, %sub3A_365 : i32
    %or3A_368 = vector.broadcast %shift_left3A_367 : i32 to vector<1x128xi32>
    %or3A_369 = arith.ori %select_n3A_314, %or3A_368 : vector<1x128xi32>
    %ge3A_370 = vector.broadcast %or3A_369 : vector<1x128xi32> to vector<256x128xi32>
    %ge3A_371 = arith.cmpi uge, %slice3A, %ge3A_370 : vector<256x128xi32>
    %convert_element_type3A_372 = arith.extui %ge3A_371 : vector<256x128xi1> to vector<256x128xi32>
    %convert_element_type3A_373 = arith.sitofp %convert_element_type3A_372 : vector<256x128xi32> to vector<256x128xf32>
    %reduce_sum3A_374 = arith.constant dense<0.000000e+00> : vector<128xf32>
    %reduce_sum3A_375 = vector.multi_reduction <add>, %convert_element_type3A_373, %reduce_sum3A_374 [0] : vector<256x128xf32> to vector<128xf32>
    %broadcast_in_dim3A_376 = vector.shape_cast %reduce_sum3A_375 : vector<128xf32> to vector<1x128xf32>
    %dot_general3A_377 = arith.constant dense<0.000000e+00> : vector<1x128xf32>
    %dot_general3A_378 = tpu.matmul %broadcast_in_dim3A_376, %broadcast_in_dim3A_13, %dot_general3A_377 {dimension_numbers = #tpu.dot_dimension_numbers<[1], [0], [0], [1], [0, 0, 1, 1], [], []>, transpose_lhs_hint = false} : vector<1x128xf32>, vector<128x128xf32>, vector<1x128xf32> -> vector<1x128xf32>
    %ge3A_379 = vector.broadcast %convert_element_type3A : f32 to vector<1x128xf32>
    %ge3A_380 = arith.cmpf oge, %dot_general3A_378, %ge3A_379 : vector<1x128xf32>
    %select_n3A_381 = arith.select %ge3A_380, %or3A_369, %select_n3A_314 : vector<1x128xi1>, vector<1x128xi32>
    %shift_left3A_382 = arith.constant 1 : i32
    %shift_left3A_383 = arith.shli %shift_left3A_382, %sub3A_365 : i32
    %or3A_384 = vector.broadcast %shift_left3A_383 : i32 to vector<1x128xi32>
    %or3A_385 = arith.ori %select_n3A_330, %or3A_384 : vector<1x128xi32>
    %ge3A_386 = vector.broadcast %or3A_385 : vector<1x128xi32> to vector<256x128xi32>
    %ge3A_387 = arith.cmpi uge, %slice3A_14, %ge3A_386 : vector<256x128xi32>
    %convert_element_type3A_388 = arith.extui %ge3A_387 : vector<256x128xi1> to vector<256x128xi32>
    %convert_element_type3A_389 = arith.sitofp %convert_element_type3A_388 : vector<256x128xi32> to vector<256x128xf32>
    %reduce_sum3A_390 = arith.constant dense<0.000000e+00> : vector<128xf32>
    %reduce_sum3A_391 = vector.multi_reduction <add>, %convert_element_type3A_389, %reduce_sum3A_390 [0] : vector<256x128xf32> to vector<128xf32>
    %broadcast_in_dim3A_392 = vector.shape_cast %reduce_sum3A_391 : vector<128xf32> to vector<1x128xf32>
    %dot_general3A_393 = arith.constant dense<0.000000e+00> : vector<1x128xf32>
    %dot_general3A_394 = tpu.matmul %broadcast_in_dim3A_392, %broadcast_in_dim3A_13, %dot_general3A_393 {dimension_numbers = #tpu.dot_dimension_numbers<[1], [0], [0], [1], [0, 0, 1, 1], [], []>, transpose_lhs_hint = false} : vector<1x128xf32>, vector<128x128xf32>, vector<1x128xf32> -> vector<1x128xf32>
    %ge3A_395 = vector.broadcast %convert_element_type3A_21 : f32 to vector<1x128xf32>
    %ge3A_396 = arith.cmpf oge, %dot_general3A_394, %ge3A_395 : vector<1x128xf32>
    %select_n3A_397 = arith.select %ge3A_396, %or3A_385, %select_n3A_330 : vector<1x128xi1>, vector<1x128xi32>
    %shift_left3A_398 = arith.constant 1 : i32
    %shift_left3A_399 = arith.shli %shift_left3A_398, %sub3A_365 : i32
    %or3A_400 = vector.broadcast %shift_left3A_399 : i32 to vector<1x128xi32>
    %or3A_401 = arith.ori %select_n3A_346, %or3A_400 : vector<1x128xi32>
    %ge3A_402 = vector.broadcast %or3A_401 : vector<1x128xi32> to vector<256x128xi32>
    %ge3A_403 = arith.cmpi uge, %slice3A_15, %ge3A_402 : vector<256x128xi32>
    %convert_element_type3A_404 = arith.extui %ge3A_403 : vector<256x128xi1> to vector<256x128xi32>
    %convert_element_type3A_405 = arith.sitofp %convert_element_type3A_404 : vector<256x128xi32> to vector<256x128xf32>
    %reduce_sum3A_406 = arith.constant dense<0.000000e+00> : vector<128xf32>
    %reduce_sum3A_407 = vector.multi_reduction <add>, %convert_element_type3A_405, %reduce_sum3A_406 [0] : vector<256x128xf32> to vector<128xf32>
    %broadcast_in_dim3A_408 = vector.shape_cast %reduce_sum3A_407 : vector<128xf32> to vector<1x128xf32>
    %dot_general3A_409 = arith.constant dense<0.000000e+00> : vector<1x128xf32>
    %dot_general3A_410 = tpu.matmul %broadcast_in_dim3A_408, %broadcast_in_dim3A_13, %dot_general3A_409 {dimension_numbers = #tpu.dot_dimension_numbers<[1], [0], [0], [1], [0, 0, 1, 1], [], []>, transpose_lhs_hint = false} : vector<1x128xf32>, vector<128x128xf32>, vector<1x128xf32> -> vector<1x128xf32>
    %ge3A_411 = vector.broadcast %convert_element_type3A_24 : f32 to vector<1x128xf32>
    %ge3A_412 = arith.cmpf oge, %dot_general3A_410, %ge3A_411 : vector<1x128xf32>
    %select_n3A_413 = arith.select %ge3A_412, %or3A_401, %select_n3A_346 : vector<1x128xi1>, vector<1x128xi32>
    %shift_left3A_414 = arith.constant 1 : i32
    %shift_left3A_415 = arith.shli %shift_left3A_414, %sub3A_365 : i32
    %or3A_416 = vector.broadcast %shift_left3A_415 : i32 to vector<1x128xi32>
    %or3A_417 = arith.ori %select_n3A_362, %or3A_416 : vector<1x128xi32>
    %ge3A_418 = vector.broadcast %or3A_417 : vector<1x128xi32> to vector<256x128xi32>
    %ge3A_419 = arith.cmpi uge, %slice3A_16, %ge3A_418 : vector<256x128xi32>
    %convert_element_type3A_420 = arith.extui %ge3A_419 : vector<256x128xi1> to vector<256x128xi32>
    %convert_element_type3A_421 = arith.sitofp %convert_element_type3A_420 : vector<256x128xi32> to vector<256x128xf32>
    %reduce_sum3A_422 = arith.constant dense<0.000000e+00> : vector<128xf32>
    %reduce_sum3A_423 = vector.multi_reduction <add>, %convert_element_type3A_421, %reduce_sum3A_422 [0] : vector<256x128xf32> to vector<128xf32>
    %broadcast_in_dim3A_424 = vector.shape_cast %reduce_sum3A_423 : vector<128xf32> to vector<1x128xf32>
    %dot_general3A_425 = arith.constant dense<0.000000e+00> : vector<1x128xf32>
    %dot_general3A_426 = tpu.matmul %broadcast_in_dim3A_424, %broadcast_in_dim3A_13, %dot_general3A_425 {dimension_numbers = #tpu.dot_dimension_numbers<[1], [0], [0], [1], [0, 0, 1, 1], [], []>, transpose_lhs_hint = false} : vector<1x128xf32>, vector<128x128xf32>, vector<1x128xf32> -> vector<1x128xf32>
    %ge3A_427 = vector.broadcast %convert_element_type3A_27 : f32 to vector<1x128xf32>
    %ge3A_428 = arith.cmpf oge, %dot_general3A_426, %ge3A_427 : vector<1x128xf32>
    %select_n3A_429 = arith.select %ge3A_428, %or3A_417, %select_n3A_362 : vector<1x128xi1>, vector<1x128xi32>
    %scan3A_430 = arith.constant 6 : i32
    %sub3A_431 = arith.constant 31 : i32
    %sub3A_432 = arith.subi %sub3A_431, %scan3A_430 : i32
    %shift_left3A_433 = arith.constant 1 : i32
    %shift_left3A_434 = arith.shli %shift_left3A_433, %sub3A_432 : i32
    %or3A_435 = vector.broadcast %shift_left3A_434 : i32 to vector<1x128xi32>
    %or3A_436 = arith.ori %select_n3A_381, %or3A_435 : vector<1x128xi32>
    %ge3A_437 = vector.broadcast %or3A_436 : vector<1x128xi32> to vector<256x128xi32>
    %ge3A_438 = arith.cmpi uge, %slice3A, %ge3A_437 : vector<256x128xi32>
    %convert_element_type3A_439 = arith.extui %ge3A_438 : vector<256x128xi1> to vector<256x128xi32>
    %convert_element_type3A_440 = arith.sitofp %convert_element_type3A_439 : vector<256x128xi32> to vector<256x128xf32>
    %reduce_sum3A_441 = arith.constant dense<0.000000e+00> : vector<128xf32>
    %reduce_sum3A_442 = vector.multi_reduction <add>, %convert_element_type3A_440, %reduce_sum3A_441 [0] : vector<256x128xf32> to vector<128xf32>
    %broadcast_in_dim3A_443 = vector.shape_cast %reduce_sum3A_442 : vector<128xf32> to vector<1x128xf32>
    %dot_general3A_444 = arith.constant dense<0.000000e+00> : vector<1x128xf32>
    %dot_general3A_445 = tpu.matmul %broadcast_in_dim3A_443, %broadcast_in_dim3A_13, %dot_general3A_444 {dimension_numbers = #tpu.dot_dimension_numbers<[1], [0], [0], [1], [0, 0, 1, 1], [], []>, transpose_lhs_hint = false} : vector<1x128xf32>, vector<128x128xf32>, vector<1x128xf32> -> vector<1x128xf32>
    %ge3A_446 = vector.broadcast %convert_element_type3A : f32 to vector<1x128xf32>
    %ge3A_447 = arith.cmpf oge, %dot_general3A_445, %ge3A_446 : vector<1x128xf32>
    %select_n3A_448 = arith.select %ge3A_447, %or3A_436, %select_n3A_381 : vector<1x128xi1>, vector<1x128xi32>
    %shift_left3A_449 = arith.constant 1 : i32
    %shift_left3A_450 = arith.shli %shift_left3A_449, %sub3A_432 : i32
    %or3A_451 = vector.broadcast %shift_left3A_450 : i32 to vector<1x128xi32>
    %or3A_452 = arith.ori %select_n3A_397, %or3A_451 : vector<1x128xi32>
    %ge3A_453 = vector.broadcast %or3A_452 : vector<1x128xi32> to vector<256x128xi32>
    %ge3A_454 = arith.cmpi uge, %slice3A_14, %ge3A_453 : vector<256x128xi32>
    %convert_element_type3A_455 = arith.extui %ge3A_454 : vector<256x128xi1> to vector<256x128xi32>
    %convert_element_type3A_456 = arith.sitofp %convert_element_type3A_455 : vector<256x128xi32> to vector<256x128xf32>
    %reduce_sum3A_457 = arith.constant dense<0.000000e+00> : vector<128xf32>
    %reduce_sum3A_458 = vector.multi_reduction <add>, %convert_element_type3A_456, %reduce_sum3A_457 [0] : vector<256x128xf32> to vector<128xf32>
    %broadcast_in_dim3A_459 = vector.shape_cast %reduce_sum3A_458 : vector<128xf32> to vector<1x128xf32>
    %dot_general3A_460 = arith.constant dense<0.000000e+00> : vector<1x128xf32>
    %dot_general3A_461 = tpu.matmul %broadcast_in_dim3A_459, %broadcast_in_dim3A_13, %dot_general3A_460 {dimension_numbers = #tpu.dot_dimension_numbers<[1], [0], [0], [1], [0, 0, 1, 1], [], []>, transpose_lhs_hint = false} : vector<1x128xf32>, vector<128x128xf32>, vector<1x128xf32> -> vector<1x128xf32>
    %ge3A_462 = vector.broadcast %convert_element_type3A_21 : f32 to vector<1x128xf32>
    %ge3A_463 = arith.cmpf oge, %dot_general3A_461, %ge3A_462 : vector<1x128xf32>
    %select_n3A_464 = arith.select %ge3A_463, %or3A_452, %select_n3A_397 : vector<1x128xi1>, vector<1x128xi32>
    %shift_left3A_465 = arith.constant 1 : i32
    %shift_left3A_466 = arith.shli %shift_left3A_465, %sub3A_432 : i32
    %or3A_467 = vector.broadcast %shift_left3A_466 : i32 to vector<1x128xi32>
    %or3A_468 = arith.ori %select_n3A_413, %or3A_467 : vector<1x128xi32>
    %ge3A_469 = vector.broadcast %or3A_468 : vector<1x128xi32> to vector<256x128xi32>
    %ge3A_470 = arith.cmpi uge, %slice3A_15, %ge3A_469 : vector<256x128xi32>
    %convert_element_type3A_471 = arith.extui %ge3A_470 : vector<256x128xi1> to vector<256x128xi32>
    %convert_element_type3A_472 = arith.sitofp %convert_element_type3A_471 : vector<256x128xi32> to vector<256x128xf32>
    %reduce_sum3A_473 = arith.constant dense<0.000000e+00> : vector<128xf32>
    %reduce_sum3A_474 = vector.multi_reduction <add>, %convert_element_type3A_472, %reduce_sum3A_473 [0] : vector<256x128xf32> to vector<128xf32>
    %broadcast_in_dim3A_475 = vector.shape_cast %reduce_sum3A_474 : vector<128xf32> to vector<1x128xf32>
    %dot_general3A_476 = arith.constant dense<0.000000e+00> : vector<1x128xf32>
    %dot_general3A_477 = tpu.matmul %broadcast_in_dim3A_475, %broadcast_in_dim3A_13, %dot_general3A_476 {dimension_numbers = #tpu.dot_dimension_numbers<[1], [0], [0], [1], [0, 0, 1, 1], [], []>, transpose_lhs_hint = false} : vector<1x128xf32>, vector<128x128xf32>, vector<1x128xf32> -> vector<1x128xf32>
    %ge3A_478 = vector.broadcast %convert_element_type3A_24 : f32 to vector<1x128xf32>
    %ge3A_479 = arith.cmpf oge, %dot_general3A_477, %ge3A_478 : vector<1x128xf32>
    %select_n3A_480 = arith.select %ge3A_479, %or3A_468, %select_n3A_413 : vector<1x128xi1>, vector<1x128xi32>
    %shift_left3A_481 = arith.constant 1 : i32
    %shift_left3A_482 = arith.shli %shift_left3A_481, %sub3A_432 : i32
    %or3A_483 = vector.broadcast %shift_left3A_482 : i32 to vector<1x128xi32>
    %or3A_484 = arith.ori %select_n3A_429, %or3A_483 : vector<1x128xi32>
    %ge3A_485 = vector.broadcast %or3A_484 : vector<1x128xi32> to vector<256x128xi32>
    %ge3A_486 = arith.cmpi uge, %slice3A_16, %ge3A_485 : vector<256x128xi32>
    %convert_element_type3A_487 = arith.extui %ge3A_486 : vector<256x128xi1> to vector<256x128xi32>
    %convert_element_type3A_488 = arith.sitofp %convert_element_type3A_487 : vector<256x128xi32> to vector<256x128xf32>
    %reduce_sum3A_489 = arith.constant dense<0.000000e+00> : vector<128xf32>
    %reduce_sum3A_490 = vector.multi_reduction <add>, %convert_element_type3A_488, %reduce_sum3A_489 [0] : vector<256x128xf32> to vector<128xf32>
    %broadcast_in_dim3A_491 = vector.shape_cast %reduce_sum3A_490 : vector<128xf32> to vector<1x128xf32>
    %dot_general3A_492 = arith.constant dense<0.000000e+00> : vector<1x128xf32>
    %dot_general3A_493 = tpu.matmul %broadcast_in_dim3A_491, %broadcast_in_dim3A_13, %dot_general3A_492 {dimension_numbers = #tpu.dot_dimension_numbers<[1], [0], [0], [1], [0, 0, 1, 1], [], []>, transpose_lhs_hint = false} : vector<1x128xf32>, vector<128x128xf32>, vector<1x128xf32> -> vector<1x128xf32>
    %ge3A_494 = vector.broadcast %convert_element_type3A_27 : f32 to vector<1x128xf32>
    %ge3A_495 = arith.cmpf oge, %dot_general3A_493, %ge3A_494 : vector<1x128xf32>
    %select_n3A_496 = arith.select %ge3A_495, %or3A_484, %select_n3A_429 : vector<1x128xi1>, vector<1x128xi32>
    %scan3A_497 = arith.constant 7 : i32
    %sub3A_498 = arith.constant 31 : i32
    %sub3A_499 = arith.subi %sub3A_498, %scan3A_497 : i32
    %shift_left3A_500 = arith.constant 1 : i32
    %shift_left3A_501 = arith.shli %shift_left3A_500, %sub3A_499 : i32
    %or3A_502 = vector.broadcast %shift_left3A_501 : i32 to vector<1x128xi32>
    %or3A_503 = arith.ori %select_n3A_448, %or3A_502 : vector<1x128xi32>
    %ge3A_504 = vector.broadcast %or3A_503 : vector<1x128xi32> to vector<256x128xi32>
    %ge3A_505 = arith.cmpi uge, %slice3A, %ge3A_504 : vector<256x128xi32>
    %convert_element_type3A_506 = arith.extui %ge3A_505 : vector<256x128xi1> to vector<256x128xi32>
    %convert_element_type3A_507 = arith.sitofp %convert_element_type3A_506 : vector<256x128xi32> to vector<256x128xf32>
    %reduce_sum3A_508 = arith.constant dense<0.000000e+00> : vector<128xf32>
    %reduce_sum3A_509 = vector.multi_reduction <add>, %convert_element_type3A_507, %reduce_sum3A_508 [0] : vector<256x128xf32> to vector<128xf32>
    %broadcast_in_dim3A_510 = vector.shape_cast %reduce_sum3A_509 : vector<128xf32> to vector<1x128xf32>
    %dot_general3A_511 = arith.constant dense<0.000000e+00> : vector<1x128xf32>
    %dot_general3A_512 = tpu.matmul %broadcast_in_dim3A_510, %broadcast_in_dim3A_13, %dot_general3A_511 {dimension_numbers = #tpu.dot_dimension_numbers<[1], [0], [0], [1], [0, 0, 1, 1], [], []>, transpose_lhs_hint = false} : vector<1x128xf32>, vector<128x128xf32>, vector<1x128xf32> -> vector<1x128xf32>
    %ge3A_513 = vector.broadcast %convert_element_type3A : f32 to vector<1x128xf32>
    %ge3A_514 = arith.cmpf oge, %dot_general3A_512, %ge3A_513 : vector<1x128xf32>
    %select_n3A_515 = arith.select %ge3A_514, %or3A_503, %select_n3A_448 : vector<1x128xi1>, vector<1x128xi32>
    %shift_left3A_516 = arith.constant 1 : i32
    %shift_left3A_517 = arith.shli %shift_left3A_516, %sub3A_499 : i32
    %or3A_518 = vector.broadcast %shift_left3A_517 : i32 to vector<1x128xi32>
    %or3A_519 = arith.ori %select_n3A_464, %or3A_518 : vector<1x128xi32>
    %ge3A_520 = vector.broadcast %or3A_519 : vector<1x128xi32> to vector<256x128xi32>
    %ge3A_521 = arith.cmpi uge, %slice3A_14, %ge3A_520 : vector<256x128xi32>
    %convert_element_type3A_522 = arith.extui %ge3A_521 : vector<256x128xi1> to vector<256x128xi32>
    %convert_element_type3A_523 = arith.sitofp %convert_element_type3A_522 : vector<256x128xi32> to vector<256x128xf32>
    %reduce_sum3A_524 = arith.constant dense<0.000000e+00> : vector<128xf32>
    %reduce_sum3A_525 = vector.multi_reduction <add>, %convert_element_type3A_523, %reduce_sum3A_524 [0] : vector<256x128xf32> to vector<128xf32>
    %broadcast_in_dim3A_526 = vector.shape_cast %reduce_sum3A_525 : vector<128xf32> to vector<1x128xf32>
    %dot_general3A_527 = arith.constant dense<0.000000e+00> : vector<1x128xf32>
    %dot_general3A_528 = tpu.matmul %broadcast_in_dim3A_526, %broadcast_in_dim3A_13, %dot_general3A_527 {dimension_numbers = #tpu.dot_dimension_numbers<[1], [0], [0], [1], [0, 0, 1, 1], [], []>, transpose_lhs_hint = false} : vector<1x128xf32>, vector<128x128xf32>, vector<1x128xf32> -> vector<1x128xf32>
    %ge3A_529 = vector.broadcast %convert_element_type3A_21 : f32 to vector<1x128xf32>
    %ge3A_530 = arith.cmpf oge, %dot_general3A_528, %ge3A_529 : vector<1x128xf32>
    %select_n3A_531 = arith.select %ge3A_530, %or3A_519, %select_n3A_464 : vector<1x128xi1>, vector<1x128xi32>
    %shift_left3A_532 = arith.constant 1 : i32
    %shift_left3A_533 = arith.shli %shift_left3A_532, %sub3A_499 : i32
    %or3A_534 = vector.broadcast %shift_left3A_533 : i32 to vector<1x128xi32>
    %or3A_535 = arith.ori %select_n3A_480, %or3A_534 : vector<1x128xi32>
    %ge3A_536 = vector.broadcast %or3A_535 : vector<1x128xi32> to vector<256x128xi32>
    %ge3A_537 = arith.cmpi uge, %slice3A_15, %ge3A_536 : vector<256x128xi32>
    %convert_element_type3A_538 = arith.extui %ge3A_537 : vector<256x128xi1> to vector<256x128xi32>
    %convert_element_type3A_539 = arith.sitofp %convert_element_type3A_538 : vector<256x128xi32> to vector<256x128xf32>
    %reduce_sum3A_540 = arith.constant dense<0.000000e+00> : vector<128xf32>
    %reduce_sum3A_541 = vector.multi_reduction <add>, %convert_element_type3A_539, %reduce_sum3A_540 [0] : vector<256x128xf32> to vector<128xf32>
    %broadcast_in_dim3A_542 = vector.shape_cast %reduce_sum3A_541 : vector<128xf32> to vector<1x128xf32>
    %dot_general3A_543 = arith.constant dense<0.000000e+00> : vector<1x128xf32>
    %dot_general3A_544 = tpu.matmul %broadcast_in_dim3A_542, %broadcast_in_dim3A_13, %dot_general3A_543 {dimension_numbers = #tpu.dot_dimension_numbers<[1], [0], [0], [1], [0, 0, 1, 1], [], []>, transpose_lhs_hint = false} : vector<1x128xf32>, vector<128x128xf32>, vector<1x128xf32> -> vector<1x128xf32>
    %ge3A_545 = vector.broadcast %convert_element_type3A_24 : f32 to vector<1x128xf32>
    %ge3A_546 = arith.cmpf oge, %dot_general3A_544, %ge3A_545 : vector<1x128xf32>
    %select_n3A_547 = arith.select %ge3A_546, %or3A_535, %select_n3A_480 : vector<1x128xi1>, vector<1x128xi32>
    %shift_left3A_548 = arith.constant 1 : i32
    %shift_left3A_549 = arith.shli %shift_left3A_548, %sub3A_499 : i32
    %or3A_550 = vector.broadcast %shift_left3A_549 : i32 to vector<1x128xi32>
    %or3A_551 = arith.ori %select_n3A_496, %or3A_550 : vector<1x128xi32>
    %ge3A_552 = vector.broadcast %or3A_551 : vector<1x128xi32> to vector<256x128xi32>
    %ge3A_553 = arith.cmpi uge, %slice3A_16, %ge3A_552 : vector<256x128xi32>
    %convert_element_type3A_554 = arith.extui %ge3A_553 : vector<256x128xi1> to vector<256x128xi32>
    %convert_element_type3A_555 = arith.sitofp %convert_element_type3A_554 : vector<256x128xi32> to vector<256x128xf32>
    %reduce_sum3A_556 = arith.constant dense<0.000000e+00> : vector<128xf32>
    %reduce_sum3A_557 = vector.multi_reduction <add>, %convert_element_type3A_555, %reduce_sum3A_556 [0] : vector<256x128xf32> to vector<128xf32>
    %broadcast_in_dim3A_558 = vector.shape_cast %reduce_sum3A_557 : vector<128xf32> to vector<1x128xf32>
    %dot_general3A_559 = arith.constant dense<0.000000e+00> : vector<1x128xf32>
    %dot_general3A_560 = tpu.matmul %broadcast_in_dim3A_558, %broadcast_in_dim3A_13, %dot_general3A_559 {dimension_numbers = #tpu.dot_dimension_numbers<[1], [0], [0], [1], [0, 0, 1, 1], [], []>, transpose_lhs_hint = false} : vector<1x128xf32>, vector<128x128xf32>, vector<1x128xf32> -> vector<1x128xf32>
    %ge3A_561 = vector.broadcast %convert_element_type3A_27 : f32 to vector<1x128xf32>
    %ge3A_562 = arith.cmpf oge, %dot_general3A_560, %ge3A_561 : vector<1x128xf32>
    %select_n3A_563 = arith.select %ge3A_562, %or3A_551, %select_n3A_496 : vector<1x128xi1>, vector<1x128xi32>
    %scan3A_564 = arith.constant 8 : i32
    %sub3A_565 = arith.constant 31 : i32
    %sub3A_566 = arith.subi %sub3A_565, %scan3A_564 : i32
    %shift_left3A_567 = arith.constant 1 : i32
    %shift_left3A_568 = arith.shli %shift_left3A_567, %sub3A_566 : i32
    %or3A_569 = vector.broadcast %shift_left3A_568 : i32 to vector<1x128xi32>
    %or3A_570 = arith.ori %select_n3A_515, %or3A_569 : vector<1x128xi32>
    %ge3A_571 = vector.broadcast %or3A_570 : vector<1x128xi32> to vector<256x128xi32>
    %ge3A_572 = arith.cmpi uge, %slice3A, %ge3A_571 : vector<256x128xi32>
    %convert_element_type3A_573 = arith.extui %ge3A_572 : vector<256x128xi1> to vector<256x128xi32>
    %convert_element_type3A_574 = arith.sitofp %convert_element_type3A_573 : vector<256x128xi32> to vector<256x128xf32>
    %reduce_sum3A_575 = arith.constant dense<0.000000e+00> : vector<128xf32>
    %reduce_sum3A_576 = vector.multi_reduction <add>, %convert_element_type3A_574, %reduce_sum3A_575 [0] : vector<256x128xf32> to vector<128xf32>
    %broadcast_in_dim3A_577 = vector.shape_cast %reduce_sum3A_576 : vector<128xf32> to vector<1x128xf32>
    %dot_general3A_578 = arith.constant dense<0.000000e+00> : vector<1x128xf32>
    %dot_general3A_579 = tpu.matmul %broadcast_in_dim3A_577, %broadcast_in_dim3A_13, %dot_general3A_578 {dimension_numbers = #tpu.dot_dimension_numbers<[1], [0], [0], [1], [0, 0, 1, 1], [], []>, transpose_lhs_hint = false} : vector<1x128xf32>, vector<128x128xf32>, vector<1x128xf32> -> vector<1x128xf32>
    %ge3A_580 = vector.broadcast %convert_element_type3A : f32 to vector<1x128xf32>
    %ge3A_581 = arith.cmpf oge, %dot_general3A_579, %ge3A_580 : vector<1x128xf32>
    %select_n3A_582 = arith.select %ge3A_581, %or3A_570, %select_n3A_515 : vector<1x128xi1>, vector<1x128xi32>
    %shift_left3A_583 = arith.constant 1 : i32
    %shift_left3A_584 = arith.shli %shift_left3A_583, %sub3A_566 : i32
    %or3A_585 = vector.broadcast %shift_left3A_584 : i32 to vector<1x128xi32>
    %or3A_586 = arith.ori %select_n3A_531, %or3A_585 : vector<1x128xi32>
    %ge3A_587 = vector.broadcast %or3A_586 : vector<1x128xi32> to vector<256x128xi32>
    %ge3A_588 = arith.cmpi uge, %slice3A_14, %ge3A_587 : vector<256x128xi32>
    %convert_element_type3A_589 = arith.extui %ge3A_588 : vector<256x128xi1> to vector<256x128xi32>
    %convert_element_type3A_590 = arith.sitofp %convert_element_type3A_589 : vector<256x128xi32> to vector<256x128xf32>
    %reduce_sum3A_591 = arith.constant dense<0.000000e+00> : vector<128xf32>
    %reduce_sum3A_592 = vector.multi_reduction <add>, %convert_element_type3A_590, %reduce_sum3A_591 [0] : vector<256x128xf32> to vector<128xf32>
    %broadcast_in_dim3A_593 = vector.shape_cast %reduce_sum3A_592 : vector<128xf32> to vector<1x128xf32>
    %dot_general3A_594 = arith.constant dense<0.000000e+00> : vector<1x128xf32>
    %dot_general3A_595 = tpu.matmul %broadcast_in_dim3A_593, %broadcast_in_dim3A_13, %dot_general3A_594 {dimension_numbers = #tpu.dot_dimension_numbers<[1], [0], [0], [1], [0, 0, 1, 1], [], []>, transpose_lhs_hint = false} : vector<1x128xf32>, vector<128x128xf32>, vector<1x128xf32> -> vector<1x128xf32>
    %ge3A_596 = vector.broadcast %convert_element_type3A_21 : f32 to vector<1x128xf32>
    %ge3A_597 = arith.cmpf oge, %dot_general3A_595, %ge3A_596 : vector<1x128xf32>
    %select_n3A_598 = arith.select %ge3A_597, %or3A_586, %select_n3A_531 : vector<1x128xi1>, vector<1x128xi32>
    %shift_left3A_599 = arith.constant 1 : i32
    %shift_left3A_600 = arith.shli %shift_left3A_599, %sub3A_566 : i32
    %or3A_601 = vector.broadcast %shift_left3A_600 : i32 to vector<1x128xi32>
    %or3A_602 = arith.ori %select_n3A_547, %or3A_601 : vector<1x128xi32>
    %ge3A_603 = vector.broadcast %or3A_602 : vector<1x128xi32> to vector<256x128xi32>
    %ge3A_604 = arith.cmpi uge, %slice3A_15, %ge3A_603 : vector<256x128xi32>
    %convert_element_type3A_605 = arith.extui %ge3A_604 : vector<256x128xi1> to vector<256x128xi32>
    %convert_element_type3A_606 = arith.sitofp %convert_element_type3A_605 : vector<256x128xi32> to vector<256x128xf32>
    %reduce_sum3A_607 = arith.constant dense<0.000000e+00> : vector<128xf32>
    %reduce_sum3A_608 = vector.multi_reduction <add>, %convert_element_type3A_606, %reduce_sum3A_607 [0] : vector<256x128xf32> to vector<128xf32>
    %broadcast_in_dim3A_609 = vector.shape_cast %reduce_sum3A_608 : vector<128xf32> to vector<1x128xf32>
    %dot_general3A_610 = arith.constant dense<0.000000e+00> : vector<1x128xf32>
    %dot_general3A_611 = tpu.matmul %broadcast_in_dim3A_609, %broadcast_in_dim3A_13, %dot_general3A_610 {dimension_numbers = #tpu.dot_dimension_numbers<[1], [0], [0], [1], [0, 0, 1, 1], [], []>, transpose_lhs_hint = false} : vector<1x128xf32>, vector<128x128xf32>, vector<1x128xf32> -> vector<1x128xf32>
    %ge3A_612 = vector.broadcast %convert_element_type3A_24 : f32 to vector<1x128xf32>
    %ge3A_613 = arith.cmpf oge, %dot_general3A_611, %ge3A_612 : vector<1x128xf32>
    %select_n3A_614 = arith.select %ge3A_613, %or3A_602, %select_n3A_547 : vector<1x128xi1>, vector<1x128xi32>
    %shift_left3A_615 = arith.constant 1 : i32
    %shift_left3A_616 = arith.shli %shift_left3A_615, %sub3A_566 : i32
    %or3A_617 = vector.broadcast %shift_left3A_616 : i32 to vector<1x128xi32>
    %or3A_618 = arith.ori %select_n3A_563, %or3A_617 : vector<1x128xi32>
    %ge3A_619 = vector.broadcast %or3A_618 : vector<1x128xi32> to vector<256x128xi32>
    %ge3A_620 = arith.cmpi uge, %slice3A_16, %ge3A_619 : vector<256x128xi32>
    %convert_element_type3A_621 = arith.extui %ge3A_620 : vector<256x128xi1> to vector<256x128xi32>
    %convert_element_type3A_622 = arith.sitofp %convert_element_type3A_621 : vector<256x128xi32> to vector<256x128xf32>
    %reduce_sum3A_623 = arith.constant dense<0.000000e+00> : vector<128xf32>
    %reduce_sum3A_624 = vector.multi_reduction <add>, %convert_element_type3A_622, %reduce_sum3A_623 [0] : vector<256x128xf32> to vector<128xf32>
    %broadcast_in_dim3A_625 = vector.shape_cast %reduce_sum3A_624 : vector<128xf32> to vector<1x128xf32>
    %dot_general3A_626 = arith.constant dense<0.000000e+00> : vector<1x128xf32>
    %dot_general3A_627 = tpu.matmul %broadcast_in_dim3A_625, %broadcast_in_dim3A_13, %dot_general3A_626 {dimension_numbers = #tpu.dot_dimension_numbers<[1], [0], [0], [1], [0, 0, 1, 1], [], []>, transpose_lhs_hint = false} : vector<1x128xf32>, vector<128x128xf32>, vector<1x128xf32> -> vector<1x128xf32>
    %ge3A_628 = vector.broadcast %convert_element_type3A_27 : f32 to vector<1x128xf32>
    %ge3A_629 = arith.cmpf oge, %dot_general3A_627, %ge3A_628 : vector<1x128xf32>
    %select_n3A_630 = arith.select %ge3A_629, %or3A_618, %select_n3A_563 : vector<1x128xi1>, vector<1x128xi32>
    %scan3A_631 = arith.constant 9 : i32
    %sub3A_632 = arith.constant 31 : i32
    %sub3A_633 = arith.subi %sub3A_632, %scan3A_631 : i32
    %shift_left3A_634 = arith.constant 1 : i32
    %shift_left3A_635 = arith.shli %shift_left3A_634, %sub3A_633 : i32
    %or3A_636 = vector.broadcast %shift_left3A_635 : i32 to vector<1x128xi32>
    %or3A_637 = arith.ori %select_n3A_582, %or3A_636 : vector<1x128xi32>
    %ge3A_638 = vector.broadcast %or3A_637 : vector<1x128xi32> to vector<256x128xi32>
    %ge3A_639 = arith.cmpi uge, %slice3A, %ge3A_638 : vector<256x128xi32>
    %convert_element_type3A_640 = arith.extui %ge3A_639 : vector<256x128xi1> to vector<256x128xi32>
    %convert_element_type3A_641 = arith.sitofp %convert_element_type3A_640 : vector<256x128xi32> to vector<256x128xf32>
    %reduce_sum3A_642 = arith.constant dense<0.000000e+00> : vector<128xf32>
    %reduce_sum3A_643 = vector.multi_reduction <add>, %convert_element_type3A_641, %reduce_sum3A_642 [0] : vector<256x128xf32> to vector<128xf32>
    %broadcast_in_dim3A_644 = vector.shape_cast %reduce_sum3A_643 : vector<128xf32> to vector<1x128xf32>
    %dot_general3A_645 = arith.constant dense<0.000000e+00> : vector<1x128xf32>
    %dot_general3A_646 = tpu.matmul %broadcast_in_dim3A_644, %broadcast_in_dim3A_13, %dot_general3A_645 {dimension_numbers = #tpu.dot_dimension_numbers<[1], [0], [0], [1], [0, 0, 1, 1], [], []>, transpose_lhs_hint = false} : vector<1x128xf32>, vector<128x128xf32>, vector<1x128xf32> -> vector<1x128xf32>
    %ge3A_647 = vector.broadcast %convert_element_type3A : f32 to vector<1x128xf32>
    %ge3A_648 = arith.cmpf oge, %dot_general3A_646, %ge3A_647 : vector<1x128xf32>
    %select_n3A_649 = arith.select %ge3A_648, %or3A_637, %select_n3A_582 : vector<1x128xi1>, vector<1x128xi32>
    %shift_left3A_650 = arith.constant 1 : i32
    %shift_left3A_651 = arith.shli %shift_left3A_650, %sub3A_633 : i32
    %or3A_652 = vector.broadcast %shift_left3A_651 : i32 to vector<1x128xi32>
    %or3A_653 = arith.ori %select_n3A_598, %or3A_652 : vector<1x128xi32>
    %ge3A_654 = vector.broadcast %or3A_653 : vector<1x128xi32> to vector<256x128xi32>
    %ge3A_655 = arith.cmpi uge, %slice3A_14, %ge3A_654 : vector<256x128xi32>
    %convert_element_type3A_656 = arith.extui %ge3A_655 : vector<256x128xi1> to vector<256x128xi32>
    %convert_element_type3A_657 = arith.sitofp %convert_element_type3A_656 : vector<256x128xi32> to vector<256x128xf32>
    %reduce_sum3A_658 = arith.constant dense<0.000000e+00> : vector<128xf32>
    %reduce_sum3A_659 = vector.multi_reduction <add>, %convert_element_type3A_657, %reduce_sum3A_658 [0] : vector<256x128xf32> to vector<128xf32>
    %broadcast_in_dim3A_660 = vector.shape_cast %reduce_sum3A_659 : vector<128xf32> to vector<1x128xf32>
    %dot_general3A_661 = arith.constant dense<0.000000e+00> : vector<1x128xf32>
    %dot_general3A_662 = tpu.matmul %broadcast_in_dim3A_660, %broadcast_in_dim3A_13, %dot_general3A_661 {dimension_numbers = #tpu.dot_dimension_numbers<[1], [0], [0], [1], [0, 0, 1, 1], [], []>, transpose_lhs_hint = false} : vector<1x128xf32>, vector<128x128xf32>, vector<1x128xf32> -> vector<1x128xf32>
    %ge3A_663 = vector.broadcast %convert_element_type3A_21 : f32 to vector<1x128xf32>
    %ge3A_664 = arith.cmpf oge, %dot_general3A_662, %ge3A_663 : vector<1x128xf32>
    %select_n3A_665 = arith.select %ge3A_664, %or3A_653, %select_n3A_598 : vector<1x128xi1>, vector<1x128xi32>
    %shift_left3A_666 = arith.constant 1 : i32
    %shift_left3A_667 = arith.shli %shift_left3A_666, %sub3A_633 : i32
    %or3A_668 = vector.broadcast %shift_left3A_667 : i32 to vector<1x128xi32>
    %or3A_669 = arith.ori %select_n3A_614, %or3A_668 : vector<1x128xi32>
    %ge3A_670 = vector.broadcast %or3A_669 : vector<1x128xi32> to vector<256x128xi32>
    %ge3A_671 = arith.cmpi uge, %slice3A_15, %ge3A_670 : vector<256x128xi32>
    %convert_element_type3A_672 = arith.extui %ge3A_671 : vector<256x128xi1> to vector<256x128xi32>
    %convert_element_type3A_673 = arith.sitofp %convert_element_type3A_672 : vector<256x128xi32> to vector<256x128xf32>
    %reduce_sum3A_674 = arith.constant dense<0.000000e+00> : vector<128xf32>
    %reduce_sum3A_675 = vector.multi_reduction <add>, %convert_element_type3A_673, %reduce_sum3A_674 [0] : vector<256x128xf32> to vector<128xf32>
    %broadcast_in_dim3A_676 = vector.shape_cast %reduce_sum3A_675 : vector<128xf32> to vector<1x128xf32>
    %dot_general3A_677 = arith.constant dense<0.000000e+00> : vector<1x128xf32>
    %dot_general3A_678 = tpu.matmul %broadcast_in_dim3A_676, %broadcast_in_dim3A_13, %dot_general3A_677 {dimension_numbers = #tpu.dot_dimension_numbers<[1], [0], [0], [1], [0, 0, 1, 1], [], []>, transpose_lhs_hint = false} : vector<1x128xf32>, vector<128x128xf32>, vector<1x128xf32> -> vector<1x128xf32>
    %ge3A_679 = vector.broadcast %convert_element_type3A_24 : f32 to vector<1x128xf32>
    %ge3A_680 = arith.cmpf oge, %dot_general3A_678, %ge3A_679 : vector<1x128xf32>
    %select_n3A_681 = arith.select %ge3A_680, %or3A_669, %select_n3A_614 : vector<1x128xi1>, vector<1x128xi32>
    %shift_left3A_682 = arith.constant 1 : i32
    %shift_left3A_683 = arith.shli %shift_left3A_682, %sub3A_633 : i32
    %or3A_684 = vector.broadcast %shift_left3A_683 : i32 to vector<1x128xi32>
    %or3A_685 = arith.ori %select_n3A_630, %or3A_684 : vector<1x128xi32>
    %ge3A_686 = vector.broadcast %or3A_685 : vector<1x128xi32> to vector<256x128xi32>
    %ge3A_687 = arith.cmpi uge, %slice3A_16, %ge3A_686 : vector<256x128xi32>
    %convert_element_type3A_688 = arith.extui %ge3A_687 : vector<256x128xi1> to vector<256x128xi32>
    %convert_element_type3A_689 = arith.sitofp %convert_element_type3A_688 : vector<256x128xi32> to vector<256x128xf32>
    %reduce_sum3A_690 = arith.constant dense<0.000000e+00> : vector<128xf32>
    %reduce_sum3A_691 = vector.multi_reduction <add>, %convert_element_type3A_689, %reduce_sum3A_690 [0] : vector<256x128xf32> to vector<128xf32>
    %broadcast_in_dim3A_692 = vector.shape_cast %reduce_sum3A_691 : vector<128xf32> to vector<1x128xf32>
    %dot_general3A_693 = arith.constant dense<0.000000e+00> : vector<1x128xf32>
    %dot_general3A_694 = tpu.matmul %broadcast_in_dim3A_692, %broadcast_in_dim3A_13, %dot_general3A_693 {dimension_numbers = #tpu.dot_dimension_numbers<[1], [0], [0], [1], [0, 0, 1, 1], [], []>, transpose_lhs_hint = false} : vector<1x128xf32>, vector<128x128xf32>, vector<1x128xf32> -> vector<1x128xf32>
    %ge3A_695 = vector.broadcast %convert_element_type3A_27 : f32 to vector<1x128xf32>
    %ge3A_696 = arith.cmpf oge, %dot_general3A_694, %ge3A_695 : vector<1x128xf32>
    %select_n3A_697 = arith.select %ge3A_696, %or3A_685, %select_n3A_630 : vector<1x128xi1>, vector<1x128xi32>
    %scan3A_698 = arith.constant 10 : i32
    %sub3A_699 = arith.constant 31 : i32
    %sub3A_700 = arith.subi %sub3A_699, %scan3A_698 : i32
    %shift_left3A_701 = arith.constant 1 : i32
    %shift_left3A_702 = arith.shli %shift_left3A_701, %sub3A_700 : i32
    %or3A_703 = vector.broadcast %shift_left3A_702 : i32 to vector<1x128xi32>
    %or3A_704 = arith.ori %select_n3A_649, %or3A_703 : vector<1x128xi32>
    %ge3A_705 = vector.broadcast %or3A_704 : vector<1x128xi32> to vector<256x128xi32>
    %ge3A_706 = arith.cmpi uge, %slice3A, %ge3A_705 : vector<256x128xi32>
    %convert_element_type3A_707 = arith.extui %ge3A_706 : vector<256x128xi1> to vector<256x128xi32>
    %convert_element_type3A_708 = arith.sitofp %convert_element_type3A_707 : vector<256x128xi32> to vector<256x128xf32>
    %reduce_sum3A_709 = arith.constant dense<0.000000e+00> : vector<128xf32>
    %reduce_sum3A_710 = vector.multi_reduction <add>, %convert_element_type3A_708, %reduce_sum3A_709 [0] : vector<256x128xf32> to vector<128xf32>
    %broadcast_in_dim3A_711 = vector.shape_cast %reduce_sum3A_710 : vector<128xf32> to vector<1x128xf32>
    %dot_general3A_712 = arith.constant dense<0.000000e+00> : vector<1x128xf32>
    %dot_general3A_713 = tpu.matmul %broadcast_in_dim3A_711, %broadcast_in_dim3A_13, %dot_general3A_712 {dimension_numbers = #tpu.dot_dimension_numbers<[1], [0], [0], [1], [0, 0, 1, 1], [], []>, transpose_lhs_hint = false} : vector<1x128xf32>, vector<128x128xf32>, vector<1x128xf32> -> vector<1x128xf32>
    %ge3A_714 = vector.broadcast %convert_element_type3A : f32 to vector<1x128xf32>
    %ge3A_715 = arith.cmpf oge, %dot_general3A_713, %ge3A_714 : vector<1x128xf32>
    %select_n3A_716 = arith.select %ge3A_715, %or3A_704, %select_n3A_649 : vector<1x128xi1>, vector<1x128xi32>
    %shift_left3A_717 = arith.constant 1 : i32
    %shift_left3A_718 = arith.shli %shift_left3A_717, %sub3A_700 : i32
    %or3A_719 = vector.broadcast %shift_left3A_718 : i32 to vector<1x128xi32>
    %or3A_720 = arith.ori %select_n3A_665, %or3A_719 : vector<1x128xi32>
    %ge3A_721 = vector.broadcast %or3A_720 : vector<1x128xi32> to vector<256x128xi32>
    %ge3A_722 = arith.cmpi uge, %slice3A_14, %ge3A_721 : vector<256x128xi32>
    %convert_element_type3A_723 = arith.extui %ge3A_722 : vector<256x128xi1> to vector<256x128xi32>
    %convert_element_type3A_724 = arith.sitofp %convert_element_type3A_723 : vector<256x128xi32> to vector<256x128xf32>
    %reduce_sum3A_725 = arith.constant dense<0.000000e+00> : vector<128xf32>
    %reduce_sum3A_726 = vector.multi_reduction <add>, %convert_element_type3A_724, %reduce_sum3A_725 [0] : vector<256x128xf32> to vector<128xf32>
    %broadcast_in_dim3A_727 = vector.shape_cast %reduce_sum3A_726 : vector<128xf32> to vector<1x128xf32>
    %dot_general3A_728 = arith.constant dense<0.000000e+00> : vector<1x128xf32>
    %dot_general3A_729 = tpu.matmul %broadcast_in_dim3A_727, %broadcast_in_dim3A_13, %dot_general3A_728 {dimension_numbers = #tpu.dot_dimension_numbers<[1], [0], [0], [1], [0, 0, 1, 1], [], []>, transpose_lhs_hint = false} : vector<1x128xf32>, vector<128x128xf32>, vector<1x128xf32> -> vector<1x128xf32>
    %ge3A_730 = vector.broadcast %convert_element_type3A_21 : f32 to vector<1x128xf32>
    %ge3A_731 = arith.cmpf oge, %dot_general3A_729, %ge3A_730 : vector<1x128xf32>
    %select_n3A_732 = arith.select %ge3A_731, %or3A_720, %select_n3A_665 : vector<1x128xi1>, vector<1x128xi32>
    %shift_left3A_733 = arith.constant 1 : i32
    %shift_left3A_734 = arith.shli %shift_left3A_733, %sub3A_700 : i32
    %or3A_735 = vector.broadcast %shift_left3A_734 : i32 to vector<1x128xi32>
    %or3A_736 = arith.ori %select_n3A_681, %or3A_735 : vector<1x128xi32>
    %ge3A_737 = vector.broadcast %or3A_736 : vector<1x128xi32> to vector<256x128xi32>
    %ge3A_738 = arith.cmpi uge, %slice3A_15, %ge3A_737 : vector<256x128xi32>
    %convert_element_type3A_739 = arith.extui %ge3A_738 : vector<256x128xi1> to vector<256x128xi32>
    %convert_element_type3A_740 = arith.sitofp %convert_element_type3A_739 : vector<256x128xi32> to vector<256x128xf32>
    %reduce_sum3A_741 = arith.constant dense<0.000000e+00> : vector<128xf32>
    %reduce_sum3A_742 = vector.multi_reduction <add>, %convert_element_type3A_740, %reduce_sum3A_741 [0] : vector<256x128xf32> to vector<128xf32>
    %broadcast_in_dim3A_743 = vector.shape_cast %reduce_sum3A_742 : vector<128xf32> to vector<1x128xf32>
    %dot_general3A_744 = arith.constant dense<0.000000e+00> : vector<1x128xf32>
    %dot_general3A_745 = tpu.matmul %broadcast_in_dim3A_743, %broadcast_in_dim3A_13, %dot_general3A_744 {dimension_numbers = #tpu.dot_dimension_numbers<[1], [0], [0], [1], [0, 0, 1, 1], [], []>, transpose_lhs_hint = false} : vector<1x128xf32>, vector<128x128xf32>, vector<1x128xf32> -> vector<1x128xf32>
    %ge3A_746 = vector.broadcast %convert_element_type3A_24 : f32 to vector<1x128xf32>
    %ge3A_747 = arith.cmpf oge, %dot_general3A_745, %ge3A_746 : vector<1x128xf32>
    %select_n3A_748 = arith.select %ge3A_747, %or3A_736, %select_n3A_681 : vector<1x128xi1>, vector<1x128xi32>
    %shift_left3A_749 = arith.constant 1 : i32
    %shift_left3A_750 = arith.shli %shift_left3A_749, %sub3A_700 : i32
    %or3A_751 = vector.broadcast %shift_left3A_750 : i32 to vector<1x128xi32>
    %or3A_752 = arith.ori %select_n3A_697, %or3A_751 : vector<1x128xi32>
    %ge3A_753 = vector.broadcast %or3A_752 : vector<1x128xi32> to vector<256x128xi32>
    %ge3A_754 = arith.cmpi uge, %slice3A_16, %ge3A_753 : vector<256x128xi32>
    %convert_element_type3A_755 = arith.extui %ge3A_754 : vector<256x128xi1> to vector<256x128xi32>
    %convert_element_type3A_756 = arith.sitofp %convert_element_type3A_755 : vector<256x128xi32> to vector<256x128xf32>
    %reduce_sum3A_757 = arith.constant dense<0.000000e+00> : vector<128xf32>
    %reduce_sum3A_758 = vector.multi_reduction <add>, %convert_element_type3A_756, %reduce_sum3A_757 [0] : vector<256x128xf32> to vector<128xf32>
    %broadcast_in_dim3A_759 = vector.shape_cast %reduce_sum3A_758 : vector<128xf32> to vector<1x128xf32>
    %dot_general3A_760 = arith.constant dense<0.000000e+00> : vector<1x128xf32>
    %dot_general3A_761 = tpu.matmul %broadcast_in_dim3A_759, %broadcast_in_dim3A_13, %dot_general3A_760 {dimension_numbers = #tpu.dot_dimension_numbers<[1], [0], [0], [1], [0, 0, 1, 1], [], []>, transpose_lhs_hint = false} : vector<1x128xf32>, vector<128x128xf32>, vector<1x128xf32> -> vector<1x128xf32>
    %ge3A_762 = vector.broadcast %convert_element_type3A_27 : f32 to vector<1x128xf32>
    %ge3A_763 = arith.cmpf oge, %dot_general3A_761, %ge3A_762 : vector<1x128xf32>
    %select_n3A_764 = arith.select %ge3A_763, %or3A_752, %select_n3A_697 : vector<1x128xi1>, vector<1x128xi32>
    %scan3A_765 = arith.constant 11 : i32
    %sub3A_766 = arith.constant 31 : i32
    %sub3A_767 = arith.subi %sub3A_766, %scan3A_765 : i32
    %shift_left3A_768 = arith.constant 1 : i32
    %shift_left3A_769 = arith.shli %shift_left3A_768, %sub3A_767 : i32
    %or3A_770 = vector.broadcast %shift_left3A_769 : i32 to vector<1x128xi32>
    %or3A_771 = arith.ori %select_n3A_716, %or3A_770 : vector<1x128xi32>
    %ge3A_772 = vector.broadcast %or3A_771 : vector<1x128xi32> to vector<256x128xi32>
    %ge3A_773 = arith.cmpi uge, %slice3A, %ge3A_772 : vector<256x128xi32>
    %convert_element_type3A_774 = arith.extui %ge3A_773 : vector<256x128xi1> to vector<256x128xi32>
    %convert_element_type3A_775 = arith.sitofp %convert_element_type3A_774 : vector<256x128xi32> to vector<256x128xf32>
    %reduce_sum3A_776 = arith.constant dense<0.000000e+00> : vector<128xf32>
    %reduce_sum3A_777 = vector.multi_reduction <add>, %convert_element_type3A_775, %reduce_sum3A_776 [0] : vector<256x128xf32> to vector<128xf32>
    %broadcast_in_dim3A_778 = vector.shape_cast %reduce_sum3A_777 : vector<128xf32> to vector<1x128xf32>
    %dot_general3A_779 = arith.constant dense<0.000000e+00> : vector<1x128xf32>
    %dot_general3A_780 = tpu.matmul %broadcast_in_dim3A_778, %broadcast_in_dim3A_13, %dot_general3A_779 {dimension_numbers = #tpu.dot_dimension_numbers<[1], [0], [0], [1], [0, 0, 1, 1], [], []>, transpose_lhs_hint = false} : vector<1x128xf32>, vector<128x128xf32>, vector<1x128xf32> -> vector<1x128xf32>
    %ge3A_781 = vector.broadcast %convert_element_type3A : f32 to vector<1x128xf32>
    %ge3A_782 = arith.cmpf oge, %dot_general3A_780, %ge3A_781 : vector<1x128xf32>
    %select_n3A_783 = arith.select %ge3A_782, %or3A_771, %select_n3A_716 : vector<1x128xi1>, vector<1x128xi32>
    %shift_left3A_784 = arith.constant 1 : i32
    %shift_left3A_785 = arith.shli %shift_left3A_784, %sub3A_767 : i32
    %or3A_786 = vector.broadcast %shift_left3A_785 : i32 to vector<1x128xi32>
    %or3A_787 = arith.ori %select_n3A_732, %or3A_786 : vector<1x128xi32>
    %ge3A_788 = vector.broadcast %or3A_787 : vector<1x128xi32> to vector<256x128xi32>
    %ge3A_789 = arith.cmpi uge, %slice3A_14, %ge3A_788 : vector<256x128xi32>
    %convert_element_type3A_790 = arith.extui %ge3A_789 : vector<256x128xi1> to vector<256x128xi32>
    %convert_element_type3A_791 = arith.sitofp %convert_element_type3A_790 : vector<256x128xi32> to vector<256x128xf32>
    %reduce_sum3A_792 = arith.constant dense<0.000000e+00> : vector<128xf32>
    %reduce_sum3A_793 = vector.multi_reduction <add>, %convert_element_type3A_791, %reduce_sum3A_792 [0] : vector<256x128xf32> to vector<128xf32>
    %broadcast_in_dim3A_794 = vector.shape_cast %reduce_sum3A_793 : vector<128xf32> to vector<1x128xf32>
    %dot_general3A_795 = arith.constant dense<0.000000e+00> : vector<1x128xf32>
    %dot_general3A_796 = tpu.matmul %broadcast_in_dim3A_794, %broadcast_in_dim3A_13, %dot_general3A_795 {dimension_numbers = #tpu.dot_dimension_numbers<[1], [0], [0], [1], [0, 0, 1, 1], [], []>, transpose_lhs_hint = false} : vector<1x128xf32>, vector<128x128xf32>, vector<1x128xf32> -> vector<1x128xf32>
    %ge3A_797 = vector.broadcast %convert_element_type3A_21 : f32 to vector<1x128xf32>
    %ge3A_798 = arith.cmpf oge, %dot_general3A_796, %ge3A_797 : vector<1x128xf32>
    %select_n3A_799 = arith.select %ge3A_798, %or3A_787, %select_n3A_732 : vector<1x128xi1>, vector<1x128xi32>
    %shift_left3A_800 = arith.constant 1 : i32
    %shift_left3A_801 = arith.shli %shift_left3A_800, %sub3A_767 : i32
    %or3A_802 = vector.broadcast %shift_left3A_801 : i32 to vector<1x128xi32>
    %or3A_803 = arith.ori %select_n3A_748, %or3A_802 : vector<1x128xi32>
    %ge3A_804 = vector.broadcast %or3A_803 : vector<1x128xi32> to vector<256x128xi32>
    %ge3A_805 = arith.cmpi uge, %slice3A_15, %ge3A_804 : vector<256x128xi32>
    %convert_element_type3A_806 = arith.extui %ge3A_805 : vector<256x128xi1> to vector<256x128xi32>
    %convert_element_type3A_807 = arith.sitofp %convert_element_type3A_806 : vector<256x128xi32> to vector<256x128xf32>
    %reduce_sum3A_808 = arith.constant dense<0.000000e+00> : vector<128xf32>
    %reduce_sum3A_809 = vector.multi_reduction <add>, %convert_element_type3A_807, %reduce_sum3A_808 [0] : vector<256x128xf32> to vector<128xf32>
    %broadcast_in_dim3A_810 = vector.shape_cast %reduce_sum3A_809 : vector<128xf32> to vector<1x128xf32>
    %dot_general3A_811 = arith.constant dense<0.000000e+00> : vector<1x128xf32>
    %dot_general3A_812 = tpu.matmul %broadcast_in_dim3A_810, %broadcast_in_dim3A_13, %dot_general3A_811 {dimension_numbers = #tpu.dot_dimension_numbers<[1], [0], [0], [1], [0, 0, 1, 1], [], []>, transpose_lhs_hint = false} : vector<1x128xf32>, vector<128x128xf32>, vector<1x128xf32> -> vector<1x128xf32>
    %ge3A_813 = vector.broadcast %convert_element_type3A_24 : f32 to vector<1x128xf32>
    %ge3A_814 = arith.cmpf oge, %dot_general3A_812, %ge3A_813 : vector<1x128xf32>
    %select_n3A_815 = arith.select %ge3A_814, %or3A_803, %select_n3A_748 : vector<1x128xi1>, vector<1x128xi32>
    %shift_left3A_816 = arith.constant 1 : i32
    %shift_left3A_817 = arith.shli %shift_left3A_816, %sub3A_767 : i32
    %or3A_818 = vector.broadcast %shift_left3A_817 : i32 to vector<1x128xi32>
    %or3A_819 = arith.ori %select_n3A_764, %or3A_818 : vector<1x128xi32>
    %ge3A_820 = vector.broadcast %or3A_819 : vector<1x128xi32> to vector<256x128xi32>
    %ge3A_821 = arith.cmpi uge, %slice3A_16, %ge3A_820 : vector<256x128xi32>
    %convert_element_type3A_822 = arith.extui %ge3A_821 : vector<256x128xi1> to vector<256x128xi32>
    %convert_element_type3A_823 = arith.sitofp %convert_element_type3A_822 : vector<256x128xi32> to vector<256x128xf32>
    %reduce_sum3A_824 = arith.constant dense<0.000000e+00> : vector<128xf32>
    %reduce_sum3A_825 = vector.multi_reduction <add>, %convert_element_type3A_823, %reduce_sum3A_824 [0] : vector<256x128xf32> to vector<128xf32>
    %broadcast_in_dim3A_826 = vector.shape_cast %reduce_sum3A_825 : vector<128xf32> to vector<1x128xf32>
    %dot_general3A_827 = arith.constant dense<0.000000e+00> : vector<1x128xf32>
    %dot_general3A_828 = tpu.matmul %broadcast_in_dim3A_826, %broadcast_in_dim3A_13, %dot_general3A_827 {dimension_numbers = #tpu.dot_dimension_numbers<[1], [0], [0], [1], [0, 0, 1, 1], [], []>, transpose_lhs_hint = false} : vector<1x128xf32>, vector<128x128xf32>, vector<1x128xf32> -> vector<1x128xf32>
    %ge3A_829 = vector.broadcast %convert_element_type3A_27 : f32 to vector<1x128xf32>
    %ge3A_830 = arith.cmpf oge, %dot_general3A_828, %ge3A_829 : vector<1x128xf32>
    %select_n3A_831 = arith.select %ge3A_830, %or3A_819, %select_n3A_764 : vector<1x128xi1>, vector<1x128xi32>
    %scan3A_832 = arith.constant 12 : i32
    %sub3A_833 = arith.constant 31 : i32
    %sub3A_834 = arith.subi %sub3A_833, %scan3A_832 : i32
    %shift_left3A_835 = arith.constant 1 : i32
    %shift_left3A_836 = arith.shli %shift_left3A_835, %sub3A_834 : i32
    %or3A_837 = vector.broadcast %shift_left3A_836 : i32 to vector<1x128xi32>
    %or3A_838 = arith.ori %select_n3A_783, %or3A_837 : vector<1x128xi32>
    %ge3A_839 = vector.broadcast %or3A_838 : vector<1x128xi32> to vector<256x128xi32>
    %ge3A_840 = arith.cmpi uge, %slice3A, %ge3A_839 : vector<256x128xi32>
    %convert_element_type3A_841 = arith.extui %ge3A_840 : vector<256x128xi1> to vector<256x128xi32>
    %convert_element_type3A_842 = arith.sitofp %convert_element_type3A_841 : vector<256x128xi32> to vector<256x128xf32>
    %reduce_sum3A_843 = arith.constant dense<0.000000e+00> : vector<128xf32>
    %reduce_sum3A_844 = vector.multi_reduction <add>, %convert_element_type3A_842, %reduce_sum3A_843 [0] : vector<256x128xf32> to vector<128xf32>
    %broadcast_in_dim3A_845 = vector.shape_cast %reduce_sum3A_844 : vector<128xf32> to vector<1x128xf32>
    %dot_general3A_846 = arith.constant dense<0.000000e+00> : vector<1x128xf32>
    %dot_general3A_847 = tpu.matmul %broadcast_in_dim3A_845, %broadcast_in_dim3A_13, %dot_general3A_846 {dimension_numbers = #tpu.dot_dimension_numbers<[1], [0], [0], [1], [0, 0, 1, 1], [], []>, transpose_lhs_hint = false} : vector<1x128xf32>, vector<128x128xf32>, vector<1x128xf32> -> vector<1x128xf32>
    %ge3A_848 = vector.broadcast %convert_element_type3A : f32 to vector<1x128xf32>
    %ge3A_849 = arith.cmpf oge, %dot_general3A_847, %ge3A_848 : vector<1x128xf32>
    %select_n3A_850 = arith.select %ge3A_849, %or3A_838, %select_n3A_783 : vector<1x128xi1>, vector<1x128xi32>
    %shift_left3A_851 = arith.constant 1 : i32
    %shift_left3A_852 = arith.shli %shift_left3A_851, %sub3A_834 : i32
    %or3A_853 = vector.broadcast %shift_left3A_852 : i32 to vector<1x128xi32>
    %or3A_854 = arith.ori %select_n3A_799, %or3A_853 : vector<1x128xi32>
    %ge3A_855 = vector.broadcast %or3A_854 : vector<1x128xi32> to vector<256x128xi32>
    %ge3A_856 = arith.cmpi uge, %slice3A_14, %ge3A_855 : vector<256x128xi32>
    %convert_element_type3A_857 = arith.extui %ge3A_856 : vector<256x128xi1> to vector<256x128xi32>
    %convert_element_type3A_858 = arith.sitofp %convert_element_type3A_857 : vector<256x128xi32> to vector<256x128xf32>
    %reduce_sum3A_859 = arith.constant dense<0.000000e+00> : vector<128xf32>
    %reduce_sum3A_860 = vector.multi_reduction <add>, %convert_element_type3A_858, %reduce_sum3A_859 [0] : vector<256x128xf32> to vector<128xf32>
    %broadcast_in_dim3A_861 = vector.shape_cast %reduce_sum3A_860 : vector<128xf32> to vector<1x128xf32>
    %dot_general3A_862 = arith.constant dense<0.000000e+00> : vector<1x128xf32>
    %dot_general3A_863 = tpu.matmul %broadcast_in_dim3A_861, %broadcast_in_dim3A_13, %dot_general3A_862 {dimension_numbers = #tpu.dot_dimension_numbers<[1], [0], [0], [1], [0, 0, 1, 1], [], []>, transpose_lhs_hint = false} : vector<1x128xf32>, vector<128x128xf32>, vector<1x128xf32> -> vector<1x128xf32>
    %ge3A_864 = vector.broadcast %convert_element_type3A_21 : f32 to vector<1x128xf32>
    %ge3A_865 = arith.cmpf oge, %dot_general3A_863, %ge3A_864 : vector<1x128xf32>
    %select_n3A_866 = arith.select %ge3A_865, %or3A_854, %select_n3A_799 : vector<1x128xi1>, vector<1x128xi32>
    %shift_left3A_867 = arith.constant 1 : i32
    %shift_left3A_868 = arith.shli %shift_left3A_867, %sub3A_834 : i32
    %or3A_869 = vector.broadcast %shift_left3A_868 : i32 to vector<1x128xi32>
    %or3A_870 = arith.ori %select_n3A_815, %or3A_869 : vector<1x128xi32>
    %ge3A_871 = vector.broadcast %or3A_870 : vector<1x128xi32> to vector<256x128xi32>
    %ge3A_872 = arith.cmpi uge, %slice3A_15, %ge3A_871 : vector<256x128xi32>
    %convert_element_type3A_873 = arith.extui %ge3A_872 : vector<256x128xi1> to vector<256x128xi32>
    %convert_element_type3A_874 = arith.sitofp %convert_element_type3A_873 : vector<256x128xi32> to vector<256x128xf32>
    %reduce_sum3A_875 = arith.constant dense<0.000000e+00> : vector<128xf32>
    %reduce_sum3A_876 = vector.multi_reduction <add>, %convert_element_type3A_874, %reduce_sum3A_875 [0] : vector<256x128xf32> to vector<128xf32>
    %broadcast_in_dim3A_877 = vector.shape_cast %reduce_sum3A_876 : vector<128xf32> to vector<1x128xf32>
    %dot_general3A_878 = arith.constant dense<0.000000e+00> : vector<1x128xf32>
    %dot_general3A_879 = tpu.matmul %broadcast_in_dim3A_877, %broadcast_in_dim3A_13, %dot_general3A_878 {dimension_numbers = #tpu.dot_dimension_numbers<[1], [0], [0], [1], [0, 0, 1, 1], [], []>, transpose_lhs_hint = false} : vector<1x128xf32>, vector<128x128xf32>, vector<1x128xf32> -> vector<1x128xf32>
    %ge3A_880 = vector.broadcast %convert_element_type3A_24 : f32 to vector<1x128xf32>
    %ge3A_881 = arith.cmpf oge, %dot_general3A_879, %ge3A_880 : vector<1x128xf32>
    %select_n3A_882 = arith.select %ge3A_881, %or3A_870, %select_n3A_815 : vector<1x128xi1>, vector<1x128xi32>
    %shift_left3A_883 = arith.constant 1 : i32
    %shift_left3A_884 = arith.shli %shift_left3A_883, %sub3A_834 : i32
    %or3A_885 = vector.broadcast %shift_left3A_884 : i32 to vector<1x128xi32>
    %or3A_886 = arith.ori %select_n3A_831, %or3A_885 : vector<1x128xi32>
    %ge3A_887 = vector.broadcast %or3A_886 : vector<1x128xi32> to vector<256x128xi32>
    %ge3A_888 = arith.cmpi uge, %slice3A_16, %ge3A_887 : vector<256x128xi32>
    %convert_element_type3A_889 = arith.extui %ge3A_888 : vector<256x128xi1> to vector<256x128xi32>
    %convert_element_type3A_890 = arith.sitofp %convert_element_type3A_889 : vector<256x128xi32> to vector<256x128xf32>
    %reduce_sum3A_891 = arith.constant dense<0.000000e+00> : vector<128xf32>
    %reduce_sum3A_892 = vector.multi_reduction <add>, %convert_element_type3A_890, %reduce_sum3A_891 [0] : vector<256x128xf32> to vector<128xf32>
    %broadcast_in_dim3A_893 = vector.shape_cast %reduce_sum3A_892 : vector<128xf32> to vector<1x128xf32>
    %dot_general3A_894 = arith.constant dense<0.000000e+00> : vector<1x128xf32>
    %dot_general3A_895 = tpu.matmul %broadcast_in_dim3A_893, %broadcast_in_dim3A_13, %dot_general3A_894 {dimension_numbers = #tpu.dot_dimension_numbers<[1], [0], [0], [1], [0, 0, 1, 1], [], []>, transpose_lhs_hint = false} : vector<1x128xf32>, vector<128x128xf32>, vector<1x128xf32> -> vector<1x128xf32>
    %ge3A_896 = vector.broadcast %convert_element_type3A_27 : f32 to vector<1x128xf32>
    %ge3A_897 = arith.cmpf oge, %dot_general3A_895, %ge3A_896 : vector<1x128xf32>
    %select_n3A_898 = arith.select %ge3A_897, %or3A_886, %select_n3A_831 : vector<1x128xi1>, vector<1x128xi32>
    %scan3A_899 = arith.constant 13 : i32
    %sub3A_900 = arith.constant 31 : i32
    %sub3A_901 = arith.subi %sub3A_900, %scan3A_899 : i32
    %shift_left3A_902 = arith.constant 1 : i32
    %shift_left3A_903 = arith.shli %shift_left3A_902, %sub3A_901 : i32
    %or3A_904 = vector.broadcast %shift_left3A_903 : i32 to vector<1x128xi32>
    %or3A_905 = arith.ori %select_n3A_850, %or3A_904 : vector<1x128xi32>
    %ge3A_906 = vector.broadcast %or3A_905 : vector<1x128xi32> to vector<256x128xi32>
    %ge3A_907 = arith.cmpi uge, %slice3A, %ge3A_906 : vector<256x128xi32>
    %convert_element_type3A_908 = arith.extui %ge3A_907 : vector<256x128xi1> to vector<256x128xi32>
    %convert_element_type3A_909 = arith.sitofp %convert_element_type3A_908 : vector<256x128xi32> to vector<256x128xf32>
    %reduce_sum3A_910 = arith.constant dense<0.000000e+00> : vector<128xf32>
    %reduce_sum3A_911 = vector.multi_reduction <add>, %convert_element_type3A_909, %reduce_sum3A_910 [0] : vector<256x128xf32> to vector<128xf32>
    %broadcast_in_dim3A_912 = vector.shape_cast %reduce_sum3A_911 : vector<128xf32> to vector<1x128xf32>
    %dot_general3A_913 = arith.constant dense<0.000000e+00> : vector<1x128xf32>
    %dot_general3A_914 = tpu.matmul %broadcast_in_dim3A_912, %broadcast_in_dim3A_13, %dot_general3A_913 {dimension_numbers = #tpu.dot_dimension_numbers<[1], [0], [0], [1], [0, 0, 1, 1], [], []>, transpose_lhs_hint = false} : vector<1x128xf32>, vector<128x128xf32>, vector<1x128xf32> -> vector<1x128xf32>
    %ge3A_915 = vector.broadcast %convert_element_type3A : f32 to vector<1x128xf32>
    %ge3A_916 = arith.cmpf oge, %dot_general3A_914, %ge3A_915 : vector<1x128xf32>
    %select_n3A_917 = arith.select %ge3A_916, %or3A_905, %select_n3A_850 : vector<1x128xi1>, vector<1x128xi32>
    %shift_left3A_918 = arith.constant 1 : i32
    %shift_left3A_919 = arith.shli %shift_left3A_918, %sub3A_901 : i32
    %or3A_920 = vector.broadcast %shift_left3A_919 : i32 to vector<1x128xi32>
    %or3A_921 = arith.ori %select_n3A_866, %or3A_920 : vector<1x128xi32>
    %ge3A_922 = vector.broadcast %or3A_921 : vector<1x128xi32> to vector<256x128xi32>
    %ge3A_923 = arith.cmpi uge, %slice3A_14, %ge3A_922 : vector<256x128xi32>
    %convert_element_type3A_924 = arith.extui %ge3A_923 : vector<256x128xi1> to vector<256x128xi32>
    %convert_element_type3A_925 = arith.sitofp %convert_element_type3A_924 : vector<256x128xi32> to vector<256x128xf32>
    %reduce_sum3A_926 = arith.constant dense<0.000000e+00> : vector<128xf32>
    %reduce_sum3A_927 = vector.multi_reduction <add>, %convert_element_type3A_925, %reduce_sum3A_926 [0] : vector<256x128xf32> to vector<128xf32>
    %broadcast_in_dim3A_928 = vector.shape_cast %reduce_sum3A_927 : vector<128xf32> to vector<1x128xf32>
    %dot_general3A_929 = arith.constant dense<0.000000e+00> : vector<1x128xf32>
    %dot_general3A_930 = tpu.matmul %broadcast_in_dim3A_928, %broadcast_in_dim3A_13, %dot_general3A_929 {dimension_numbers = #tpu.dot_dimension_numbers<[1], [0], [0], [1], [0, 0, 1, 1], [], []>, transpose_lhs_hint = false} : vector<1x128xf32>, vector<128x128xf32>, vector<1x128xf32> -> vector<1x128xf32>
    %ge3A_931 = vector.broadcast %convert_element_type3A_21 : f32 to vector<1x128xf32>
    %ge3A_932 = arith.cmpf oge, %dot_general3A_930, %ge3A_931 : vector<1x128xf32>
    %select_n3A_933 = arith.select %ge3A_932, %or3A_921, %select_n3A_866 : vector<1x128xi1>, vector<1x128xi32>
    %shift_left3A_934 = arith.constant 1 : i32
    %shift_left3A_935 = arith.shli %shift_left3A_934, %sub3A_901 : i32
    %or3A_936 = vector.broadcast %shift_left3A_935 : i32 to vector<1x128xi32>
    %or3A_937 = arith.ori %select_n3A_882, %or3A_936 : vector<1x128xi32>
    %ge3A_938 = vector.broadcast %or3A_937 : vector<1x128xi32> to vector<256x128xi32>
    %ge3A_939 = arith.cmpi uge, %slice3A_15, %ge3A_938 : vector<256x128xi32>
    %convert_element_type3A_940 = arith.extui %ge3A_939 : vector<256x128xi1> to vector<256x128xi32>
    %convert_element_type3A_941 = arith.sitofp %convert_element_type3A_940 : vector<256x128xi32> to vector<256x128xf32>
    %reduce_sum3A_942 = arith.constant dense<0.000000e+00> : vector<128xf32>
    %reduce_sum3A_943 = vector.multi_reduction <add>, %convert_element_type3A_941, %reduce_sum3A_942 [0] : vector<256x128xf32> to vector<128xf32>
    %broadcast_in_dim3A_944 = vector.shape_cast %reduce_sum3A_943 : vector<128xf32> to vector<1x128xf32>
    %dot_general3A_945 = arith.constant dense<0.000000e+00> : vector<1x128xf32>
    %dot_general3A_946 = tpu.matmul %broadcast_in_dim3A_944, %broadcast_in_dim3A_13, %dot_general3A_945 {dimension_numbers = #tpu.dot_dimension_numbers<[1], [0], [0], [1], [0, 0, 1, 1], [], []>, transpose_lhs_hint = false} : vector<1x128xf32>, vector<128x128xf32>, vector<1x128xf32> -> vector<1x128xf32>
    %ge3A_947 = vector.broadcast %convert_element_type3A_24 : f32 to vector<1x128xf32>
    %ge3A_948 = arith.cmpf oge, %dot_general3A_946, %ge3A_947 : vector<1x128xf32>
    %select_n3A_949 = arith.select %ge3A_948, %or3A_937, %select_n3A_882 : vector<1x128xi1>, vector<1x128xi32>
    %shift_left3A_950 = arith.constant 1 : i32
    %shift_left3A_951 = arith.shli %shift_left3A_950, %sub3A_901 : i32
    %or3A_952 = vector.broadcast %shift_left3A_951 : i32 to vector<1x128xi32>
    %or3A_953 = arith.ori %select_n3A_898, %or3A_952 : vector<1x128xi32>
    %ge3A_954 = vector.broadcast %or3A_953 : vector<1x128xi32> to vector<256x128xi32>
    %ge3A_955 = arith.cmpi uge, %slice3A_16, %ge3A_954 : vector<256x128xi32>
    %convert_element_type3A_956 = arith.extui %ge3A_955 : vector<256x128xi1> to vector<256x128xi32>
    %convert_element_type3A_957 = arith.sitofp %convert_element_type3A_956 : vector<256x128xi32> to vector<256x128xf32>
    %reduce_sum3A_958 = arith.constant dense<0.000000e+00> : vector<128xf32>
    %reduce_sum3A_959 = vector.multi_reduction <add>, %convert_element_type3A_957, %reduce_sum3A_958 [0] : vector<256x128xf32> to vector<128xf32>
    %broadcast_in_dim3A_960 = vector.shape_cast %reduce_sum3A_959 : vector<128xf32> to vector<1x128xf32>
    %dot_general3A_961 = arith.constant dense<0.000000e+00> : vector<1x128xf32>
    %dot_general3A_962 = tpu.matmul %broadcast_in_dim3A_960, %broadcast_in_dim3A_13, %dot_general3A_961 {dimension_numbers = #tpu.dot_dimension_numbers<[1], [0], [0], [1], [0, 0, 1, 1], [], []>, transpose_lhs_hint = false} : vector<1x128xf32>, vector<128x128xf32>, vector<1x128xf32> -> vector<1x128xf32>
    %ge3A_963 = vector.broadcast %convert_element_type3A_27 : f32 to vector<1x128xf32>
    %ge3A_964 = arith.cmpf oge, %dot_general3A_962, %ge3A_963 : vector<1x128xf32>
    %select_n3A_965 = arith.select %ge3A_964, %or3A_953, %select_n3A_898 : vector<1x128xi1>, vector<1x128xi32>
    %scan3A_966 = arith.constant 14 : i32
    %sub3A_967 = arith.constant 31 : i32
    %sub3A_968 = arith.subi %sub3A_967, %scan3A_966 : i32
    %shift_left3A_969 = arith.constant 1 : i32
    %shift_left3A_970 = arith.shli %shift_left3A_969, %sub3A_968 : i32
    %or3A_971 = vector.broadcast %shift_left3A_970 : i32 to vector<1x128xi32>
    %or3A_972 = arith.ori %select_n3A_917, %or3A_971 : vector<1x128xi32>
    %ge3A_973 = vector.broadcast %or3A_972 : vector<1x128xi32> to vector<256x128xi32>
    %ge3A_974 = arith.cmpi uge, %slice3A, %ge3A_973 : vector<256x128xi32>
    %convert_element_type3A_975 = arith.extui %ge3A_974 : vector<256x128xi1> to vector<256x128xi32>
    %convert_element_type3A_976 = arith.sitofp %convert_element_type3A_975 : vector<256x128xi32> to vector<256x128xf32>
    %reduce_sum3A_977 = arith.constant dense<0.000000e+00> : vector<128xf32>
    %reduce_sum3A_978 = vector.multi_reduction <add>, %convert_element_type3A_976, %reduce_sum3A_977 [0] : vector<256x128xf32> to vector<128xf32>
    %broadcast_in_dim3A_979 = vector.shape_cast %reduce_sum3A_978 : vector<128xf32> to vector<1x128xf32>
    %dot_general3A_980 = arith.constant dense<0.000000e+00> : vector<1x128xf32>
    %dot_general3A_981 = tpu.matmul %broadcast_in_dim3A_979, %broadcast_in_dim3A_13, %dot_general3A_980 {dimension_numbers = #tpu.dot_dimension_numbers<[1], [0], [0], [1], [0, 0, 1, 1], [], []>, transpose_lhs_hint = false} : vector<1x128xf32>, vector<128x128xf32>, vector<1x128xf32> -> vector<1x128xf32>
    %ge3A_982 = vector.broadcast %convert_element_type3A : f32 to vector<1x128xf32>
    %ge3A_983 = arith.cmpf oge, %dot_general3A_981, %ge3A_982 : vector<1x128xf32>
    %select_n3A_984 = arith.select %ge3A_983, %or3A_972, %select_n3A_917 : vector<1x128xi1>, vector<1x128xi32>
    %shift_left3A_985 = arith.constant 1 : i32
    %shift_left3A_986 = arith.shli %shift_left3A_985, %sub3A_968 : i32
    %or3A_987 = vector.broadcast %shift_left3A_986 : i32 to vector<1x128xi32>
    %or3A_988 = arith.ori %select_n3A_933, %or3A_987 : vector<1x128xi32>
    %ge3A_989 = vector.broadcast %or3A_988 : vector<1x128xi32> to vector<256x128xi32>
    %ge3A_990 = arith.cmpi uge, %slice3A_14, %ge3A_989 : vector<256x128xi32>
    %convert_element_type3A_991 = arith.extui %ge3A_990 : vector<256x128xi1> to vector<256x128xi32>
    %convert_element_type3A_992 = arith.sitofp %convert_element_type3A_991 : vector<256x128xi32> to vector<256x128xf32>
    %reduce_sum3A_993 = arith.constant dense<0.000000e+00> : vector<128xf32>
    %reduce_sum3A_994 = vector.multi_reduction <add>, %convert_element_type3A_992, %reduce_sum3A_993 [0] : vector<256x128xf32> to vector<128xf32>
    %broadcast_in_dim3A_995 = vector.shape_cast %reduce_sum3A_994 : vector<128xf32> to vector<1x128xf32>
    %dot_general3A_996 = arith.constant dense<0.000000e+00> : vector<1x128xf32>
    %dot_general3A_997 = tpu.matmul %broadcast_in_dim3A_995, %broadcast_in_dim3A_13, %dot_general3A_996 {dimension_numbers = #tpu.dot_dimension_numbers<[1], [0], [0], [1], [0, 0, 1, 1], [], []>, transpose_lhs_hint = false} : vector<1x128xf32>, vector<128x128xf32>, vector<1x128xf32> -> vector<1x128xf32>
    %ge3A_998 = vector.broadcast %convert_element_type3A_21 : f32 to vector<1x128xf32>
    %ge3A_999 = arith.cmpf oge, %dot_general3A_997, %ge3A_998 : vector<1x128xf32>
    %select_n3A_1000 = arith.select %ge3A_999, %or3A_988, %select_n3A_933 : vector<1x128xi1>, vector<1x128xi32>
    %shift_left3A_1001 = arith.constant 1 : i32
    %shift_left3A_1002 = arith.shli %shift_left3A_1001, %sub3A_968 : i32
    %or3A_1003 = vector.broadcast %shift_left3A_1002 : i32 to vector<1x128xi32>
    %or3A_1004 = arith.ori %select_n3A_949, %or3A_1003 : vector<1x128xi32>
    %ge3A_1005 = vector.broadcast %or3A_1004 : vector<1x128xi32> to vector<256x128xi32>
    %ge3A_1006 = arith.cmpi uge, %slice3A_15, %ge3A_1005 : vector<256x128xi32>
    %convert_element_type3A_1007 = arith.extui %ge3A_1006 : vector<256x128xi1> to vector<256x128xi32>
    %convert_element_type3A_1008 = arith.sitofp %convert_element_type3A_1007 : vector<256x128xi32> to vector<256x128xf32>
    %reduce_sum3A_1009 = arith.constant dense<0.000000e+00> : vector<128xf32>
    %reduce_sum3A_1010 = vector.multi_reduction <add>, %convert_element_type3A_1008, %reduce_sum3A_1009 [0] : vector<256x128xf32> to vector<128xf32>
    %broadcast_in_dim3A_1011 = vector.shape_cast %reduce_sum3A_1010 : vector<128xf32> to vector<1x128xf32>
    %dot_general3A_1012 = arith.constant dense<0.000000e+00> : vector<1x128xf32>
    %dot_general3A_1013 = tpu.matmul %broadcast_in_dim3A_1011, %broadcast_in_dim3A_13, %dot_general3A_1012 {dimension_numbers = #tpu.dot_dimension_numbers<[1], [0], [0], [1], [0, 0, 1, 1], [], []>, transpose_lhs_hint = false} : vector<1x128xf32>, vector<128x128xf32>, vector<1x128xf32> -> vector<1x128xf32>
    %ge3A_1014 = vector.broadcast %convert_element_type3A_24 : f32 to vector<1x128xf32>
    %ge3A_1015 = arith.cmpf oge, %dot_general3A_1013, %ge3A_1014 : vector<1x128xf32>
    %select_n3A_1016 = arith.select %ge3A_1015, %or3A_1004, %select_n3A_949 : vector<1x128xi1>, vector<1x128xi32>
    %shift_left3A_1017 = arith.constant 1 : i32
    %shift_left3A_1018 = arith.shli %shift_left3A_1017, %sub3A_968 : i32
    %or3A_1019 = vector.broadcast %shift_left3A_1018 : i32 to vector<1x128xi32>
    %or3A_1020 = arith.ori %select_n3A_965, %or3A_1019 : vector<1x128xi32>
    %ge3A_1021 = vector.broadcast %or3A_1020 : vector<1x128xi32> to vector<256x128xi32>
    %ge3A_1022 = arith.cmpi uge, %slice3A_16, %ge3A_1021 : vector<256x128xi32>
    %convert_element_type3A_1023 = arith.extui %ge3A_1022 : vector<256x128xi1> to vector<256x128xi32>
    %convert_element_type3A_1024 = arith.sitofp %convert_element_type3A_1023 : vector<256x128xi32> to vector<256x128xf32>
    %reduce_sum3A_1025 = arith.constant dense<0.000000e+00> : vector<128xf32>
    %reduce_sum3A_1026 = vector.multi_reduction <add>, %convert_element_type3A_1024, %reduce_sum3A_1025 [0] : vector<256x128xf32> to vector<128xf32>
    %broadcast_in_dim3A_1027 = vector.shape_cast %reduce_sum3A_1026 : vector<128xf32> to vector<1x128xf32>
    %dot_general3A_1028 = arith.constant dense<0.000000e+00> : vector<1x128xf32>
    %dot_general3A_1029 = tpu.matmul %broadcast_in_dim3A_1027, %broadcast_in_dim3A_13, %dot_general3A_1028 {dimension_numbers = #tpu.dot_dimension_numbers<[1], [0], [0], [1], [0, 0, 1, 1], [], []>, transpose_lhs_hint = false} : vector<1x128xf32>, vector<128x128xf32>, vector<1x128xf32> -> vector<1x128xf32>
    %ge3A_1030 = vector.broadcast %convert_element_type3A_27 : f32 to vector<1x128xf32>
    %ge3A_1031 = arith.cmpf oge, %dot_general3A_1029, %ge3A_1030 : vector<1x128xf32>
    %select_n3A_1032 = arith.select %ge3A_1031, %or3A_1020, %select_n3A_965 : vector<1x128xi1>, vector<1x128xi32>
    %scan3A_1033 = arith.constant 15 : i32
    %sub3A_1034 = arith.constant 31 : i32
    %sub3A_1035 = arith.subi %sub3A_1034, %scan3A_1033 : i32
    %shift_left3A_1036 = arith.constant 1 : i32
    %shift_left3A_1037 = arith.shli %shift_left3A_1036, %sub3A_1035 : i32
    %or3A_1038 = vector.broadcast %shift_left3A_1037 : i32 to vector<1x128xi32>
    %or3A_1039 = arith.ori %select_n3A_984, %or3A_1038 : vector<1x128xi32>
    %ge3A_1040 = vector.broadcast %or3A_1039 : vector<1x128xi32> to vector<256x128xi32>
    %ge3A_1041 = arith.cmpi uge, %slice3A, %ge3A_1040 : vector<256x128xi32>
    %convert_element_type3A_1042 = arith.extui %ge3A_1041 : vector<256x128xi1> to vector<256x128xi32>
    %convert_element_type3A_1043 = arith.sitofp %convert_element_type3A_1042 : vector<256x128xi32> to vector<256x128xf32>
    %reduce_sum3A_1044 = arith.constant dense<0.000000e+00> : vector<128xf32>
    %reduce_sum3A_1045 = vector.multi_reduction <add>, %convert_element_type3A_1043, %reduce_sum3A_1044 [0] : vector<256x128xf32> to vector<128xf32>
    %broadcast_in_dim3A_1046 = vector.shape_cast %reduce_sum3A_1045 : vector<128xf32> to vector<1x128xf32>
    %dot_general3A_1047 = arith.constant dense<0.000000e+00> : vector<1x128xf32>
    %dot_general3A_1048 = tpu.matmul %broadcast_in_dim3A_1046, %broadcast_in_dim3A_13, %dot_general3A_1047 {dimension_numbers = #tpu.dot_dimension_numbers<[1], [0], [0], [1], [0, 0, 1, 1], [], []>, transpose_lhs_hint = false} : vector<1x128xf32>, vector<128x128xf32>, vector<1x128xf32> -> vector<1x128xf32>
    %ge3A_1049 = vector.broadcast %convert_element_type3A : f32 to vector<1x128xf32>
    %ge3A_1050 = arith.cmpf oge, %dot_general3A_1048, %ge3A_1049 : vector<1x128xf32>
    %select_n3A_1051 = arith.select %ge3A_1050, %or3A_1039, %select_n3A_984 : vector<1x128xi1>, vector<1x128xi32>
    %shift_left3A_1052 = arith.constant 1 : i32
    %shift_left3A_1053 = arith.shli %shift_left3A_1052, %sub3A_1035 : i32
    %or3A_1054 = vector.broadcast %shift_left3A_1053 : i32 to vector<1x128xi32>
    %or3A_1055 = arith.ori %select_n3A_1000, %or3A_1054 : vector<1x128xi32>
    %ge3A_1056 = vector.broadcast %or3A_1055 : vector<1x128xi32> to vector<256x128xi32>
    %ge3A_1057 = arith.cmpi uge, %slice3A_14, %ge3A_1056 : vector<256x128xi32>
    %convert_element_type3A_1058 = arith.extui %ge3A_1057 : vector<256x128xi1> to vector<256x128xi32>
    %convert_element_type3A_1059 = arith.sitofp %convert_element_type3A_1058 : vector<256x128xi32> to vector<256x128xf32>
    %reduce_sum3A_1060 = arith.constant dense<0.000000e+00> : vector<128xf32>
    %reduce_sum3A_1061 = vector.multi_reduction <add>, %convert_element_type3A_1059, %reduce_sum3A_1060 [0] : vector<256x128xf32> to vector<128xf32>
    %broadcast_in_dim3A_1062 = vector.shape_cast %reduce_sum3A_1061 : vector<128xf32> to vector<1x128xf32>
    %dot_general3A_1063 = arith.constant dense<0.000000e+00> : vector<1x128xf32>
    %dot_general3A_1064 = tpu.matmul %broadcast_in_dim3A_1062, %broadcast_in_dim3A_13, %dot_general3A_1063 {dimension_numbers = #tpu.dot_dimension_numbers<[1], [0], [0], [1], [0, 0, 1, 1], [], []>, transpose_lhs_hint = false} : vector<1x128xf32>, vector<128x128xf32>, vector<1x128xf32> -> vector<1x128xf32>
    %ge3A_1065 = vector.broadcast %convert_element_type3A_21 : f32 to vector<1x128xf32>
    %ge3A_1066 = arith.cmpf oge, %dot_general3A_1064, %ge3A_1065 : vector<1x128xf32>
    %select_n3A_1067 = arith.select %ge3A_1066, %or3A_1055, %select_n3A_1000 : vector<1x128xi1>, vector<1x128xi32>
    %shift_left3A_1068 = arith.constant 1 : i32
    %shift_left3A_1069 = arith.shli %shift_left3A_1068, %sub3A_1035 : i32
    %or3A_1070 = vector.broadcast %shift_left3A_1069 : i32 to vector<1x128xi32>
    %or3A_1071 = arith.ori %select_n3A_1016, %or3A_1070 : vector<1x128xi32>
    %ge3A_1072 = vector.broadcast %or3A_1071 : vector<1x128xi32> to vector<256x128xi32>
    %ge3A_1073 = arith.cmpi uge, %slice3A_15, %ge3A_1072 : vector<256x128xi32>
    %convert_element_type3A_1074 = arith.extui %ge3A_1073 : vector<256x128xi1> to vector<256x128xi32>
    %convert_element_type3A_1075 = arith.sitofp %convert_element_type3A_1074 : vector<256x128xi32> to vector<256x128xf32>
    %reduce_sum3A_1076 = arith.constant dense<0.000000e+00> : vector<128xf32>
    %reduce_sum3A_1077 = vector.multi_reduction <add>, %convert_element_type3A_1075, %reduce_sum3A_1076 [0] : vector<256x128xf32> to vector<128xf32>
    %broadcast_in_dim3A_1078 = vector.shape_cast %reduce_sum3A_1077 : vector<128xf32> to vector<1x128xf32>
    %dot_general3A_1079 = arith.constant dense<0.000000e+00> : vector<1x128xf32>
    %dot_general3A_1080 = tpu.matmul %broadcast_in_dim3A_1078, %broadcast_in_dim3A_13, %dot_general3A_1079 {dimension_numbers = #tpu.dot_dimension_numbers<[1], [0], [0], [1], [0, 0, 1, 1], [], []>, transpose_lhs_hint = false} : vector<1x128xf32>, vector<128x128xf32>, vector<1x128xf32> -> vector<1x128xf32>
    %ge3A_1081 = vector.broadcast %convert_element_type3A_24 : f32 to vector<1x128xf32>
    %ge3A_1082 = arith.cmpf oge, %dot_general3A_1080, %ge3A_1081 : vector<1x128xf32>
    %select_n3A_1083 = arith.select %ge3A_1082, %or3A_1071, %select_n3A_1016 : vector<1x128xi1>, vector<1x128xi32>
    %shift_left3A_1084 = arith.constant 1 : i32
    %shift_left3A_1085 = arith.shli %shift_left3A_1084, %sub3A_1035 : i32
    %or3A_1086 = vector.broadcast %shift_left3A_1085 : i32 to vector<1x128xi32>
    %or3A_1087 = arith.ori %select_n3A_1032, %or3A_1086 : vector<1x128xi32>
    %ge3A_1088 = vector.broadcast %or3A_1087 : vector<1x128xi32> to vector<256x128xi32>
    %ge3A_1089 = arith.cmpi uge, %slice3A_16, %ge3A_1088 : vector<256x128xi32>
    %convert_element_type3A_1090 = arith.extui %ge3A_1089 : vector<256x128xi1> to vector<256x128xi32>
    %convert_element_type3A_1091 = arith.sitofp %convert_element_type3A_1090 : vector<256x128xi32> to vector<256x128xf32>
    %reduce_sum3A_1092 = arith.constant dense<0.000000e+00> : vector<128xf32>
    %reduce_sum3A_1093 = vector.multi_reduction <add>, %convert_element_type3A_1091, %reduce_sum3A_1092 [0] : vector<256x128xf32> to vector<128xf32>
    %broadcast_in_dim3A_1094 = vector.shape_cast %reduce_sum3A_1093 : vector<128xf32> to vector<1x128xf32>
    %dot_general3A_1095 = arith.constant dense<0.000000e+00> : vector<1x128xf32>
    %dot_general3A_1096 = tpu.matmul %broadcast_in_dim3A_1094, %broadcast_in_dim3A_13, %dot_general3A_1095 {dimension_numbers = #tpu.dot_dimension_numbers<[1], [0], [0], [1], [0, 0, 1, 1], [], []>, transpose_lhs_hint = false} : vector<1x128xf32>, vector<128x128xf32>, vector<1x128xf32> -> vector<1x128xf32>
    %ge3A_1097 = vector.broadcast %convert_element_type3A_27 : f32 to vector<1x128xf32>
    %ge3A_1098 = arith.cmpf oge, %dot_general3A_1096, %ge3A_1097 : vector<1x128xf32>
    %select_n3A_1099 = arith.select %ge3A_1098, %or3A_1087, %select_n3A_1032 : vector<1x128xi1>, vector<1x128xi32>
    %scan3A_1100 = arith.constant 16 : i32
    %sub3A_1101 = arith.constant 31 : i32
    %sub3A_1102 = arith.subi %sub3A_1101, %scan3A_1100 : i32
    %shift_left3A_1103 = arith.constant 1 : i32
    %shift_left3A_1104 = arith.shli %shift_left3A_1103, %sub3A_1102 : i32
    %or3A_1105 = vector.broadcast %shift_left3A_1104 : i32 to vector<1x128xi32>
    %or3A_1106 = arith.ori %select_n3A_1051, %or3A_1105 : vector<1x128xi32>
    %ge3A_1107 = vector.broadcast %or3A_1106 : vector<1x128xi32> to vector<256x128xi32>
    %ge3A_1108 = arith.cmpi uge, %slice3A, %ge3A_1107 : vector<256x128xi32>
    %convert_element_type3A_1109 = arith.extui %ge3A_1108 : vector<256x128xi1> to vector<256x128xi32>
    %convert_element_type3A_1110 = arith.sitofp %convert_element_type3A_1109 : vector<256x128xi32> to vector<256x128xf32>
    %reduce_sum3A_1111 = arith.constant dense<0.000000e+00> : vector<128xf32>
    %reduce_sum3A_1112 = vector.multi_reduction <add>, %convert_element_type3A_1110, %reduce_sum3A_1111 [0] : vector<256x128xf32> to vector<128xf32>
    %broadcast_in_dim3A_1113 = vector.shape_cast %reduce_sum3A_1112 : vector<128xf32> to vector<1x128xf32>
    %dot_general3A_1114 = arith.constant dense<0.000000e+00> : vector<1x128xf32>
    %dot_general3A_1115 = tpu.matmul %broadcast_in_dim3A_1113, %broadcast_in_dim3A_13, %dot_general3A_1114 {dimension_numbers = #tpu.dot_dimension_numbers<[1], [0], [0], [1], [0, 0, 1, 1], [], []>, transpose_lhs_hint = false} : vector<1x128xf32>, vector<128x128xf32>, vector<1x128xf32> -> vector<1x128xf32>
    %ge3A_1116 = vector.broadcast %convert_element_type3A : f32 to vector<1x128xf32>
    %ge3A_1117 = arith.cmpf oge, %dot_general3A_1115, %ge3A_1116 : vector<1x128xf32>
    %select_n3A_1118 = arith.select %ge3A_1117, %or3A_1106, %select_n3A_1051 : vector<1x128xi1>, vector<1x128xi32>
    %shift_left3A_1119 = arith.constant 1 : i32
    %shift_left3A_1120 = arith.shli %shift_left3A_1119, %sub3A_1102 : i32
    %or3A_1121 = vector.broadcast %shift_left3A_1120 : i32 to vector<1x128xi32>
    %or3A_1122 = arith.ori %select_n3A_1067, %or3A_1121 : vector<1x128xi32>
    %ge3A_1123 = vector.broadcast %or3A_1122 : vector<1x128xi32> to vector<256x128xi32>
    %ge3A_1124 = arith.cmpi uge, %slice3A_14, %ge3A_1123 : vector<256x128xi32>
    %convert_element_type3A_1125 = arith.extui %ge3A_1124 : vector<256x128xi1> to vector<256x128xi32>
    %convert_element_type3A_1126 = arith.sitofp %convert_element_type3A_1125 : vector<256x128xi32> to vector<256x128xf32>
    %reduce_sum3A_1127 = arith.constant dense<0.000000e+00> : vector<128xf32>
    %reduce_sum3A_1128 = vector.multi_reduction <add>, %convert_element_type3A_1126, %reduce_sum3A_1127 [0] : vector<256x128xf32> to vector<128xf32>
    %broadcast_in_dim3A_1129 = vector.shape_cast %reduce_sum3A_1128 : vector<128xf32> to vector<1x128xf32>
    %dot_general3A_1130 = arith.constant dense<0.000000e+00> : vector<1x128xf32>
    %dot_general3A_1131 = tpu.matmul %broadcast_in_dim3A_1129, %broadcast_in_dim3A_13, %dot_general3A_1130 {dimension_numbers = #tpu.dot_dimension_numbers<[1], [0], [0], [1], [0, 0, 1, 1], [], []>, transpose_lhs_hint = false} : vector<1x128xf32>, vector<128x128xf32>, vector<1x128xf32> -> vector<1x128xf32>
    %ge3A_1132 = vector.broadcast %convert_element_type3A_21 : f32 to vector<1x128xf32>
    %ge3A_1133 = arith.cmpf oge, %dot_general3A_1131, %ge3A_1132 : vector<1x128xf32>
    %select_n3A_1134 = arith.select %ge3A_1133, %or3A_1122, %select_n3A_1067 : vector<1x128xi1>, vector<1x128xi32>
    %shift_left3A_1135 = arith.constant 1 : i32
    %shift_left3A_1136 = arith.shli %shift_left3A_1135, %sub3A_1102 : i32
    %or3A_1137 = vector.broadcast %shift_left3A_1136 : i32 to vector<1x128xi32>
    %or3A_1138 = arith.ori %select_n3A_1083, %or3A_1137 : vector<1x128xi32>
    %ge3A_1139 = vector.broadcast %or3A_1138 : vector<1x128xi32> to vector<256x128xi32>
    %ge3A_1140 = arith.cmpi uge, %slice3A_15, %ge3A_1139 : vector<256x128xi32>
    %convert_element_type3A_1141 = arith.extui %ge3A_1140 : vector<256x128xi1> to vector<256x128xi32>
    %convert_element_type3A_1142 = arith.sitofp %convert_element_type3A_1141 : vector<256x128xi32> to vector<256x128xf32>
    %reduce_sum3A_1143 = arith.constant dense<0.000000e+00> : vector<128xf32>
    %reduce_sum3A_1144 = vector.multi_reduction <add>, %convert_element_type3A_1142, %reduce_sum3A_1143 [0] : vector<256x128xf32> to vector<128xf32>
    %broadcast_in_dim3A_1145 = vector.shape_cast %reduce_sum3A_1144 : vector<128xf32> to vector<1x128xf32>
    %dot_general3A_1146 = arith.constant dense<0.000000e+00> : vector<1x128xf32>
    %dot_general3A_1147 = tpu.matmul %broadcast_in_dim3A_1145, %broadcast_in_dim3A_13, %dot_general3A_1146 {dimension_numbers = #tpu.dot_dimension_numbers<[1], [0], [0], [1], [0, 0, 1, 1], [], []>, transpose_lhs_hint = false} : vector<1x128xf32>, vector<128x128xf32>, vector<1x128xf32> -> vector<1x128xf32>
    %ge3A_1148 = vector.broadcast %convert_element_type3A_24 : f32 to vector<1x128xf32>
    %ge3A_1149 = arith.cmpf oge, %dot_general3A_1147, %ge3A_1148 : vector<1x128xf32>
    %select_n3A_1150 = arith.select %ge3A_1149, %or3A_1138, %select_n3A_1083 : vector<1x128xi1>, vector<1x128xi32>
    %shift_left3A_1151 = arith.constant 1 : i32
    %shift_left3A_1152 = arith.shli %shift_left3A_1151, %sub3A_1102 : i32
    %or3A_1153 = vector.broadcast %shift_left3A_1152 : i32 to vector<1x128xi32>
    %or3A_1154 = arith.ori %select_n3A_1099, %or3A_1153 : vector<1x128xi32>
    %ge3A_1155 = vector.broadcast %or3A_1154 : vector<1x128xi32> to vector<256x128xi32>
    %ge3A_1156 = arith.cmpi uge, %slice3A_16, %ge3A_1155 : vector<256x128xi32>
    %convert_element_type3A_1157 = arith.extui %ge3A_1156 : vector<256x128xi1> to vector<256x128xi32>
    %convert_element_type3A_1158 = arith.sitofp %convert_element_type3A_1157 : vector<256x128xi32> to vector<256x128xf32>
    %reduce_sum3A_1159 = arith.constant dense<0.000000e+00> : vector<128xf32>
    %reduce_sum3A_1160 = vector.multi_reduction <add>, %convert_element_type3A_1158, %reduce_sum3A_1159 [0] : vector<256x128xf32> to vector<128xf32>
    %broadcast_in_dim3A_1161 = vector.shape_cast %reduce_sum3A_1160 : vector<128xf32> to vector<1x128xf32>
    %dot_general3A_1162 = arith.constant dense<0.000000e+00> : vector<1x128xf32>
    %dot_general3A_1163 = tpu.matmul %broadcast_in_dim3A_1161, %broadcast_in_dim3A_13, %dot_general3A_1162 {dimension_numbers = #tpu.dot_dimension_numbers<[1], [0], [0], [1], [0, 0, 1, 1], [], []>, transpose_lhs_hint = false} : vector<1x128xf32>, vector<128x128xf32>, vector<1x128xf32> -> vector<1x128xf32>
    %ge3A_1164 = vector.broadcast %convert_element_type3A_27 : f32 to vector<1x128xf32>
    %ge3A_1165 = arith.cmpf oge, %dot_general3A_1163, %ge3A_1164 : vector<1x128xf32>
    %select_n3A_1166 = arith.select %ge3A_1165, %or3A_1154, %select_n3A_1099 : vector<1x128xi1>, vector<1x128xi32>
    %scan3A_1167 = arith.constant 17 : i32
    %sub3A_1168 = arith.constant 31 : i32
    %sub3A_1169 = arith.subi %sub3A_1168, %scan3A_1167 : i32
    %shift_left3A_1170 = arith.constant 1 : i32
    %shift_left3A_1171 = arith.shli %shift_left3A_1170, %sub3A_1169 : i32
    %or3A_1172 = vector.broadcast %shift_left3A_1171 : i32 to vector<1x128xi32>
    %or3A_1173 = arith.ori %select_n3A_1118, %or3A_1172 : vector<1x128xi32>
    %ge3A_1174 = vector.broadcast %or3A_1173 : vector<1x128xi32> to vector<256x128xi32>
    %ge3A_1175 = arith.cmpi uge, %slice3A, %ge3A_1174 : vector<256x128xi32>
    %convert_element_type3A_1176 = arith.extui %ge3A_1175 : vector<256x128xi1> to vector<256x128xi32>
    %convert_element_type3A_1177 = arith.sitofp %convert_element_type3A_1176 : vector<256x128xi32> to vector<256x128xf32>
    %reduce_sum3A_1178 = arith.constant dense<0.000000e+00> : vector<128xf32>
    %reduce_sum3A_1179 = vector.multi_reduction <add>, %convert_element_type3A_1177, %reduce_sum3A_1178 [0] : vector<256x128xf32> to vector<128xf32>
    %broadcast_in_dim3A_1180 = vector.shape_cast %reduce_sum3A_1179 : vector<128xf32> to vector<1x128xf32>
    %dot_general3A_1181 = arith.constant dense<0.000000e+00> : vector<1x128xf32>
    %dot_general3A_1182 = tpu.matmul %broadcast_in_dim3A_1180, %broadcast_in_dim3A_13, %dot_general3A_1181 {dimension_numbers = #tpu.dot_dimension_numbers<[1], [0], [0], [1], [0, 0, 1, 1], [], []>, transpose_lhs_hint = false} : vector<1x128xf32>, vector<128x128xf32>, vector<1x128xf32> -> vector<1x128xf32>
    %ge3A_1183 = vector.broadcast %convert_element_type3A : f32 to vector<1x128xf32>
    %ge3A_1184 = arith.cmpf oge, %dot_general3A_1182, %ge3A_1183 : vector<1x128xf32>
    %select_n3A_1185 = arith.select %ge3A_1184, %or3A_1173, %select_n3A_1118 : vector<1x128xi1>, vector<1x128xi32>
    %shift_left3A_1186 = arith.constant 1 : i32
    %shift_left3A_1187 = arith.shli %shift_left3A_1186, %sub3A_1169 : i32
    %or3A_1188 = vector.broadcast %shift_left3A_1187 : i32 to vector<1x128xi32>
    %or3A_1189 = arith.ori %select_n3A_1134, %or3A_1188 : vector<1x128xi32>
    %ge3A_1190 = vector.broadcast %or3A_1189 : vector<1x128xi32> to vector<256x128xi32>
    %ge3A_1191 = arith.cmpi uge, %slice3A_14, %ge3A_1190 : vector<256x128xi32>
    %convert_element_type3A_1192 = arith.extui %ge3A_1191 : vector<256x128xi1> to vector<256x128xi32>
    %convert_element_type3A_1193 = arith.sitofp %convert_element_type3A_1192 : vector<256x128xi32> to vector<256x128xf32>
    %reduce_sum3A_1194 = arith.constant dense<0.000000e+00> : vector<128xf32>
    %reduce_sum3A_1195 = vector.multi_reduction <add>, %convert_element_type3A_1193, %reduce_sum3A_1194 [0] : vector<256x128xf32> to vector<128xf32>
    %broadcast_in_dim3A_1196 = vector.shape_cast %reduce_sum3A_1195 : vector<128xf32> to vector<1x128xf32>
    %dot_general3A_1197 = arith.constant dense<0.000000e+00> : vector<1x128xf32>
    %dot_general3A_1198 = tpu.matmul %broadcast_in_dim3A_1196, %broadcast_in_dim3A_13, %dot_general3A_1197 {dimension_numbers = #tpu.dot_dimension_numbers<[1], [0], [0], [1], [0, 0, 1, 1], [], []>, transpose_lhs_hint = false} : vector<1x128xf32>, vector<128x128xf32>, vector<1x128xf32> -> vector<1x128xf32>
    %ge3A_1199 = vector.broadcast %convert_element_type3A_21 : f32 to vector<1x128xf32>
    %ge3A_1200 = arith.cmpf oge, %dot_general3A_1198, %ge3A_1199 : vector<1x128xf32>
    %select_n3A_1201 = arith.select %ge3A_1200, %or3A_1189, %select_n3A_1134 : vector<1x128xi1>, vector<1x128xi32>
    %shift_left3A_1202 = arith.constant 1 : i32
    %shift_left3A_1203 = arith.shli %shift_left3A_1202, %sub3A_1169 : i32
    %or3A_1204 = vector.broadcast %shift_left3A_1203 : i32 to vector<1x128xi32>
    %or3A_1205 = arith.ori %select_n3A_1150, %or3A_1204 : vector<1x128xi32>
    %ge3A_1206 = vector.broadcast %or3A_1205 : vector<1x128xi32> to vector<256x128xi32>
    %ge3A_1207 = arith.cmpi uge, %slice3A_15, %ge3A_1206 : vector<256x128xi32>
    %convert_element_type3A_1208 = arith.extui %ge3A_1207 : vector<256x128xi1> to vector<256x128xi32>
    %convert_element_type3A_1209 = arith.sitofp %convert_element_type3A_1208 : vector<256x128xi32> to vector<256x128xf32>
    %reduce_sum3A_1210 = arith.constant dense<0.000000e+00> : vector<128xf32>
    %reduce_sum3A_1211 = vector.multi_reduction <add>, %convert_element_type3A_1209, %reduce_sum3A_1210 [0] : vector<256x128xf32> to vector<128xf32>
    %broadcast_in_dim3A_1212 = vector.shape_cast %reduce_sum3A_1211 : vector<128xf32> to vector<1x128xf32>
    %dot_general3A_1213 = arith.constant dense<0.000000e+00> : vector<1x128xf32>
    %dot_general3A_1214 = tpu.matmul %broadcast_in_dim3A_1212, %broadcast_in_dim3A_13, %dot_general3A_1213 {dimension_numbers = #tpu.dot_dimension_numbers<[1], [0], [0], [1], [0, 0, 1, 1], [], []>, transpose_lhs_hint = false} : vector<1x128xf32>, vector<128x128xf32>, vector<1x128xf32> -> vector<1x128xf32>
    %ge3A_1215 = vector.broadcast %convert_element_type3A_24 : f32 to vector<1x128xf32>
    %ge3A_1216 = arith.cmpf oge, %dot_general3A_1214, %ge3A_1215 : vector<1x128xf32>
    %select_n3A_1217 = arith.select %ge3A_1216, %or3A_1205, %select_n3A_1150 : vector<1x128xi1>, vector<1x128xi32>
    %shift_left3A_1218 = arith.constant 1 : i32
    %shift_left3A_1219 = arith.shli %shift_left3A_1218, %sub3A_1169 : i32
    %or3A_1220 = vector.broadcast %shift_left3A_1219 : i32 to vector<1x128xi32>
    %or3A_1221 = arith.ori %select_n3A_1166, %or3A_1220 : vector<1x128xi32>
    %ge3A_1222 = vector.broadcast %or3A_1221 : vector<1x128xi32> to vector<256x128xi32>
    %ge3A_1223 = arith.cmpi uge, %slice3A_16, %ge3A_1222 : vector<256x128xi32>
    %convert_element_type3A_1224 = arith.extui %ge3A_1223 : vector<256x128xi1> to vector<256x128xi32>
    %convert_element_type3A_1225 = arith.sitofp %convert_element_type3A_1224 : vector<256x128xi32> to vector<256x128xf32>
    %reduce_sum3A_1226 = arith.constant dense<0.000000e+00> : vector<128xf32>
    %reduce_sum3A_1227 = vector.multi_reduction <add>, %convert_element_type3A_1225, %reduce_sum3A_1226 [0] : vector<256x128xf32> to vector<128xf32>
    %broadcast_in_dim3A_1228 = vector.shape_cast %reduce_sum3A_1227 : vector<128xf32> to vector<1x128xf32>
    %dot_general3A_1229 = arith.constant dense<0.000000e+00> : vector<1x128xf32>
    %dot_general3A_1230 = tpu.matmul %broadcast_in_dim3A_1228, %broadcast_in_dim3A_13, %dot_general3A_1229 {dimension_numbers = #tpu.dot_dimension_numbers<[1], [0], [0], [1], [0, 0, 1, 1], [], []>, transpose_lhs_hint = false} : vector<1x128xf32>, vector<128x128xf32>, vector<1x128xf32> -> vector<1x128xf32>
    %ge3A_1231 = vector.broadcast %convert_element_type3A_27 : f32 to vector<1x128xf32>
    %ge3A_1232 = arith.cmpf oge, %dot_general3A_1230, %ge3A_1231 : vector<1x128xf32>
    %select_n3A_1233 = arith.select %ge3A_1232, %or3A_1221, %select_n3A_1166 : vector<1x128xi1>, vector<1x128xi32>
    %scan3A_1234 = arith.constant 18 : i32
    %sub3A_1235 = arith.constant 31 : i32
    %sub3A_1236 = arith.subi %sub3A_1235, %scan3A_1234 : i32
    %shift_left3A_1237 = arith.constant 1 : i32
    %shift_left3A_1238 = arith.shli %shift_left3A_1237, %sub3A_1236 : i32
    %or3A_1239 = vector.broadcast %shift_left3A_1238 : i32 to vector<1x128xi32>
    %or3A_1240 = arith.ori %select_n3A_1185, %or3A_1239 : vector<1x128xi32>
    %ge3A_1241 = vector.broadcast %or3A_1240 : vector<1x128xi32> to vector<256x128xi32>
    %ge3A_1242 = arith.cmpi uge, %slice3A, %ge3A_1241 : vector<256x128xi32>
    %convert_element_type3A_1243 = arith.extui %ge3A_1242 : vector<256x128xi1> to vector<256x128xi32>
    %convert_element_type3A_1244 = arith.sitofp %convert_element_type3A_1243 : vector<256x128xi32> to vector<256x128xf32>
    %reduce_sum3A_1245 = arith.constant dense<0.000000e+00> : vector<128xf32>
    %reduce_sum3A_1246 = vector.multi_reduction <add>, %convert_element_type3A_1244, %reduce_sum3A_1245 [0] : vector<256x128xf32> to vector<128xf32>
    %broadcast_in_dim3A_1247 = vector.shape_cast %reduce_sum3A_1246 : vector<128xf32> to vector<1x128xf32>
    %dot_general3A_1248 = arith.constant dense<0.000000e+00> : vector<1x128xf32>
    %dot_general3A_1249 = tpu.matmul %broadcast_in_dim3A_1247, %broadcast_in_dim3A_13, %dot_general3A_1248 {dimension_numbers = #tpu.dot_dimension_numbers<[1], [0], [0], [1], [0, 0, 1, 1], [], []>, transpose_lhs_hint = false} : vector<1x128xf32>, vector<128x128xf32>, vector<1x128xf32> -> vector<1x128xf32>
    %ge3A_1250 = vector.broadcast %convert_element_type3A : f32 to vector<1x128xf32>
    %ge3A_1251 = arith.cmpf oge, %dot_general3A_1249, %ge3A_1250 : vector<1x128xf32>
    %select_n3A_1252 = arith.select %ge3A_1251, %or3A_1240, %select_n3A_1185 : vector<1x128xi1>, vector<1x128xi32>
    %shift_left3A_1253 = arith.constant 1 : i32
    %shift_left3A_1254 = arith.shli %shift_left3A_1253, %sub3A_1236 : i32
    %or3A_1255 = vector.broadcast %shift_left3A_1254 : i32 to vector<1x128xi32>
    %or3A_1256 = arith.ori %select_n3A_1201, %or3A_1255 : vector<1x128xi32>
    %ge3A_1257 = vector.broadcast %or3A_1256 : vector<1x128xi32> to vector<256x128xi32>
    %ge3A_1258 = arith.cmpi uge, %slice3A_14, %ge3A_1257 : vector<256x128xi32>
    %convert_element_type3A_1259 = arith.extui %ge3A_1258 : vector<256x128xi1> to vector<256x128xi32>
    %convert_element_type3A_1260 = arith.sitofp %convert_element_type3A_1259 : vector<256x128xi32> to vector<256x128xf32>
    %reduce_sum3A_1261 = arith.constant dense<0.000000e+00> : vector<128xf32>
    %reduce_sum3A_1262 = vector.multi_reduction <add>, %convert_element_type3A_1260, %reduce_sum3A_1261 [0] : vector<256x128xf32> to vector<128xf32>
    %broadcast_in_dim3A_1263 = vector.shape_cast %reduce_sum3A_1262 : vector<128xf32> to vector<1x128xf32>
    %dot_general3A_1264 = arith.constant dense<0.000000e+00> : vector<1x128xf32>
    %dot_general3A_1265 = tpu.matmul %broadcast_in_dim3A_1263, %broadcast_in_dim3A_13, %dot_general3A_1264 {dimension_numbers = #tpu.dot_dimension_numbers<[1], [0], [0], [1], [0, 0, 1, 1], [], []>, transpose_lhs_hint = false} : vector<1x128xf32>, vector<128x128xf32>, vector<1x128xf32> -> vector<1x128xf32>
    %ge3A_1266 = vector.broadcast %convert_element_type3A_21 : f32 to vector<1x128xf32>
    %ge3A_1267 = arith.cmpf oge, %dot_general3A_1265, %ge3A_1266 : vector<1x128xf32>
    %select_n3A_1268 = arith.select %ge3A_1267, %or3A_1256, %select_n3A_1201 : vector<1x128xi1>, vector<1x128xi32>
    %shift_left3A_1269 = arith.constant 1 : i32
    %shift_left3A_1270 = arith.shli %shift_left3A_1269, %sub3A_1236 : i32
    %or3A_1271 = vector.broadcast %shift_left3A_1270 : i32 to vector<1x128xi32>
    %or3A_1272 = arith.ori %select_n3A_1217, %or3A_1271 : vector<1x128xi32>
    %ge3A_1273 = vector.broadcast %or3A_1272 : vector<1x128xi32> to vector<256x128xi32>
    %ge3A_1274 = arith.cmpi uge, %slice3A_15, %ge3A_1273 : vector<256x128xi32>
    %convert_element_type3A_1275 = arith.extui %ge3A_1274 : vector<256x128xi1> to vector<256x128xi32>
    %convert_element_type3A_1276 = arith.sitofp %convert_element_type3A_1275 : vector<256x128xi32> to vector<256x128xf32>
    %reduce_sum3A_1277 = arith.constant dense<0.000000e+00> : vector<128xf32>
    %reduce_sum3A_1278 = vector.multi_reduction <add>, %convert_element_type3A_1276, %reduce_sum3A_1277 [0] : vector<256x128xf32> to vector<128xf32>
    %broadcast_in_dim3A_1279 = vector.shape_cast %reduce_sum3A_1278 : vector<128xf32> to vector<1x128xf32>
    %dot_general3A_1280 = arith.constant dense<0.000000e+00> : vector<1x128xf32>
    %dot_general3A_1281 = tpu.matmul %broadcast_in_dim3A_1279, %broadcast_in_dim3A_13, %dot_general3A_1280 {dimension_numbers = #tpu.dot_dimension_numbers<[1], [0], [0], [1], [0, 0, 1, 1], [], []>, transpose_lhs_hint = false} : vector<1x128xf32>, vector<128x128xf32>, vector<1x128xf32> -> vector<1x128xf32>
    %ge3A_1282 = vector.broadcast %convert_element_type3A_24 : f32 to vector<1x128xf32>
    %ge3A_1283 = arith.cmpf oge, %dot_general3A_1281, %ge3A_1282 : vector<1x128xf32>
    %select_n3A_1284 = arith.select %ge3A_1283, %or3A_1272, %select_n3A_1217 : vector<1x128xi1>, vector<1x128xi32>
    %shift_left3A_1285 = arith.constant 1 : i32
    %shift_left3A_1286 = arith.shli %shift_left3A_1285, %sub3A_1236 : i32
    %or3A_1287 = vector.broadcast %shift_left3A_1286 : i32 to vector<1x128xi32>
    %or3A_1288 = arith.ori %select_n3A_1233, %or3A_1287 : vector<1x128xi32>
    %ge3A_1289 = vector.broadcast %or3A_1288 : vector<1x128xi32> to vector<256x128xi32>
    %ge3A_1290 = arith.cmpi uge, %slice3A_16, %ge3A_1289 : vector<256x128xi32>
    %convert_element_type3A_1291 = arith.extui %ge3A_1290 : vector<256x128xi1> to vector<256x128xi32>
    %convert_element_type3A_1292 = arith.sitofp %convert_element_type3A_1291 : vector<256x128xi32> to vector<256x128xf32>
    %reduce_sum3A_1293 = arith.constant dense<0.000000e+00> : vector<128xf32>
    %reduce_sum3A_1294 = vector.multi_reduction <add>, %convert_element_type3A_1292, %reduce_sum3A_1293 [0] : vector<256x128xf32> to vector<128xf32>
    %broadcast_in_dim3A_1295 = vector.shape_cast %reduce_sum3A_1294 : vector<128xf32> to vector<1x128xf32>
    %dot_general3A_1296 = arith.constant dense<0.000000e+00> : vector<1x128xf32>
    %dot_general3A_1297 = tpu.matmul %broadcast_in_dim3A_1295, %broadcast_in_dim3A_13, %dot_general3A_1296 {dimension_numbers = #tpu.dot_dimension_numbers<[1], [0], [0], [1], [0, 0, 1, 1], [], []>, transpose_lhs_hint = false} : vector<1x128xf32>, vector<128x128xf32>, vector<1x128xf32> -> vector<1x128xf32>
    %ge3A_1298 = vector.broadcast %convert_element_type3A_27 : f32 to vector<1x128xf32>
    %ge3A_1299 = arith.cmpf oge, %dot_general3A_1297, %ge3A_1298 : vector<1x128xf32>
    %select_n3A_1300 = arith.select %ge3A_1299, %or3A_1288, %select_n3A_1233 : vector<1x128xi1>, vector<1x128xi32>
    %scan3A_1301 = arith.constant 19 : i32
    %sub3A_1302 = arith.constant 31 : i32
    %sub3A_1303 = arith.subi %sub3A_1302, %scan3A_1301 : i32
    %shift_left3A_1304 = arith.constant 1 : i32
    %shift_left3A_1305 = arith.shli %shift_left3A_1304, %sub3A_1303 : i32
    %or3A_1306 = vector.broadcast %shift_left3A_1305 : i32 to vector<1x128xi32>
    %or3A_1307 = arith.ori %select_n3A_1252, %or3A_1306 : vector<1x128xi32>
    %ge3A_1308 = vector.broadcast %or3A_1307 : vector<1x128xi32> to vector<256x128xi32>
    %ge3A_1309 = arith.cmpi uge, %slice3A, %ge3A_1308 : vector<256x128xi32>
    %convert_element_type3A_1310 = arith.extui %ge3A_1309 : vector<256x128xi1> to vector<256x128xi32>
    %convert_element_type3A_1311 = arith.sitofp %convert_element_type3A_1310 : vector<256x128xi32> to vector<256x128xf32>
    %reduce_sum3A_1312 = arith.constant dense<0.000000e+00> : vector<128xf32>
    %reduce_sum3A_1313 = vector.multi_reduction <add>, %convert_element_type3A_1311, %reduce_sum3A_1312 [0] : vector<256x128xf32> to vector<128xf32>
    %broadcast_in_dim3A_1314 = vector.shape_cast %reduce_sum3A_1313 : vector<128xf32> to vector<1x128xf32>
    %dot_general3A_1315 = arith.constant dense<0.000000e+00> : vector<1x128xf32>
    %dot_general3A_1316 = tpu.matmul %broadcast_in_dim3A_1314, %broadcast_in_dim3A_13, %dot_general3A_1315 {dimension_numbers = #tpu.dot_dimension_numbers<[1], [0], [0], [1], [0, 0, 1, 1], [], []>, transpose_lhs_hint = false} : vector<1x128xf32>, vector<128x128xf32>, vector<1x128xf32> -> vector<1x128xf32>
    %ge3A_1317 = vector.broadcast %convert_element_type3A : f32 to vector<1x128xf32>
    %ge3A_1318 = arith.cmpf oge, %dot_general3A_1316, %ge3A_1317 : vector<1x128xf32>
    %select_n3A_1319 = arith.select %ge3A_1318, %or3A_1307, %select_n3A_1252 : vector<1x128xi1>, vector<1x128xi32>
    %shift_left3A_1320 = arith.constant 1 : i32
    %shift_left3A_1321 = arith.shli %shift_left3A_1320, %sub3A_1303 : i32
    %or3A_1322 = vector.broadcast %shift_left3A_1321 : i32 to vector<1x128xi32>
    %or3A_1323 = arith.ori %select_n3A_1268, %or3A_1322 : vector<1x128xi32>
    %ge3A_1324 = vector.broadcast %or3A_1323 : vector<1x128xi32> to vector<256x128xi32>
    %ge3A_1325 = arith.cmpi uge, %slice3A_14, %ge3A_1324 : vector<256x128xi32>
    %convert_element_type3A_1326 = arith.extui %ge3A_1325 : vector<256x128xi1> to vector<256x128xi32>
    %convert_element_type3A_1327 = arith.sitofp %convert_element_type3A_1326 : vector<256x128xi32> to vector<256x128xf32>
    %reduce_sum3A_1328 = arith.constant dense<0.000000e+00> : vector<128xf32>
    %reduce_sum3A_1329 = vector.multi_reduction <add>, %convert_element_type3A_1327, %reduce_sum3A_1328 [0] : vector<256x128xf32> to vector<128xf32>
    %broadcast_in_dim3A_1330 = vector.shape_cast %reduce_sum3A_1329 : vector<128xf32> to vector<1x128xf32>
    %dot_general3A_1331 = arith.constant dense<0.000000e+00> : vector<1x128xf32>
    %dot_general3A_1332 = tpu.matmul %broadcast_in_dim3A_1330, %broadcast_in_dim3A_13, %dot_general3A_1331 {dimension_numbers = #tpu.dot_dimension_numbers<[1], [0], [0], [1], [0, 0, 1, 1], [], []>, transpose_lhs_hint = false} : vector<1x128xf32>, vector<128x128xf32>, vector<1x128xf32> -> vector<1x128xf32>
    %ge3A_1333 = vector.broadcast %convert_element_type3A_21 : f32 to vector<1x128xf32>
    %ge3A_1334 = arith.cmpf oge, %dot_general3A_1332, %ge3A_1333 : vector<1x128xf32>
    %select_n3A_1335 = arith.select %ge3A_1334, %or3A_1323, %select_n3A_1268 : vector<1x128xi1>, vector<1x128xi32>
    %shift_left3A_1336 = arith.constant 1 : i32
    %shift_left3A_1337 = arith.shli %shift_left3A_1336, %sub3A_1303 : i32
    %or3A_1338 = vector.broadcast %shift_left3A_1337 : i32 to vector<1x128xi32>
    %or3A_1339 = arith.ori %select_n3A_1284, %or3A_1338 : vector<1x128xi32>
    %ge3A_1340 = vector.broadcast %or3A_1339 : vector<1x128xi32> to vector<256x128xi32>
    %ge3A_1341 = arith.cmpi uge, %slice3A_15, %ge3A_1340 : vector<256x128xi32>
    %convert_element_type3A_1342 = arith.extui %ge3A_1341 : vector<256x128xi1> to vector<256x128xi32>
    %convert_element_type3A_1343 = arith.sitofp %convert_element_type3A_1342 : vector<256x128xi32> to vector<256x128xf32>
    %reduce_sum3A_1344 = arith.constant dense<0.000000e+00> : vector<128xf32>
    %reduce_sum3A_1345 = vector.multi_reduction <add>, %convert_element_type3A_1343, %reduce_sum3A_1344 [0] : vector<256x128xf32> to vector<128xf32>
    %broadcast_in_dim3A_1346 = vector.shape_cast %reduce_sum3A_1345 : vector<128xf32> to vector<1x128xf32>
    %dot_general3A_1347 = arith.constant dense<0.000000e+00> : vector<1x128xf32>
    %dot_general3A_1348 = tpu.matmul %broadcast_in_dim3A_1346, %broadcast_in_dim3A_13, %dot_general3A_1347 {dimension_numbers = #tpu.dot_dimension_numbers<[1], [0], [0], [1], [0, 0, 1, 1], [], []>, transpose_lhs_hint = false} : vector<1x128xf32>, vector<128x128xf32>, vector<1x128xf32> -> vector<1x128xf32>
    %ge3A_1349 = vector.broadcast %convert_element_type3A_24 : f32 to vector<1x128xf32>
    %ge3A_1350 = arith.cmpf oge, %dot_general3A_1348, %ge3A_1349 : vector<1x128xf32>
    %select_n3A_1351 = arith.select %ge3A_1350, %or3A_1339, %select_n3A_1284 : vector<1x128xi1>, vector<1x128xi32>
    %shift_left3A_1352 = arith.constant 1 : i32
    %shift_left3A_1353 = arith.shli %shift_left3A_1352, %sub3A_1303 : i32
    %or3A_1354 = vector.broadcast %shift_left3A_1353 : i32 to vector<1x128xi32>
    %or3A_1355 = arith.ori %select_n3A_1300, %or3A_1354 : vector<1x128xi32>
    %ge3A_1356 = vector.broadcast %or3A_1355 : vector<1x128xi32> to vector<256x128xi32>
    %ge3A_1357 = arith.cmpi uge, %slice3A_16, %ge3A_1356 : vector<256x128xi32>
    %convert_element_type3A_1358 = arith.extui %ge3A_1357 : vector<256x128xi1> to vector<256x128xi32>
    %convert_element_type3A_1359 = arith.sitofp %convert_element_type3A_1358 : vector<256x128xi32> to vector<256x128xf32>
    %reduce_sum3A_1360 = arith.constant dense<0.000000e+00> : vector<128xf32>
    %reduce_sum3A_1361 = vector.multi_reduction <add>, %convert_element_type3A_1359, %reduce_sum3A_1360 [0] : vector<256x128xf32> to vector<128xf32>
    %broadcast_in_dim3A_1362 = vector.shape_cast %reduce_sum3A_1361 : vector<128xf32> to vector<1x128xf32>
    %dot_general3A_1363 = arith.constant dense<0.000000e+00> : vector<1x128xf32>
    %dot_general3A_1364 = tpu.matmul %broadcast_in_dim3A_1362, %broadcast_in_dim3A_13, %dot_general3A_1363 {dimension_numbers = #tpu.dot_dimension_numbers<[1], [0], [0], [1], [0, 0, 1, 1], [], []>, transpose_lhs_hint = false} : vector<1x128xf32>, vector<128x128xf32>, vector<1x128xf32> -> vector<1x128xf32>
    %ge3A_1365 = vector.broadcast %convert_element_type3A_27 : f32 to vector<1x128xf32>
    %ge3A_1366 = arith.cmpf oge, %dot_general3A_1364, %ge3A_1365 : vector<1x128xf32>
    %select_n3A_1367 = arith.select %ge3A_1366, %or3A_1355, %select_n3A_1300 : vector<1x128xi1>, vector<1x128xi32>
    %scan3A_1368 = arith.constant 20 : i32
    %sub3A_1369 = arith.constant 31 : i32
    %sub3A_1370 = arith.subi %sub3A_1369, %scan3A_1368 : i32
    %shift_left3A_1371 = arith.constant 1 : i32
    %shift_left3A_1372 = arith.shli %shift_left3A_1371, %sub3A_1370 : i32
    %or3A_1373 = vector.broadcast %shift_left3A_1372 : i32 to vector<1x128xi32>
    %or3A_1374 = arith.ori %select_n3A_1319, %or3A_1373 : vector<1x128xi32>
    %ge3A_1375 = vector.broadcast %or3A_1374 : vector<1x128xi32> to vector<256x128xi32>
    %ge3A_1376 = arith.cmpi uge, %slice3A, %ge3A_1375 : vector<256x128xi32>
    %convert_element_type3A_1377 = arith.extui %ge3A_1376 : vector<256x128xi1> to vector<256x128xi32>
    %convert_element_type3A_1378 = arith.sitofp %convert_element_type3A_1377 : vector<256x128xi32> to vector<256x128xf32>
    %reduce_sum3A_1379 = arith.constant dense<0.000000e+00> : vector<128xf32>
    %reduce_sum3A_1380 = vector.multi_reduction <add>, %convert_element_type3A_1378, %reduce_sum3A_1379 [0] : vector<256x128xf32> to vector<128xf32>
    %broadcast_in_dim3A_1381 = vector.shape_cast %reduce_sum3A_1380 : vector<128xf32> to vector<1x128xf32>
    %dot_general3A_1382 = arith.constant dense<0.000000e+00> : vector<1x128xf32>
    %dot_general3A_1383 = tpu.matmul %broadcast_in_dim3A_1381, %broadcast_in_dim3A_13, %dot_general3A_1382 {dimension_numbers = #tpu.dot_dimension_numbers<[1], [0], [0], [1], [0, 0, 1, 1], [], []>, transpose_lhs_hint = false} : vector<1x128xf32>, vector<128x128xf32>, vector<1x128xf32> -> vector<1x128xf32>
    %ge3A_1384 = vector.broadcast %convert_element_type3A : f32 to vector<1x128xf32>
    %ge3A_1385 = arith.cmpf oge, %dot_general3A_1383, %ge3A_1384 : vector<1x128xf32>
    %select_n3A_1386 = arith.select %ge3A_1385, %or3A_1374, %select_n3A_1319 : vector<1x128xi1>, vector<1x128xi32>
    %shift_left3A_1387 = arith.constant 1 : i32
    %shift_left3A_1388 = arith.shli %shift_left3A_1387, %sub3A_1370 : i32
    %or3A_1389 = vector.broadcast %shift_left3A_1388 : i32 to vector<1x128xi32>
    %or3A_1390 = arith.ori %select_n3A_1335, %or3A_1389 : vector<1x128xi32>
    %ge3A_1391 = vector.broadcast %or3A_1390 : vector<1x128xi32> to vector<256x128xi32>
    %ge3A_1392 = arith.cmpi uge, %slice3A_14, %ge3A_1391 : vector<256x128xi32>
    %convert_element_type3A_1393 = arith.extui %ge3A_1392 : vector<256x128xi1> to vector<256x128xi32>
    %convert_element_type3A_1394 = arith.sitofp %convert_element_type3A_1393 : vector<256x128xi32> to vector<256x128xf32>
    %reduce_sum3A_1395 = arith.constant dense<0.000000e+00> : vector<128xf32>
    %reduce_sum3A_1396 = vector.multi_reduction <add>, %convert_element_type3A_1394, %reduce_sum3A_1395 [0] : vector<256x128xf32> to vector<128xf32>
    %broadcast_in_dim3A_1397 = vector.shape_cast %reduce_sum3A_1396 : vector<128xf32> to vector<1x128xf32>
    %dot_general3A_1398 = arith.constant dense<0.000000e+00> : vector<1x128xf32>
    %dot_general3A_1399 = tpu.matmul %broadcast_in_dim3A_1397, %broadcast_in_dim3A_13, %dot_general3A_1398 {dimension_numbers = #tpu.dot_dimension_numbers<[1], [0], [0], [1], [0, 0, 1, 1], [], []>, transpose_lhs_hint = false} : vector<1x128xf32>, vector<128x128xf32>, vector<1x128xf32> -> vector<1x128xf32>
    %ge3A_1400 = vector.broadcast %convert_element_type3A_21 : f32 to vector<1x128xf32>
    %ge3A_1401 = arith.cmpf oge, %dot_general3A_1399, %ge3A_1400 : vector<1x128xf32>
    %select_n3A_1402 = arith.select %ge3A_1401, %or3A_1390, %select_n3A_1335 : vector<1x128xi1>, vector<1x128xi32>
    %shift_left3A_1403 = arith.constant 1 : i32
    %shift_left3A_1404 = arith.shli %shift_left3A_1403, %sub3A_1370 : i32
    %or3A_1405 = vector.broadcast %shift_left3A_1404 : i32 to vector<1x128xi32>
    %or3A_1406 = arith.ori %select_n3A_1351, %or3A_1405 : vector<1x128xi32>
    %ge3A_1407 = vector.broadcast %or3A_1406 : vector<1x128xi32> to vector<256x128xi32>
    %ge3A_1408 = arith.cmpi uge, %slice3A_15, %ge3A_1407 : vector<256x128xi32>
    %convert_element_type3A_1409 = arith.extui %ge3A_1408 : vector<256x128xi1> to vector<256x128xi32>
    %convert_element_type3A_1410 = arith.sitofp %convert_element_type3A_1409 : vector<256x128xi32> to vector<256x128xf32>
    %reduce_sum3A_1411 = arith.constant dense<0.000000e+00> : vector<128xf32>
    %reduce_sum3A_1412 = vector.multi_reduction <add>, %convert_element_type3A_1410, %reduce_sum3A_1411 [0] : vector<256x128xf32> to vector<128xf32>
    %broadcast_in_dim3A_1413 = vector.shape_cast %reduce_sum3A_1412 : vector<128xf32> to vector<1x128xf32>
    %dot_general3A_1414 = arith.constant dense<0.000000e+00> : vector<1x128xf32>
    %dot_general3A_1415 = tpu.matmul %broadcast_in_dim3A_1413, %broadcast_in_dim3A_13, %dot_general3A_1414 {dimension_numbers = #tpu.dot_dimension_numbers<[1], [0], [0], [1], [0, 0, 1, 1], [], []>, transpose_lhs_hint = false} : vector<1x128xf32>, vector<128x128xf32>, vector<1x128xf32> -> vector<1x128xf32>
    %ge3A_1416 = vector.broadcast %convert_element_type3A_24 : f32 to vector<1x128xf32>
    %ge3A_1417 = arith.cmpf oge, %dot_general3A_1415, %ge3A_1416 : vector<1x128xf32>
    %select_n3A_1418 = arith.select %ge3A_1417, %or3A_1406, %select_n3A_1351 : vector<1x128xi1>, vector<1x128xi32>
    %shift_left3A_1419 = arith.constant 1 : i32
    %shift_left3A_1420 = arith.shli %shift_left3A_1419, %sub3A_1370 : i32
    %or3A_1421 = vector.broadcast %shift_left3A_1420 : i32 to vector<1x128xi32>
    %or3A_1422 = arith.ori %select_n3A_1367, %or3A_1421 : vector<1x128xi32>
    %ge3A_1423 = vector.broadcast %or3A_1422 : vector<1x128xi32> to vector<256x128xi32>
    %ge3A_1424 = arith.cmpi uge, %slice3A_16, %ge3A_1423 : vector<256x128xi32>
    %convert_element_type3A_1425 = arith.extui %ge3A_1424 : vector<256x128xi1> to vector<256x128xi32>
    %convert_element_type3A_1426 = arith.sitofp %convert_element_type3A_1425 : vector<256x128xi32> to vector<256x128xf32>
    %reduce_sum3A_1427 = arith.constant dense<0.000000e+00> : vector<128xf32>
    %reduce_sum3A_1428 = vector.multi_reduction <add>, %convert_element_type3A_1426, %reduce_sum3A_1427 [0] : vector<256x128xf32> to vector<128xf32>
    %broadcast_in_dim3A_1429 = vector.shape_cast %reduce_sum3A_1428 : vector<128xf32> to vector<1x128xf32>
    %dot_general3A_1430 = arith.constant dense<0.000000e+00> : vector<1x128xf32>
    %dot_general3A_1431 = tpu.matmul %broadcast_in_dim3A_1429, %broadcast_in_dim3A_13, %dot_general3A_1430 {dimension_numbers = #tpu.dot_dimension_numbers<[1], [0], [0], [1], [0, 0, 1, 1], [], []>, transpose_lhs_hint = false} : vector<1x128xf32>, vector<128x128xf32>, vector<1x128xf32> -> vector<1x128xf32>
    %ge3A_1432 = vector.broadcast %convert_element_type3A_27 : f32 to vector<1x128xf32>
    %ge3A_1433 = arith.cmpf oge, %dot_general3A_1431, %ge3A_1432 : vector<1x128xf32>
    %select_n3A_1434 = arith.select %ge3A_1433, %or3A_1422, %select_n3A_1367 : vector<1x128xi1>, vector<1x128xi32>
    %scan3A_1435 = arith.constant 21 : i32
    %sub3A_1436 = arith.constant 31 : i32
    %sub3A_1437 = arith.subi %sub3A_1436, %scan3A_1435 : i32
    %shift_left3A_1438 = arith.constant 1 : i32
    %shift_left3A_1439 = arith.shli %shift_left3A_1438, %sub3A_1437 : i32
    %or3A_1440 = vector.broadcast %shift_left3A_1439 : i32 to vector<1x128xi32>
    %or3A_1441 = arith.ori %select_n3A_1386, %or3A_1440 : vector<1x128xi32>
    %ge3A_1442 = vector.broadcast %or3A_1441 : vector<1x128xi32> to vector<256x128xi32>
    %ge3A_1443 = arith.cmpi uge, %slice3A, %ge3A_1442 : vector<256x128xi32>
    %convert_element_type3A_1444 = arith.extui %ge3A_1443 : vector<256x128xi1> to vector<256x128xi32>
    %convert_element_type3A_1445 = arith.sitofp %convert_element_type3A_1444 : vector<256x128xi32> to vector<256x128xf32>
    %reduce_sum3A_1446 = arith.constant dense<0.000000e+00> : vector<128xf32>
    %reduce_sum3A_1447 = vector.multi_reduction <add>, %convert_element_type3A_1445, %reduce_sum3A_1446 [0] : vector<256x128xf32> to vector<128xf32>
    %broadcast_in_dim3A_1448 = vector.shape_cast %reduce_sum3A_1447 : vector<128xf32> to vector<1x128xf32>
    %dot_general3A_1449 = arith.constant dense<0.000000e+00> : vector<1x128xf32>
    %dot_general3A_1450 = tpu.matmul %broadcast_in_dim3A_1448, %broadcast_in_dim3A_13, %dot_general3A_1449 {dimension_numbers = #tpu.dot_dimension_numbers<[1], [0], [0], [1], [0, 0, 1, 1], [], []>, transpose_lhs_hint = false} : vector<1x128xf32>, vector<128x128xf32>, vector<1x128xf32> -> vector<1x128xf32>
    %ge3A_1451 = vector.broadcast %convert_element_type3A : f32 to vector<1x128xf32>
    %ge3A_1452 = arith.cmpf oge, %dot_general3A_1450, %ge3A_1451 : vector<1x128xf32>
    %select_n3A_1453 = arith.select %ge3A_1452, %or3A_1441, %select_n3A_1386 : vector<1x128xi1>, vector<1x128xi32>
    %shift_left3A_1454 = arith.constant 1 : i32
    %shift_left3A_1455 = arith.shli %shift_left3A_1454, %sub3A_1437 : i32
    %or3A_1456 = vector.broadcast %shift_left3A_1455 : i32 to vector<1x128xi32>
    %or3A_1457 = arith.ori %select_n3A_1402, %or3A_1456 : vector<1x128xi32>
    %ge3A_1458 = vector.broadcast %or3A_1457 : vector<1x128xi32> to vector<256x128xi32>
    %ge3A_1459 = arith.cmpi uge, %slice3A_14, %ge3A_1458 : vector<256x128xi32>
    %convert_element_type3A_1460 = arith.extui %ge3A_1459 : vector<256x128xi1> to vector<256x128xi32>
    %convert_element_type3A_1461 = arith.sitofp %convert_element_type3A_1460 : vector<256x128xi32> to vector<256x128xf32>
    %reduce_sum3A_1462 = arith.constant dense<0.000000e+00> : vector<128xf32>
    %reduce_sum3A_1463 = vector.multi_reduction <add>, %convert_element_type3A_1461, %reduce_sum3A_1462 [0] : vector<256x128xf32> to vector<128xf32>
    %broadcast_in_dim3A_1464 = vector.shape_cast %reduce_sum3A_1463 : vector<128xf32> to vector<1x128xf32>
    %dot_general3A_1465 = arith.constant dense<0.000000e+00> : vector<1x128xf32>
    %dot_general3A_1466 = tpu.matmul %broadcast_in_dim3A_1464, %broadcast_in_dim3A_13, %dot_general3A_1465 {dimension_numbers = #tpu.dot_dimension_numbers<[1], [0], [0], [1], [0, 0, 1, 1], [], []>, transpose_lhs_hint = false} : vector<1x128xf32>, vector<128x128xf32>, vector<1x128xf32> -> vector<1x128xf32>
    %ge3A_1467 = vector.broadcast %convert_element_type3A_21 : f32 to vector<1x128xf32>
    %ge3A_1468 = arith.cmpf oge, %dot_general3A_1466, %ge3A_1467 : vector<1x128xf32>
    %select_n3A_1469 = arith.select %ge3A_1468, %or3A_1457, %select_n3A_1402 : vector<1x128xi1>, vector<1x128xi32>
    %shift_left3A_1470 = arith.constant 1 : i32
    %shift_left3A_1471 = arith.shli %shift_left3A_1470, %sub3A_1437 : i32
    %or3A_1472 = vector.broadcast %shift_left3A_1471 : i32 to vector<1x128xi32>
    %or3A_1473 = arith.ori %select_n3A_1418, %or3A_1472 : vector<1x128xi32>
    %ge3A_1474 = vector.broadcast %or3A_1473 : vector<1x128xi32> to vector<256x128xi32>
    %ge3A_1475 = arith.cmpi uge, %slice3A_15, %ge3A_1474 : vector<256x128xi32>
    %convert_element_type3A_1476 = arith.extui %ge3A_1475 : vector<256x128xi1> to vector<256x128xi32>
    %convert_element_type3A_1477 = arith.sitofp %convert_element_type3A_1476 : vector<256x128xi32> to vector<256x128xf32>
    %reduce_sum3A_1478 = arith.constant dense<0.000000e+00> : vector<128xf32>
    %reduce_sum3A_1479 = vector.multi_reduction <add>, %convert_element_type3A_1477, %reduce_sum3A_1478 [0] : vector<256x128xf32> to vector<128xf32>
    %broadcast_in_dim3A_1480 = vector.shape_cast %reduce_sum3A_1479 : vector<128xf32> to vector<1x128xf32>
    %dot_general3A_1481 = arith.constant dense<0.000000e+00> : vector<1x128xf32>
    %dot_general3A_1482 = tpu.matmul %broadcast_in_dim3A_1480, %broadcast_in_dim3A_13, %dot_general3A_1481 {dimension_numbers = #tpu.dot_dimension_numbers<[1], [0], [0], [1], [0, 0, 1, 1], [], []>, transpose_lhs_hint = false} : vector<1x128xf32>, vector<128x128xf32>, vector<1x128xf32> -> vector<1x128xf32>
    %ge3A_1483 = vector.broadcast %convert_element_type3A_24 : f32 to vector<1x128xf32>
    %ge3A_1484 = arith.cmpf oge, %dot_general3A_1482, %ge3A_1483 : vector<1x128xf32>
    %select_n3A_1485 = arith.select %ge3A_1484, %or3A_1473, %select_n3A_1418 : vector<1x128xi1>, vector<1x128xi32>
    %shift_left3A_1486 = arith.constant 1 : i32
    %shift_left3A_1487 = arith.shli %shift_left3A_1486, %sub3A_1437 : i32
    %or3A_1488 = vector.broadcast %shift_left3A_1487 : i32 to vector<1x128xi32>
    %or3A_1489 = arith.ori %select_n3A_1434, %or3A_1488 : vector<1x128xi32>
    %ge3A_1490 = vector.broadcast %or3A_1489 : vector<1x128xi32> to vector<256x128xi32>
    %ge3A_1491 = arith.cmpi uge, %slice3A_16, %ge3A_1490 : vector<256x128xi32>
    %convert_element_type3A_1492 = arith.extui %ge3A_1491 : vector<256x128xi1> to vector<256x128xi32>
    %convert_element_type3A_1493 = arith.sitofp %convert_element_type3A_1492 : vector<256x128xi32> to vector<256x128xf32>
    %reduce_sum3A_1494 = arith.constant dense<0.000000e+00> : vector<128xf32>
    %reduce_sum3A_1495 = vector.multi_reduction <add>, %convert_element_type3A_1493, %reduce_sum3A_1494 [0] : vector<256x128xf32> to vector<128xf32>
    %broadcast_in_dim3A_1496 = vector.shape_cast %reduce_sum3A_1495 : vector<128xf32> to vector<1x128xf32>
    %dot_general3A_1497 = arith.constant dense<0.000000e+00> : vector<1x128xf32>
    %dot_general3A_1498 = tpu.matmul %broadcast_in_dim3A_1496, %broadcast_in_dim3A_13, %dot_general3A_1497 {dimension_numbers = #tpu.dot_dimension_numbers<[1], [0], [0], [1], [0, 0, 1, 1], [], []>, transpose_lhs_hint = false} : vector<1x128xf32>, vector<128x128xf32>, vector<1x128xf32> -> vector<1x128xf32>
    %ge3A_1499 = vector.broadcast %convert_element_type3A_27 : f32 to vector<1x128xf32>
    %ge3A_1500 = arith.cmpf oge, %dot_general3A_1498, %ge3A_1499 : vector<1x128xf32>
    %select_n3A_1501 = arith.select %ge3A_1500, %or3A_1489, %select_n3A_1434 : vector<1x128xi1>, vector<1x128xi32>
    %scan3A_1502 = arith.constant 22 : i32
    %sub3A_1503 = arith.constant 31 : i32
    %sub3A_1504 = arith.subi %sub3A_1503, %scan3A_1502 : i32
    %shift_left3A_1505 = arith.constant 1 : i32
    %shift_left3A_1506 = arith.shli %shift_left3A_1505, %sub3A_1504 : i32
    %or3A_1507 = vector.broadcast %shift_left3A_1506 : i32 to vector<1x128xi32>
    %or3A_1508 = arith.ori %select_n3A_1453, %or3A_1507 : vector<1x128xi32>
    %ge3A_1509 = vector.broadcast %or3A_1508 : vector<1x128xi32> to vector<256x128xi32>
    %ge3A_1510 = arith.cmpi uge, %slice3A, %ge3A_1509 : vector<256x128xi32>
    %convert_element_type3A_1511 = arith.extui %ge3A_1510 : vector<256x128xi1> to vector<256x128xi32>
    %convert_element_type3A_1512 = arith.sitofp %convert_element_type3A_1511 : vector<256x128xi32> to vector<256x128xf32>
    %reduce_sum3A_1513 = arith.constant dense<0.000000e+00> : vector<128xf32>
    %reduce_sum3A_1514 = vector.multi_reduction <add>, %convert_element_type3A_1512, %reduce_sum3A_1513 [0] : vector<256x128xf32> to vector<128xf32>
    %broadcast_in_dim3A_1515 = vector.shape_cast %reduce_sum3A_1514 : vector<128xf32> to vector<1x128xf32>
    %dot_general3A_1516 = arith.constant dense<0.000000e+00> : vector<1x128xf32>
    %dot_general3A_1517 = tpu.matmul %broadcast_in_dim3A_1515, %broadcast_in_dim3A_13, %dot_general3A_1516 {dimension_numbers = #tpu.dot_dimension_numbers<[1], [0], [0], [1], [0, 0, 1, 1], [], []>, transpose_lhs_hint = false} : vector<1x128xf32>, vector<128x128xf32>, vector<1x128xf32> -> vector<1x128xf32>
    %ge3A_1518 = vector.broadcast %convert_element_type3A : f32 to vector<1x128xf32>
    %ge3A_1519 = arith.cmpf oge, %dot_general3A_1517, %ge3A_1518 : vector<1x128xf32>
    %select_n3A_1520 = arith.select %ge3A_1519, %or3A_1508, %select_n3A_1453 : vector<1x128xi1>, vector<1x128xi32>
    %shift_left3A_1521 = arith.constant 1 : i32
    %shift_left3A_1522 = arith.shli %shift_left3A_1521, %sub3A_1504 : i32
    %or3A_1523 = vector.broadcast %shift_left3A_1522 : i32 to vector<1x128xi32>
    %or3A_1524 = arith.ori %select_n3A_1469, %or3A_1523 : vector<1x128xi32>
    %ge3A_1525 = vector.broadcast %or3A_1524 : vector<1x128xi32> to vector<256x128xi32>
    %ge3A_1526 = arith.cmpi uge, %slice3A_14, %ge3A_1525 : vector<256x128xi32>
    %convert_element_type3A_1527 = arith.extui %ge3A_1526 : vector<256x128xi1> to vector<256x128xi32>
    %convert_element_type3A_1528 = arith.sitofp %convert_element_type3A_1527 : vector<256x128xi32> to vector<256x128xf32>
    %reduce_sum3A_1529 = arith.constant dense<0.000000e+00> : vector<128xf32>
    %reduce_sum3A_1530 = vector.multi_reduction <add>, %convert_element_type3A_1528, %reduce_sum3A_1529 [0] : vector<256x128xf32> to vector<128xf32>
    %broadcast_in_dim3A_1531 = vector.shape_cast %reduce_sum3A_1530 : vector<128xf32> to vector<1x128xf32>
    %dot_general3A_1532 = arith.constant dense<0.000000e+00> : vector<1x128xf32>
    %dot_general3A_1533 = tpu.matmul %broadcast_in_dim3A_1531, %broadcast_in_dim3A_13, %dot_general3A_1532 {dimension_numbers = #tpu.dot_dimension_numbers<[1], [0], [0], [1], [0, 0, 1, 1], [], []>, transpose_lhs_hint = false} : vector<1x128xf32>, vector<128x128xf32>, vector<1x128xf32> -> vector<1x128xf32>
    %ge3A_1534 = vector.broadcast %convert_element_type3A_21 : f32 to vector<1x128xf32>
    %ge3A_1535 = arith.cmpf oge, %dot_general3A_1533, %ge3A_1534 : vector<1x128xf32>
    %select_n3A_1536 = arith.select %ge3A_1535, %or3A_1524, %select_n3A_1469 : vector<1x128xi1>, vector<1x128xi32>
    %shift_left3A_1537 = arith.constant 1 : i32
    %shift_left3A_1538 = arith.shli %shift_left3A_1537, %sub3A_1504 : i32
    %or3A_1539 = vector.broadcast %shift_left3A_1538 : i32 to vector<1x128xi32>
    %or3A_1540 = arith.ori %select_n3A_1485, %or3A_1539 : vector<1x128xi32>
    %ge3A_1541 = vector.broadcast %or3A_1540 : vector<1x128xi32> to vector<256x128xi32>
    %ge3A_1542 = arith.cmpi uge, %slice3A_15, %ge3A_1541 : vector<256x128xi32>
    %convert_element_type3A_1543 = arith.extui %ge3A_1542 : vector<256x128xi1> to vector<256x128xi32>
    %convert_element_type3A_1544 = arith.sitofp %convert_element_type3A_1543 : vector<256x128xi32> to vector<256x128xf32>
    %reduce_sum3A_1545 = arith.constant dense<0.000000e+00> : vector<128xf32>
    %reduce_sum3A_1546 = vector.multi_reduction <add>, %convert_element_type3A_1544, %reduce_sum3A_1545 [0] : vector<256x128xf32> to vector<128xf32>
    %broadcast_in_dim3A_1547 = vector.shape_cast %reduce_sum3A_1546 : vector<128xf32> to vector<1x128xf32>
    %dot_general3A_1548 = arith.constant dense<0.000000e+00> : vector<1x128xf32>
    %dot_general3A_1549 = tpu.matmul %broadcast_in_dim3A_1547, %broadcast_in_dim3A_13, %dot_general3A_1548 {dimension_numbers = #tpu.dot_dimension_numbers<[1], [0], [0], [1], [0, 0, 1, 1], [], []>, transpose_lhs_hint = false} : vector<1x128xf32>, vector<128x128xf32>, vector<1x128xf32> -> vector<1x128xf32>
    %ge3A_1550 = vector.broadcast %convert_element_type3A_24 : f32 to vector<1x128xf32>
    %ge3A_1551 = arith.cmpf oge, %dot_general3A_1549, %ge3A_1550 : vector<1x128xf32>
    %select_n3A_1552 = arith.select %ge3A_1551, %or3A_1540, %select_n3A_1485 : vector<1x128xi1>, vector<1x128xi32>
    %shift_left3A_1553 = arith.constant 1 : i32
    %shift_left3A_1554 = arith.shli %shift_left3A_1553, %sub3A_1504 : i32
    %or3A_1555 = vector.broadcast %shift_left3A_1554 : i32 to vector<1x128xi32>
    %or3A_1556 = arith.ori %select_n3A_1501, %or3A_1555 : vector<1x128xi32>
    %ge3A_1557 = vector.broadcast %or3A_1556 : vector<1x128xi32> to vector<256x128xi32>
    %ge3A_1558 = arith.cmpi uge, %slice3A_16, %ge3A_1557 : vector<256x128xi32>
    %convert_element_type3A_1559 = arith.extui %ge3A_1558 : vector<256x128xi1> to vector<256x128xi32>
    %convert_element_type3A_1560 = arith.sitofp %convert_element_type3A_1559 : vector<256x128xi32> to vector<256x128xf32>
    %reduce_sum3A_1561 = arith.constant dense<0.000000e+00> : vector<128xf32>
    %reduce_sum3A_1562 = vector.multi_reduction <add>, %convert_element_type3A_1560, %reduce_sum3A_1561 [0] : vector<256x128xf32> to vector<128xf32>
    %broadcast_in_dim3A_1563 = vector.shape_cast %reduce_sum3A_1562 : vector<128xf32> to vector<1x128xf32>
    %dot_general3A_1564 = arith.constant dense<0.000000e+00> : vector<1x128xf32>
    %dot_general3A_1565 = tpu.matmul %broadcast_in_dim3A_1563, %broadcast_in_dim3A_13, %dot_general3A_1564 {dimension_numbers = #tpu.dot_dimension_numbers<[1], [0], [0], [1], [0, 0, 1, 1], [], []>, transpose_lhs_hint = false} : vector<1x128xf32>, vector<128x128xf32>, vector<1x128xf32> -> vector<1x128xf32>
    %ge3A_1566 = vector.broadcast %convert_element_type3A_27 : f32 to vector<1x128xf32>
    %ge3A_1567 = arith.cmpf oge, %dot_general3A_1565, %ge3A_1566 : vector<1x128xf32>
    %select_n3A_1568 = arith.select %ge3A_1567, %or3A_1556, %select_n3A_1501 : vector<1x128xi1>, vector<1x128xi32>
    %scan3A_1569 = arith.constant 23 : i32
    %sub3A_1570 = arith.constant 31 : i32
    %sub3A_1571 = arith.subi %sub3A_1570, %scan3A_1569 : i32
    %shift_left3A_1572 = arith.constant 1 : i32
    %shift_left3A_1573 = arith.shli %shift_left3A_1572, %sub3A_1571 : i32
    %or3A_1574 = vector.broadcast %shift_left3A_1573 : i32 to vector<1x128xi32>
    %or3A_1575 = arith.ori %select_n3A_1520, %or3A_1574 : vector<1x128xi32>
    %ge3A_1576 = vector.broadcast %or3A_1575 : vector<1x128xi32> to vector<256x128xi32>
    %ge3A_1577 = arith.cmpi uge, %slice3A, %ge3A_1576 : vector<256x128xi32>
    %convert_element_type3A_1578 = arith.extui %ge3A_1577 : vector<256x128xi1> to vector<256x128xi32>
    %convert_element_type3A_1579 = arith.sitofp %convert_element_type3A_1578 : vector<256x128xi32> to vector<256x128xf32>
    %reduce_sum3A_1580 = arith.constant dense<0.000000e+00> : vector<128xf32>
    %reduce_sum3A_1581 = vector.multi_reduction <add>, %convert_element_type3A_1579, %reduce_sum3A_1580 [0] : vector<256x128xf32> to vector<128xf32>
    %broadcast_in_dim3A_1582 = vector.shape_cast %reduce_sum3A_1581 : vector<128xf32> to vector<1x128xf32>
    %dot_general3A_1583 = arith.constant dense<0.000000e+00> : vector<1x128xf32>
    %dot_general3A_1584 = tpu.matmul %broadcast_in_dim3A_1582, %broadcast_in_dim3A_13, %dot_general3A_1583 {dimension_numbers = #tpu.dot_dimension_numbers<[1], [0], [0], [1], [0, 0, 1, 1], [], []>, transpose_lhs_hint = false} : vector<1x128xf32>, vector<128x128xf32>, vector<1x128xf32> -> vector<1x128xf32>
    %ge3A_1585 = vector.broadcast %convert_element_type3A : f32 to vector<1x128xf32>
    %ge3A_1586 = arith.cmpf oge, %dot_general3A_1584, %ge3A_1585 : vector<1x128xf32>
    %select_n3A_1587 = arith.select %ge3A_1586, %or3A_1575, %select_n3A_1520 : vector<1x128xi1>, vector<1x128xi32>
    %shift_left3A_1588 = arith.constant 1 : i32
    %shift_left3A_1589 = arith.shli %shift_left3A_1588, %sub3A_1571 : i32
    %or3A_1590 = vector.broadcast %shift_left3A_1589 : i32 to vector<1x128xi32>
    %or3A_1591 = arith.ori %select_n3A_1536, %or3A_1590 : vector<1x128xi32>
    %ge3A_1592 = vector.broadcast %or3A_1591 : vector<1x128xi32> to vector<256x128xi32>
    %ge3A_1593 = arith.cmpi uge, %slice3A_14, %ge3A_1592 : vector<256x128xi32>
    %convert_element_type3A_1594 = arith.extui %ge3A_1593 : vector<256x128xi1> to vector<256x128xi32>
    %convert_element_type3A_1595 = arith.sitofp %convert_element_type3A_1594 : vector<256x128xi32> to vector<256x128xf32>
    %reduce_sum3A_1596 = arith.constant dense<0.000000e+00> : vector<128xf32>
    %reduce_sum3A_1597 = vector.multi_reduction <add>, %convert_element_type3A_1595, %reduce_sum3A_1596 [0] : vector<256x128xf32> to vector<128xf32>
    %broadcast_in_dim3A_1598 = vector.shape_cast %reduce_sum3A_1597 : vector<128xf32> to vector<1x128xf32>
    %dot_general3A_1599 = arith.constant dense<0.000000e+00> : vector<1x128xf32>
    %dot_general3A_1600 = tpu.matmul %broadcast_in_dim3A_1598, %broadcast_in_dim3A_13, %dot_general3A_1599 {dimension_numbers = #tpu.dot_dimension_numbers<[1], [0], [0], [1], [0, 0, 1, 1], [], []>, transpose_lhs_hint = false} : vector<1x128xf32>, vector<128x128xf32>, vector<1x128xf32> -> vector<1x128xf32>
    %ge3A_1601 = vector.broadcast %convert_element_type3A_21 : f32 to vector<1x128xf32>
    %ge3A_1602 = arith.cmpf oge, %dot_general3A_1600, %ge3A_1601 : vector<1x128xf32>
    %select_n3A_1603 = arith.select %ge3A_1602, %or3A_1591, %select_n3A_1536 : vector<1x128xi1>, vector<1x128xi32>
    %shift_left3A_1604 = arith.constant 1 : i32
    %shift_left3A_1605 = arith.shli %shift_left3A_1604, %sub3A_1571 : i32
    %or3A_1606 = vector.broadcast %shift_left3A_1605 : i32 to vector<1x128xi32>
    %or3A_1607 = arith.ori %select_n3A_1552, %or3A_1606 : vector<1x128xi32>
    %ge3A_1608 = vector.broadcast %or3A_1607 : vector<1x128xi32> to vector<256x128xi32>
    %ge3A_1609 = arith.cmpi uge, %slice3A_15, %ge3A_1608 : vector<256x128xi32>
    %convert_element_type3A_1610 = arith.extui %ge3A_1609 : vector<256x128xi1> to vector<256x128xi32>
    %convert_element_type3A_1611 = arith.sitofp %convert_element_type3A_1610 : vector<256x128xi32> to vector<256x128xf32>
    %reduce_sum3A_1612 = arith.constant dense<0.000000e+00> : vector<128xf32>
    %reduce_sum3A_1613 = vector.multi_reduction <add>, %convert_element_type3A_1611, %reduce_sum3A_1612 [0] : vector<256x128xf32> to vector<128xf32>
    %broadcast_in_dim3A_1614 = vector.shape_cast %reduce_sum3A_1613 : vector<128xf32> to vector<1x128xf32>
    %dot_general3A_1615 = arith.constant dense<0.000000e+00> : vector<1x128xf32>
    %dot_general3A_1616 = tpu.matmul %broadcast_in_dim3A_1614, %broadcast_in_dim3A_13, %dot_general3A_1615 {dimension_numbers = #tpu.dot_dimension_numbers<[1], [0], [0], [1], [0, 0, 1, 1], [], []>, transpose_lhs_hint = false} : vector<1x128xf32>, vector<128x128xf32>, vector<1x128xf32> -> vector<1x128xf32>
    %ge3A_1617 = vector.broadcast %convert_element_type3A_24 : f32 to vector<1x128xf32>
    %ge3A_1618 = arith.cmpf oge, %dot_general3A_1616, %ge3A_1617 : vector<1x128xf32>
    %select_n3A_1619 = arith.select %ge3A_1618, %or3A_1607, %select_n3A_1552 : vector<1x128xi1>, vector<1x128xi32>
    %shift_left3A_1620 = arith.constant 1 : i32
    %shift_left3A_1621 = arith.shli %shift_left3A_1620, %sub3A_1571 : i32
    %or3A_1622 = vector.broadcast %shift_left3A_1621 : i32 to vector<1x128xi32>
    %or3A_1623 = arith.ori %select_n3A_1568, %or3A_1622 : vector<1x128xi32>
    %ge3A_1624 = vector.broadcast %or3A_1623 : vector<1x128xi32> to vector<256x128xi32>
    %ge3A_1625 = arith.cmpi uge, %slice3A_16, %ge3A_1624 : vector<256x128xi32>
    %convert_element_type3A_1626 = arith.extui %ge3A_1625 : vector<256x128xi1> to vector<256x128xi32>
    %convert_element_type3A_1627 = arith.sitofp %convert_element_type3A_1626 : vector<256x128xi32> to vector<256x128xf32>
    %reduce_sum3A_1628 = arith.constant dense<0.000000e+00> : vector<128xf32>
    %reduce_sum3A_1629 = vector.multi_reduction <add>, %convert_element_type3A_1627, %reduce_sum3A_1628 [0] : vector<256x128xf32> to vector<128xf32>
    %broadcast_in_dim3A_1630 = vector.shape_cast %reduce_sum3A_1629 : vector<128xf32> to vector<1x128xf32>
    %dot_general3A_1631 = arith.constant dense<0.000000e+00> : vector<1x128xf32>
    %dot_general3A_1632 = tpu.matmul %broadcast_in_dim3A_1630, %broadcast_in_dim3A_13, %dot_general3A_1631 {dimension_numbers = #tpu.dot_dimension_numbers<[1], [0], [0], [1], [0, 0, 1, 1], [], []>, transpose_lhs_hint = false} : vector<1x128xf32>, vector<128x128xf32>, vector<1x128xf32> -> vector<1x128xf32>
    %ge3A_1633 = vector.broadcast %convert_element_type3A_27 : f32 to vector<1x128xf32>
    %ge3A_1634 = arith.cmpf oge, %dot_general3A_1632, %ge3A_1633 : vector<1x128xf32>
    %select_n3A_1635 = arith.select %ge3A_1634, %or3A_1623, %select_n3A_1568 : vector<1x128xi1>, vector<1x128xi32>
    %scan3A_1636 = arith.constant 24 : i32
    %sub3A_1637 = arith.constant 31 : i32
    %sub3A_1638 = arith.subi %sub3A_1637, %scan3A_1636 : i32
    %shift_left3A_1639 = arith.constant 1 : i32
    %shift_left3A_1640 = arith.shli %shift_left3A_1639, %sub3A_1638 : i32
    %or3A_1641 = vector.broadcast %shift_left3A_1640 : i32 to vector<1x128xi32>
    %or3A_1642 = arith.ori %select_n3A_1587, %or3A_1641 : vector<1x128xi32>
    %ge3A_1643 = vector.broadcast %or3A_1642 : vector<1x128xi32> to vector<256x128xi32>
    %ge3A_1644 = arith.cmpi uge, %slice3A, %ge3A_1643 : vector<256x128xi32>
    %convert_element_type3A_1645 = arith.extui %ge3A_1644 : vector<256x128xi1> to vector<256x128xi32>
    %convert_element_type3A_1646 = arith.sitofp %convert_element_type3A_1645 : vector<256x128xi32> to vector<256x128xf32>
    %reduce_sum3A_1647 = arith.constant dense<0.000000e+00> : vector<128xf32>
    %reduce_sum3A_1648 = vector.multi_reduction <add>, %convert_element_type3A_1646, %reduce_sum3A_1647 [0] : vector<256x128xf32> to vector<128xf32>
    %broadcast_in_dim3A_1649 = vector.shape_cast %reduce_sum3A_1648 : vector<128xf32> to vector<1x128xf32>
    %dot_general3A_1650 = arith.constant dense<0.000000e+00> : vector<1x128xf32>
    %dot_general3A_1651 = tpu.matmul %broadcast_in_dim3A_1649, %broadcast_in_dim3A_13, %dot_general3A_1650 {dimension_numbers = #tpu.dot_dimension_numbers<[1], [0], [0], [1], [0, 0, 1, 1], [], []>, transpose_lhs_hint = false} : vector<1x128xf32>, vector<128x128xf32>, vector<1x128xf32> -> vector<1x128xf32>
    %ge3A_1652 = vector.broadcast %convert_element_type3A : f32 to vector<1x128xf32>
    %ge3A_1653 = arith.cmpf oge, %dot_general3A_1651, %ge3A_1652 : vector<1x128xf32>
    %select_n3A_1654 = arith.select %ge3A_1653, %or3A_1642, %select_n3A_1587 : vector<1x128xi1>, vector<1x128xi32>
    %shift_left3A_1655 = arith.constant 1 : i32
    %shift_left3A_1656 = arith.shli %shift_left3A_1655, %sub3A_1638 : i32
    %or3A_1657 = vector.broadcast %shift_left3A_1656 : i32 to vector<1x128xi32>
    %or3A_1658 = arith.ori %select_n3A_1603, %or3A_1657 : vector<1x128xi32>
    %ge3A_1659 = vector.broadcast %or3A_1658 : vector<1x128xi32> to vector<256x128xi32>
    %ge3A_1660 = arith.cmpi uge, %slice3A_14, %ge3A_1659 : vector<256x128xi32>
    %convert_element_type3A_1661 = arith.extui %ge3A_1660 : vector<256x128xi1> to vector<256x128xi32>
    %convert_element_type3A_1662 = arith.sitofp %convert_element_type3A_1661 : vector<256x128xi32> to vector<256x128xf32>
    %reduce_sum3A_1663 = arith.constant dense<0.000000e+00> : vector<128xf32>
    %reduce_sum3A_1664 = vector.multi_reduction <add>, %convert_element_type3A_1662, %reduce_sum3A_1663 [0] : vector<256x128xf32> to vector<128xf32>
    %broadcast_in_dim3A_1665 = vector.shape_cast %reduce_sum3A_1664 : vector<128xf32> to vector<1x128xf32>
    %dot_general3A_1666 = arith.constant dense<0.000000e+00> : vector<1x128xf32>
    %dot_general3A_1667 = tpu.matmul %broadcast_in_dim3A_1665, %broadcast_in_dim3A_13, %dot_general3A_1666 {dimension_numbers = #tpu.dot_dimension_numbers<[1], [0], [0], [1], [0, 0, 1, 1], [], []>, transpose_lhs_hint = false} : vector<1x128xf32>, vector<128x128xf32>, vector<1x128xf32> -> vector<1x128xf32>
    %ge3A_1668 = vector.broadcast %convert_element_type3A_21 : f32 to vector<1x128xf32>
    %ge3A_1669 = arith.cmpf oge, %dot_general3A_1667, %ge3A_1668 : vector<1x128xf32>
    %select_n3A_1670 = arith.select %ge3A_1669, %or3A_1658, %select_n3A_1603 : vector<1x128xi1>, vector<1x128xi32>
    %shift_left3A_1671 = arith.constant 1 : i32
    %shift_left3A_1672 = arith.shli %shift_left3A_1671, %sub3A_1638 : i32
    %or3A_1673 = vector.broadcast %shift_left3A_1672 : i32 to vector<1x128xi32>
    %or3A_1674 = arith.ori %select_n3A_1619, %or3A_1673 : vector<1x128xi32>
    %ge3A_1675 = vector.broadcast %or3A_1674 : vector<1x128xi32> to vector<256x128xi32>
    %ge3A_1676 = arith.cmpi uge, %slice3A_15, %ge3A_1675 : vector<256x128xi32>
    %convert_element_type3A_1677 = arith.extui %ge3A_1676 : vector<256x128xi1> to vector<256x128xi32>
    %convert_element_type3A_1678 = arith.sitofp %convert_element_type3A_1677 : vector<256x128xi32> to vector<256x128xf32>
    %reduce_sum3A_1679 = arith.constant dense<0.000000e+00> : vector<128xf32>
    %reduce_sum3A_1680 = vector.multi_reduction <add>, %convert_element_type3A_1678, %reduce_sum3A_1679 [0] : vector<256x128xf32> to vector<128xf32>
    %broadcast_in_dim3A_1681 = vector.shape_cast %reduce_sum3A_1680 : vector<128xf32> to vector<1x128xf32>
    %dot_general3A_1682 = arith.constant dense<0.000000e+00> : vector<1x128xf32>
    %dot_general3A_1683 = tpu.matmul %broadcast_in_dim3A_1681, %broadcast_in_dim3A_13, %dot_general3A_1682 {dimension_numbers = #tpu.dot_dimension_numbers<[1], [0], [0], [1], [0, 0, 1, 1], [], []>, transpose_lhs_hint = false} : vector<1x128xf32>, vector<128x128xf32>, vector<1x128xf32> -> vector<1x128xf32>
    %ge3A_1684 = vector.broadcast %convert_element_type3A_24 : f32 to vector<1x128xf32>
    %ge3A_1685 = arith.cmpf oge, %dot_general3A_1683, %ge3A_1684 : vector<1x128xf32>
    %select_n3A_1686 = arith.select %ge3A_1685, %or3A_1674, %select_n3A_1619 : vector<1x128xi1>, vector<1x128xi32>
    %shift_left3A_1687 = arith.constant 1 : i32
    %shift_left3A_1688 = arith.shli %shift_left3A_1687, %sub3A_1638 : i32
    %or3A_1689 = vector.broadcast %shift_left3A_1688 : i32 to vector<1x128xi32>
    %or3A_1690 = arith.ori %select_n3A_1635, %or3A_1689 : vector<1x128xi32>
    %ge3A_1691 = vector.broadcast %or3A_1690 : vector<1x128xi32> to vector<256x128xi32>
    %ge3A_1692 = arith.cmpi uge, %slice3A_16, %ge3A_1691 : vector<256x128xi32>
    %convert_element_type3A_1693 = arith.extui %ge3A_1692 : vector<256x128xi1> to vector<256x128xi32>
    %convert_element_type3A_1694 = arith.sitofp %convert_element_type3A_1693 : vector<256x128xi32> to vector<256x128xf32>
    %reduce_sum3A_1695 = arith.constant dense<0.000000e+00> : vector<128xf32>
    %reduce_sum3A_1696 = vector.multi_reduction <add>, %convert_element_type3A_1694, %reduce_sum3A_1695 [0] : vector<256x128xf32> to vector<128xf32>
    %broadcast_in_dim3A_1697 = vector.shape_cast %reduce_sum3A_1696 : vector<128xf32> to vector<1x128xf32>
    %dot_general3A_1698 = arith.constant dense<0.000000e+00> : vector<1x128xf32>
    %dot_general3A_1699 = tpu.matmul %broadcast_in_dim3A_1697, %broadcast_in_dim3A_13, %dot_general3A_1698 {dimension_numbers = #tpu.dot_dimension_numbers<[1], [0], [0], [1], [0, 0, 1, 1], [], []>, transpose_lhs_hint = false} : vector<1x128xf32>, vector<128x128xf32>, vector<1x128xf32> -> vector<1x128xf32>
    %ge3A_1700 = vector.broadcast %convert_element_type3A_27 : f32 to vector<1x128xf32>
    %ge3A_1701 = arith.cmpf oge, %dot_general3A_1699, %ge3A_1700 : vector<1x128xf32>
    %select_n3A_1702 = arith.select %ge3A_1701, %or3A_1690, %select_n3A_1635 : vector<1x128xi1>, vector<1x128xi32>
    %scan3A_1703 = arith.constant 25 : i32
    %sub3A_1704 = arith.constant 31 : i32
    %sub3A_1705 = arith.subi %sub3A_1704, %scan3A_1703 : i32
    %shift_left3A_1706 = arith.constant 1 : i32
    %shift_left3A_1707 = arith.shli %shift_left3A_1706, %sub3A_1705 : i32
    %or3A_1708 = vector.broadcast %shift_left3A_1707 : i32 to vector<1x128xi32>
    %or3A_1709 = arith.ori %select_n3A_1654, %or3A_1708 : vector<1x128xi32>
    %ge3A_1710 = vector.broadcast %or3A_1709 : vector<1x128xi32> to vector<256x128xi32>
    %ge3A_1711 = arith.cmpi uge, %slice3A, %ge3A_1710 : vector<256x128xi32>
    %convert_element_type3A_1712 = arith.extui %ge3A_1711 : vector<256x128xi1> to vector<256x128xi32>
    %convert_element_type3A_1713 = arith.sitofp %convert_element_type3A_1712 : vector<256x128xi32> to vector<256x128xf32>
    %reduce_sum3A_1714 = arith.constant dense<0.000000e+00> : vector<128xf32>
    %reduce_sum3A_1715 = vector.multi_reduction <add>, %convert_element_type3A_1713, %reduce_sum3A_1714 [0] : vector<256x128xf32> to vector<128xf32>
    %broadcast_in_dim3A_1716 = vector.shape_cast %reduce_sum3A_1715 : vector<128xf32> to vector<1x128xf32>
    %dot_general3A_1717 = arith.constant dense<0.000000e+00> : vector<1x128xf32>
    %dot_general3A_1718 = tpu.matmul %broadcast_in_dim3A_1716, %broadcast_in_dim3A_13, %dot_general3A_1717 {dimension_numbers = #tpu.dot_dimension_numbers<[1], [0], [0], [1], [0, 0, 1, 1], [], []>, transpose_lhs_hint = false} : vector<1x128xf32>, vector<128x128xf32>, vector<1x128xf32> -> vector<1x128xf32>
    %ge3A_1719 = vector.broadcast %convert_element_type3A : f32 to vector<1x128xf32>
    %ge3A_1720 = arith.cmpf oge, %dot_general3A_1718, %ge3A_1719 : vector<1x128xf32>
    %select_n3A_1721 = arith.select %ge3A_1720, %or3A_1709, %select_n3A_1654 : vector<1x128xi1>, vector<1x128xi32>
    %shift_left3A_1722 = arith.constant 1 : i32
    %shift_left3A_1723 = arith.shli %shift_left3A_1722, %sub3A_1705 : i32
    %or3A_1724 = vector.broadcast %shift_left3A_1723 : i32 to vector<1x128xi32>
    %or3A_1725 = arith.ori %select_n3A_1670, %or3A_1724 : vector<1x128xi32>
    %ge3A_1726 = vector.broadcast %or3A_1725 : vector<1x128xi32> to vector<256x128xi32>
    %ge3A_1727 = arith.cmpi uge, %slice3A_14, %ge3A_1726 : vector<256x128xi32>
    %convert_element_type3A_1728 = arith.extui %ge3A_1727 : vector<256x128xi1> to vector<256x128xi32>
    %convert_element_type3A_1729 = arith.sitofp %convert_element_type3A_1728 : vector<256x128xi32> to vector<256x128xf32>
    %reduce_sum3A_1730 = arith.constant dense<0.000000e+00> : vector<128xf32>
    %reduce_sum3A_1731 = vector.multi_reduction <add>, %convert_element_type3A_1729, %reduce_sum3A_1730 [0] : vector<256x128xf32> to vector<128xf32>
    %broadcast_in_dim3A_1732 = vector.shape_cast %reduce_sum3A_1731 : vector<128xf32> to vector<1x128xf32>
    %dot_general3A_1733 = arith.constant dense<0.000000e+00> : vector<1x128xf32>
    %dot_general3A_1734 = tpu.matmul %broadcast_in_dim3A_1732, %broadcast_in_dim3A_13, %dot_general3A_1733 {dimension_numbers = #tpu.dot_dimension_numbers<[1], [0], [0], [1], [0, 0, 1, 1], [], []>, transpose_lhs_hint = false} : vector<1x128xf32>, vector<128x128xf32>, vector<1x128xf32> -> vector<1x128xf32>
    %ge3A_1735 = vector.broadcast %convert_element_type3A_21 : f32 to vector<1x128xf32>
    %ge3A_1736 = arith.cmpf oge, %dot_general3A_1734, %ge3A_1735 : vector<1x128xf32>
    %select_n3A_1737 = arith.select %ge3A_1736, %or3A_1725, %select_n3A_1670 : vector<1x128xi1>, vector<1x128xi32>
    %shift_left3A_1738 = arith.constant 1 : i32
    %shift_left3A_1739 = arith.shli %shift_left3A_1738, %sub3A_1705 : i32
    %or3A_1740 = vector.broadcast %shift_left3A_1739 : i32 to vector<1x128xi32>
    %or3A_1741 = arith.ori %select_n3A_1686, %or3A_1740 : vector<1x128xi32>
    %ge3A_1742 = vector.broadcast %or3A_1741 : vector<1x128xi32> to vector<256x128xi32>
    %ge3A_1743 = arith.cmpi uge, %slice3A_15, %ge3A_1742 : vector<256x128xi32>
    %convert_element_type3A_1744 = arith.extui %ge3A_1743 : vector<256x128xi1> to vector<256x128xi32>
    %convert_element_type3A_1745 = arith.sitofp %convert_element_type3A_1744 : vector<256x128xi32> to vector<256x128xf32>
    %reduce_sum3A_1746 = arith.constant dense<0.000000e+00> : vector<128xf32>
    %reduce_sum3A_1747 = vector.multi_reduction <add>, %convert_element_type3A_1745, %reduce_sum3A_1746 [0] : vector<256x128xf32> to vector<128xf32>
    %broadcast_in_dim3A_1748 = vector.shape_cast %reduce_sum3A_1747 : vector<128xf32> to vector<1x128xf32>
    %dot_general3A_1749 = arith.constant dense<0.000000e+00> : vector<1x128xf32>
    %dot_general3A_1750 = tpu.matmul %broadcast_in_dim3A_1748, %broadcast_in_dim3A_13, %dot_general3A_1749 {dimension_numbers = #tpu.dot_dimension_numbers<[1], [0], [0], [1], [0, 0, 1, 1], [], []>, transpose_lhs_hint = false} : vector<1x128xf32>, vector<128x128xf32>, vector<1x128xf32> -> vector<1x128xf32>
    %ge3A_1751 = vector.broadcast %convert_element_type3A_24 : f32 to vector<1x128xf32>
    %ge3A_1752 = arith.cmpf oge, %dot_general3A_1750, %ge3A_1751 : vector<1x128xf32>
    %select_n3A_1753 = arith.select %ge3A_1752, %or3A_1741, %select_n3A_1686 : vector<1x128xi1>, vector<1x128xi32>
    %shift_left3A_1754 = arith.constant 1 : i32
    %shift_left3A_1755 = arith.shli %shift_left3A_1754, %sub3A_1705 : i32
    %or3A_1756 = vector.broadcast %shift_left3A_1755 : i32 to vector<1x128xi32>
    %or3A_1757 = arith.ori %select_n3A_1702, %or3A_1756 : vector<1x128xi32>
    %ge3A_1758 = vector.broadcast %or3A_1757 : vector<1x128xi32> to vector<256x128xi32>
    %ge3A_1759 = arith.cmpi uge, %slice3A_16, %ge3A_1758 : vector<256x128xi32>
    %convert_element_type3A_1760 = arith.extui %ge3A_1759 : vector<256x128xi1> to vector<256x128xi32>
    %convert_element_type3A_1761 = arith.sitofp %convert_element_type3A_1760 : vector<256x128xi32> to vector<256x128xf32>
    %reduce_sum3A_1762 = arith.constant dense<0.000000e+00> : vector<128xf32>
    %reduce_sum3A_1763 = vector.multi_reduction <add>, %convert_element_type3A_1761, %reduce_sum3A_1762 [0] : vector<256x128xf32> to vector<128xf32>
    %broadcast_in_dim3A_1764 = vector.shape_cast %reduce_sum3A_1763 : vector<128xf32> to vector<1x128xf32>
    %dot_general3A_1765 = arith.constant dense<0.000000e+00> : vector<1x128xf32>
    %dot_general3A_1766 = tpu.matmul %broadcast_in_dim3A_1764, %broadcast_in_dim3A_13, %dot_general3A_1765 {dimension_numbers = #tpu.dot_dimension_numbers<[1], [0], [0], [1], [0, 0, 1, 1], [], []>, transpose_lhs_hint = false} : vector<1x128xf32>, vector<128x128xf32>, vector<1x128xf32> -> vector<1x128xf32>
    %ge3A_1767 = vector.broadcast %convert_element_type3A_27 : f32 to vector<1x128xf32>
    %ge3A_1768 = arith.cmpf oge, %dot_general3A_1766, %ge3A_1767 : vector<1x128xf32>
    %select_n3A_1769 = arith.select %ge3A_1768, %or3A_1757, %select_n3A_1702 : vector<1x128xi1>, vector<1x128xi32>
    %scan3A_1770 = arith.constant 26 : i32
    %sub3A_1771 = arith.constant 31 : i32
    %sub3A_1772 = arith.subi %sub3A_1771, %scan3A_1770 : i32
    %shift_left3A_1773 = arith.constant 1 : i32
    %shift_left3A_1774 = arith.shli %shift_left3A_1773, %sub3A_1772 : i32
    %or3A_1775 = vector.broadcast %shift_left3A_1774 : i32 to vector<1x128xi32>
    %or3A_1776 = arith.ori %select_n3A_1721, %or3A_1775 : vector<1x128xi32>
    %ge3A_1777 = vector.broadcast %or3A_1776 : vector<1x128xi32> to vector<256x128xi32>
    %ge3A_1778 = arith.cmpi uge, %slice3A, %ge3A_1777 : vector<256x128xi32>
    %convert_element_type3A_1779 = arith.extui %ge3A_1778 : vector<256x128xi1> to vector<256x128xi32>
    %convert_element_type3A_1780 = arith.sitofp %convert_element_type3A_1779 : vector<256x128xi32> to vector<256x128xf32>
    %reduce_sum3A_1781 = arith.constant dense<0.000000e+00> : vector<128xf32>
    %reduce_sum3A_1782 = vector.multi_reduction <add>, %convert_element_type3A_1780, %reduce_sum3A_1781 [0] : vector<256x128xf32> to vector<128xf32>
    %broadcast_in_dim3A_1783 = vector.shape_cast %reduce_sum3A_1782 : vector<128xf32> to vector<1x128xf32>
    %dot_general3A_1784 = arith.constant dense<0.000000e+00> : vector<1x128xf32>
    %dot_general3A_1785 = tpu.matmul %broadcast_in_dim3A_1783, %broadcast_in_dim3A_13, %dot_general3A_1784 {dimension_numbers = #tpu.dot_dimension_numbers<[1], [0], [0], [1], [0, 0, 1, 1], [], []>, transpose_lhs_hint = false} : vector<1x128xf32>, vector<128x128xf32>, vector<1x128xf32> -> vector<1x128xf32>
    %ge3A_1786 = vector.broadcast %convert_element_type3A : f32 to vector<1x128xf32>
    %ge3A_1787 = arith.cmpf oge, %dot_general3A_1785, %ge3A_1786 : vector<1x128xf32>
    %select_n3A_1788 = arith.select %ge3A_1787, %or3A_1776, %select_n3A_1721 : vector<1x128xi1>, vector<1x128xi32>
    %shift_left3A_1789 = arith.constant 1 : i32
    %shift_left3A_1790 = arith.shli %shift_left3A_1789, %sub3A_1772 : i32
    %or3A_1791 = vector.broadcast %shift_left3A_1790 : i32 to vector<1x128xi32>
    %or3A_1792 = arith.ori %select_n3A_1737, %or3A_1791 : vector<1x128xi32>
    %ge3A_1793 = vector.broadcast %or3A_1792 : vector<1x128xi32> to vector<256x128xi32>
    %ge3A_1794 = arith.cmpi uge, %slice3A_14, %ge3A_1793 : vector<256x128xi32>
    %convert_element_type3A_1795 = arith.extui %ge3A_1794 : vector<256x128xi1> to vector<256x128xi32>
    %convert_element_type3A_1796 = arith.sitofp %convert_element_type3A_1795 : vector<256x128xi32> to vector<256x128xf32>
    %reduce_sum3A_1797 = arith.constant dense<0.000000e+00> : vector<128xf32>
    %reduce_sum3A_1798 = vector.multi_reduction <add>, %convert_element_type3A_1796, %reduce_sum3A_1797 [0] : vector<256x128xf32> to vector<128xf32>
    %broadcast_in_dim3A_1799 = vector.shape_cast %reduce_sum3A_1798 : vector<128xf32> to vector<1x128xf32>
    %dot_general3A_1800 = arith.constant dense<0.000000e+00> : vector<1x128xf32>
    %dot_general3A_1801 = tpu.matmul %broadcast_in_dim3A_1799, %broadcast_in_dim3A_13, %dot_general3A_1800 {dimension_numbers = #tpu.dot_dimension_numbers<[1], [0], [0], [1], [0, 0, 1, 1], [], []>, transpose_lhs_hint = false} : vector<1x128xf32>, vector<128x128xf32>, vector<1x128xf32> -> vector<1x128xf32>
    %ge3A_1802 = vector.broadcast %convert_element_type3A_21 : f32 to vector<1x128xf32>
    %ge3A_1803 = arith.cmpf oge, %dot_general3A_1801, %ge3A_1802 : vector<1x128xf32>
    %select_n3A_1804 = arith.select %ge3A_1803, %or3A_1792, %select_n3A_1737 : vector<1x128xi1>, vector<1x128xi32>
    %shift_left3A_1805 = arith.constant 1 : i32
    %shift_left3A_1806 = arith.shli %shift_left3A_1805, %sub3A_1772 : i32
    %or3A_1807 = vector.broadcast %shift_left3A_1806 : i32 to vector<1x128xi32>
    %or3A_1808 = arith.ori %select_n3A_1753, %or3A_1807 : vector<1x128xi32>
    %ge3A_1809 = vector.broadcast %or3A_1808 : vector<1x128xi32> to vector<256x128xi32>
    %ge3A_1810 = arith.cmpi uge, %slice3A_15, %ge3A_1809 : vector<256x128xi32>
    %convert_element_type3A_1811 = arith.extui %ge3A_1810 : vector<256x128xi1> to vector<256x128xi32>
    %convert_element_type3A_1812 = arith.sitofp %convert_element_type3A_1811 : vector<256x128xi32> to vector<256x128xf32>
    %reduce_sum3A_1813 = arith.constant dense<0.000000e+00> : vector<128xf32>
    %reduce_sum3A_1814 = vector.multi_reduction <add>, %convert_element_type3A_1812, %reduce_sum3A_1813 [0] : vector<256x128xf32> to vector<128xf32>
    %broadcast_in_dim3A_1815 = vector.shape_cast %reduce_sum3A_1814 : vector<128xf32> to vector<1x128xf32>
    %dot_general3A_1816 = arith.constant dense<0.000000e+00> : vector<1x128xf32>
    %dot_general3A_1817 = tpu.matmul %broadcast_in_dim3A_1815, %broadcast_in_dim3A_13, %dot_general3A_1816 {dimension_numbers = #tpu.dot_dimension_numbers<[1], [0], [0], [1], [0, 0, 1, 1], [], []>, transpose_lhs_hint = false} : vector<1x128xf32>, vector<128x128xf32>, vector<1x128xf32> -> vector<1x128xf32>
    %ge3A_1818 = vector.broadcast %convert_element_type3A_24 : f32 to vector<1x128xf32>
    %ge3A_1819 = arith.cmpf oge, %dot_general3A_1817, %ge3A_1818 : vector<1x128xf32>
    %select_n3A_1820 = arith.select %ge3A_1819, %or3A_1808, %select_n3A_1753 : vector<1x128xi1>, vector<1x128xi32>
    %shift_left3A_1821 = arith.constant 1 : i32
    %shift_left3A_1822 = arith.shli %shift_left3A_1821, %sub3A_1772 : i32
    %or3A_1823 = vector.broadcast %shift_left3A_1822 : i32 to vector<1x128xi32>
    %or3A_1824 = arith.ori %select_n3A_1769, %or3A_1823 : vector<1x128xi32>
    %ge3A_1825 = vector.broadcast %or3A_1824 : vector<1x128xi32> to vector<256x128xi32>
    %ge3A_1826 = arith.cmpi uge, %slice3A_16, %ge3A_1825 : vector<256x128xi32>
    %convert_element_type3A_1827 = arith.extui %ge3A_1826 : vector<256x128xi1> to vector<256x128xi32>
    %convert_element_type3A_1828 = arith.sitofp %convert_element_type3A_1827 : vector<256x128xi32> to vector<256x128xf32>
    %reduce_sum3A_1829 = arith.constant dense<0.000000e+00> : vector<128xf32>
    %reduce_sum3A_1830 = vector.multi_reduction <add>, %convert_element_type3A_1828, %reduce_sum3A_1829 [0] : vector<256x128xf32> to vector<128xf32>
    %broadcast_in_dim3A_1831 = vector.shape_cast %reduce_sum3A_1830 : vector<128xf32> to vector<1x128xf32>
    %dot_general3A_1832 = arith.constant dense<0.000000e+00> : vector<1x128xf32>
    %dot_general3A_1833 = tpu.matmul %broadcast_in_dim3A_1831, %broadcast_in_dim3A_13, %dot_general3A_1832 {dimension_numbers = #tpu.dot_dimension_numbers<[1], [0], [0], [1], [0, 0, 1, 1], [], []>, transpose_lhs_hint = false} : vector<1x128xf32>, vector<128x128xf32>, vector<1x128xf32> -> vector<1x128xf32>
    %ge3A_1834 = vector.broadcast %convert_element_type3A_27 : f32 to vector<1x128xf32>
    %ge3A_1835 = arith.cmpf oge, %dot_general3A_1833, %ge3A_1834 : vector<1x128xf32>
    %select_n3A_1836 = arith.select %ge3A_1835, %or3A_1824, %select_n3A_1769 : vector<1x128xi1>, vector<1x128xi32>
    %scan3A_1837 = arith.constant 27 : i32
    %sub3A_1838 = arith.constant 31 : i32
    %sub3A_1839 = arith.subi %sub3A_1838, %scan3A_1837 : i32
    %shift_left3A_1840 = arith.constant 1 : i32
    %shift_left3A_1841 = arith.shli %shift_left3A_1840, %sub3A_1839 : i32
    %or3A_1842 = vector.broadcast %shift_left3A_1841 : i32 to vector<1x128xi32>
    %or3A_1843 = arith.ori %select_n3A_1788, %or3A_1842 : vector<1x128xi32>
    %ge3A_1844 = vector.broadcast %or3A_1843 : vector<1x128xi32> to vector<256x128xi32>
    %ge3A_1845 = arith.cmpi uge, %slice3A, %ge3A_1844 : vector<256x128xi32>
    %convert_element_type3A_1846 = arith.extui %ge3A_1845 : vector<256x128xi1> to vector<256x128xi32>
    %convert_element_type3A_1847 = arith.sitofp %convert_element_type3A_1846 : vector<256x128xi32> to vector<256x128xf32>
    %reduce_sum3A_1848 = arith.constant dense<0.000000e+00> : vector<128xf32>
    %reduce_sum3A_1849 = vector.multi_reduction <add>, %convert_element_type3A_1847, %reduce_sum3A_1848 [0] : vector<256x128xf32> to vector<128xf32>
    %broadcast_in_dim3A_1850 = vector.shape_cast %reduce_sum3A_1849 : vector<128xf32> to vector<1x128xf32>
    %dot_general3A_1851 = arith.constant dense<0.000000e+00> : vector<1x128xf32>
    %dot_general3A_1852 = tpu.matmul %broadcast_in_dim3A_1850, %broadcast_in_dim3A_13, %dot_general3A_1851 {dimension_numbers = #tpu.dot_dimension_numbers<[1], [0], [0], [1], [0, 0, 1, 1], [], []>, transpose_lhs_hint = false} : vector<1x128xf32>, vector<128x128xf32>, vector<1x128xf32> -> vector<1x128xf32>
    %ge3A_1853 = vector.broadcast %convert_element_type3A : f32 to vector<1x128xf32>
    %ge3A_1854 = arith.cmpf oge, %dot_general3A_1852, %ge3A_1853 : vector<1x128xf32>
    %select_n3A_1855 = arith.select %ge3A_1854, %or3A_1843, %select_n3A_1788 : vector<1x128xi1>, vector<1x128xi32>
    %shift_left3A_1856 = arith.constant 1 : i32
    %shift_left3A_1857 = arith.shli %shift_left3A_1856, %sub3A_1839 : i32
    %or3A_1858 = vector.broadcast %shift_left3A_1857 : i32 to vector<1x128xi32>
    %or3A_1859 = arith.ori %select_n3A_1804, %or3A_1858 : vector<1x128xi32>
    %ge3A_1860 = vector.broadcast %or3A_1859 : vector<1x128xi32> to vector<256x128xi32>
    %ge3A_1861 = arith.cmpi uge, %slice3A_14, %ge3A_1860 : vector<256x128xi32>
    %convert_element_type3A_1862 = arith.extui %ge3A_1861 : vector<256x128xi1> to vector<256x128xi32>
    %convert_element_type3A_1863 = arith.sitofp %convert_element_type3A_1862 : vector<256x128xi32> to vector<256x128xf32>
    %reduce_sum3A_1864 = arith.constant dense<0.000000e+00> : vector<128xf32>
    %reduce_sum3A_1865 = vector.multi_reduction <add>, %convert_element_type3A_1863, %reduce_sum3A_1864 [0] : vector<256x128xf32> to vector<128xf32>
    %broadcast_in_dim3A_1866 = vector.shape_cast %reduce_sum3A_1865 : vector<128xf32> to vector<1x128xf32>
    %dot_general3A_1867 = arith.constant dense<0.000000e+00> : vector<1x128xf32>
    %dot_general3A_1868 = tpu.matmul %broadcast_in_dim3A_1866, %broadcast_in_dim3A_13, %dot_general3A_1867 {dimension_numbers = #tpu.dot_dimension_numbers<[1], [0], [0], [1], [0, 0, 1, 1], [], []>, transpose_lhs_hint = false} : vector<1x128xf32>, vector<128x128xf32>, vector<1x128xf32> -> vector<1x128xf32>
    %ge3A_1869 = vector.broadcast %convert_element_type3A_21 : f32 to vector<1x128xf32>
    %ge3A_1870 = arith.cmpf oge, %dot_general3A_1868, %ge3A_1869 : vector<1x128xf32>
    %select_n3A_1871 = arith.select %ge3A_1870, %or3A_1859, %select_n3A_1804 : vector<1x128xi1>, vector<1x128xi32>
    %shift_left3A_1872 = arith.constant 1 : i32
    %shift_left3A_1873 = arith.shli %shift_left3A_1872, %sub3A_1839 : i32
    %or3A_1874 = vector.broadcast %shift_left3A_1873 : i32 to vector<1x128xi32>
    %or3A_1875 = arith.ori %select_n3A_1820, %or3A_1874 : vector<1x128xi32>
    %ge3A_1876 = vector.broadcast %or3A_1875 : vector<1x128xi32> to vector<256x128xi32>
    %ge3A_1877 = arith.cmpi uge, %slice3A_15, %ge3A_1876 : vector<256x128xi32>
    %convert_element_type3A_1878 = arith.extui %ge3A_1877 : vector<256x128xi1> to vector<256x128xi32>
    %convert_element_type3A_1879 = arith.sitofp %convert_element_type3A_1878 : vector<256x128xi32> to vector<256x128xf32>
    %reduce_sum3A_1880 = arith.constant dense<0.000000e+00> : vector<128xf32>
    %reduce_sum3A_1881 = vector.multi_reduction <add>, %convert_element_type3A_1879, %reduce_sum3A_1880 [0] : vector<256x128xf32> to vector<128xf32>
    %broadcast_in_dim3A_1882 = vector.shape_cast %reduce_sum3A_1881 : vector<128xf32> to vector<1x128xf32>
    %dot_general3A_1883 = arith.constant dense<0.000000e+00> : vector<1x128xf32>
    %dot_general3A_1884 = tpu.matmul %broadcast_in_dim3A_1882, %broadcast_in_dim3A_13, %dot_general3A_1883 {dimension_numbers = #tpu.dot_dimension_numbers<[1], [0], [0], [1], [0, 0, 1, 1], [], []>, transpose_lhs_hint = false} : vector<1x128xf32>, vector<128x128xf32>, vector<1x128xf32> -> vector<1x128xf32>
    %ge3A_1885 = vector.broadcast %convert_element_type3A_24 : f32 to vector<1x128xf32>
    %ge3A_1886 = arith.cmpf oge, %dot_general3A_1884, %ge3A_1885 : vector<1x128xf32>
    %select_n3A_1887 = arith.select %ge3A_1886, %or3A_1875, %select_n3A_1820 : vector<1x128xi1>, vector<1x128xi32>
    %shift_left3A_1888 = arith.constant 1 : i32
    %shift_left3A_1889 = arith.shli %shift_left3A_1888, %sub3A_1839 : i32
    %or3A_1890 = vector.broadcast %shift_left3A_1889 : i32 to vector<1x128xi32>
    %or3A_1891 = arith.ori %select_n3A_1836, %or3A_1890 : vector<1x128xi32>
    %ge3A_1892 = vector.broadcast %or3A_1891 : vector<1x128xi32> to vector<256x128xi32>
    %ge3A_1893 = arith.cmpi uge, %slice3A_16, %ge3A_1892 : vector<256x128xi32>
    %convert_element_type3A_1894 = arith.extui %ge3A_1893 : vector<256x128xi1> to vector<256x128xi32>
    %convert_element_type3A_1895 = arith.sitofp %convert_element_type3A_1894 : vector<256x128xi32> to vector<256x128xf32>
    %reduce_sum3A_1896 = arith.constant dense<0.000000e+00> : vector<128xf32>
    %reduce_sum3A_1897 = vector.multi_reduction <add>, %convert_element_type3A_1895, %reduce_sum3A_1896 [0] : vector<256x128xf32> to vector<128xf32>
    %broadcast_in_dim3A_1898 = vector.shape_cast %reduce_sum3A_1897 : vector<128xf32> to vector<1x128xf32>
    %dot_general3A_1899 = arith.constant dense<0.000000e+00> : vector<1x128xf32>
    %dot_general3A_1900 = tpu.matmul %broadcast_in_dim3A_1898, %broadcast_in_dim3A_13, %dot_general3A_1899 {dimension_numbers = #tpu.dot_dimension_numbers<[1], [0], [0], [1], [0, 0, 1, 1], [], []>, transpose_lhs_hint = false} : vector<1x128xf32>, vector<128x128xf32>, vector<1x128xf32> -> vector<1x128xf32>
    %ge3A_1901 = vector.broadcast %convert_element_type3A_27 : f32 to vector<1x128xf32>
    %ge3A_1902 = arith.cmpf oge, %dot_general3A_1900, %ge3A_1901 : vector<1x128xf32>
    %select_n3A_1903 = arith.select %ge3A_1902, %or3A_1891, %select_n3A_1836 : vector<1x128xi1>, vector<1x128xi32>
    %scan3A_1904 = arith.constant 28 : i32
    %sub3A_1905 = arith.constant 31 : i32
    %sub3A_1906 = arith.subi %sub3A_1905, %scan3A_1904 : i32
    %shift_left3A_1907 = arith.constant 1 : i32
    %shift_left3A_1908 = arith.shli %shift_left3A_1907, %sub3A_1906 : i32
    %or3A_1909 = vector.broadcast %shift_left3A_1908 : i32 to vector<1x128xi32>
    %or3A_1910 = arith.ori %select_n3A_1855, %or3A_1909 : vector<1x128xi32>
    %ge3A_1911 = vector.broadcast %or3A_1910 : vector<1x128xi32> to vector<256x128xi32>
    %ge3A_1912 = arith.cmpi uge, %slice3A, %ge3A_1911 : vector<256x128xi32>
    %convert_element_type3A_1913 = arith.extui %ge3A_1912 : vector<256x128xi1> to vector<256x128xi32>
    %convert_element_type3A_1914 = arith.sitofp %convert_element_type3A_1913 : vector<256x128xi32> to vector<256x128xf32>
    %reduce_sum3A_1915 = arith.constant dense<0.000000e+00> : vector<128xf32>
    %reduce_sum3A_1916 = vector.multi_reduction <add>, %convert_element_type3A_1914, %reduce_sum3A_1915 [0] : vector<256x128xf32> to vector<128xf32>
    %broadcast_in_dim3A_1917 = vector.shape_cast %reduce_sum3A_1916 : vector<128xf32> to vector<1x128xf32>
    %dot_general3A_1918 = arith.constant dense<0.000000e+00> : vector<1x128xf32>
    %dot_general3A_1919 = tpu.matmul %broadcast_in_dim3A_1917, %broadcast_in_dim3A_13, %dot_general3A_1918 {dimension_numbers = #tpu.dot_dimension_numbers<[1], [0], [0], [1], [0, 0, 1, 1], [], []>, transpose_lhs_hint = false} : vector<1x128xf32>, vector<128x128xf32>, vector<1x128xf32> -> vector<1x128xf32>
    %ge3A_1920 = vector.broadcast %convert_element_type3A : f32 to vector<1x128xf32>
    %ge3A_1921 = arith.cmpf oge, %dot_general3A_1919, %ge3A_1920 : vector<1x128xf32>
    %select_n3A_1922 = arith.select %ge3A_1921, %or3A_1910, %select_n3A_1855 : vector<1x128xi1>, vector<1x128xi32>
    %shift_left3A_1923 = arith.constant 1 : i32
    %shift_left3A_1924 = arith.shli %shift_left3A_1923, %sub3A_1906 : i32
    %or3A_1925 = vector.broadcast %shift_left3A_1924 : i32 to vector<1x128xi32>
    %or3A_1926 = arith.ori %select_n3A_1871, %or3A_1925 : vector<1x128xi32>
    %ge3A_1927 = vector.broadcast %or3A_1926 : vector<1x128xi32> to vector<256x128xi32>
    %ge3A_1928 = arith.cmpi uge, %slice3A_14, %ge3A_1927 : vector<256x128xi32>
    %convert_element_type3A_1929 = arith.extui %ge3A_1928 : vector<256x128xi1> to vector<256x128xi32>
    %convert_element_type3A_1930 = arith.sitofp %convert_element_type3A_1929 : vector<256x128xi32> to vector<256x128xf32>
    %reduce_sum3A_1931 = arith.constant dense<0.000000e+00> : vector<128xf32>
    %reduce_sum3A_1932 = vector.multi_reduction <add>, %convert_element_type3A_1930, %reduce_sum3A_1931 [0] : vector<256x128xf32> to vector<128xf32>
    %broadcast_in_dim3A_1933 = vector.shape_cast %reduce_sum3A_1932 : vector<128xf32> to vector<1x128xf32>
    %dot_general3A_1934 = arith.constant dense<0.000000e+00> : vector<1x128xf32>
    %dot_general3A_1935 = tpu.matmul %broadcast_in_dim3A_1933, %broadcast_in_dim3A_13, %dot_general3A_1934 {dimension_numbers = #tpu.dot_dimension_numbers<[1], [0], [0], [1], [0, 0, 1, 1], [], []>, transpose_lhs_hint = false} : vector<1x128xf32>, vector<128x128xf32>, vector<1x128xf32> -> vector<1x128xf32>
    %ge3A_1936 = vector.broadcast %convert_element_type3A_21 : f32 to vector<1x128xf32>
    %ge3A_1937 = arith.cmpf oge, %dot_general3A_1935, %ge3A_1936 : vector<1x128xf32>
    %select_n3A_1938 = arith.select %ge3A_1937, %or3A_1926, %select_n3A_1871 : vector<1x128xi1>, vector<1x128xi32>
    %shift_left3A_1939 = arith.constant 1 : i32
    %shift_left3A_1940 = arith.shli %shift_left3A_1939, %sub3A_1906 : i32
    %or3A_1941 = vector.broadcast %shift_left3A_1940 : i32 to vector<1x128xi32>
    %or3A_1942 = arith.ori %select_n3A_1887, %or3A_1941 : vector<1x128xi32>
    %ge3A_1943 = vector.broadcast %or3A_1942 : vector<1x128xi32> to vector<256x128xi32>
    %ge3A_1944 = arith.cmpi uge, %slice3A_15, %ge3A_1943 : vector<256x128xi32>
    %convert_element_type3A_1945 = arith.extui %ge3A_1944 : vector<256x128xi1> to vector<256x128xi32>
    %convert_element_type3A_1946 = arith.sitofp %convert_element_type3A_1945 : vector<256x128xi32> to vector<256x128xf32>
    %reduce_sum3A_1947 = arith.constant dense<0.000000e+00> : vector<128xf32>
    %reduce_sum3A_1948 = vector.multi_reduction <add>, %convert_element_type3A_1946, %reduce_sum3A_1947 [0] : vector<256x128xf32> to vector<128xf32>
    %broadcast_in_dim3A_1949 = vector.shape_cast %reduce_sum3A_1948 : vector<128xf32> to vector<1x128xf32>
    %dot_general3A_1950 = arith.constant dense<0.000000e+00> : vector<1x128xf32>
    %dot_general3A_1951 = tpu.matmul %broadcast_in_dim3A_1949, %broadcast_in_dim3A_13, %dot_general3A_1950 {dimension_numbers = #tpu.dot_dimension_numbers<[1], [0], [0], [1], [0, 0, 1, 1], [], []>, transpose_lhs_hint = false} : vector<1x128xf32>, vector<128x128xf32>, vector<1x128xf32> -> vector<1x128xf32>
    %ge3A_1952 = vector.broadcast %convert_element_type3A_24 : f32 to vector<1x128xf32>
    %ge3A_1953 = arith.cmpf oge, %dot_general3A_1951, %ge3A_1952 : vector<1x128xf32>
    %select_n3A_1954 = arith.select %ge3A_1953, %or3A_1942, %select_n3A_1887 : vector<1x128xi1>, vector<1x128xi32>
    %shift_left3A_1955 = arith.constant 1 : i32
    %shift_left3A_1956 = arith.shli %shift_left3A_1955, %sub3A_1906 : i32
    %or3A_1957 = vector.broadcast %shift_left3A_1956 : i32 to vector<1x128xi32>
    %or3A_1958 = arith.ori %select_n3A_1903, %or3A_1957 : vector<1x128xi32>
    %ge3A_1959 = vector.broadcast %or3A_1958 : vector<1x128xi32> to vector<256x128xi32>
    %ge3A_1960 = arith.cmpi uge, %slice3A_16, %ge3A_1959 : vector<256x128xi32>
    %convert_element_type3A_1961 = arith.extui %ge3A_1960 : vector<256x128xi1> to vector<256x128xi32>
    %convert_element_type3A_1962 = arith.sitofp %convert_element_type3A_1961 : vector<256x128xi32> to vector<256x128xf32>
    %reduce_sum3A_1963 = arith.constant dense<0.000000e+00> : vector<128xf32>
    %reduce_sum3A_1964 = vector.multi_reduction <add>, %convert_element_type3A_1962, %reduce_sum3A_1963 [0] : vector<256x128xf32> to vector<128xf32>
    %broadcast_in_dim3A_1965 = vector.shape_cast %reduce_sum3A_1964 : vector<128xf32> to vector<1x128xf32>
    %dot_general3A_1966 = arith.constant dense<0.000000e+00> : vector<1x128xf32>
    %dot_general3A_1967 = tpu.matmul %broadcast_in_dim3A_1965, %broadcast_in_dim3A_13, %dot_general3A_1966 {dimension_numbers = #tpu.dot_dimension_numbers<[1], [0], [0], [1], [0, 0, 1, 1], [], []>, transpose_lhs_hint = false} : vector<1x128xf32>, vector<128x128xf32>, vector<1x128xf32> -> vector<1x128xf32>
    %ge3A_1968 = vector.broadcast %convert_element_type3A_27 : f32 to vector<1x128xf32>
    %ge3A_1969 = arith.cmpf oge, %dot_general3A_1967, %ge3A_1968 : vector<1x128xf32>
    %select_n3A_1970 = arith.select %ge3A_1969, %or3A_1958, %select_n3A_1903 : vector<1x128xi1>, vector<1x128xi32>
    %scan3A_1971 = arith.constant 29 : i32
    %sub3A_1972 = arith.constant 31 : i32
    %sub3A_1973 = arith.subi %sub3A_1972, %scan3A_1971 : i32
    %shift_left3A_1974 = arith.constant 1 : i32
    %shift_left3A_1975 = arith.shli %shift_left3A_1974, %sub3A_1973 : i32
    %or3A_1976 = vector.broadcast %shift_left3A_1975 : i32 to vector<1x128xi32>
    %or3A_1977 = arith.ori %select_n3A_1922, %or3A_1976 : vector<1x128xi32>
    %ge3A_1978 = vector.broadcast %or3A_1977 : vector<1x128xi32> to vector<256x128xi32>
    %ge3A_1979 = arith.cmpi uge, %slice3A, %ge3A_1978 : vector<256x128xi32>
    %convert_element_type3A_1980 = arith.extui %ge3A_1979 : vector<256x128xi1> to vector<256x128xi32>
    %convert_element_type3A_1981 = arith.sitofp %convert_element_type3A_1980 : vector<256x128xi32> to vector<256x128xf32>
    %reduce_sum3A_1982 = arith.constant dense<0.000000e+00> : vector<128xf32>
    %reduce_sum3A_1983 = vector.multi_reduction <add>, %convert_element_type3A_1981, %reduce_sum3A_1982 [0] : vector<256x128xf32> to vector<128xf32>
    %broadcast_in_dim3A_1984 = vector.shape_cast %reduce_sum3A_1983 : vector<128xf32> to vector<1x128xf32>
    %dot_general3A_1985 = arith.constant dense<0.000000e+00> : vector<1x128xf32>
    %dot_general3A_1986 = tpu.matmul %broadcast_in_dim3A_1984, %broadcast_in_dim3A_13, %dot_general3A_1985 {dimension_numbers = #tpu.dot_dimension_numbers<[1], [0], [0], [1], [0, 0, 1, 1], [], []>, transpose_lhs_hint = false} : vector<1x128xf32>, vector<128x128xf32>, vector<1x128xf32> -> vector<1x128xf32>
    %ge3A_1987 = vector.broadcast %convert_element_type3A : f32 to vector<1x128xf32>
    %ge3A_1988 = arith.cmpf oge, %dot_general3A_1986, %ge3A_1987 : vector<1x128xf32>
    %select_n3A_1989 = arith.select %ge3A_1988, %or3A_1977, %select_n3A_1922 : vector<1x128xi1>, vector<1x128xi32>
    %shift_left3A_1990 = arith.constant 1 : i32
    %shift_left3A_1991 = arith.shli %shift_left3A_1990, %sub3A_1973 : i32
    %or3A_1992 = vector.broadcast %shift_left3A_1991 : i32 to vector<1x128xi32>
    %or3A_1993 = arith.ori %select_n3A_1938, %or3A_1992 : vector<1x128xi32>
    %ge3A_1994 = vector.broadcast %or3A_1993 : vector<1x128xi32> to vector<256x128xi32>
    %ge3A_1995 = arith.cmpi uge, %slice3A_14, %ge3A_1994 : vector<256x128xi32>
    %convert_element_type3A_1996 = arith.extui %ge3A_1995 : vector<256x128xi1> to vector<256x128xi32>
    %convert_element_type3A_1997 = arith.sitofp %convert_element_type3A_1996 : vector<256x128xi32> to vector<256x128xf32>
    %reduce_sum3A_1998 = arith.constant dense<0.000000e+00> : vector<128xf32>
    %reduce_sum3A_1999 = vector.multi_reduction <add>, %convert_element_type3A_1997, %reduce_sum3A_1998 [0] : vector<256x128xf32> to vector<128xf32>
    %broadcast_in_dim3A_2000 = vector.shape_cast %reduce_sum3A_1999 : vector<128xf32> to vector<1x128xf32>
    %dot_general3A_2001 = arith.constant dense<0.000000e+00> : vector<1x128xf32>
    %dot_general3A_2002 = tpu.matmul %broadcast_in_dim3A_2000, %broadcast_in_dim3A_13, %dot_general3A_2001 {dimension_numbers = #tpu.dot_dimension_numbers<[1], [0], [0], [1], [0, 0, 1, 1], [], []>, transpose_lhs_hint = false} : vector<1x128xf32>, vector<128x128xf32>, vector<1x128xf32> -> vector<1x128xf32>
    %ge3A_2003 = vector.broadcast %convert_element_type3A_21 : f32 to vector<1x128xf32>
    %ge3A_2004 = arith.cmpf oge, %dot_general3A_2002, %ge3A_2003 : vector<1x128xf32>
    %select_n3A_2005 = arith.select %ge3A_2004, %or3A_1993, %select_n3A_1938 : vector<1x128xi1>, vector<1x128xi32>
    %shift_left3A_2006 = arith.constant 1 : i32
    %shift_left3A_2007 = arith.shli %shift_left3A_2006, %sub3A_1973 : i32
    %or3A_2008 = vector.broadcast %shift_left3A_2007 : i32 to vector<1x128xi32>
    %or3A_2009 = arith.ori %select_n3A_1954, %or3A_2008 : vector<1x128xi32>
    %ge3A_2010 = vector.broadcast %or3A_2009 : vector<1x128xi32> to vector<256x128xi32>
    %ge3A_2011 = arith.cmpi uge, %slice3A_15, %ge3A_2010 : vector<256x128xi32>
    %convert_element_type3A_2012 = arith.extui %ge3A_2011 : vector<256x128xi1> to vector<256x128xi32>
    %convert_element_type3A_2013 = arith.sitofp %convert_element_type3A_2012 : vector<256x128xi32> to vector<256x128xf32>
    %reduce_sum3A_2014 = arith.constant dense<0.000000e+00> : vector<128xf32>
    %reduce_sum3A_2015 = vector.multi_reduction <add>, %convert_element_type3A_2013, %reduce_sum3A_2014 [0] : vector<256x128xf32> to vector<128xf32>
    %broadcast_in_dim3A_2016 = vector.shape_cast %reduce_sum3A_2015 : vector<128xf32> to vector<1x128xf32>
    %dot_general3A_2017 = arith.constant dense<0.000000e+00> : vector<1x128xf32>
    %dot_general3A_2018 = tpu.matmul %broadcast_in_dim3A_2016, %broadcast_in_dim3A_13, %dot_general3A_2017 {dimension_numbers = #tpu.dot_dimension_numbers<[1], [0], [0], [1], [0, 0, 1, 1], [], []>, transpose_lhs_hint = false} : vector<1x128xf32>, vector<128x128xf32>, vector<1x128xf32> -> vector<1x128xf32>
    %ge3A_2019 = vector.broadcast %convert_element_type3A_24 : f32 to vector<1x128xf32>
    %ge3A_2020 = arith.cmpf oge, %dot_general3A_2018, %ge3A_2019 : vector<1x128xf32>
    %select_n3A_2021 = arith.select %ge3A_2020, %or3A_2009, %select_n3A_1954 : vector<1x128xi1>, vector<1x128xi32>
    %shift_left3A_2022 = arith.constant 1 : i32
    %shift_left3A_2023 = arith.shli %shift_left3A_2022, %sub3A_1973 : i32
    %or3A_2024 = vector.broadcast %shift_left3A_2023 : i32 to vector<1x128xi32>
    %or3A_2025 = arith.ori %select_n3A_1970, %or3A_2024 : vector<1x128xi32>
    %ge3A_2026 = vector.broadcast %or3A_2025 : vector<1x128xi32> to vector<256x128xi32>
    %ge3A_2027 = arith.cmpi uge, %slice3A_16, %ge3A_2026 : vector<256x128xi32>
    %convert_element_type3A_2028 = arith.extui %ge3A_2027 : vector<256x128xi1> to vector<256x128xi32>
    %convert_element_type3A_2029 = arith.sitofp %convert_element_type3A_2028 : vector<256x128xi32> to vector<256x128xf32>
    %reduce_sum3A_2030 = arith.constant dense<0.000000e+00> : vector<128xf32>
    %reduce_sum3A_2031 = vector.multi_reduction <add>, %convert_element_type3A_2029, %reduce_sum3A_2030 [0] : vector<256x128xf32> to vector<128xf32>
    %broadcast_in_dim3A_2032 = vector.shape_cast %reduce_sum3A_2031 : vector<128xf32> to vector<1x128xf32>
    %dot_general3A_2033 = arith.constant dense<0.000000e+00> : vector<1x128xf32>
    %dot_general3A_2034 = tpu.matmul %broadcast_in_dim3A_2032, %broadcast_in_dim3A_13, %dot_general3A_2033 {dimension_numbers = #tpu.dot_dimension_numbers<[1], [0], [0], [1], [0, 0, 1, 1], [], []>, transpose_lhs_hint = false} : vector<1x128xf32>, vector<128x128xf32>, vector<1x128xf32> -> vector<1x128xf32>
    %ge3A_2035 = vector.broadcast %convert_element_type3A_27 : f32 to vector<1x128xf32>
    %ge3A_2036 = arith.cmpf oge, %dot_general3A_2034, %ge3A_2035 : vector<1x128xf32>
    %select_n3A_2037 = arith.select %ge3A_2036, %or3A_2025, %select_n3A_1970 : vector<1x128xi1>, vector<1x128xi32>
    %scan3A_2038 = arith.constant 30 : i32
    %sub3A_2039 = arith.constant 31 : i32
    %sub3A_2040 = arith.subi %sub3A_2039, %scan3A_2038 : i32
    %shift_left3A_2041 = arith.constant 1 : i32
    %shift_left3A_2042 = arith.shli %shift_left3A_2041, %sub3A_2040 : i32
    %or3A_2043 = vector.broadcast %shift_left3A_2042 : i32 to vector<1x128xi32>
    %or3A_2044 = arith.ori %select_n3A_1989, %or3A_2043 : vector<1x128xi32>
    %ge3A_2045 = vector.broadcast %or3A_2044 : vector<1x128xi32> to vector<256x128xi32>
    %ge3A_2046 = arith.cmpi uge, %slice3A, %ge3A_2045 : vector<256x128xi32>
    %convert_element_type3A_2047 = arith.extui %ge3A_2046 : vector<256x128xi1> to vector<256x128xi32>
    %convert_element_type3A_2048 = arith.sitofp %convert_element_type3A_2047 : vector<256x128xi32> to vector<256x128xf32>
    %reduce_sum3A_2049 = arith.constant dense<0.000000e+00> : vector<128xf32>
    %reduce_sum3A_2050 = vector.multi_reduction <add>, %convert_element_type3A_2048, %reduce_sum3A_2049 [0] : vector<256x128xf32> to vector<128xf32>
    %broadcast_in_dim3A_2051 = vector.shape_cast %reduce_sum3A_2050 : vector<128xf32> to vector<1x128xf32>
    %dot_general3A_2052 = arith.constant dense<0.000000e+00> : vector<1x128xf32>
    %dot_general3A_2053 = tpu.matmul %broadcast_in_dim3A_2051, %broadcast_in_dim3A_13, %dot_general3A_2052 {dimension_numbers = #tpu.dot_dimension_numbers<[1], [0], [0], [1], [0, 0, 1, 1], [], []>, transpose_lhs_hint = false} : vector<1x128xf32>, vector<128x128xf32>, vector<1x128xf32> -> vector<1x128xf32>
    %ge3A_2054 = vector.broadcast %convert_element_type3A : f32 to vector<1x128xf32>
    %ge3A_2055 = arith.cmpf oge, %dot_general3A_2053, %ge3A_2054 : vector<1x128xf32>
    %select_n3A_2056 = arith.select %ge3A_2055, %or3A_2044, %select_n3A_1989 : vector<1x128xi1>, vector<1x128xi32>
    %shift_left3A_2057 = arith.constant 1 : i32
    %shift_left3A_2058 = arith.shli %shift_left3A_2057, %sub3A_2040 : i32
    %or3A_2059 = vector.broadcast %shift_left3A_2058 : i32 to vector<1x128xi32>
    %or3A_2060 = arith.ori %select_n3A_2005, %or3A_2059 : vector<1x128xi32>
    %ge3A_2061 = vector.broadcast %or3A_2060 : vector<1x128xi32> to vector<256x128xi32>
    %ge3A_2062 = arith.cmpi uge, %slice3A_14, %ge3A_2061 : vector<256x128xi32>
    %convert_element_type3A_2063 = arith.extui %ge3A_2062 : vector<256x128xi1> to vector<256x128xi32>
    %convert_element_type3A_2064 = arith.sitofp %convert_element_type3A_2063 : vector<256x128xi32> to vector<256x128xf32>
    %reduce_sum3A_2065 = arith.constant dense<0.000000e+00> : vector<128xf32>
    %reduce_sum3A_2066 = vector.multi_reduction <add>, %convert_element_type3A_2064, %reduce_sum3A_2065 [0] : vector<256x128xf32> to vector<128xf32>
    %broadcast_in_dim3A_2067 = vector.shape_cast %reduce_sum3A_2066 : vector<128xf32> to vector<1x128xf32>
    %dot_general3A_2068 = arith.constant dense<0.000000e+00> : vector<1x128xf32>
    %dot_general3A_2069 = tpu.matmul %broadcast_in_dim3A_2067, %broadcast_in_dim3A_13, %dot_general3A_2068 {dimension_numbers = #tpu.dot_dimension_numbers<[1], [0], [0], [1], [0, 0, 1, 1], [], []>, transpose_lhs_hint = false} : vector<1x128xf32>, vector<128x128xf32>, vector<1x128xf32> -> vector<1x128xf32>
    %ge3A_2070 = vector.broadcast %convert_element_type3A_21 : f32 to vector<1x128xf32>
    %ge3A_2071 = arith.cmpf oge, %dot_general3A_2069, %ge3A_2070 : vector<1x128xf32>
    %select_n3A_2072 = arith.select %ge3A_2071, %or3A_2060, %select_n3A_2005 : vector<1x128xi1>, vector<1x128xi32>
    %shift_left3A_2073 = arith.constant 1 : i32
    %shift_left3A_2074 = arith.shli %shift_left3A_2073, %sub3A_2040 : i32
    %or3A_2075 = vector.broadcast %shift_left3A_2074 : i32 to vector<1x128xi32>
    %or3A_2076 = arith.ori %select_n3A_2021, %or3A_2075 : vector<1x128xi32>
    %ge3A_2077 = vector.broadcast %or3A_2076 : vector<1x128xi32> to vector<256x128xi32>
    %ge3A_2078 = arith.cmpi uge, %slice3A_15, %ge3A_2077 : vector<256x128xi32>
    %convert_element_type3A_2079 = arith.extui %ge3A_2078 : vector<256x128xi1> to vector<256x128xi32>
    %convert_element_type3A_2080 = arith.sitofp %convert_element_type3A_2079 : vector<256x128xi32> to vector<256x128xf32>
    %reduce_sum3A_2081 = arith.constant dense<0.000000e+00> : vector<128xf32>
    %reduce_sum3A_2082 = vector.multi_reduction <add>, %convert_element_type3A_2080, %reduce_sum3A_2081 [0] : vector<256x128xf32> to vector<128xf32>
    %broadcast_in_dim3A_2083 = vector.shape_cast %reduce_sum3A_2082 : vector<128xf32> to vector<1x128xf32>
    %dot_general3A_2084 = arith.constant dense<0.000000e+00> : vector<1x128xf32>
    %dot_general3A_2085 = tpu.matmul %broadcast_in_dim3A_2083, %broadcast_in_dim3A_13, %dot_general3A_2084 {dimension_numbers = #tpu.dot_dimension_numbers<[1], [0], [0], [1], [0, 0, 1, 1], [], []>, transpose_lhs_hint = false} : vector<1x128xf32>, vector<128x128xf32>, vector<1x128xf32> -> vector<1x128xf32>
    %ge3A_2086 = vector.broadcast %convert_element_type3A_24 : f32 to vector<1x128xf32>
    %ge3A_2087 = arith.cmpf oge, %dot_general3A_2085, %ge3A_2086 : vector<1x128xf32>
    %select_n3A_2088 = arith.select %ge3A_2087, %or3A_2076, %select_n3A_2021 : vector<1x128xi1>, vector<1x128xi32>
    %shift_left3A_2089 = arith.constant 1 : i32
    %shift_left3A_2090 = arith.shli %shift_left3A_2089, %sub3A_2040 : i32
    %or3A_2091 = vector.broadcast %shift_left3A_2090 : i32 to vector<1x128xi32>
    %or3A_2092 = arith.ori %select_n3A_2037, %or3A_2091 : vector<1x128xi32>
    %ge3A_2093 = vector.broadcast %or3A_2092 : vector<1x128xi32> to vector<256x128xi32>
    %ge3A_2094 = arith.cmpi uge, %slice3A_16, %ge3A_2093 : vector<256x128xi32>
    %convert_element_type3A_2095 = arith.extui %ge3A_2094 : vector<256x128xi1> to vector<256x128xi32>
    %convert_element_type3A_2096 = arith.sitofp %convert_element_type3A_2095 : vector<256x128xi32> to vector<256x128xf32>
    %reduce_sum3A_2097 = arith.constant dense<0.000000e+00> : vector<128xf32>
    %reduce_sum3A_2098 = vector.multi_reduction <add>, %convert_element_type3A_2096, %reduce_sum3A_2097 [0] : vector<256x128xf32> to vector<128xf32>
    %broadcast_in_dim3A_2099 = vector.shape_cast %reduce_sum3A_2098 : vector<128xf32> to vector<1x128xf32>
    %dot_general3A_2100 = arith.constant dense<0.000000e+00> : vector<1x128xf32>
    %dot_general3A_2101 = tpu.matmul %broadcast_in_dim3A_2099, %broadcast_in_dim3A_13, %dot_general3A_2100 {dimension_numbers = #tpu.dot_dimension_numbers<[1], [0], [0], [1], [0, 0, 1, 1], [], []>, transpose_lhs_hint = false} : vector<1x128xf32>, vector<128x128xf32>, vector<1x128xf32> -> vector<1x128xf32>
    %ge3A_2102 = vector.broadcast %convert_element_type3A_27 : f32 to vector<1x128xf32>
    %ge3A_2103 = arith.cmpf oge, %dot_general3A_2101, %ge3A_2102 : vector<1x128xf32>
    %select_n3A_2104 = arith.select %ge3A_2103, %or3A_2092, %select_n3A_2037 : vector<1x128xi1>, vector<1x128xi32>
    %scan3A_2105 = arith.constant 31 : i32
    %sub3A_2106 = arith.constant 31 : i32
    %sub3A_2107 = arith.subi %sub3A_2106, %scan3A_2105 : i32
    %shift_left3A_2108 = arith.constant 1 : i32
    %shift_left3A_2109 = arith.shli %shift_left3A_2108, %sub3A_2107 : i32
    %or3A_2110 = vector.broadcast %shift_left3A_2109 : i32 to vector<1x128xi32>
    %or3A_2111 = arith.ori %select_n3A_2056, %or3A_2110 : vector<1x128xi32>
    %ge3A_2112 = vector.broadcast %or3A_2111 : vector<1x128xi32> to vector<256x128xi32>
    %ge3A_2113 = arith.cmpi uge, %slice3A, %ge3A_2112 : vector<256x128xi32>
    %convert_element_type3A_2114 = arith.extui %ge3A_2113 : vector<256x128xi1> to vector<256x128xi32>
    %convert_element_type3A_2115 = arith.sitofp %convert_element_type3A_2114 : vector<256x128xi32> to vector<256x128xf32>
    %reduce_sum3A_2116 = arith.constant dense<0.000000e+00> : vector<128xf32>
    %reduce_sum3A_2117 = vector.multi_reduction <add>, %convert_element_type3A_2115, %reduce_sum3A_2116 [0] : vector<256x128xf32> to vector<128xf32>
    %broadcast_in_dim3A_2118 = vector.shape_cast %reduce_sum3A_2117 : vector<128xf32> to vector<1x128xf32>
    %dot_general3A_2119 = arith.constant dense<0.000000e+00> : vector<1x128xf32>
    %dot_general3A_2120 = tpu.matmul %broadcast_in_dim3A_2118, %broadcast_in_dim3A_13, %dot_general3A_2119 {dimension_numbers = #tpu.dot_dimension_numbers<[1], [0], [0], [1], [0, 0, 1, 1], [], []>, transpose_lhs_hint = false} : vector<1x128xf32>, vector<128x128xf32>, vector<1x128xf32> -> vector<1x128xf32>
    %ge3A_2121 = vector.broadcast %convert_element_type3A : f32 to vector<1x128xf32>
    %ge3A_2122 = arith.cmpf oge, %dot_general3A_2120, %ge3A_2121 : vector<1x128xf32>
    %select_n3A_2123 = arith.select %ge3A_2122, %or3A_2111, %select_n3A_2056 : vector<1x128xi1>, vector<1x128xi32>
    %shift_left3A_2124 = arith.constant 1 : i32
    %shift_left3A_2125 = arith.shli %shift_left3A_2124, %sub3A_2107 : i32
    %or3A_2126 = vector.broadcast %shift_left3A_2125 : i32 to vector<1x128xi32>
    %or3A_2127 = arith.ori %select_n3A_2072, %or3A_2126 : vector<1x128xi32>
    %ge3A_2128 = vector.broadcast %or3A_2127 : vector<1x128xi32> to vector<256x128xi32>
    %ge3A_2129 = arith.cmpi uge, %slice3A_14, %ge3A_2128 : vector<256x128xi32>
    %convert_element_type3A_2130 = arith.extui %ge3A_2129 : vector<256x128xi1> to vector<256x128xi32>
    %convert_element_type3A_2131 = arith.sitofp %convert_element_type3A_2130 : vector<256x128xi32> to vector<256x128xf32>
    %reduce_sum3A_2132 = arith.constant dense<0.000000e+00> : vector<128xf32>
    %reduce_sum3A_2133 = vector.multi_reduction <add>, %convert_element_type3A_2131, %reduce_sum3A_2132 [0] : vector<256x128xf32> to vector<128xf32>
    %broadcast_in_dim3A_2134 = vector.shape_cast %reduce_sum3A_2133 : vector<128xf32> to vector<1x128xf32>
    %dot_general3A_2135 = arith.constant dense<0.000000e+00> : vector<1x128xf32>
    %dot_general3A_2136 = tpu.matmul %broadcast_in_dim3A_2134, %broadcast_in_dim3A_13, %dot_general3A_2135 {dimension_numbers = #tpu.dot_dimension_numbers<[1], [0], [0], [1], [0, 0, 1, 1], [], []>, transpose_lhs_hint = false} : vector<1x128xf32>, vector<128x128xf32>, vector<1x128xf32> -> vector<1x128xf32>
    %ge3A_2137 = vector.broadcast %convert_element_type3A_21 : f32 to vector<1x128xf32>
    %ge3A_2138 = arith.cmpf oge, %dot_general3A_2136, %ge3A_2137 : vector<1x128xf32>
    %select_n3A_2139 = arith.select %ge3A_2138, %or3A_2127, %select_n3A_2072 : vector<1x128xi1>, vector<1x128xi32>
    %shift_left3A_2140 = arith.constant 1 : i32
    %shift_left3A_2141 = arith.shli %shift_left3A_2140, %sub3A_2107 : i32
    %or3A_2142 = vector.broadcast %shift_left3A_2141 : i32 to vector<1x128xi32>
    %or3A_2143 = arith.ori %select_n3A_2088, %or3A_2142 : vector<1x128xi32>
    %ge3A_2144 = vector.broadcast %or3A_2143 : vector<1x128xi32> to vector<256x128xi32>
    %ge3A_2145 = arith.cmpi uge, %slice3A_15, %ge3A_2144 : vector<256x128xi32>
    %convert_element_type3A_2146 = arith.extui %ge3A_2145 : vector<256x128xi1> to vector<256x128xi32>
    %convert_element_type3A_2147 = arith.sitofp %convert_element_type3A_2146 : vector<256x128xi32> to vector<256x128xf32>
    %reduce_sum3A_2148 = arith.constant dense<0.000000e+00> : vector<128xf32>
    %reduce_sum3A_2149 = vector.multi_reduction <add>, %convert_element_type3A_2147, %reduce_sum3A_2148 [0] : vector<256x128xf32> to vector<128xf32>
    %broadcast_in_dim3A_2150 = vector.shape_cast %reduce_sum3A_2149 : vector<128xf32> to vector<1x128xf32>
    %dot_general3A_2151 = arith.constant dense<0.000000e+00> : vector<1x128xf32>
    %dot_general3A_2152 = tpu.matmul %broadcast_in_dim3A_2150, %broadcast_in_dim3A_13, %dot_general3A_2151 {dimension_numbers = #tpu.dot_dimension_numbers<[1], [0], [0], [1], [0, 0, 1, 1], [], []>, transpose_lhs_hint = false} : vector<1x128xf32>, vector<128x128xf32>, vector<1x128xf32> -> vector<1x128xf32>
    %ge3A_2153 = vector.broadcast %convert_element_type3A_24 : f32 to vector<1x128xf32>
    %ge3A_2154 = arith.cmpf oge, %dot_general3A_2152, %ge3A_2153 : vector<1x128xf32>
    %select_n3A_2155 = arith.select %ge3A_2154, %or3A_2143, %select_n3A_2088 : vector<1x128xi1>, vector<1x128xi32>
    %shift_left3A_2156 = arith.constant 1 : i32
    %shift_left3A_2157 = arith.shli %shift_left3A_2156, %sub3A_2107 : i32
    %or3A_2158 = vector.broadcast %shift_left3A_2157 : i32 to vector<1x128xi32>
    %or3A_2159 = arith.ori %select_n3A_2104, %or3A_2158 : vector<1x128xi32>
    %ge3A_2160 = vector.broadcast %or3A_2159 : vector<1x128xi32> to vector<256x128xi32>
    %ge3A_2161 = arith.cmpi uge, %slice3A_16, %ge3A_2160 : vector<256x128xi32>
    %convert_element_type3A_2162 = arith.extui %ge3A_2161 : vector<256x128xi1> to vector<256x128xi32>
    %convert_element_type3A_2163 = arith.sitofp %convert_element_type3A_2162 : vector<256x128xi32> to vector<256x128xf32>
    %reduce_sum3A_2164 = arith.constant dense<0.000000e+00> : vector<128xf32>
    %reduce_sum3A_2165 = vector.multi_reduction <add>, %convert_element_type3A_2163, %reduce_sum3A_2164 [0] : vector<256x128xf32> to vector<128xf32>
    %broadcast_in_dim3A_2166 = vector.shape_cast %reduce_sum3A_2165 : vector<128xf32> to vector<1x128xf32>
    %dot_general3A_2167 = arith.constant dense<0.000000e+00> : vector<1x128xf32>
    %dot_general3A_2168 = tpu.matmul %broadcast_in_dim3A_2166, %broadcast_in_dim3A_13, %dot_general3A_2167 {dimension_numbers = #tpu.dot_dimension_numbers<[1], [0], [0], [1], [0, 0, 1, 1], [], []>, transpose_lhs_hint = false} : vector<1x128xf32>, vector<128x128xf32>, vector<1x128xf32> -> vector<1x128xf32>
    %ge3A_2169 = vector.broadcast %convert_element_type3A_27 : f32 to vector<1x128xf32>
    %ge3A_2170 = arith.cmpf oge, %dot_general3A_2168, %ge3A_2169 : vector<1x128xf32>
    %select_n3A_2171 = arith.select %ge3A_2170, %or3A_2159, %select_n3A_2104 : vector<1x128xi1>, vector<1x128xi32>
    %scan3A_2172 = arith.constant 32 : i32
    %gt3A = vector.broadcast %select_n3A_2123 : vector<1x128xi32> to vector<256x128xi32>
    %gt3A_2173 = arith.cmpi ugt, %slice3A, %gt3A : vector<256x128xi32>
    %convert_element_type3A_2174 = arith.extui %gt3A_2173 : vector<256x128xi1> to vector<256x128xi32>
    %convert_element_type3A_2175 = arith.sitofp %convert_element_type3A_2174 : vector<256x128xi32> to vector<256x128xf32>
    %reduce_sum3A_2176 = arith.constant dense<0.000000e+00> : vector<128xf32>
    %reduce_sum3A_2177 = vector.multi_reduction <add>, %convert_element_type3A_2175, %reduce_sum3A_2176 [0] : vector<256x128xf32> to vector<128xf32>
    %broadcast_in_dim3A_2178 = vector.shape_cast %reduce_sum3A_2177 : vector<128xf32> to vector<1x128xf32>
    %dot_general3A_2179 = arith.constant dense<0.000000e+00> : vector<1x128xf32>
    %dot_general3A_2180 = tpu.matmul %broadcast_in_dim3A_2178, %broadcast_in_dim3A_13, %dot_general3A_2179 {dimension_numbers = #tpu.dot_dimension_numbers<[1], [0], [0], [1], [0, 0, 1, 1], [], []>, transpose_lhs_hint = false} : vector<1x128xf32>, vector<128x128xf32>, vector<1x128xf32> -> vector<1x128xf32>
    %sub3A_2181 = vector.broadcast %convert_element_type3A : f32 to vector<1x128xf32>
    %sub3A_2182 = arith.subf %sub3A_2181, %dot_general3A_2180 : vector<1x128xf32>
    %gt3A_2183 = vector.broadcast %select_n3A_2139 : vector<1x128xi32> to vector<256x128xi32>
    %gt3A_2184 = arith.cmpi ugt, %slice3A_14, %gt3A_2183 : vector<256x128xi32>
    %convert_element_type3A_2185 = arith.extui %gt3A_2184 : vector<256x128xi1> to vector<256x128xi32>
    %convert_element_type3A_2186 = arith.sitofp %convert_element_type3A_2185 : vector<256x128xi32> to vector<256x128xf32>
    %reduce_sum3A_2187 = arith.constant dense<0.000000e+00> : vector<128xf32>
    %reduce_sum3A_2188 = vector.multi_reduction <add>, %convert_element_type3A_2186, %reduce_sum3A_2187 [0] : vector<256x128xf32> to vector<128xf32>
    %broadcast_in_dim3A_2189 = vector.shape_cast %reduce_sum3A_2188 : vector<128xf32> to vector<1x128xf32>
    %dot_general3A_2190 = arith.constant dense<0.000000e+00> : vector<1x128xf32>
    %dot_general3A_2191 = tpu.matmul %broadcast_in_dim3A_2189, %broadcast_in_dim3A_13, %dot_general3A_2190 {dimension_numbers = #tpu.dot_dimension_numbers<[1], [0], [0], [1], [0, 0, 1, 1], [], []>, transpose_lhs_hint = false} : vector<1x128xf32>, vector<128x128xf32>, vector<1x128xf32> -> vector<1x128xf32>
    %sub3A_2192 = vector.broadcast %convert_element_type3A_21 : f32 to vector<1x128xf32>
    %sub3A_2193 = arith.subf %sub3A_2192, %dot_general3A_2191 : vector<1x128xf32>
    %gt3A_2194 = vector.broadcast %select_n3A_2155 : vector<1x128xi32> to vector<256x128xi32>
    %gt3A_2195 = arith.cmpi ugt, %slice3A_15, %gt3A_2194 : vector<256x128xi32>
    %convert_element_type3A_2196 = arith.extui %gt3A_2195 : vector<256x128xi1> to vector<256x128xi32>
    %convert_element_type3A_2197 = arith.sitofp %convert_element_type3A_2196 : vector<256x128xi32> to vector<256x128xf32>
    %reduce_sum3A_2198 = arith.constant dense<0.000000e+00> : vector<128xf32>
    %reduce_sum3A_2199 = vector.multi_reduction <add>, %convert_element_type3A_2197, %reduce_sum3A_2198 [0] : vector<256x128xf32> to vector<128xf32>
    %broadcast_in_dim3A_2200 = vector.shape_cast %reduce_sum3A_2199 : vector<128xf32> to vector<1x128xf32>
    %dot_general3A_2201 = arith.constant dense<0.000000e+00> : vector<1x128xf32>
    %dot_general3A_2202 = tpu.matmul %broadcast_in_dim3A_2200, %broadcast_in_dim3A_13, %dot_general3A_2201 {dimension_numbers = #tpu.dot_dimension_numbers<[1], [0], [0], [1], [0, 0, 1, 1], [], []>, transpose_lhs_hint = false} : vector<1x128xf32>, vector<128x128xf32>, vector<1x128xf32> -> vector<1x128xf32>
    %sub3A_2203 = vector.broadcast %convert_element_type3A_24 : f32 to vector<1x128xf32>
    %sub3A_2204 = arith.subf %sub3A_2203, %dot_general3A_2202 : vector<1x128xf32>
    %gt3A_2205 = vector.broadcast %select_n3A_2171 : vector<1x128xi32> to vector<256x128xi32>
    %gt3A_2206 = arith.cmpi ugt, %slice3A_16, %gt3A_2205 : vector<256x128xi32>
    %convert_element_type3A_2207 = arith.extui %gt3A_2206 : vector<256x128xi1> to vector<256x128xi32>
    %convert_element_type3A_2208 = arith.sitofp %convert_element_type3A_2207 : vector<256x128xi32> to vector<256x128xf32>
    %reduce_sum3A_2209 = arith.constant dense<0.000000e+00> : vector<128xf32>
    %reduce_sum3A_2210 = vector.multi_reduction <add>, %convert_element_type3A_2208, %reduce_sum3A_2209 [0] : vector<256x128xf32> to vector<128xf32>
    %broadcast_in_dim3A_2211 = vector.shape_cast %reduce_sum3A_2210 : vector<128xf32> to vector<1x128xf32>
    %dot_general3A_2212 = arith.constant dense<0.000000e+00> : vector<1x128xf32>
    %dot_general3A_2213 = tpu.matmul %broadcast_in_dim3A_2211, %broadcast_in_dim3A_13, %dot_general3A_2212 {dimension_numbers = #tpu.dot_dimension_numbers<[1], [0], [0], [1], [0, 0, 1, 1], [], []>, transpose_lhs_hint = false} : vector<1x128xf32>, vector<128x128xf32>, vector<1x128xf32> -> vector<1x128xf32>
    %sub3A_2214 = vector.broadcast %convert_element_type3A_27 : f32 to vector<1x128xf32>
    %sub3A_2215 = arith.subf %sub3A_2214, %dot_general3A_2213 : vector<1x128xf32>
    %eq3A = vector.broadcast %select_n3A_2123 : vector<1x128xi32> to vector<256x128xi32>
    %eq3A_2216 = arith.cmpi eq, %slice3A, %eq3A : vector<256x128xi32>
    %eq3A_2217 = vector.broadcast %select_n3A_2139 : vector<1x128xi32> to vector<256x128xi32>
    %eq3A_2218 = arith.cmpi eq, %slice3A_14, %eq3A_2217 : vector<256x128xi32>
    %eq3A_2219 = vector.broadcast %select_n3A_2155 : vector<1x128xi32> to vector<256x128xi32>
    %eq3A_2220 = arith.cmpi eq, %slice3A_15, %eq3A_2219 : vector<256x128xi32>
    %eq3A_2221 = vector.broadcast %select_n3A_2171 : vector<1x128xi32> to vector<256x128xi32>
    %eq3A_2222 = arith.cmpi eq, %slice3A_16, %eq3A_2221 : vector<256x128xi32>
    %broadcast_in_dim3A_2223 = arith.constant 32767 : i32
    %broadcast_in_dim3A_2224 = vector.broadcast %broadcast_in_dim3A_2223 : i32 to vector<1x128xi32>
    %broadcast_in_dim3A_2225 = arith.constant 32767 : i32
    %broadcast_in_dim3A_2226 = vector.broadcast %broadcast_in_dim3A_2225 : i32 to vector<1x128xi32>
    %broadcast_in_dim3A_2227 = arith.constant 32767 : i32
    %broadcast_in_dim3A_2228 = vector.broadcast %broadcast_in_dim3A_2227 : i32 to vector<1x128xi32>
    %broadcast_in_dim3A_2229 = arith.constant 32767 : i32
    %broadcast_in_dim3A_2230 = vector.broadcast %broadcast_in_dim3A_2229 : i32 to vector<1x128xi32>
    %scan3A_2231 = arith.constant 0 : i32
    %sub3A_2232 = arith.constant 14 : i32
    %sub3A_2233 = arith.subi %sub3A_2232, %scan3A_2231 : i32
    %shift_left3A_2234 = arith.constant 1 : i32
    %shift_left3A_2235 = arith.shli %shift_left3A_2234, %sub3A_2233 : i32
    %not3A = arith.constant -1 : i32
    %not3A_2236 = arith.xori %shift_left3A_2235, %not3A : i32
    %and3A_2237 = vector.broadcast %not3A_2236 : i32 to vector<1x128xi32>
    %and3A_2238 = arith.andi %broadcast_in_dim3A_2224, %and3A_2237 : vector<1x128xi32>
    %le3A = vector.broadcast %and3A_2238 : vector<1x128xi32> to vector<256x128xi32>
    %le3A_2239 = arith.cmpi sle, %add3A, %le3A : vector<256x128xi32>
    %and3A_2240 = arith.andi %eq3A_2216, %le3A_2239 : vector<256x128xi1>
    %convert_element_type3A_2241 = arith.extui %and3A_2240 : vector<256x128xi1> to vector<256x128xi32>
    %convert_element_type3A_2242 = arith.sitofp %convert_element_type3A_2241 : vector<256x128xi32> to vector<256x128xf32>
    %reduce_sum3A_2243 = arith.constant dense<0.000000e+00> : vector<128xf32>
    %reduce_sum3A_2244 = vector.multi_reduction <add>, %convert_element_type3A_2242, %reduce_sum3A_2243 [0] : vector<256x128xf32> to vector<128xf32>
    %broadcast_in_dim3A_2245 = vector.shape_cast %reduce_sum3A_2244 : vector<128xf32> to vector<1x128xf32>
    %dot_general3A_2246 = arith.constant dense<0.000000e+00> : vector<1x128xf32>
    %dot_general3A_2247 = tpu.matmul %broadcast_in_dim3A_2245, %broadcast_in_dim3A_13, %dot_general3A_2246 {dimension_numbers = #tpu.dot_dimension_numbers<[1], [0], [0], [1], [0, 0, 1, 1], [], []>, transpose_lhs_hint = false} : vector<1x128xf32>, vector<128x128xf32>, vector<1x128xf32> -> vector<1x128xf32>
    %ge3A_2248 = arith.cmpf oge, %dot_general3A_2247, %sub3A_2182 : vector<1x128xf32>
    %select_n3A_2249 = arith.select %ge3A_2248, %and3A_2238, %broadcast_in_dim3A_2224 : vector<1x128xi1>, vector<1x128xi32>
    %shift_left3A_2250 = arith.constant 1 : i32
    %shift_left3A_2251 = arith.shli %shift_left3A_2250, %sub3A_2233 : i32
    %not3A_2252 = arith.constant -1 : i32
    %not3A_2253 = arith.xori %shift_left3A_2251, %not3A_2252 : i32
    %and3A_2254 = vector.broadcast %not3A_2253 : i32 to vector<1x128xi32>
    %and3A_2255 = arith.andi %broadcast_in_dim3A_2226, %and3A_2254 : vector<1x128xi32>
    %le3A_2256 = vector.broadcast %and3A_2255 : vector<1x128xi32> to vector<256x128xi32>
    %le3A_2257 = arith.cmpi sle, %add3A, %le3A_2256 : vector<256x128xi32>
    %and3A_2258 = arith.andi %eq3A_2218, %le3A_2257 : vector<256x128xi1>
    %convert_element_type3A_2259 = arith.extui %and3A_2258 : vector<256x128xi1> to vector<256x128xi32>
    %convert_element_type3A_2260 = arith.sitofp %convert_element_type3A_2259 : vector<256x128xi32> to vector<256x128xf32>
    %reduce_sum3A_2261 = arith.constant dense<0.000000e+00> : vector<128xf32>
    %reduce_sum3A_2262 = vector.multi_reduction <add>, %convert_element_type3A_2260, %reduce_sum3A_2261 [0] : vector<256x128xf32> to vector<128xf32>
    %broadcast_in_dim3A_2263 = vector.shape_cast %reduce_sum3A_2262 : vector<128xf32> to vector<1x128xf32>
    %dot_general3A_2264 = arith.constant dense<0.000000e+00> : vector<1x128xf32>
    %dot_general3A_2265 = tpu.matmul %broadcast_in_dim3A_2263, %broadcast_in_dim3A_13, %dot_general3A_2264 {dimension_numbers = #tpu.dot_dimension_numbers<[1], [0], [0], [1], [0, 0, 1, 1], [], []>, transpose_lhs_hint = false} : vector<1x128xf32>, vector<128x128xf32>, vector<1x128xf32> -> vector<1x128xf32>
    %ge3A_2266 = arith.cmpf oge, %dot_general3A_2265, %sub3A_2193 : vector<1x128xf32>
    %select_n3A_2267 = arith.select %ge3A_2266, %and3A_2255, %broadcast_in_dim3A_2226 : vector<1x128xi1>, vector<1x128xi32>
    %shift_left3A_2268 = arith.constant 1 : i32
    %shift_left3A_2269 = arith.shli %shift_left3A_2268, %sub3A_2233 : i32
    %not3A_2270 = arith.constant -1 : i32
    %not3A_2271 = arith.xori %shift_left3A_2269, %not3A_2270 : i32
    %and3A_2272 = vector.broadcast %not3A_2271 : i32 to vector<1x128xi32>
    %and3A_2273 = arith.andi %broadcast_in_dim3A_2228, %and3A_2272 : vector<1x128xi32>
    %le3A_2274 = vector.broadcast %and3A_2273 : vector<1x128xi32> to vector<256x128xi32>
    %le3A_2275 = arith.cmpi sle, %add3A, %le3A_2274 : vector<256x128xi32>
    %and3A_2276 = arith.andi %eq3A_2220, %le3A_2275 : vector<256x128xi1>
    %convert_element_type3A_2277 = arith.extui %and3A_2276 : vector<256x128xi1> to vector<256x128xi32>
    %convert_element_type3A_2278 = arith.sitofp %convert_element_type3A_2277 : vector<256x128xi32> to vector<256x128xf32>
    %reduce_sum3A_2279 = arith.constant dense<0.000000e+00> : vector<128xf32>
    %reduce_sum3A_2280 = vector.multi_reduction <add>, %convert_element_type3A_2278, %reduce_sum3A_2279 [0] : vector<256x128xf32> to vector<128xf32>
    %broadcast_in_dim3A_2281 = vector.shape_cast %reduce_sum3A_2280 : vector<128xf32> to vector<1x128xf32>
    %dot_general3A_2282 = arith.constant dense<0.000000e+00> : vector<1x128xf32>
    %dot_general3A_2283 = tpu.matmul %broadcast_in_dim3A_2281, %broadcast_in_dim3A_13, %dot_general3A_2282 {dimension_numbers = #tpu.dot_dimension_numbers<[1], [0], [0], [1], [0, 0, 1, 1], [], []>, transpose_lhs_hint = false} : vector<1x128xf32>, vector<128x128xf32>, vector<1x128xf32> -> vector<1x128xf32>
    %ge3A_2284 = arith.cmpf oge, %dot_general3A_2283, %sub3A_2204 : vector<1x128xf32>
    %select_n3A_2285 = arith.select %ge3A_2284, %and3A_2273, %broadcast_in_dim3A_2228 : vector<1x128xi1>, vector<1x128xi32>
    %shift_left3A_2286 = arith.constant 1 : i32
    %shift_left3A_2287 = arith.shli %shift_left3A_2286, %sub3A_2233 : i32
    %not3A_2288 = arith.constant -1 : i32
    %not3A_2289 = arith.xori %shift_left3A_2287, %not3A_2288 : i32
    %and3A_2290 = vector.broadcast %not3A_2289 : i32 to vector<1x128xi32>
    %and3A_2291 = arith.andi %broadcast_in_dim3A_2230, %and3A_2290 : vector<1x128xi32>
    %le3A_2292 = vector.broadcast %and3A_2291 : vector<1x128xi32> to vector<256x128xi32>
    %le3A_2293 = arith.cmpi sle, %add3A, %le3A_2292 : vector<256x128xi32>
    %and3A_2294 = arith.andi %eq3A_2222, %le3A_2293 : vector<256x128xi1>
    %convert_element_type3A_2295 = arith.extui %and3A_2294 : vector<256x128xi1> to vector<256x128xi32>
    %convert_element_type3A_2296 = arith.sitofp %convert_element_type3A_2295 : vector<256x128xi32> to vector<256x128xf32>
    %reduce_sum3A_2297 = arith.constant dense<0.000000e+00> : vector<128xf32>
    %reduce_sum3A_2298 = vector.multi_reduction <add>, %convert_element_type3A_2296, %reduce_sum3A_2297 [0] : vector<256x128xf32> to vector<128xf32>
    %broadcast_in_dim3A_2299 = vector.shape_cast %reduce_sum3A_2298 : vector<128xf32> to vector<1x128xf32>
    %dot_general3A_2300 = arith.constant dense<0.000000e+00> : vector<1x128xf32>
    %dot_general3A_2301 = tpu.matmul %broadcast_in_dim3A_2299, %broadcast_in_dim3A_13, %dot_general3A_2300 {dimension_numbers = #tpu.dot_dimension_numbers<[1], [0], [0], [1], [0, 0, 1, 1], [], []>, transpose_lhs_hint = false} : vector<1x128xf32>, vector<128x128xf32>, vector<1x128xf32> -> vector<1x128xf32>
    %ge3A_2302 = arith.cmpf oge, %dot_general3A_2301, %sub3A_2215 : vector<1x128xf32>
    %select_n3A_2303 = arith.select %ge3A_2302, %and3A_2291, %broadcast_in_dim3A_2230 : vector<1x128xi1>, vector<1x128xi32>
    %scan3A_2304 = arith.constant 1 : i32
    %sub3A_2305 = arith.constant 14 : i32
    %sub3A_2306 = arith.subi %sub3A_2305, %scan3A_2304 : i32
    %shift_left3A_2307 = arith.constant 1 : i32
    %shift_left3A_2308 = arith.shli %shift_left3A_2307, %sub3A_2306 : i32
    %not3A_2309 = arith.constant -1 : i32
    %not3A_2310 = arith.xori %shift_left3A_2308, %not3A_2309 : i32
    %and3A_2311 = vector.broadcast %not3A_2310 : i32 to vector<1x128xi32>
    %and3A_2312 = arith.andi %select_n3A_2249, %and3A_2311 : vector<1x128xi32>
    %le3A_2313 = vector.broadcast %and3A_2312 : vector<1x128xi32> to vector<256x128xi32>
    %le3A_2314 = arith.cmpi sle, %add3A, %le3A_2313 : vector<256x128xi32>
    %and3A_2315 = arith.andi %eq3A_2216, %le3A_2314 : vector<256x128xi1>
    %convert_element_type3A_2316 = arith.extui %and3A_2315 : vector<256x128xi1> to vector<256x128xi32>
    %convert_element_type3A_2317 = arith.sitofp %convert_element_type3A_2316 : vector<256x128xi32> to vector<256x128xf32>
    %reduce_sum3A_2318 = arith.constant dense<0.000000e+00> : vector<128xf32>
    %reduce_sum3A_2319 = vector.multi_reduction <add>, %convert_element_type3A_2317, %reduce_sum3A_2318 [0] : vector<256x128xf32> to vector<128xf32>
    %broadcast_in_dim3A_2320 = vector.shape_cast %reduce_sum3A_2319 : vector<128xf32> to vector<1x128xf32>
    %dot_general3A_2321 = arith.constant dense<0.000000e+00> : vector<1x128xf32>
    %dot_general3A_2322 = tpu.matmul %broadcast_in_dim3A_2320, %broadcast_in_dim3A_13, %dot_general3A_2321 {dimension_numbers = #tpu.dot_dimension_numbers<[1], [0], [0], [1], [0, 0, 1, 1], [], []>, transpose_lhs_hint = false} : vector<1x128xf32>, vector<128x128xf32>, vector<1x128xf32> -> vector<1x128xf32>
    %ge3A_2323 = arith.cmpf oge, %dot_general3A_2322, %sub3A_2182 : vector<1x128xf32>
    %select_n3A_2324 = arith.select %ge3A_2323, %and3A_2312, %select_n3A_2249 : vector<1x128xi1>, vector<1x128xi32>
    %shift_left3A_2325 = arith.constant 1 : i32
    %shift_left3A_2326 = arith.shli %shift_left3A_2325, %sub3A_2306 : i32
    %not3A_2327 = arith.constant -1 : i32
    %not3A_2328 = arith.xori %shift_left3A_2326, %not3A_2327 : i32
    %and3A_2329 = vector.broadcast %not3A_2328 : i32 to vector<1x128xi32>
    %and3A_2330 = arith.andi %select_n3A_2267, %and3A_2329 : vector<1x128xi32>
    %le3A_2331 = vector.broadcast %and3A_2330 : vector<1x128xi32> to vector<256x128xi32>
    %le3A_2332 = arith.cmpi sle, %add3A, %le3A_2331 : vector<256x128xi32>
    %and3A_2333 = arith.andi %eq3A_2218, %le3A_2332 : vector<256x128xi1>
    %convert_element_type3A_2334 = arith.extui %and3A_2333 : vector<256x128xi1> to vector<256x128xi32>
    %convert_element_type3A_2335 = arith.sitofp %convert_element_type3A_2334 : vector<256x128xi32> to vector<256x128xf32>
    %reduce_sum3A_2336 = arith.constant dense<0.000000e+00> : vector<128xf32>
    %reduce_sum3A_2337 = vector.multi_reduction <add>, %convert_element_type3A_2335, %reduce_sum3A_2336 [0] : vector<256x128xf32> to vector<128xf32>
    %broadcast_in_dim3A_2338 = vector.shape_cast %reduce_sum3A_2337 : vector<128xf32> to vector<1x128xf32>
    %dot_general3A_2339 = arith.constant dense<0.000000e+00> : vector<1x128xf32>
    %dot_general3A_2340 = tpu.matmul %broadcast_in_dim3A_2338, %broadcast_in_dim3A_13, %dot_general3A_2339 {dimension_numbers = #tpu.dot_dimension_numbers<[1], [0], [0], [1], [0, 0, 1, 1], [], []>, transpose_lhs_hint = false} : vector<1x128xf32>, vector<128x128xf32>, vector<1x128xf32> -> vector<1x128xf32>
    %ge3A_2341 = arith.cmpf oge, %dot_general3A_2340, %sub3A_2193 : vector<1x128xf32>
    %select_n3A_2342 = arith.select %ge3A_2341, %and3A_2330, %select_n3A_2267 : vector<1x128xi1>, vector<1x128xi32>
    %shift_left3A_2343 = arith.constant 1 : i32
    %shift_left3A_2344 = arith.shli %shift_left3A_2343, %sub3A_2306 : i32
    %not3A_2345 = arith.constant -1 : i32
    %not3A_2346 = arith.xori %shift_left3A_2344, %not3A_2345 : i32
    %and3A_2347 = vector.broadcast %not3A_2346 : i32 to vector<1x128xi32>
    %and3A_2348 = arith.andi %select_n3A_2285, %and3A_2347 : vector<1x128xi32>
    %le3A_2349 = vector.broadcast %and3A_2348 : vector<1x128xi32> to vector<256x128xi32>
    %le3A_2350 = arith.cmpi sle, %add3A, %le3A_2349 : vector<256x128xi32>
    %and3A_2351 = arith.andi %eq3A_2220, %le3A_2350 : vector<256x128xi1>
    %convert_element_type3A_2352 = arith.extui %and3A_2351 : vector<256x128xi1> to vector<256x128xi32>
    %convert_element_type3A_2353 = arith.sitofp %convert_element_type3A_2352 : vector<256x128xi32> to vector<256x128xf32>
    %reduce_sum3A_2354 = arith.constant dense<0.000000e+00> : vector<128xf32>
    %reduce_sum3A_2355 = vector.multi_reduction <add>, %convert_element_type3A_2353, %reduce_sum3A_2354 [0] : vector<256x128xf32> to vector<128xf32>
    %broadcast_in_dim3A_2356 = vector.shape_cast %reduce_sum3A_2355 : vector<128xf32> to vector<1x128xf32>
    %dot_general3A_2357 = arith.constant dense<0.000000e+00> : vector<1x128xf32>
    %dot_general3A_2358 = tpu.matmul %broadcast_in_dim3A_2356, %broadcast_in_dim3A_13, %dot_general3A_2357 {dimension_numbers = #tpu.dot_dimension_numbers<[1], [0], [0], [1], [0, 0, 1, 1], [], []>, transpose_lhs_hint = false} : vector<1x128xf32>, vector<128x128xf32>, vector<1x128xf32> -> vector<1x128xf32>
    %ge3A_2359 = arith.cmpf oge, %dot_general3A_2358, %sub3A_2204 : vector<1x128xf32>
    %select_n3A_2360 = arith.select %ge3A_2359, %and3A_2348, %select_n3A_2285 : vector<1x128xi1>, vector<1x128xi32>
    %shift_left3A_2361 = arith.constant 1 : i32
    %shift_left3A_2362 = arith.shli %shift_left3A_2361, %sub3A_2306 : i32
    %not3A_2363 = arith.constant -1 : i32
    %not3A_2364 = arith.xori %shift_left3A_2362, %not3A_2363 : i32
    %and3A_2365 = vector.broadcast %not3A_2364 : i32 to vector<1x128xi32>
    %and3A_2366 = arith.andi %select_n3A_2303, %and3A_2365 : vector<1x128xi32>
    %le3A_2367 = vector.broadcast %and3A_2366 : vector<1x128xi32> to vector<256x128xi32>
    %le3A_2368 = arith.cmpi sle, %add3A, %le3A_2367 : vector<256x128xi32>
    %and3A_2369 = arith.andi %eq3A_2222, %le3A_2368 : vector<256x128xi1>
    %convert_element_type3A_2370 = arith.extui %and3A_2369 : vector<256x128xi1> to vector<256x128xi32>
    %convert_element_type3A_2371 = arith.sitofp %convert_element_type3A_2370 : vector<256x128xi32> to vector<256x128xf32>
    %reduce_sum3A_2372 = arith.constant dense<0.000000e+00> : vector<128xf32>
    %reduce_sum3A_2373 = vector.multi_reduction <add>, %convert_element_type3A_2371, %reduce_sum3A_2372 [0] : vector<256x128xf32> to vector<128xf32>
    %broadcast_in_dim3A_2374 = vector.shape_cast %reduce_sum3A_2373 : vector<128xf32> to vector<1x128xf32>
    %dot_general3A_2375 = arith.constant dense<0.000000e+00> : vector<1x128xf32>
    %dot_general3A_2376 = tpu.matmul %broadcast_in_dim3A_2374, %broadcast_in_dim3A_13, %dot_general3A_2375 {dimension_numbers = #tpu.dot_dimension_numbers<[1], [0], [0], [1], [0, 0, 1, 1], [], []>, transpose_lhs_hint = false} : vector<1x128xf32>, vector<128x128xf32>, vector<1x128xf32> -> vector<1x128xf32>
    %ge3A_2377 = arith.cmpf oge, %dot_general3A_2376, %sub3A_2215 : vector<1x128xf32>
    %select_n3A_2378 = arith.select %ge3A_2377, %and3A_2366, %select_n3A_2303 : vector<1x128xi1>, vector<1x128xi32>
    %scan3A_2379 = arith.constant 2 : i32
    %sub3A_2380 = arith.constant 14 : i32
    %sub3A_2381 = arith.subi %sub3A_2380, %scan3A_2379 : i32
    %shift_left3A_2382 = arith.constant 1 : i32
    %shift_left3A_2383 = arith.shli %shift_left3A_2382, %sub3A_2381 : i32
    %not3A_2384 = arith.constant -1 : i32
    %not3A_2385 = arith.xori %shift_left3A_2383, %not3A_2384 : i32
    %and3A_2386 = vector.broadcast %not3A_2385 : i32 to vector<1x128xi32>
    %and3A_2387 = arith.andi %select_n3A_2324, %and3A_2386 : vector<1x128xi32>
    %le3A_2388 = vector.broadcast %and3A_2387 : vector<1x128xi32> to vector<256x128xi32>
    %le3A_2389 = arith.cmpi sle, %add3A, %le3A_2388 : vector<256x128xi32>
    %and3A_2390 = arith.andi %eq3A_2216, %le3A_2389 : vector<256x128xi1>
    %convert_element_type3A_2391 = arith.extui %and3A_2390 : vector<256x128xi1> to vector<256x128xi32>
    %convert_element_type3A_2392 = arith.sitofp %convert_element_type3A_2391 : vector<256x128xi32> to vector<256x128xf32>
    %reduce_sum3A_2393 = arith.constant dense<0.000000e+00> : vector<128xf32>
    %reduce_sum3A_2394 = vector.multi_reduction <add>, %convert_element_type3A_2392, %reduce_sum3A_2393 [0] : vector<256x128xf32> to vector<128xf32>
    %broadcast_in_dim3A_2395 = vector.shape_cast %reduce_sum3A_2394 : vector<128xf32> to vector<1x128xf32>
    %dot_general3A_2396 = arith.constant dense<0.000000e+00> : vector<1x128xf32>
    %dot_general3A_2397 = tpu.matmul %broadcast_in_dim3A_2395, %broadcast_in_dim3A_13, %dot_general3A_2396 {dimension_numbers = #tpu.dot_dimension_numbers<[1], [0], [0], [1], [0, 0, 1, 1], [], []>, transpose_lhs_hint = false} : vector<1x128xf32>, vector<128x128xf32>, vector<1x128xf32> -> vector<1x128xf32>
    %ge3A_2398 = arith.cmpf oge, %dot_general3A_2397, %sub3A_2182 : vector<1x128xf32>
    %select_n3A_2399 = arith.select %ge3A_2398, %and3A_2387, %select_n3A_2324 : vector<1x128xi1>, vector<1x128xi32>
    %shift_left3A_2400 = arith.constant 1 : i32
    %shift_left3A_2401 = arith.shli %shift_left3A_2400, %sub3A_2381 : i32
    %not3A_2402 = arith.constant -1 : i32
    %not3A_2403 = arith.xori %shift_left3A_2401, %not3A_2402 : i32
    %and3A_2404 = vector.broadcast %not3A_2403 : i32 to vector<1x128xi32>
    %and3A_2405 = arith.andi %select_n3A_2342, %and3A_2404 : vector<1x128xi32>
    %le3A_2406 = vector.broadcast %and3A_2405 : vector<1x128xi32> to vector<256x128xi32>
    %le3A_2407 = arith.cmpi sle, %add3A, %le3A_2406 : vector<256x128xi32>
    %and3A_2408 = arith.andi %eq3A_2218, %le3A_2407 : vector<256x128xi1>
    %convert_element_type3A_2409 = arith.extui %and3A_2408 : vector<256x128xi1> to vector<256x128xi32>
    %convert_element_type3A_2410 = arith.sitofp %convert_element_type3A_2409 : vector<256x128xi32> to vector<256x128xf32>
    %reduce_sum3A_2411 = arith.constant dense<0.000000e+00> : vector<128xf32>
    %reduce_sum3A_2412 = vector.multi_reduction <add>, %convert_element_type3A_2410, %reduce_sum3A_2411 [0] : vector<256x128xf32> to vector<128xf32>
    %broadcast_in_dim3A_2413 = vector.shape_cast %reduce_sum3A_2412 : vector<128xf32> to vector<1x128xf32>
    %dot_general3A_2414 = arith.constant dense<0.000000e+00> : vector<1x128xf32>
    %dot_general3A_2415 = tpu.matmul %broadcast_in_dim3A_2413, %broadcast_in_dim3A_13, %dot_general3A_2414 {dimension_numbers = #tpu.dot_dimension_numbers<[1], [0], [0], [1], [0, 0, 1, 1], [], []>, transpose_lhs_hint = false} : vector<1x128xf32>, vector<128x128xf32>, vector<1x128xf32> -> vector<1x128xf32>
    %ge3A_2416 = arith.cmpf oge, %dot_general3A_2415, %sub3A_2193 : vector<1x128xf32>
    %select_n3A_2417 = arith.select %ge3A_2416, %and3A_2405, %select_n3A_2342 : vector<1x128xi1>, vector<1x128xi32>
    %shift_left3A_2418 = arith.constant 1 : i32
    %shift_left3A_2419 = arith.shli %shift_left3A_2418, %sub3A_2381 : i32
    %not3A_2420 = arith.constant -1 : i32
    %not3A_2421 = arith.xori %shift_left3A_2419, %not3A_2420 : i32
    %and3A_2422 = vector.broadcast %not3A_2421 : i32 to vector<1x128xi32>
    %and3A_2423 = arith.andi %select_n3A_2360, %and3A_2422 : vector<1x128xi32>
    %le3A_2424 = vector.broadcast %and3A_2423 : vector<1x128xi32> to vector<256x128xi32>
    %le3A_2425 = arith.cmpi sle, %add3A, %le3A_2424 : vector<256x128xi32>
    %and3A_2426 = arith.andi %eq3A_2220, %le3A_2425 : vector<256x128xi1>
    %convert_element_type3A_2427 = arith.extui %and3A_2426 : vector<256x128xi1> to vector<256x128xi32>
    %convert_element_type3A_2428 = arith.sitofp %convert_element_type3A_2427 : vector<256x128xi32> to vector<256x128xf32>
    %reduce_sum3A_2429 = arith.constant dense<0.000000e+00> : vector<128xf32>
    %reduce_sum3A_2430 = vector.multi_reduction <add>, %convert_element_type3A_2428, %reduce_sum3A_2429 [0] : vector<256x128xf32> to vector<128xf32>
    %broadcast_in_dim3A_2431 = vector.shape_cast %reduce_sum3A_2430 : vector<128xf32> to vector<1x128xf32>
    %dot_general3A_2432 = arith.constant dense<0.000000e+00> : vector<1x128xf32>
    %dot_general3A_2433 = tpu.matmul %broadcast_in_dim3A_2431, %broadcast_in_dim3A_13, %dot_general3A_2432 {dimension_numbers = #tpu.dot_dimension_numbers<[1], [0], [0], [1], [0, 0, 1, 1], [], []>, transpose_lhs_hint = false} : vector<1x128xf32>, vector<128x128xf32>, vector<1x128xf32> -> vector<1x128xf32>
    %ge3A_2434 = arith.cmpf oge, %dot_general3A_2433, %sub3A_2204 : vector<1x128xf32>
    %select_n3A_2435 = arith.select %ge3A_2434, %and3A_2423, %select_n3A_2360 : vector<1x128xi1>, vector<1x128xi32>
    %shift_left3A_2436 = arith.constant 1 : i32
    %shift_left3A_2437 = arith.shli %shift_left3A_2436, %sub3A_2381 : i32
    %not3A_2438 = arith.constant -1 : i32
    %not3A_2439 = arith.xori %shift_left3A_2437, %not3A_2438 : i32
    %and3A_2440 = vector.broadcast %not3A_2439 : i32 to vector<1x128xi32>
    %and3A_2441 = arith.andi %select_n3A_2378, %and3A_2440 : vector<1x128xi32>
    %le3A_2442 = vector.broadcast %and3A_2441 : vector<1x128xi32> to vector<256x128xi32>
    %le3A_2443 = arith.cmpi sle, %add3A, %le3A_2442 : vector<256x128xi32>
    %and3A_2444 = arith.andi %eq3A_2222, %le3A_2443 : vector<256x128xi1>
    %convert_element_type3A_2445 = arith.extui %and3A_2444 : vector<256x128xi1> to vector<256x128xi32>
    %convert_element_type3A_2446 = arith.sitofp %convert_element_type3A_2445 : vector<256x128xi32> to vector<256x128xf32>
    %reduce_sum3A_2447 = arith.constant dense<0.000000e+00> : vector<128xf32>
    %reduce_sum3A_2448 = vector.multi_reduction <add>, %convert_element_type3A_2446, %reduce_sum3A_2447 [0] : vector<256x128xf32> to vector<128xf32>
    %broadcast_in_dim3A_2449 = vector.shape_cast %reduce_sum3A_2448 : vector<128xf32> to vector<1x128xf32>
    %dot_general3A_2450 = arith.constant dense<0.000000e+00> : vector<1x128xf32>
    %dot_general3A_2451 = tpu.matmul %broadcast_in_dim3A_2449, %broadcast_in_dim3A_13, %dot_general3A_2450 {dimension_numbers = #tpu.dot_dimension_numbers<[1], [0], [0], [1], [0, 0, 1, 1], [], []>, transpose_lhs_hint = false} : vector<1x128xf32>, vector<128x128xf32>, vector<1x128xf32> -> vector<1x128xf32>
    %ge3A_2452 = arith.cmpf oge, %dot_general3A_2451, %sub3A_2215 : vector<1x128xf32>
    %select_n3A_2453 = arith.select %ge3A_2452, %and3A_2441, %select_n3A_2378 : vector<1x128xi1>, vector<1x128xi32>
    %scan3A_2454 = arith.constant 3 : i32
    %sub3A_2455 = arith.constant 14 : i32
    %sub3A_2456 = arith.subi %sub3A_2455, %scan3A_2454 : i32
    %shift_left3A_2457 = arith.constant 1 : i32
    %shift_left3A_2458 = arith.shli %shift_left3A_2457, %sub3A_2456 : i32
    %not3A_2459 = arith.constant -1 : i32
    %not3A_2460 = arith.xori %shift_left3A_2458, %not3A_2459 : i32
    %and3A_2461 = vector.broadcast %not3A_2460 : i32 to vector<1x128xi32>
    %and3A_2462 = arith.andi %select_n3A_2399, %and3A_2461 : vector<1x128xi32>
    %le3A_2463 = vector.broadcast %and3A_2462 : vector<1x128xi32> to vector<256x128xi32>
    %le3A_2464 = arith.cmpi sle, %add3A, %le3A_2463 : vector<256x128xi32>
    %and3A_2465 = arith.andi %eq3A_2216, %le3A_2464 : vector<256x128xi1>
    %convert_element_type3A_2466 = arith.extui %and3A_2465 : vector<256x128xi1> to vector<256x128xi32>
    %convert_element_type3A_2467 = arith.sitofp %convert_element_type3A_2466 : vector<256x128xi32> to vector<256x128xf32>
    %reduce_sum3A_2468 = arith.constant dense<0.000000e+00> : vector<128xf32>
    %reduce_sum3A_2469 = vector.multi_reduction <add>, %convert_element_type3A_2467, %reduce_sum3A_2468 [0] : vector<256x128xf32> to vector<128xf32>
    %broadcast_in_dim3A_2470 = vector.shape_cast %reduce_sum3A_2469 : vector<128xf32> to vector<1x128xf32>
    %dot_general3A_2471 = arith.constant dense<0.000000e+00> : vector<1x128xf32>
    %dot_general3A_2472 = tpu.matmul %broadcast_in_dim3A_2470, %broadcast_in_dim3A_13, %dot_general3A_2471 {dimension_numbers = #tpu.dot_dimension_numbers<[1], [0], [0], [1], [0, 0, 1, 1], [], []>, transpose_lhs_hint = false} : vector<1x128xf32>, vector<128x128xf32>, vector<1x128xf32> -> vector<1x128xf32>
    %ge3A_2473 = arith.cmpf oge, %dot_general3A_2472, %sub3A_2182 : vector<1x128xf32>
    %select_n3A_2474 = arith.select %ge3A_2473, %and3A_2462, %select_n3A_2399 : vector<1x128xi1>, vector<1x128xi32>
    %shift_left3A_2475 = arith.constant 1 : i32
    %shift_left3A_2476 = arith.shli %shift_left3A_2475, %sub3A_2456 : i32
    %not3A_2477 = arith.constant -1 : i32
    %not3A_2478 = arith.xori %shift_left3A_2476, %not3A_2477 : i32
    %and3A_2479 = vector.broadcast %not3A_2478 : i32 to vector<1x128xi32>
    %and3A_2480 = arith.andi %select_n3A_2417, %and3A_2479 : vector<1x128xi32>
    %le3A_2481 = vector.broadcast %and3A_2480 : vector<1x128xi32> to vector<256x128xi32>
    %le3A_2482 = arith.cmpi sle, %add3A, %le3A_2481 : vector<256x128xi32>
    %and3A_2483 = arith.andi %eq3A_2218, %le3A_2482 : vector<256x128xi1>
    %convert_element_type3A_2484 = arith.extui %and3A_2483 : vector<256x128xi1> to vector<256x128xi32>
    %convert_element_type3A_2485 = arith.sitofp %convert_element_type3A_2484 : vector<256x128xi32> to vector<256x128xf32>
    %reduce_sum3A_2486 = arith.constant dense<0.000000e+00> : vector<128xf32>
    %reduce_sum3A_2487 = vector.multi_reduction <add>, %convert_element_type3A_2485, %reduce_sum3A_2486 [0] : vector<256x128xf32> to vector<128xf32>
    %broadcast_in_dim3A_2488 = vector.shape_cast %reduce_sum3A_2487 : vector<128xf32> to vector<1x128xf32>
    %dot_general3A_2489 = arith.constant dense<0.000000e+00> : vector<1x128xf32>
    %dot_general3A_2490 = tpu.matmul %broadcast_in_dim3A_2488, %broadcast_in_dim3A_13, %dot_general3A_2489 {dimension_numbers = #tpu.dot_dimension_numbers<[1], [0], [0], [1], [0, 0, 1, 1], [], []>, transpose_lhs_hint = false} : vector<1x128xf32>, vector<128x128xf32>, vector<1x128xf32> -> vector<1x128xf32>
    %ge3A_2491 = arith.cmpf oge, %dot_general3A_2490, %sub3A_2193 : vector<1x128xf32>
    %select_n3A_2492 = arith.select %ge3A_2491, %and3A_2480, %select_n3A_2417 : vector<1x128xi1>, vector<1x128xi32>
    %shift_left3A_2493 = arith.constant 1 : i32
    %shift_left3A_2494 = arith.shli %shift_left3A_2493, %sub3A_2456 : i32
    %not3A_2495 = arith.constant -1 : i32
    %not3A_2496 = arith.xori %shift_left3A_2494, %not3A_2495 : i32
    %and3A_2497 = vector.broadcast %not3A_2496 : i32 to vector<1x128xi32>
    %and3A_2498 = arith.andi %select_n3A_2435, %and3A_2497 : vector<1x128xi32>
    %le3A_2499 = vector.broadcast %and3A_2498 : vector<1x128xi32> to vector<256x128xi32>
    %le3A_2500 = arith.cmpi sle, %add3A, %le3A_2499 : vector<256x128xi32>
    %and3A_2501 = arith.andi %eq3A_2220, %le3A_2500 : vector<256x128xi1>
    %convert_element_type3A_2502 = arith.extui %and3A_2501 : vector<256x128xi1> to vector<256x128xi32>
    %convert_element_type3A_2503 = arith.sitofp %convert_element_type3A_2502 : vector<256x128xi32> to vector<256x128xf32>
    %reduce_sum3A_2504 = arith.constant dense<0.000000e+00> : vector<128xf32>
    %reduce_sum3A_2505 = vector.multi_reduction <add>, %convert_element_type3A_2503, %reduce_sum3A_2504 [0] : vector<256x128xf32> to vector<128xf32>
    %broadcast_in_dim3A_2506 = vector.shape_cast %reduce_sum3A_2505 : vector<128xf32> to vector<1x128xf32>
    %dot_general3A_2507 = arith.constant dense<0.000000e+00> : vector<1x128xf32>
    %dot_general3A_2508 = tpu.matmul %broadcast_in_dim3A_2506, %broadcast_in_dim3A_13, %dot_general3A_2507 {dimension_numbers = #tpu.dot_dimension_numbers<[1], [0], [0], [1], [0, 0, 1, 1], [], []>, transpose_lhs_hint = false} : vector<1x128xf32>, vector<128x128xf32>, vector<1x128xf32> -> vector<1x128xf32>
    %ge3A_2509 = arith.cmpf oge, %dot_general3A_2508, %sub3A_2204 : vector<1x128xf32>
    %select_n3A_2510 = arith.select %ge3A_2509, %and3A_2498, %select_n3A_2435 : vector<1x128xi1>, vector<1x128xi32>
    %shift_left3A_2511 = arith.constant 1 : i32
    %shift_left3A_2512 = arith.shli %shift_left3A_2511, %sub3A_2456 : i32
    %not3A_2513 = arith.constant -1 : i32
    %not3A_2514 = arith.xori %shift_left3A_2512, %not3A_2513 : i32
    %and3A_2515 = vector.broadcast %not3A_2514 : i32 to vector<1x128xi32>
    %and3A_2516 = arith.andi %select_n3A_2453, %and3A_2515 : vector<1x128xi32>
    %le3A_2517 = vector.broadcast %and3A_2516 : vector<1x128xi32> to vector<256x128xi32>
    %le3A_2518 = arith.cmpi sle, %add3A, %le3A_2517 : vector<256x128xi32>
    %and3A_2519 = arith.andi %eq3A_2222, %le3A_2518 : vector<256x128xi1>
    %convert_element_type3A_2520 = arith.extui %and3A_2519 : vector<256x128xi1> to vector<256x128xi32>
    %convert_element_type3A_2521 = arith.sitofp %convert_element_type3A_2520 : vector<256x128xi32> to vector<256x128xf32>
    %reduce_sum3A_2522 = arith.constant dense<0.000000e+00> : vector<128xf32>
    %reduce_sum3A_2523 = vector.multi_reduction <add>, %convert_element_type3A_2521, %reduce_sum3A_2522 [0] : vector<256x128xf32> to vector<128xf32>
    %broadcast_in_dim3A_2524 = vector.shape_cast %reduce_sum3A_2523 : vector<128xf32> to vector<1x128xf32>
    %dot_general3A_2525 = arith.constant dense<0.000000e+00> : vector<1x128xf32>
    %dot_general3A_2526 = tpu.matmul %broadcast_in_dim3A_2524, %broadcast_in_dim3A_13, %dot_general3A_2525 {dimension_numbers = #tpu.dot_dimension_numbers<[1], [0], [0], [1], [0, 0, 1, 1], [], []>, transpose_lhs_hint = false} : vector<1x128xf32>, vector<128x128xf32>, vector<1x128xf32> -> vector<1x128xf32>
    %ge3A_2527 = arith.cmpf oge, %dot_general3A_2526, %sub3A_2215 : vector<1x128xf32>
    %select_n3A_2528 = arith.select %ge3A_2527, %and3A_2516, %select_n3A_2453 : vector<1x128xi1>, vector<1x128xi32>
    %scan3A_2529 = arith.constant 4 : i32
    %sub3A_2530 = arith.constant 14 : i32
    %sub3A_2531 = arith.subi %sub3A_2530, %scan3A_2529 : i32
    %shift_left3A_2532 = arith.constant 1 : i32
    %shift_left3A_2533 = arith.shli %shift_left3A_2532, %sub3A_2531 : i32
    %not3A_2534 = arith.constant -1 : i32
    %not3A_2535 = arith.xori %shift_left3A_2533, %not3A_2534 : i32
    %and3A_2536 = vector.broadcast %not3A_2535 : i32 to vector<1x128xi32>
    %and3A_2537 = arith.andi %select_n3A_2474, %and3A_2536 : vector<1x128xi32>
    %le3A_2538 = vector.broadcast %and3A_2537 : vector<1x128xi32> to vector<256x128xi32>
    %le3A_2539 = arith.cmpi sle, %add3A, %le3A_2538 : vector<256x128xi32>
    %and3A_2540 = arith.andi %eq3A_2216, %le3A_2539 : vector<256x128xi1>
    %convert_element_type3A_2541 = arith.extui %and3A_2540 : vector<256x128xi1> to vector<256x128xi32>
    %convert_element_type3A_2542 = arith.sitofp %convert_element_type3A_2541 : vector<256x128xi32> to vector<256x128xf32>
    %reduce_sum3A_2543 = arith.constant dense<0.000000e+00> : vector<128xf32>
    %reduce_sum3A_2544 = vector.multi_reduction <add>, %convert_element_type3A_2542, %reduce_sum3A_2543 [0] : vector<256x128xf32> to vector<128xf32>
    %broadcast_in_dim3A_2545 = vector.shape_cast %reduce_sum3A_2544 : vector<128xf32> to vector<1x128xf32>
    %dot_general3A_2546 = arith.constant dense<0.000000e+00> : vector<1x128xf32>
    %dot_general3A_2547 = tpu.matmul %broadcast_in_dim3A_2545, %broadcast_in_dim3A_13, %dot_general3A_2546 {dimension_numbers = #tpu.dot_dimension_numbers<[1], [0], [0], [1], [0, 0, 1, 1], [], []>, transpose_lhs_hint = false} : vector<1x128xf32>, vector<128x128xf32>, vector<1x128xf32> -> vector<1x128xf32>
    %ge3A_2548 = arith.cmpf oge, %dot_general3A_2547, %sub3A_2182 : vector<1x128xf32>
    %select_n3A_2549 = arith.select %ge3A_2548, %and3A_2537, %select_n3A_2474 : vector<1x128xi1>, vector<1x128xi32>
    %shift_left3A_2550 = arith.constant 1 : i32
    %shift_left3A_2551 = arith.shli %shift_left3A_2550, %sub3A_2531 : i32
    %not3A_2552 = arith.constant -1 : i32
    %not3A_2553 = arith.xori %shift_left3A_2551, %not3A_2552 : i32
    %and3A_2554 = vector.broadcast %not3A_2553 : i32 to vector<1x128xi32>
    %and3A_2555 = arith.andi %select_n3A_2492, %and3A_2554 : vector<1x128xi32>
    %le3A_2556 = vector.broadcast %and3A_2555 : vector<1x128xi32> to vector<256x128xi32>
    %le3A_2557 = arith.cmpi sle, %add3A, %le3A_2556 : vector<256x128xi32>
    %and3A_2558 = arith.andi %eq3A_2218, %le3A_2557 : vector<256x128xi1>
    %convert_element_type3A_2559 = arith.extui %and3A_2558 : vector<256x128xi1> to vector<256x128xi32>
    %convert_element_type3A_2560 = arith.sitofp %convert_element_type3A_2559 : vector<256x128xi32> to vector<256x128xf32>
    %reduce_sum3A_2561 = arith.constant dense<0.000000e+00> : vector<128xf32>
    %reduce_sum3A_2562 = vector.multi_reduction <add>, %convert_element_type3A_2560, %reduce_sum3A_2561 [0] : vector<256x128xf32> to vector<128xf32>
    %broadcast_in_dim3A_2563 = vector.shape_cast %reduce_sum3A_2562 : vector<128xf32> to vector<1x128xf32>
    %dot_general3A_2564 = arith.constant dense<0.000000e+00> : vector<1x128xf32>
    %dot_general3A_2565 = tpu.matmul %broadcast_in_dim3A_2563, %broadcast_in_dim3A_13, %dot_general3A_2564 {dimension_numbers = #tpu.dot_dimension_numbers<[1], [0], [0], [1], [0, 0, 1, 1], [], []>, transpose_lhs_hint = false} : vector<1x128xf32>, vector<128x128xf32>, vector<1x128xf32> -> vector<1x128xf32>
    %ge3A_2566 = arith.cmpf oge, %dot_general3A_2565, %sub3A_2193 : vector<1x128xf32>
    %select_n3A_2567 = arith.select %ge3A_2566, %and3A_2555, %select_n3A_2492 : vector<1x128xi1>, vector<1x128xi32>
    %shift_left3A_2568 = arith.constant 1 : i32
    %shift_left3A_2569 = arith.shli %shift_left3A_2568, %sub3A_2531 : i32
    %not3A_2570 = arith.constant -1 : i32
    %not3A_2571 = arith.xori %shift_left3A_2569, %not3A_2570 : i32
    %and3A_2572 = vector.broadcast %not3A_2571 : i32 to vector<1x128xi32>
    %and3A_2573 = arith.andi %select_n3A_2510, %and3A_2572 : vector<1x128xi32>
    %le3A_2574 = vector.broadcast %and3A_2573 : vector<1x128xi32> to vector<256x128xi32>
    %le3A_2575 = arith.cmpi sle, %add3A, %le3A_2574 : vector<256x128xi32>
    %and3A_2576 = arith.andi %eq3A_2220, %le3A_2575 : vector<256x128xi1>
    %convert_element_type3A_2577 = arith.extui %and3A_2576 : vector<256x128xi1> to vector<256x128xi32>
    %convert_element_type3A_2578 = arith.sitofp %convert_element_type3A_2577 : vector<256x128xi32> to vector<256x128xf32>
    %reduce_sum3A_2579 = arith.constant dense<0.000000e+00> : vector<128xf32>
    %reduce_sum3A_2580 = vector.multi_reduction <add>, %convert_element_type3A_2578, %reduce_sum3A_2579 [0] : vector<256x128xf32> to vector<128xf32>
    %broadcast_in_dim3A_2581 = vector.shape_cast %reduce_sum3A_2580 : vector<128xf32> to vector<1x128xf32>
    %dot_general3A_2582 = arith.constant dense<0.000000e+00> : vector<1x128xf32>
    %dot_general3A_2583 = tpu.matmul %broadcast_in_dim3A_2581, %broadcast_in_dim3A_13, %dot_general3A_2582 {dimension_numbers = #tpu.dot_dimension_numbers<[1], [0], [0], [1], [0, 0, 1, 1], [], []>, transpose_lhs_hint = false} : vector<1x128xf32>, vector<128x128xf32>, vector<1x128xf32> -> vector<1x128xf32>
    %ge3A_2584 = arith.cmpf oge, %dot_general3A_2583, %sub3A_2204 : vector<1x128xf32>
    %select_n3A_2585 = arith.select %ge3A_2584, %and3A_2573, %select_n3A_2510 : vector<1x128xi1>, vector<1x128xi32>
    %shift_left3A_2586 = arith.constant 1 : i32
    %shift_left3A_2587 = arith.shli %shift_left3A_2586, %sub3A_2531 : i32
    %not3A_2588 = arith.constant -1 : i32
    %not3A_2589 = arith.xori %shift_left3A_2587, %not3A_2588 : i32
    %and3A_2590 = vector.broadcast %not3A_2589 : i32 to vector<1x128xi32>
    %and3A_2591 = arith.andi %select_n3A_2528, %and3A_2590 : vector<1x128xi32>
    %le3A_2592 = vector.broadcast %and3A_2591 : vector<1x128xi32> to vector<256x128xi32>
    %le3A_2593 = arith.cmpi sle, %add3A, %le3A_2592 : vector<256x128xi32>
    %and3A_2594 = arith.andi %eq3A_2222, %le3A_2593 : vector<256x128xi1>
    %convert_element_type3A_2595 = arith.extui %and3A_2594 : vector<256x128xi1> to vector<256x128xi32>
    %convert_element_type3A_2596 = arith.sitofp %convert_element_type3A_2595 : vector<256x128xi32> to vector<256x128xf32>
    %reduce_sum3A_2597 = arith.constant dense<0.000000e+00> : vector<128xf32>
    %reduce_sum3A_2598 = vector.multi_reduction <add>, %convert_element_type3A_2596, %reduce_sum3A_2597 [0] : vector<256x128xf32> to vector<128xf32>
    %broadcast_in_dim3A_2599 = vector.shape_cast %reduce_sum3A_2598 : vector<128xf32> to vector<1x128xf32>
    %dot_general3A_2600 = arith.constant dense<0.000000e+00> : vector<1x128xf32>
    %dot_general3A_2601 = tpu.matmul %broadcast_in_dim3A_2599, %broadcast_in_dim3A_13, %dot_general3A_2600 {dimension_numbers = #tpu.dot_dimension_numbers<[1], [0], [0], [1], [0, 0, 1, 1], [], []>, transpose_lhs_hint = false} : vector<1x128xf32>, vector<128x128xf32>, vector<1x128xf32> -> vector<1x128xf32>
    %ge3A_2602 = arith.cmpf oge, %dot_general3A_2601, %sub3A_2215 : vector<1x128xf32>
    %select_n3A_2603 = arith.select %ge3A_2602, %and3A_2591, %select_n3A_2528 : vector<1x128xi1>, vector<1x128xi32>
    %scan3A_2604 = arith.constant 5 : i32
    %sub3A_2605 = arith.constant 14 : i32
    %sub3A_2606 = arith.subi %sub3A_2605, %scan3A_2604 : i32
    %shift_left3A_2607 = arith.constant 1 : i32
    %shift_left3A_2608 = arith.shli %shift_left3A_2607, %sub3A_2606 : i32
    %not3A_2609 = arith.constant -1 : i32
    %not3A_2610 = arith.xori %shift_left3A_2608, %not3A_2609 : i32
    %and3A_2611 = vector.broadcast %not3A_2610 : i32 to vector<1x128xi32>
    %and3A_2612 = arith.andi %select_n3A_2549, %and3A_2611 : vector<1x128xi32>
    %le3A_2613 = vector.broadcast %and3A_2612 : vector<1x128xi32> to vector<256x128xi32>
    %le3A_2614 = arith.cmpi sle, %add3A, %le3A_2613 : vector<256x128xi32>
    %and3A_2615 = arith.andi %eq3A_2216, %le3A_2614 : vector<256x128xi1>
    %convert_element_type3A_2616 = arith.extui %and3A_2615 : vector<256x128xi1> to vector<256x128xi32>
    %convert_element_type3A_2617 = arith.sitofp %convert_element_type3A_2616 : vector<256x128xi32> to vector<256x128xf32>
    %reduce_sum3A_2618 = arith.constant dense<0.000000e+00> : vector<128xf32>
    %reduce_sum3A_2619 = vector.multi_reduction <add>, %convert_element_type3A_2617, %reduce_sum3A_2618 [0] : vector<256x128xf32> to vector<128xf32>
    %broadcast_in_dim3A_2620 = vector.shape_cast %reduce_sum3A_2619 : vector<128xf32> to vector<1x128xf32>
    %dot_general3A_2621 = arith.constant dense<0.000000e+00> : vector<1x128xf32>
    %dot_general3A_2622 = tpu.matmul %broadcast_in_dim3A_2620, %broadcast_in_dim3A_13, %dot_general3A_2621 {dimension_numbers = #tpu.dot_dimension_numbers<[1], [0], [0], [1], [0, 0, 1, 1], [], []>, transpose_lhs_hint = false} : vector<1x128xf32>, vector<128x128xf32>, vector<1x128xf32> -> vector<1x128xf32>
    %ge3A_2623 = arith.cmpf oge, %dot_general3A_2622, %sub3A_2182 : vector<1x128xf32>
    %select_n3A_2624 = arith.select %ge3A_2623, %and3A_2612, %select_n3A_2549 : vector<1x128xi1>, vector<1x128xi32>
    %shift_left3A_2625 = arith.constant 1 : i32
    %shift_left3A_2626 = arith.shli %shift_left3A_2625, %sub3A_2606 : i32
    %not3A_2627 = arith.constant -1 : i32
    %not3A_2628 = arith.xori %shift_left3A_2626, %not3A_2627 : i32
    %and3A_2629 = vector.broadcast %not3A_2628 : i32 to vector<1x128xi32>
    %and3A_2630 = arith.andi %select_n3A_2567, %and3A_2629 : vector<1x128xi32>
    %le3A_2631 = vector.broadcast %and3A_2630 : vector<1x128xi32> to vector<256x128xi32>
    %le3A_2632 = arith.cmpi sle, %add3A, %le3A_2631 : vector<256x128xi32>
    %and3A_2633 = arith.andi %eq3A_2218, %le3A_2632 : vector<256x128xi1>
    %convert_element_type3A_2634 = arith.extui %and3A_2633 : vector<256x128xi1> to vector<256x128xi32>
    %convert_element_type3A_2635 = arith.sitofp %convert_element_type3A_2634 : vector<256x128xi32> to vector<256x128xf32>
    %reduce_sum3A_2636 = arith.constant dense<0.000000e+00> : vector<128xf32>
    %reduce_sum3A_2637 = vector.multi_reduction <add>, %convert_element_type3A_2635, %reduce_sum3A_2636 [0] : vector<256x128xf32> to vector<128xf32>
    %broadcast_in_dim3A_2638 = vector.shape_cast %reduce_sum3A_2637 : vector<128xf32> to vector<1x128xf32>
    %dot_general3A_2639 = arith.constant dense<0.000000e+00> : vector<1x128xf32>
    %dot_general3A_2640 = tpu.matmul %broadcast_in_dim3A_2638, %broadcast_in_dim3A_13, %dot_general3A_2639 {dimension_numbers = #tpu.dot_dimension_numbers<[1], [0], [0], [1], [0, 0, 1, 1], [], []>, transpose_lhs_hint = false} : vector<1x128xf32>, vector<128x128xf32>, vector<1x128xf32> -> vector<1x128xf32>
    %ge3A_2641 = arith.cmpf oge, %dot_general3A_2640, %sub3A_2193 : vector<1x128xf32>
    %select_n3A_2642 = arith.select %ge3A_2641, %and3A_2630, %select_n3A_2567 : vector<1x128xi1>, vector<1x128xi32>
    %shift_left3A_2643 = arith.constant 1 : i32
    %shift_left3A_2644 = arith.shli %shift_left3A_2643, %sub3A_2606 : i32
    %not3A_2645 = arith.constant -1 : i32
    %not3A_2646 = arith.xori %shift_left3A_2644, %not3A_2645 : i32
    %and3A_2647 = vector.broadcast %not3A_2646 : i32 to vector<1x128xi32>
    %and3A_2648 = arith.andi %select_n3A_2585, %and3A_2647 : vector<1x128xi32>
    %le3A_2649 = vector.broadcast %and3A_2648 : vector<1x128xi32> to vector<256x128xi32>
    %le3A_2650 = arith.cmpi sle, %add3A, %le3A_2649 : vector<256x128xi32>
    %and3A_2651 = arith.andi %eq3A_2220, %le3A_2650 : vector<256x128xi1>
    %convert_element_type3A_2652 = arith.extui %and3A_2651 : vector<256x128xi1> to vector<256x128xi32>
    %convert_element_type3A_2653 = arith.sitofp %convert_element_type3A_2652 : vector<256x128xi32> to vector<256x128xf32>
    %reduce_sum3A_2654 = arith.constant dense<0.000000e+00> : vector<128xf32>
    %reduce_sum3A_2655 = vector.multi_reduction <add>, %convert_element_type3A_2653, %reduce_sum3A_2654 [0] : vector<256x128xf32> to vector<128xf32>
    %broadcast_in_dim3A_2656 = vector.shape_cast %reduce_sum3A_2655 : vector<128xf32> to vector<1x128xf32>
    %dot_general3A_2657 = arith.constant dense<0.000000e+00> : vector<1x128xf32>
    %dot_general3A_2658 = tpu.matmul %broadcast_in_dim3A_2656, %broadcast_in_dim3A_13, %dot_general3A_2657 {dimension_numbers = #tpu.dot_dimension_numbers<[1], [0], [0], [1], [0, 0, 1, 1], [], []>, transpose_lhs_hint = false} : vector<1x128xf32>, vector<128x128xf32>, vector<1x128xf32> -> vector<1x128xf32>
    %ge3A_2659 = arith.cmpf oge, %dot_general3A_2658, %sub3A_2204 : vector<1x128xf32>
    %select_n3A_2660 = arith.select %ge3A_2659, %and3A_2648, %select_n3A_2585 : vector<1x128xi1>, vector<1x128xi32>
    %shift_left3A_2661 = arith.constant 1 : i32
    %shift_left3A_2662 = arith.shli %shift_left3A_2661, %sub3A_2606 : i32
    %not3A_2663 = arith.constant -1 : i32
    %not3A_2664 = arith.xori %shift_left3A_2662, %not3A_2663 : i32
    %and3A_2665 = vector.broadcast %not3A_2664 : i32 to vector<1x128xi32>
    %and3A_2666 = arith.andi %select_n3A_2603, %and3A_2665 : vector<1x128xi32>
    %le3A_2667 = vector.broadcast %and3A_2666 : vector<1x128xi32> to vector<256x128xi32>
    %le3A_2668 = arith.cmpi sle, %add3A, %le3A_2667 : vector<256x128xi32>
    %and3A_2669 = arith.andi %eq3A_2222, %le3A_2668 : vector<256x128xi1>
    %convert_element_type3A_2670 = arith.extui %and3A_2669 : vector<256x128xi1> to vector<256x128xi32>
    %convert_element_type3A_2671 = arith.sitofp %convert_element_type3A_2670 : vector<256x128xi32> to vector<256x128xf32>
    %reduce_sum3A_2672 = arith.constant dense<0.000000e+00> : vector<128xf32>
    %reduce_sum3A_2673 = vector.multi_reduction <add>, %convert_element_type3A_2671, %reduce_sum3A_2672 [0] : vector<256x128xf32> to vector<128xf32>
    %broadcast_in_dim3A_2674 = vector.shape_cast %reduce_sum3A_2673 : vector<128xf32> to vector<1x128xf32>
    %dot_general3A_2675 = arith.constant dense<0.000000e+00> : vector<1x128xf32>
    %dot_general3A_2676 = tpu.matmul %broadcast_in_dim3A_2674, %broadcast_in_dim3A_13, %dot_general3A_2675 {dimension_numbers = #tpu.dot_dimension_numbers<[1], [0], [0], [1], [0, 0, 1, 1], [], []>, transpose_lhs_hint = false} : vector<1x128xf32>, vector<128x128xf32>, vector<1x128xf32> -> vector<1x128xf32>
    %ge3A_2677 = arith.cmpf oge, %dot_general3A_2676, %sub3A_2215 : vector<1x128xf32>
    %select_n3A_2678 = arith.select %ge3A_2677, %and3A_2666, %select_n3A_2603 : vector<1x128xi1>, vector<1x128xi32>
    %scan3A_2679 = arith.constant 6 : i32
    %sub3A_2680 = arith.constant 14 : i32
    %sub3A_2681 = arith.subi %sub3A_2680, %scan3A_2679 : i32
    %shift_left3A_2682 = arith.constant 1 : i32
    %shift_left3A_2683 = arith.shli %shift_left3A_2682, %sub3A_2681 : i32
    %not3A_2684 = arith.constant -1 : i32
    %not3A_2685 = arith.xori %shift_left3A_2683, %not3A_2684 : i32
    %and3A_2686 = vector.broadcast %not3A_2685 : i32 to vector<1x128xi32>
    %and3A_2687 = arith.andi %select_n3A_2624, %and3A_2686 : vector<1x128xi32>
    %le3A_2688 = vector.broadcast %and3A_2687 : vector<1x128xi32> to vector<256x128xi32>
    %le3A_2689 = arith.cmpi sle, %add3A, %le3A_2688 : vector<256x128xi32>
    %and3A_2690 = arith.andi %eq3A_2216, %le3A_2689 : vector<256x128xi1>
    %convert_element_type3A_2691 = arith.extui %and3A_2690 : vector<256x128xi1> to vector<256x128xi32>
    %convert_element_type3A_2692 = arith.sitofp %convert_element_type3A_2691 : vector<256x128xi32> to vector<256x128xf32>
    %reduce_sum3A_2693 = arith.constant dense<0.000000e+00> : vector<128xf32>
    %reduce_sum3A_2694 = vector.multi_reduction <add>, %convert_element_type3A_2692, %reduce_sum3A_2693 [0] : vector<256x128xf32> to vector<128xf32>
    %broadcast_in_dim3A_2695 = vector.shape_cast %reduce_sum3A_2694 : vector<128xf32> to vector<1x128xf32>
    %dot_general3A_2696 = arith.constant dense<0.000000e+00> : vector<1x128xf32>
    %dot_general3A_2697 = tpu.matmul %broadcast_in_dim3A_2695, %broadcast_in_dim3A_13, %dot_general3A_2696 {dimension_numbers = #tpu.dot_dimension_numbers<[1], [0], [0], [1], [0, 0, 1, 1], [], []>, transpose_lhs_hint = false} : vector<1x128xf32>, vector<128x128xf32>, vector<1x128xf32> -> vector<1x128xf32>
    %ge3A_2698 = arith.cmpf oge, %dot_general3A_2697, %sub3A_2182 : vector<1x128xf32>
    %select_n3A_2699 = arith.select %ge3A_2698, %and3A_2687, %select_n3A_2624 : vector<1x128xi1>, vector<1x128xi32>
    %shift_left3A_2700 = arith.constant 1 : i32
    %shift_left3A_2701 = arith.shli %shift_left3A_2700, %sub3A_2681 : i32
    %not3A_2702 = arith.constant -1 : i32
    %not3A_2703 = arith.xori %shift_left3A_2701, %not3A_2702 : i32
    %and3A_2704 = vector.broadcast %not3A_2703 : i32 to vector<1x128xi32>
    %and3A_2705 = arith.andi %select_n3A_2642, %and3A_2704 : vector<1x128xi32>
    %le3A_2706 = vector.broadcast %and3A_2705 : vector<1x128xi32> to vector<256x128xi32>
    %le3A_2707 = arith.cmpi sle, %add3A, %le3A_2706 : vector<256x128xi32>
    %and3A_2708 = arith.andi %eq3A_2218, %le3A_2707 : vector<256x128xi1>
    %convert_element_type3A_2709 = arith.extui %and3A_2708 : vector<256x128xi1> to vector<256x128xi32>
    %convert_element_type3A_2710 = arith.sitofp %convert_element_type3A_2709 : vector<256x128xi32> to vector<256x128xf32>
    %reduce_sum3A_2711 = arith.constant dense<0.000000e+00> : vector<128xf32>
    %reduce_sum3A_2712 = vector.multi_reduction <add>, %convert_element_type3A_2710, %reduce_sum3A_2711 [0] : vector<256x128xf32> to vector<128xf32>
    %broadcast_in_dim3A_2713 = vector.shape_cast %reduce_sum3A_2712 : vector<128xf32> to vector<1x128xf32>
    %dot_general3A_2714 = arith.constant dense<0.000000e+00> : vector<1x128xf32>
    %dot_general3A_2715 = tpu.matmul %broadcast_in_dim3A_2713, %broadcast_in_dim3A_13, %dot_general3A_2714 {dimension_numbers = #tpu.dot_dimension_numbers<[1], [0], [0], [1], [0, 0, 1, 1], [], []>, transpose_lhs_hint = false} : vector<1x128xf32>, vector<128x128xf32>, vector<1x128xf32> -> vector<1x128xf32>
    %ge3A_2716 = arith.cmpf oge, %dot_general3A_2715, %sub3A_2193 : vector<1x128xf32>
    %select_n3A_2717 = arith.select %ge3A_2716, %and3A_2705, %select_n3A_2642 : vector<1x128xi1>, vector<1x128xi32>
    %shift_left3A_2718 = arith.constant 1 : i32
    %shift_left3A_2719 = arith.shli %shift_left3A_2718, %sub3A_2681 : i32
    %not3A_2720 = arith.constant -1 : i32
    %not3A_2721 = arith.xori %shift_left3A_2719, %not3A_2720 : i32
    %and3A_2722 = vector.broadcast %not3A_2721 : i32 to vector<1x128xi32>
    %and3A_2723 = arith.andi %select_n3A_2660, %and3A_2722 : vector<1x128xi32>
    %le3A_2724 = vector.broadcast %and3A_2723 : vector<1x128xi32> to vector<256x128xi32>
    %le3A_2725 = arith.cmpi sle, %add3A, %le3A_2724 : vector<256x128xi32>
    %and3A_2726 = arith.andi %eq3A_2220, %le3A_2725 : vector<256x128xi1>
    %convert_element_type3A_2727 = arith.extui %and3A_2726 : vector<256x128xi1> to vector<256x128xi32>
    %convert_element_type3A_2728 = arith.sitofp %convert_element_type3A_2727 : vector<256x128xi32> to vector<256x128xf32>
    %reduce_sum3A_2729 = arith.constant dense<0.000000e+00> : vector<128xf32>
    %reduce_sum3A_2730 = vector.multi_reduction <add>, %convert_element_type3A_2728, %reduce_sum3A_2729 [0] : vector<256x128xf32> to vector<128xf32>
    %broadcast_in_dim3A_2731 = vector.shape_cast %reduce_sum3A_2730 : vector<128xf32> to vector<1x128xf32>
    %dot_general3A_2732 = arith.constant dense<0.000000e+00> : vector<1x128xf32>
    %dot_general3A_2733 = tpu.matmul %broadcast_in_dim3A_2731, %broadcast_in_dim3A_13, %dot_general3A_2732 {dimension_numbers = #tpu.dot_dimension_numbers<[1], [0], [0], [1], [0, 0, 1, 1], [], []>, transpose_lhs_hint = false} : vector<1x128xf32>, vector<128x128xf32>, vector<1x128xf32> -> vector<1x128xf32>
    %ge3A_2734 = arith.cmpf oge, %dot_general3A_2733, %sub3A_2204 : vector<1x128xf32>
    %select_n3A_2735 = arith.select %ge3A_2734, %and3A_2723, %select_n3A_2660 : vector<1x128xi1>, vector<1x128xi32>
    %shift_left3A_2736 = arith.constant 1 : i32
    %shift_left3A_2737 = arith.shli %shift_left3A_2736, %sub3A_2681 : i32
    %not3A_2738 = arith.constant -1 : i32
    %not3A_2739 = arith.xori %shift_left3A_2737, %not3A_2738 : i32
    %and3A_2740 = vector.broadcast %not3A_2739 : i32 to vector<1x128xi32>
    %and3A_2741 = arith.andi %select_n3A_2678, %and3A_2740 : vector<1x128xi32>
    %le3A_2742 = vector.broadcast %and3A_2741 : vector<1x128xi32> to vector<256x128xi32>
    %le3A_2743 = arith.cmpi sle, %add3A, %le3A_2742 : vector<256x128xi32>
    %and3A_2744 = arith.andi %eq3A_2222, %le3A_2743 : vector<256x128xi1>
    %convert_element_type3A_2745 = arith.extui %and3A_2744 : vector<256x128xi1> to vector<256x128xi32>
    %convert_element_type3A_2746 = arith.sitofp %convert_element_type3A_2745 : vector<256x128xi32> to vector<256x128xf32>
    %reduce_sum3A_2747 = arith.constant dense<0.000000e+00> : vector<128xf32>
    %reduce_sum3A_2748 = vector.multi_reduction <add>, %convert_element_type3A_2746, %reduce_sum3A_2747 [0] : vector<256x128xf32> to vector<128xf32>
    %broadcast_in_dim3A_2749 = vector.shape_cast %reduce_sum3A_2748 : vector<128xf32> to vector<1x128xf32>
    %dot_general3A_2750 = arith.constant dense<0.000000e+00> : vector<1x128xf32>
    %dot_general3A_2751 = tpu.matmul %broadcast_in_dim3A_2749, %broadcast_in_dim3A_13, %dot_general3A_2750 {dimension_numbers = #tpu.dot_dimension_numbers<[1], [0], [0], [1], [0, 0, 1, 1], [], []>, transpose_lhs_hint = false} : vector<1x128xf32>, vector<128x128xf32>, vector<1x128xf32> -> vector<1x128xf32>
    %ge3A_2752 = arith.cmpf oge, %dot_general3A_2751, %sub3A_2215 : vector<1x128xf32>
    %select_n3A_2753 = arith.select %ge3A_2752, %and3A_2741, %select_n3A_2678 : vector<1x128xi1>, vector<1x128xi32>
    %scan3A_2754 = arith.constant 7 : i32
    %sub3A_2755 = arith.constant 14 : i32
    %sub3A_2756 = arith.subi %sub3A_2755, %scan3A_2754 : i32
    %shift_left3A_2757 = arith.constant 1 : i32
    %shift_left3A_2758 = arith.shli %shift_left3A_2757, %sub3A_2756 : i32
    %not3A_2759 = arith.constant -1 : i32
    %not3A_2760 = arith.xori %shift_left3A_2758, %not3A_2759 : i32
    %and3A_2761 = vector.broadcast %not3A_2760 : i32 to vector<1x128xi32>
    %and3A_2762 = arith.andi %select_n3A_2699, %and3A_2761 : vector<1x128xi32>
    %le3A_2763 = vector.broadcast %and3A_2762 : vector<1x128xi32> to vector<256x128xi32>
    %le3A_2764 = arith.cmpi sle, %add3A, %le3A_2763 : vector<256x128xi32>
    %and3A_2765 = arith.andi %eq3A_2216, %le3A_2764 : vector<256x128xi1>
    %convert_element_type3A_2766 = arith.extui %and3A_2765 : vector<256x128xi1> to vector<256x128xi32>
    %convert_element_type3A_2767 = arith.sitofp %convert_element_type3A_2766 : vector<256x128xi32> to vector<256x128xf32>
    %reduce_sum3A_2768 = arith.constant dense<0.000000e+00> : vector<128xf32>
    %reduce_sum3A_2769 = vector.multi_reduction <add>, %convert_element_type3A_2767, %reduce_sum3A_2768 [0] : vector<256x128xf32> to vector<128xf32>
    %broadcast_in_dim3A_2770 = vector.shape_cast %reduce_sum3A_2769 : vector<128xf32> to vector<1x128xf32>
    %dot_general3A_2771 = arith.constant dense<0.000000e+00> : vector<1x128xf32>
    %dot_general3A_2772 = tpu.matmul %broadcast_in_dim3A_2770, %broadcast_in_dim3A_13, %dot_general3A_2771 {dimension_numbers = #tpu.dot_dimension_numbers<[1], [0], [0], [1], [0, 0, 1, 1], [], []>, transpose_lhs_hint = false} : vector<1x128xf32>, vector<128x128xf32>, vector<1x128xf32> -> vector<1x128xf32>
    %ge3A_2773 = arith.cmpf oge, %dot_general3A_2772, %sub3A_2182 : vector<1x128xf32>
    %select_n3A_2774 = arith.select %ge3A_2773, %and3A_2762, %select_n3A_2699 : vector<1x128xi1>, vector<1x128xi32>
    %shift_left3A_2775 = arith.constant 1 : i32
    %shift_left3A_2776 = arith.shli %shift_left3A_2775, %sub3A_2756 : i32
    %not3A_2777 = arith.constant -1 : i32
    %not3A_2778 = arith.xori %shift_left3A_2776, %not3A_2777 : i32
    %and3A_2779 = vector.broadcast %not3A_2778 : i32 to vector<1x128xi32>
    %and3A_2780 = arith.andi %select_n3A_2717, %and3A_2779 : vector<1x128xi32>
    %le3A_2781 = vector.broadcast %and3A_2780 : vector<1x128xi32> to vector<256x128xi32>
    %le3A_2782 = arith.cmpi sle, %add3A, %le3A_2781 : vector<256x128xi32>
    %and3A_2783 = arith.andi %eq3A_2218, %le3A_2782 : vector<256x128xi1>
    %convert_element_type3A_2784 = arith.extui %and3A_2783 : vector<256x128xi1> to vector<256x128xi32>
    %convert_element_type3A_2785 = arith.sitofp %convert_element_type3A_2784 : vector<256x128xi32> to vector<256x128xf32>
    %reduce_sum3A_2786 = arith.constant dense<0.000000e+00> : vector<128xf32>
    %reduce_sum3A_2787 = vector.multi_reduction <add>, %convert_element_type3A_2785, %reduce_sum3A_2786 [0] : vector<256x128xf32> to vector<128xf32>
    %broadcast_in_dim3A_2788 = vector.shape_cast %reduce_sum3A_2787 : vector<128xf32> to vector<1x128xf32>
    %dot_general3A_2789 = arith.constant dense<0.000000e+00> : vector<1x128xf32>
    %dot_general3A_2790 = tpu.matmul %broadcast_in_dim3A_2788, %broadcast_in_dim3A_13, %dot_general3A_2789 {dimension_numbers = #tpu.dot_dimension_numbers<[1], [0], [0], [1], [0, 0, 1, 1], [], []>, transpose_lhs_hint = false} : vector<1x128xf32>, vector<128x128xf32>, vector<1x128xf32> -> vector<1x128xf32>
    %ge3A_2791 = arith.cmpf oge, %dot_general3A_2790, %sub3A_2193 : vector<1x128xf32>
    %select_n3A_2792 = arith.select %ge3A_2791, %and3A_2780, %select_n3A_2717 : vector<1x128xi1>, vector<1x128xi32>
    %shift_left3A_2793 = arith.constant 1 : i32
    %shift_left3A_2794 = arith.shli %shift_left3A_2793, %sub3A_2756 : i32
    %not3A_2795 = arith.constant -1 : i32
    %not3A_2796 = arith.xori %shift_left3A_2794, %not3A_2795 : i32
    %and3A_2797 = vector.broadcast %not3A_2796 : i32 to vector<1x128xi32>
    %and3A_2798 = arith.andi %select_n3A_2735, %and3A_2797 : vector<1x128xi32>
    %le3A_2799 = vector.broadcast %and3A_2798 : vector<1x128xi32> to vector<256x128xi32>
    %le3A_2800 = arith.cmpi sle, %add3A, %le3A_2799 : vector<256x128xi32>
    %and3A_2801 = arith.andi %eq3A_2220, %le3A_2800 : vector<256x128xi1>
    %convert_element_type3A_2802 = arith.extui %and3A_2801 : vector<256x128xi1> to vector<256x128xi32>
    %convert_element_type3A_2803 = arith.sitofp %convert_element_type3A_2802 : vector<256x128xi32> to vector<256x128xf32>
    %reduce_sum3A_2804 = arith.constant dense<0.000000e+00> : vector<128xf32>
    %reduce_sum3A_2805 = vector.multi_reduction <add>, %convert_element_type3A_2803, %reduce_sum3A_2804 [0] : vector<256x128xf32> to vector<128xf32>
    %broadcast_in_dim3A_2806 = vector.shape_cast %reduce_sum3A_2805 : vector<128xf32> to vector<1x128xf32>
    %dot_general3A_2807 = arith.constant dense<0.000000e+00> : vector<1x128xf32>
    %dot_general3A_2808 = tpu.matmul %broadcast_in_dim3A_2806, %broadcast_in_dim3A_13, %dot_general3A_2807 {dimension_numbers = #tpu.dot_dimension_numbers<[1], [0], [0], [1], [0, 0, 1, 1], [], []>, transpose_lhs_hint = false} : vector<1x128xf32>, vector<128x128xf32>, vector<1x128xf32> -> vector<1x128xf32>
    %ge3A_2809 = arith.cmpf oge, %dot_general3A_2808, %sub3A_2204 : vector<1x128xf32>
    %select_n3A_2810 = arith.select %ge3A_2809, %and3A_2798, %select_n3A_2735 : vector<1x128xi1>, vector<1x128xi32>
    %shift_left3A_2811 = arith.constant 1 : i32
    %shift_left3A_2812 = arith.shli %shift_left3A_2811, %sub3A_2756 : i32
    %not3A_2813 = arith.constant -1 : i32
    %not3A_2814 = arith.xori %shift_left3A_2812, %not3A_2813 : i32
    %and3A_2815 = vector.broadcast %not3A_2814 : i32 to vector<1x128xi32>
    %and3A_2816 = arith.andi %select_n3A_2753, %and3A_2815 : vector<1x128xi32>
    %le3A_2817 = vector.broadcast %and3A_2816 : vector<1x128xi32> to vector<256x128xi32>
    %le3A_2818 = arith.cmpi sle, %add3A, %le3A_2817 : vector<256x128xi32>
    %and3A_2819 = arith.andi %eq3A_2222, %le3A_2818 : vector<256x128xi1>
    %convert_element_type3A_2820 = arith.extui %and3A_2819 : vector<256x128xi1> to vector<256x128xi32>
    %convert_element_type3A_2821 = arith.sitofp %convert_element_type3A_2820 : vector<256x128xi32> to vector<256x128xf32>
    %reduce_sum3A_2822 = arith.constant dense<0.000000e+00> : vector<128xf32>
    %reduce_sum3A_2823 = vector.multi_reduction <add>, %convert_element_type3A_2821, %reduce_sum3A_2822 [0] : vector<256x128xf32> to vector<128xf32>
    %broadcast_in_dim3A_2824 = vector.shape_cast %reduce_sum3A_2823 : vector<128xf32> to vector<1x128xf32>
    %dot_general3A_2825 = arith.constant dense<0.000000e+00> : vector<1x128xf32>
    %dot_general3A_2826 = tpu.matmul %broadcast_in_dim3A_2824, %broadcast_in_dim3A_13, %dot_general3A_2825 {dimension_numbers = #tpu.dot_dimension_numbers<[1], [0], [0], [1], [0, 0, 1, 1], [], []>, transpose_lhs_hint = false} : vector<1x128xf32>, vector<128x128xf32>, vector<1x128xf32> -> vector<1x128xf32>
    %ge3A_2827 = arith.cmpf oge, %dot_general3A_2826, %sub3A_2215 : vector<1x128xf32>
    %select_n3A_2828 = arith.select %ge3A_2827, %and3A_2816, %select_n3A_2753 : vector<1x128xi1>, vector<1x128xi32>
    %scan3A_2829 = arith.constant 8 : i32
    %sub3A_2830 = arith.constant 14 : i32
    %sub3A_2831 = arith.subi %sub3A_2830, %scan3A_2829 : i32
    %shift_left3A_2832 = arith.constant 1 : i32
    %shift_left3A_2833 = arith.shli %shift_left3A_2832, %sub3A_2831 : i32
    %not3A_2834 = arith.constant -1 : i32
    %not3A_2835 = arith.xori %shift_left3A_2833, %not3A_2834 : i32
    %and3A_2836 = vector.broadcast %not3A_2835 : i32 to vector<1x128xi32>
    %and3A_2837 = arith.andi %select_n3A_2774, %and3A_2836 : vector<1x128xi32>
    %le3A_2838 = vector.broadcast %and3A_2837 : vector<1x128xi32> to vector<256x128xi32>
    %le3A_2839 = arith.cmpi sle, %add3A, %le3A_2838 : vector<256x128xi32>
    %and3A_2840 = arith.andi %eq3A_2216, %le3A_2839 : vector<256x128xi1>
    %convert_element_type3A_2841 = arith.extui %and3A_2840 : vector<256x128xi1> to vector<256x128xi32>
    %convert_element_type3A_2842 = arith.sitofp %convert_element_type3A_2841 : vector<256x128xi32> to vector<256x128xf32>
    %reduce_sum3A_2843 = arith.constant dense<0.000000e+00> : vector<128xf32>
    %reduce_sum3A_2844 = vector.multi_reduction <add>, %convert_element_type3A_2842, %reduce_sum3A_2843 [0] : vector<256x128xf32> to vector<128xf32>
    %broadcast_in_dim3A_2845 = vector.shape_cast %reduce_sum3A_2844 : vector<128xf32> to vector<1x128xf32>
    %dot_general3A_2846 = arith.constant dense<0.000000e+00> : vector<1x128xf32>
    %dot_general3A_2847 = tpu.matmul %broadcast_in_dim3A_2845, %broadcast_in_dim3A_13, %dot_general3A_2846 {dimension_numbers = #tpu.dot_dimension_numbers<[1], [0], [0], [1], [0, 0, 1, 1], [], []>, transpose_lhs_hint = false} : vector<1x128xf32>, vector<128x128xf32>, vector<1x128xf32> -> vector<1x128xf32>
    %ge3A_2848 = arith.cmpf oge, %dot_general3A_2847, %sub3A_2182 : vector<1x128xf32>
    %select_n3A_2849 = arith.select %ge3A_2848, %and3A_2837, %select_n3A_2774 : vector<1x128xi1>, vector<1x128xi32>
    %shift_left3A_2850 = arith.constant 1 : i32
    %shift_left3A_2851 = arith.shli %shift_left3A_2850, %sub3A_2831 : i32
    %not3A_2852 = arith.constant -1 : i32
    %not3A_2853 = arith.xori %shift_left3A_2851, %not3A_2852 : i32
    %and3A_2854 = vector.broadcast %not3A_2853 : i32 to vector<1x128xi32>
    %and3A_2855 = arith.andi %select_n3A_2792, %and3A_2854 : vector<1x128xi32>
    %le3A_2856 = vector.broadcast %and3A_2855 : vector<1x128xi32> to vector<256x128xi32>
    %le3A_2857 = arith.cmpi sle, %add3A, %le3A_2856 : vector<256x128xi32>
    %and3A_2858 = arith.andi %eq3A_2218, %le3A_2857 : vector<256x128xi1>
    %convert_element_type3A_2859 = arith.extui %and3A_2858 : vector<256x128xi1> to vector<256x128xi32>
    %convert_element_type3A_2860 = arith.sitofp %convert_element_type3A_2859 : vector<256x128xi32> to vector<256x128xf32>
    %reduce_sum3A_2861 = arith.constant dense<0.000000e+00> : vector<128xf32>
    %reduce_sum3A_2862 = vector.multi_reduction <add>, %convert_element_type3A_2860, %reduce_sum3A_2861 [0] : vector<256x128xf32> to vector<128xf32>
    %broadcast_in_dim3A_2863 = vector.shape_cast %reduce_sum3A_2862 : vector<128xf32> to vector<1x128xf32>
    %dot_general3A_2864 = arith.constant dense<0.000000e+00> : vector<1x128xf32>
    %dot_general3A_2865 = tpu.matmul %broadcast_in_dim3A_2863, %broadcast_in_dim3A_13, %dot_general3A_2864 {dimension_numbers = #tpu.dot_dimension_numbers<[1], [0], [0], [1], [0, 0, 1, 1], [], []>, transpose_lhs_hint = false} : vector<1x128xf32>, vector<128x128xf32>, vector<1x128xf32> -> vector<1x128xf32>
    %ge3A_2866 = arith.cmpf oge, %dot_general3A_2865, %sub3A_2193 : vector<1x128xf32>
    %select_n3A_2867 = arith.select %ge3A_2866, %and3A_2855, %select_n3A_2792 : vector<1x128xi1>, vector<1x128xi32>
    %shift_left3A_2868 = arith.constant 1 : i32
    %shift_left3A_2869 = arith.shli %shift_left3A_2868, %sub3A_2831 : i32
    %not3A_2870 = arith.constant -1 : i32
    %not3A_2871 = arith.xori %shift_left3A_2869, %not3A_2870 : i32
    %and3A_2872 = vector.broadcast %not3A_2871 : i32 to vector<1x128xi32>
    %and3A_2873 = arith.andi %select_n3A_2810, %and3A_2872 : vector<1x128xi32>
    %le3A_2874 = vector.broadcast %and3A_2873 : vector<1x128xi32> to vector<256x128xi32>
    %le3A_2875 = arith.cmpi sle, %add3A, %le3A_2874 : vector<256x128xi32>
    %and3A_2876 = arith.andi %eq3A_2220, %le3A_2875 : vector<256x128xi1>
    %convert_element_type3A_2877 = arith.extui %and3A_2876 : vector<256x128xi1> to vector<256x128xi32>
    %convert_element_type3A_2878 = arith.sitofp %convert_element_type3A_2877 : vector<256x128xi32> to vector<256x128xf32>
    %reduce_sum3A_2879 = arith.constant dense<0.000000e+00> : vector<128xf32>
    %reduce_sum3A_2880 = vector.multi_reduction <add>, %convert_element_type3A_2878, %reduce_sum3A_2879 [0] : vector<256x128xf32> to vector<128xf32>
    %broadcast_in_dim3A_2881 = vector.shape_cast %reduce_sum3A_2880 : vector<128xf32> to vector<1x128xf32>
    %dot_general3A_2882 = arith.constant dense<0.000000e+00> : vector<1x128xf32>
    %dot_general3A_2883 = tpu.matmul %broadcast_in_dim3A_2881, %broadcast_in_dim3A_13, %dot_general3A_2882 {dimension_numbers = #tpu.dot_dimension_numbers<[1], [0], [0], [1], [0, 0, 1, 1], [], []>, transpose_lhs_hint = false} : vector<1x128xf32>, vector<128x128xf32>, vector<1x128xf32> -> vector<1x128xf32>
    %ge3A_2884 = arith.cmpf oge, %dot_general3A_2883, %sub3A_2204 : vector<1x128xf32>
    %select_n3A_2885 = arith.select %ge3A_2884, %and3A_2873, %select_n3A_2810 : vector<1x128xi1>, vector<1x128xi32>
    %shift_left3A_2886 = arith.constant 1 : i32
    %shift_left3A_2887 = arith.shli %shift_left3A_2886, %sub3A_2831 : i32
    %not3A_2888 = arith.constant -1 : i32
    %not3A_2889 = arith.xori %shift_left3A_2887, %not3A_2888 : i32
    %and3A_2890 = vector.broadcast %not3A_2889 : i32 to vector<1x128xi32>
    %and3A_2891 = arith.andi %select_n3A_2828, %and3A_2890 : vector<1x128xi32>
    %le3A_2892 = vector.broadcast %and3A_2891 : vector<1x128xi32> to vector<256x128xi32>
    %le3A_2893 = arith.cmpi sle, %add3A, %le3A_2892 : vector<256x128xi32>
    %and3A_2894 = arith.andi %eq3A_2222, %le3A_2893 : vector<256x128xi1>
    %convert_element_type3A_2895 = arith.extui %and3A_2894 : vector<256x128xi1> to vector<256x128xi32>
    %convert_element_type3A_2896 = arith.sitofp %convert_element_type3A_2895 : vector<256x128xi32> to vector<256x128xf32>
    %reduce_sum3A_2897 = arith.constant dense<0.000000e+00> : vector<128xf32>
    %reduce_sum3A_2898 = vector.multi_reduction <add>, %convert_element_type3A_2896, %reduce_sum3A_2897 [0] : vector<256x128xf32> to vector<128xf32>
    %broadcast_in_dim3A_2899 = vector.shape_cast %reduce_sum3A_2898 : vector<128xf32> to vector<1x128xf32>
    %dot_general3A_2900 = arith.constant dense<0.000000e+00> : vector<1x128xf32>
    %dot_general3A_2901 = tpu.matmul %broadcast_in_dim3A_2899, %broadcast_in_dim3A_13, %dot_general3A_2900 {dimension_numbers = #tpu.dot_dimension_numbers<[1], [0], [0], [1], [0, 0, 1, 1], [], []>, transpose_lhs_hint = false} : vector<1x128xf32>, vector<128x128xf32>, vector<1x128xf32> -> vector<1x128xf32>
    %ge3A_2902 = arith.cmpf oge, %dot_general3A_2901, %sub3A_2215 : vector<1x128xf32>
    %select_n3A_2903 = arith.select %ge3A_2902, %and3A_2891, %select_n3A_2828 : vector<1x128xi1>, vector<1x128xi32>
    %scan3A_2904 = arith.constant 9 : i32
    %sub3A_2905 = arith.constant 14 : i32
    %sub3A_2906 = arith.subi %sub3A_2905, %scan3A_2904 : i32
    %shift_left3A_2907 = arith.constant 1 : i32
    %shift_left3A_2908 = arith.shli %shift_left3A_2907, %sub3A_2906 : i32
    %not3A_2909 = arith.constant -1 : i32
    %not3A_2910 = arith.xori %shift_left3A_2908, %not3A_2909 : i32
    %and3A_2911 = vector.broadcast %not3A_2910 : i32 to vector<1x128xi32>
    %and3A_2912 = arith.andi %select_n3A_2849, %and3A_2911 : vector<1x128xi32>
    %le3A_2913 = vector.broadcast %and3A_2912 : vector<1x128xi32> to vector<256x128xi32>
    %le3A_2914 = arith.cmpi sle, %add3A, %le3A_2913 : vector<256x128xi32>
    %and3A_2915 = arith.andi %eq3A_2216, %le3A_2914 : vector<256x128xi1>
    %convert_element_type3A_2916 = arith.extui %and3A_2915 : vector<256x128xi1> to vector<256x128xi32>
    %convert_element_type3A_2917 = arith.sitofp %convert_element_type3A_2916 : vector<256x128xi32> to vector<256x128xf32>
    %reduce_sum3A_2918 = arith.constant dense<0.000000e+00> : vector<128xf32>
    %reduce_sum3A_2919 = vector.multi_reduction <add>, %convert_element_type3A_2917, %reduce_sum3A_2918 [0] : vector<256x128xf32> to vector<128xf32>
    %broadcast_in_dim3A_2920 = vector.shape_cast %reduce_sum3A_2919 : vector<128xf32> to vector<1x128xf32>
    %dot_general3A_2921 = arith.constant dense<0.000000e+00> : vector<1x128xf32>
    %dot_general3A_2922 = tpu.matmul %broadcast_in_dim3A_2920, %broadcast_in_dim3A_13, %dot_general3A_2921 {dimension_numbers = #tpu.dot_dimension_numbers<[1], [0], [0], [1], [0, 0, 1, 1], [], []>, transpose_lhs_hint = false} : vector<1x128xf32>, vector<128x128xf32>, vector<1x128xf32> -> vector<1x128xf32>
    %ge3A_2923 = arith.cmpf oge, %dot_general3A_2922, %sub3A_2182 : vector<1x128xf32>
    %select_n3A_2924 = arith.select %ge3A_2923, %and3A_2912, %select_n3A_2849 : vector<1x128xi1>, vector<1x128xi32>
    %shift_left3A_2925 = arith.constant 1 : i32
    %shift_left3A_2926 = arith.shli %shift_left3A_2925, %sub3A_2906 : i32
    %not3A_2927 = arith.constant -1 : i32
    %not3A_2928 = arith.xori %shift_left3A_2926, %not3A_2927 : i32
    %and3A_2929 = vector.broadcast %not3A_2928 : i32 to vector<1x128xi32>
    %and3A_2930 = arith.andi %select_n3A_2867, %and3A_2929 : vector<1x128xi32>
    %le3A_2931 = vector.broadcast %and3A_2930 : vector<1x128xi32> to vector<256x128xi32>
    %le3A_2932 = arith.cmpi sle, %add3A, %le3A_2931 : vector<256x128xi32>
    %and3A_2933 = arith.andi %eq3A_2218, %le3A_2932 : vector<256x128xi1>
    %convert_element_type3A_2934 = arith.extui %and3A_2933 : vector<256x128xi1> to vector<256x128xi32>
    %convert_element_type3A_2935 = arith.sitofp %convert_element_type3A_2934 : vector<256x128xi32> to vector<256x128xf32>
    %reduce_sum3A_2936 = arith.constant dense<0.000000e+00> : vector<128xf32>
    %reduce_sum3A_2937 = vector.multi_reduction <add>, %convert_element_type3A_2935, %reduce_sum3A_2936 [0] : vector<256x128xf32> to vector<128xf32>
    %broadcast_in_dim3A_2938 = vector.shape_cast %reduce_sum3A_2937 : vector<128xf32> to vector<1x128xf32>
    %dot_general3A_2939 = arith.constant dense<0.000000e+00> : vector<1x128xf32>
    %dot_general3A_2940 = tpu.matmul %broadcast_in_dim3A_2938, %broadcast_in_dim3A_13, %dot_general3A_2939 {dimension_numbers = #tpu.dot_dimension_numbers<[1], [0], [0], [1], [0, 0, 1, 1], [], []>, transpose_lhs_hint = false} : vector<1x128xf32>, vector<128x128xf32>, vector<1x128xf32> -> vector<1x128xf32>
    %ge3A_2941 = arith.cmpf oge, %dot_general3A_2940, %sub3A_2193 : vector<1x128xf32>
    %select_n3A_2942 = arith.select %ge3A_2941, %and3A_2930, %select_n3A_2867 : vector<1x128xi1>, vector<1x128xi32>
    %shift_left3A_2943 = arith.constant 1 : i32
    %shift_left3A_2944 = arith.shli %shift_left3A_2943, %sub3A_2906 : i32
    %not3A_2945 = arith.constant -1 : i32
    %not3A_2946 = arith.xori %shift_left3A_2944, %not3A_2945 : i32
    %and3A_2947 = vector.broadcast %not3A_2946 : i32 to vector<1x128xi32>
    %and3A_2948 = arith.andi %select_n3A_2885, %and3A_2947 : vector<1x128xi32>
    %le3A_2949 = vector.broadcast %and3A_2948 : vector<1x128xi32> to vector<256x128xi32>
    %le3A_2950 = arith.cmpi sle, %add3A, %le3A_2949 : vector<256x128xi32>
    %and3A_2951 = arith.andi %eq3A_2220, %le3A_2950 : vector<256x128xi1>
    %convert_element_type3A_2952 = arith.extui %and3A_2951 : vector<256x128xi1> to vector<256x128xi32>
    %convert_element_type3A_2953 = arith.sitofp %convert_element_type3A_2952 : vector<256x128xi32> to vector<256x128xf32>
    %reduce_sum3A_2954 = arith.constant dense<0.000000e+00> : vector<128xf32>
    %reduce_sum3A_2955 = vector.multi_reduction <add>, %convert_element_type3A_2953, %reduce_sum3A_2954 [0] : vector<256x128xf32> to vector<128xf32>
    %broadcast_in_dim3A_2956 = vector.shape_cast %reduce_sum3A_2955 : vector<128xf32> to vector<1x128xf32>
    %dot_general3A_2957 = arith.constant dense<0.000000e+00> : vector<1x128xf32>
    %dot_general3A_2958 = tpu.matmul %broadcast_in_dim3A_2956, %broadcast_in_dim3A_13, %dot_general3A_2957 {dimension_numbers = #tpu.dot_dimension_numbers<[1], [0], [0], [1], [0, 0, 1, 1], [], []>, transpose_lhs_hint = false} : vector<1x128xf32>, vector<128x128xf32>, vector<1x128xf32> -> vector<1x128xf32>
    %ge3A_2959 = arith.cmpf oge, %dot_general3A_2958, %sub3A_2204 : vector<1x128xf32>
    %select_n3A_2960 = arith.select %ge3A_2959, %and3A_2948, %select_n3A_2885 : vector<1x128xi1>, vector<1x128xi32>
    %shift_left3A_2961 = arith.constant 1 : i32
    %shift_left3A_2962 = arith.shli %shift_left3A_2961, %sub3A_2906 : i32
    %not3A_2963 = arith.constant -1 : i32
    %not3A_2964 = arith.xori %shift_left3A_2962, %not3A_2963 : i32
    %and3A_2965 = vector.broadcast %not3A_2964 : i32 to vector<1x128xi32>
    %and3A_2966 = arith.andi %select_n3A_2903, %and3A_2965 : vector<1x128xi32>
    %le3A_2967 = vector.broadcast %and3A_2966 : vector<1x128xi32> to vector<256x128xi32>
    %le3A_2968 = arith.cmpi sle, %add3A, %le3A_2967 : vector<256x128xi32>
    %and3A_2969 = arith.andi %eq3A_2222, %le3A_2968 : vector<256x128xi1>
    %convert_element_type3A_2970 = arith.extui %and3A_2969 : vector<256x128xi1> to vector<256x128xi32>
    %convert_element_type3A_2971 = arith.sitofp %convert_element_type3A_2970 : vector<256x128xi32> to vector<256x128xf32>
    %reduce_sum3A_2972 = arith.constant dense<0.000000e+00> : vector<128xf32>
    %reduce_sum3A_2973 = vector.multi_reduction <add>, %convert_element_type3A_2971, %reduce_sum3A_2972 [0] : vector<256x128xf32> to vector<128xf32>
    %broadcast_in_dim3A_2974 = vector.shape_cast %reduce_sum3A_2973 : vector<128xf32> to vector<1x128xf32>
    %dot_general3A_2975 = arith.constant dense<0.000000e+00> : vector<1x128xf32>
    %dot_general3A_2976 = tpu.matmul %broadcast_in_dim3A_2974, %broadcast_in_dim3A_13, %dot_general3A_2975 {dimension_numbers = #tpu.dot_dimension_numbers<[1], [0], [0], [1], [0, 0, 1, 1], [], []>, transpose_lhs_hint = false} : vector<1x128xf32>, vector<128x128xf32>, vector<1x128xf32> -> vector<1x128xf32>
    %ge3A_2977 = arith.cmpf oge, %dot_general3A_2976, %sub3A_2215 : vector<1x128xf32>
    %select_n3A_2978 = arith.select %ge3A_2977, %and3A_2966, %select_n3A_2903 : vector<1x128xi1>, vector<1x128xi32>
    %scan3A_2979 = arith.constant 10 : i32
    %sub3A_2980 = arith.constant 14 : i32
    %sub3A_2981 = arith.subi %sub3A_2980, %scan3A_2979 : i32
    %shift_left3A_2982 = arith.constant 1 : i32
    %shift_left3A_2983 = arith.shli %shift_left3A_2982, %sub3A_2981 : i32
    %not3A_2984 = arith.constant -1 : i32
    %not3A_2985 = arith.xori %shift_left3A_2983, %not3A_2984 : i32
    %and3A_2986 = vector.broadcast %not3A_2985 : i32 to vector<1x128xi32>
    %and3A_2987 = arith.andi %select_n3A_2924, %and3A_2986 : vector<1x128xi32>
    %le3A_2988 = vector.broadcast %and3A_2987 : vector<1x128xi32> to vector<256x128xi32>
    %le3A_2989 = arith.cmpi sle, %add3A, %le3A_2988 : vector<256x128xi32>
    %and3A_2990 = arith.andi %eq3A_2216, %le3A_2989 : vector<256x128xi1>
    %convert_element_type3A_2991 = arith.extui %and3A_2990 : vector<256x128xi1> to vector<256x128xi32>
    %convert_element_type3A_2992 = arith.sitofp %convert_element_type3A_2991 : vector<256x128xi32> to vector<256x128xf32>
    %reduce_sum3A_2993 = arith.constant dense<0.000000e+00> : vector<128xf32>
    %reduce_sum3A_2994 = vector.multi_reduction <add>, %convert_element_type3A_2992, %reduce_sum3A_2993 [0] : vector<256x128xf32> to vector<128xf32>
    %broadcast_in_dim3A_2995 = vector.shape_cast %reduce_sum3A_2994 : vector<128xf32> to vector<1x128xf32>
    %dot_general3A_2996 = arith.constant dense<0.000000e+00> : vector<1x128xf32>
    %dot_general3A_2997 = tpu.matmul %broadcast_in_dim3A_2995, %broadcast_in_dim3A_13, %dot_general3A_2996 {dimension_numbers = #tpu.dot_dimension_numbers<[1], [0], [0], [1], [0, 0, 1, 1], [], []>, transpose_lhs_hint = false} : vector<1x128xf32>, vector<128x128xf32>, vector<1x128xf32> -> vector<1x128xf32>
    %ge3A_2998 = arith.cmpf oge, %dot_general3A_2997, %sub3A_2182 : vector<1x128xf32>
    %select_n3A_2999 = arith.select %ge3A_2998, %and3A_2987, %select_n3A_2924 : vector<1x128xi1>, vector<1x128xi32>
    %shift_left3A_3000 = arith.constant 1 : i32
    %shift_left3A_3001 = arith.shli %shift_left3A_3000, %sub3A_2981 : i32
    %not3A_3002 = arith.constant -1 : i32
    %not3A_3003 = arith.xori %shift_left3A_3001, %not3A_3002 : i32
    %and3A_3004 = vector.broadcast %not3A_3003 : i32 to vector<1x128xi32>
    %and3A_3005 = arith.andi %select_n3A_2942, %and3A_3004 : vector<1x128xi32>
    %le3A_3006 = vector.broadcast %and3A_3005 : vector<1x128xi32> to vector<256x128xi32>
    %le3A_3007 = arith.cmpi sle, %add3A, %le3A_3006 : vector<256x128xi32>
    %and3A_3008 = arith.andi %eq3A_2218, %le3A_3007 : vector<256x128xi1>
    %convert_element_type3A_3009 = arith.extui %and3A_3008 : vector<256x128xi1> to vector<256x128xi32>
    %convert_element_type3A_3010 = arith.sitofp %convert_element_type3A_3009 : vector<256x128xi32> to vector<256x128xf32>
    %reduce_sum3A_3011 = arith.constant dense<0.000000e+00> : vector<128xf32>
    %reduce_sum3A_3012 = vector.multi_reduction <add>, %convert_element_type3A_3010, %reduce_sum3A_3011 [0] : vector<256x128xf32> to vector<128xf32>
    %broadcast_in_dim3A_3013 = vector.shape_cast %reduce_sum3A_3012 : vector<128xf32> to vector<1x128xf32>
    %dot_general3A_3014 = arith.constant dense<0.000000e+00> : vector<1x128xf32>
    %dot_general3A_3015 = tpu.matmul %broadcast_in_dim3A_3013, %broadcast_in_dim3A_13, %dot_general3A_3014 {dimension_numbers = #tpu.dot_dimension_numbers<[1], [0], [0], [1], [0, 0, 1, 1], [], []>, transpose_lhs_hint = false} : vector<1x128xf32>, vector<128x128xf32>, vector<1x128xf32> -> vector<1x128xf32>
    %ge3A_3016 = arith.cmpf oge, %dot_general3A_3015, %sub3A_2193 : vector<1x128xf32>
    %select_n3A_3017 = arith.select %ge3A_3016, %and3A_3005, %select_n3A_2942 : vector<1x128xi1>, vector<1x128xi32>
    %shift_left3A_3018 = arith.constant 1 : i32
    %shift_left3A_3019 = arith.shli %shift_left3A_3018, %sub3A_2981 : i32
    %not3A_3020 = arith.constant -1 : i32
    %not3A_3021 = arith.xori %shift_left3A_3019, %not3A_3020 : i32
    %and3A_3022 = vector.broadcast %not3A_3021 : i32 to vector<1x128xi32>
    %and3A_3023 = arith.andi %select_n3A_2960, %and3A_3022 : vector<1x128xi32>
    %le3A_3024 = vector.broadcast %and3A_3023 : vector<1x128xi32> to vector<256x128xi32>
    %le3A_3025 = arith.cmpi sle, %add3A, %le3A_3024 : vector<256x128xi32>
    %and3A_3026 = arith.andi %eq3A_2220, %le3A_3025 : vector<256x128xi1>
    %convert_element_type3A_3027 = arith.extui %and3A_3026 : vector<256x128xi1> to vector<256x128xi32>
    %convert_element_type3A_3028 = arith.sitofp %convert_element_type3A_3027 : vector<256x128xi32> to vector<256x128xf32>
    %reduce_sum3A_3029 = arith.constant dense<0.000000e+00> : vector<128xf32>
    %reduce_sum3A_3030 = vector.multi_reduction <add>, %convert_element_type3A_3028, %reduce_sum3A_3029 [0] : vector<256x128xf32> to vector<128xf32>
    %broadcast_in_dim3A_3031 = vector.shape_cast %reduce_sum3A_3030 : vector<128xf32> to vector<1x128xf32>
    %dot_general3A_3032 = arith.constant dense<0.000000e+00> : vector<1x128xf32>
    %dot_general3A_3033 = tpu.matmul %broadcast_in_dim3A_3031, %broadcast_in_dim3A_13, %dot_general3A_3032 {dimension_numbers = #tpu.dot_dimension_numbers<[1], [0], [0], [1], [0, 0, 1, 1], [], []>, transpose_lhs_hint = false} : vector<1x128xf32>, vector<128x128xf32>, vector<1x128xf32> -> vector<1x128xf32>
    %ge3A_3034 = arith.cmpf oge, %dot_general3A_3033, %sub3A_2204 : vector<1x128xf32>
    %select_n3A_3035 = arith.select %ge3A_3034, %and3A_3023, %select_n3A_2960 : vector<1x128xi1>, vector<1x128xi32>
    %shift_left3A_3036 = arith.constant 1 : i32
    %shift_left3A_3037 = arith.shli %shift_left3A_3036, %sub3A_2981 : i32
    %not3A_3038 = arith.constant -1 : i32
    %not3A_3039 = arith.xori %shift_left3A_3037, %not3A_3038 : i32
    %and3A_3040 = vector.broadcast %not3A_3039 : i32 to vector<1x128xi32>
    %and3A_3041 = arith.andi %select_n3A_2978, %and3A_3040 : vector<1x128xi32>
    %le3A_3042 = vector.broadcast %and3A_3041 : vector<1x128xi32> to vector<256x128xi32>
    %le3A_3043 = arith.cmpi sle, %add3A, %le3A_3042 : vector<256x128xi32>
    %and3A_3044 = arith.andi %eq3A_2222, %le3A_3043 : vector<256x128xi1>
    %convert_element_type3A_3045 = arith.extui %and3A_3044 : vector<256x128xi1> to vector<256x128xi32>
    %convert_element_type3A_3046 = arith.sitofp %convert_element_type3A_3045 : vector<256x128xi32> to vector<256x128xf32>
    %reduce_sum3A_3047 = arith.constant dense<0.000000e+00> : vector<128xf32>
    %reduce_sum3A_3048 = vector.multi_reduction <add>, %convert_element_type3A_3046, %reduce_sum3A_3047 [0] : vector<256x128xf32> to vector<128xf32>
    %broadcast_in_dim3A_3049 = vector.shape_cast %reduce_sum3A_3048 : vector<128xf32> to vector<1x128xf32>
    %dot_general3A_3050 = arith.constant dense<0.000000e+00> : vector<1x128xf32>
    %dot_general3A_3051 = tpu.matmul %broadcast_in_dim3A_3049, %broadcast_in_dim3A_13, %dot_general3A_3050 {dimension_numbers = #tpu.dot_dimension_numbers<[1], [0], [0], [1], [0, 0, 1, 1], [], []>, transpose_lhs_hint = false} : vector<1x128xf32>, vector<128x128xf32>, vector<1x128xf32> -> vector<1x128xf32>
    %ge3A_3052 = arith.cmpf oge, %dot_general3A_3051, %sub3A_2215 : vector<1x128xf32>
    %select_n3A_3053 = arith.select %ge3A_3052, %and3A_3041, %select_n3A_2978 : vector<1x128xi1>, vector<1x128xi32>
    %scan3A_3054 = arith.constant 11 : i32
    %sub3A_3055 = arith.constant 14 : i32
    %sub3A_3056 = arith.subi %sub3A_3055, %scan3A_3054 : i32
    %shift_left3A_3057 = arith.constant 1 : i32
    %shift_left3A_3058 = arith.shli %shift_left3A_3057, %sub3A_3056 : i32
    %not3A_3059 = arith.constant -1 : i32
    %not3A_3060 = arith.xori %shift_left3A_3058, %not3A_3059 : i32
    %and3A_3061 = vector.broadcast %not3A_3060 : i32 to vector<1x128xi32>
    %and3A_3062 = arith.andi %select_n3A_2999, %and3A_3061 : vector<1x128xi32>
    %le3A_3063 = vector.broadcast %and3A_3062 : vector<1x128xi32> to vector<256x128xi32>
    %le3A_3064 = arith.cmpi sle, %add3A, %le3A_3063 : vector<256x128xi32>
    %and3A_3065 = arith.andi %eq3A_2216, %le3A_3064 : vector<256x128xi1>
    %convert_element_type3A_3066 = arith.extui %and3A_3065 : vector<256x128xi1> to vector<256x128xi32>
    %convert_element_type3A_3067 = arith.sitofp %convert_element_type3A_3066 : vector<256x128xi32> to vector<256x128xf32>
    %reduce_sum3A_3068 = arith.constant dense<0.000000e+00> : vector<128xf32>
    %reduce_sum3A_3069 = vector.multi_reduction <add>, %convert_element_type3A_3067, %reduce_sum3A_3068 [0] : vector<256x128xf32> to vector<128xf32>
    %broadcast_in_dim3A_3070 = vector.shape_cast %reduce_sum3A_3069 : vector<128xf32> to vector<1x128xf32>
    %dot_general3A_3071 = arith.constant dense<0.000000e+00> : vector<1x128xf32>
    %dot_general3A_3072 = tpu.matmul %broadcast_in_dim3A_3070, %broadcast_in_dim3A_13, %dot_general3A_3071 {dimension_numbers = #tpu.dot_dimension_numbers<[1], [0], [0], [1], [0, 0, 1, 1], [], []>, transpose_lhs_hint = false} : vector<1x128xf32>, vector<128x128xf32>, vector<1x128xf32> -> vector<1x128xf32>
    %ge3A_3073 = arith.cmpf oge, %dot_general3A_3072, %sub3A_2182 : vector<1x128xf32>
    %select_n3A_3074 = arith.select %ge3A_3073, %and3A_3062, %select_n3A_2999 : vector<1x128xi1>, vector<1x128xi32>
    %shift_left3A_3075 = arith.constant 1 : i32
    %shift_left3A_3076 = arith.shli %shift_left3A_3075, %sub3A_3056 : i32
    %not3A_3077 = arith.constant -1 : i32
    %not3A_3078 = arith.xori %shift_left3A_3076, %not3A_3077 : i32
    %and3A_3079 = vector.broadcast %not3A_3078 : i32 to vector<1x128xi32>
    %and3A_3080 = arith.andi %select_n3A_3017, %and3A_3079 : vector<1x128xi32>
    %le3A_3081 = vector.broadcast %and3A_3080 : vector<1x128xi32> to vector<256x128xi32>
    %le3A_3082 = arith.cmpi sle, %add3A, %le3A_3081 : vector<256x128xi32>
    %and3A_3083 = arith.andi %eq3A_2218, %le3A_3082 : vector<256x128xi1>
    %convert_element_type3A_3084 = arith.extui %and3A_3083 : vector<256x128xi1> to vector<256x128xi32>
    %convert_element_type3A_3085 = arith.sitofp %convert_element_type3A_3084 : vector<256x128xi32> to vector<256x128xf32>
    %reduce_sum3A_3086 = arith.constant dense<0.000000e+00> : vector<128xf32>
    %reduce_sum3A_3087 = vector.multi_reduction <add>, %convert_element_type3A_3085, %reduce_sum3A_3086 [0] : vector<256x128xf32> to vector<128xf32>
    %broadcast_in_dim3A_3088 = vector.shape_cast %reduce_sum3A_3087 : vector<128xf32> to vector<1x128xf32>
    %dot_general3A_3089 = arith.constant dense<0.000000e+00> : vector<1x128xf32>
    %dot_general3A_3090 = tpu.matmul %broadcast_in_dim3A_3088, %broadcast_in_dim3A_13, %dot_general3A_3089 {dimension_numbers = #tpu.dot_dimension_numbers<[1], [0], [0], [1], [0, 0, 1, 1], [], []>, transpose_lhs_hint = false} : vector<1x128xf32>, vector<128x128xf32>, vector<1x128xf32> -> vector<1x128xf32>
    %ge3A_3091 = arith.cmpf oge, %dot_general3A_3090, %sub3A_2193 : vector<1x128xf32>
    %select_n3A_3092 = arith.select %ge3A_3091, %and3A_3080, %select_n3A_3017 : vector<1x128xi1>, vector<1x128xi32>
    %shift_left3A_3093 = arith.constant 1 : i32
    %shift_left3A_3094 = arith.shli %shift_left3A_3093, %sub3A_3056 : i32
    %not3A_3095 = arith.constant -1 : i32
    %not3A_3096 = arith.xori %shift_left3A_3094, %not3A_3095 : i32
    %and3A_3097 = vector.broadcast %not3A_3096 : i32 to vector<1x128xi32>
    %and3A_3098 = arith.andi %select_n3A_3035, %and3A_3097 : vector<1x128xi32>
    %le3A_3099 = vector.broadcast %and3A_3098 : vector<1x128xi32> to vector<256x128xi32>
    %le3A_3100 = arith.cmpi sle, %add3A, %le3A_3099 : vector<256x128xi32>
    %and3A_3101 = arith.andi %eq3A_2220, %le3A_3100 : vector<256x128xi1>
    %convert_element_type3A_3102 = arith.extui %and3A_3101 : vector<256x128xi1> to vector<256x128xi32>
    %convert_element_type3A_3103 = arith.sitofp %convert_element_type3A_3102 : vector<256x128xi32> to vector<256x128xf32>
    %reduce_sum3A_3104 = arith.constant dense<0.000000e+00> : vector<128xf32>
    %reduce_sum3A_3105 = vector.multi_reduction <add>, %convert_element_type3A_3103, %reduce_sum3A_3104 [0] : vector<256x128xf32> to vector<128xf32>
    %broadcast_in_dim3A_3106 = vector.shape_cast %reduce_sum3A_3105 : vector<128xf32> to vector<1x128xf32>
    %dot_general3A_3107 = arith.constant dense<0.000000e+00> : vector<1x128xf32>
    %dot_general3A_3108 = tpu.matmul %broadcast_in_dim3A_3106, %broadcast_in_dim3A_13, %dot_general3A_3107 {dimension_numbers = #tpu.dot_dimension_numbers<[1], [0], [0], [1], [0, 0, 1, 1], [], []>, transpose_lhs_hint = false} : vector<1x128xf32>, vector<128x128xf32>, vector<1x128xf32> -> vector<1x128xf32>
    %ge3A_3109 = arith.cmpf oge, %dot_general3A_3108, %sub3A_2204 : vector<1x128xf32>
    %select_n3A_3110 = arith.select %ge3A_3109, %and3A_3098, %select_n3A_3035 : vector<1x128xi1>, vector<1x128xi32>
    %shift_left3A_3111 = arith.constant 1 : i32
    %shift_left3A_3112 = arith.shli %shift_left3A_3111, %sub3A_3056 : i32
    %not3A_3113 = arith.constant -1 : i32
    %not3A_3114 = arith.xori %shift_left3A_3112, %not3A_3113 : i32
    %and3A_3115 = vector.broadcast %not3A_3114 : i32 to vector<1x128xi32>
    %and3A_3116 = arith.andi %select_n3A_3053, %and3A_3115 : vector<1x128xi32>
    %le3A_3117 = vector.broadcast %and3A_3116 : vector<1x128xi32> to vector<256x128xi32>
    %le3A_3118 = arith.cmpi sle, %add3A, %le3A_3117 : vector<256x128xi32>
    %and3A_3119 = arith.andi %eq3A_2222, %le3A_3118 : vector<256x128xi1>
    %convert_element_type3A_3120 = arith.extui %and3A_3119 : vector<256x128xi1> to vector<256x128xi32>
    %convert_element_type3A_3121 = arith.sitofp %convert_element_type3A_3120 : vector<256x128xi32> to vector<256x128xf32>
    %reduce_sum3A_3122 = arith.constant dense<0.000000e+00> : vector<128xf32>
    %reduce_sum3A_3123 = vector.multi_reduction <add>, %convert_element_type3A_3121, %reduce_sum3A_3122 [0] : vector<256x128xf32> to vector<128xf32>
    %broadcast_in_dim3A_3124 = vector.shape_cast %reduce_sum3A_3123 : vector<128xf32> to vector<1x128xf32>
    %dot_general3A_3125 = arith.constant dense<0.000000e+00> : vector<1x128xf32>
    %dot_general3A_3126 = tpu.matmul %broadcast_in_dim3A_3124, %broadcast_in_dim3A_13, %dot_general3A_3125 {dimension_numbers = #tpu.dot_dimension_numbers<[1], [0], [0], [1], [0, 0, 1, 1], [], []>, transpose_lhs_hint = false} : vector<1x128xf32>, vector<128x128xf32>, vector<1x128xf32> -> vector<1x128xf32>
    %ge3A_3127 = arith.cmpf oge, %dot_general3A_3126, %sub3A_2215 : vector<1x128xf32>
    %select_n3A_3128 = arith.select %ge3A_3127, %and3A_3116, %select_n3A_3053 : vector<1x128xi1>, vector<1x128xi32>
    %scan3A_3129 = arith.constant 12 : i32
    %sub3A_3130 = arith.constant 14 : i32
    %sub3A_3131 = arith.subi %sub3A_3130, %scan3A_3129 : i32
    %shift_left3A_3132 = arith.constant 1 : i32
    %shift_left3A_3133 = arith.shli %shift_left3A_3132, %sub3A_3131 : i32
    %not3A_3134 = arith.constant -1 : i32
    %not3A_3135 = arith.xori %shift_left3A_3133, %not3A_3134 : i32
    %and3A_3136 = vector.broadcast %not3A_3135 : i32 to vector<1x128xi32>
    %and3A_3137 = arith.andi %select_n3A_3074, %and3A_3136 : vector<1x128xi32>
    %le3A_3138 = vector.broadcast %and3A_3137 : vector<1x128xi32> to vector<256x128xi32>
    %le3A_3139 = arith.cmpi sle, %add3A, %le3A_3138 : vector<256x128xi32>
    %and3A_3140 = arith.andi %eq3A_2216, %le3A_3139 : vector<256x128xi1>
    %convert_element_type3A_3141 = arith.extui %and3A_3140 : vector<256x128xi1> to vector<256x128xi32>
    %convert_element_type3A_3142 = arith.sitofp %convert_element_type3A_3141 : vector<256x128xi32> to vector<256x128xf32>
    %reduce_sum3A_3143 = arith.constant dense<0.000000e+00> : vector<128xf32>
    %reduce_sum3A_3144 = vector.multi_reduction <add>, %convert_element_type3A_3142, %reduce_sum3A_3143 [0] : vector<256x128xf32> to vector<128xf32>
    %broadcast_in_dim3A_3145 = vector.shape_cast %reduce_sum3A_3144 : vector<128xf32> to vector<1x128xf32>
    %dot_general3A_3146 = arith.constant dense<0.000000e+00> : vector<1x128xf32>
    %dot_general3A_3147 = tpu.matmul %broadcast_in_dim3A_3145, %broadcast_in_dim3A_13, %dot_general3A_3146 {dimension_numbers = #tpu.dot_dimension_numbers<[1], [0], [0], [1], [0, 0, 1, 1], [], []>, transpose_lhs_hint = false} : vector<1x128xf32>, vector<128x128xf32>, vector<1x128xf32> -> vector<1x128xf32>
    %ge3A_3148 = arith.cmpf oge, %dot_general3A_3147, %sub3A_2182 : vector<1x128xf32>
    %select_n3A_3149 = arith.select %ge3A_3148, %and3A_3137, %select_n3A_3074 : vector<1x128xi1>, vector<1x128xi32>
    %shift_left3A_3150 = arith.constant 1 : i32
    %shift_left3A_3151 = arith.shli %shift_left3A_3150, %sub3A_3131 : i32
    %not3A_3152 = arith.constant -1 : i32
    %not3A_3153 = arith.xori %shift_left3A_3151, %not3A_3152 : i32
    %and3A_3154 = vector.broadcast %not3A_3153 : i32 to vector<1x128xi32>
    %and3A_3155 = arith.andi %select_n3A_3092, %and3A_3154 : vector<1x128xi32>
    %le3A_3156 = vector.broadcast %and3A_3155 : vector<1x128xi32> to vector<256x128xi32>
    %le3A_3157 = arith.cmpi sle, %add3A, %le3A_3156 : vector<256x128xi32>
    %and3A_3158 = arith.andi %eq3A_2218, %le3A_3157 : vector<256x128xi1>
    %convert_element_type3A_3159 = arith.extui %and3A_3158 : vector<256x128xi1> to vector<256x128xi32>
    %convert_element_type3A_3160 = arith.sitofp %convert_element_type3A_3159 : vector<256x128xi32> to vector<256x128xf32>
    %reduce_sum3A_3161 = arith.constant dense<0.000000e+00> : vector<128xf32>
    %reduce_sum3A_3162 = vector.multi_reduction <add>, %convert_element_type3A_3160, %reduce_sum3A_3161 [0] : vector<256x128xf32> to vector<128xf32>
    %broadcast_in_dim3A_3163 = vector.shape_cast %reduce_sum3A_3162 : vector<128xf32> to vector<1x128xf32>
    %dot_general3A_3164 = arith.constant dense<0.000000e+00> : vector<1x128xf32>
    %dot_general3A_3165 = tpu.matmul %broadcast_in_dim3A_3163, %broadcast_in_dim3A_13, %dot_general3A_3164 {dimension_numbers = #tpu.dot_dimension_numbers<[1], [0], [0], [1], [0, 0, 1, 1], [], []>, transpose_lhs_hint = false} : vector<1x128xf32>, vector<128x128xf32>, vector<1x128xf32> -> vector<1x128xf32>
    %ge3A_3166 = arith.cmpf oge, %dot_general3A_3165, %sub3A_2193 : vector<1x128xf32>
    %select_n3A_3167 = arith.select %ge3A_3166, %and3A_3155, %select_n3A_3092 : vector<1x128xi1>, vector<1x128xi32>
    %shift_left3A_3168 = arith.constant 1 : i32
    %shift_left3A_3169 = arith.shli %shift_left3A_3168, %sub3A_3131 : i32
    %not3A_3170 = arith.constant -1 : i32
    %not3A_3171 = arith.xori %shift_left3A_3169, %not3A_3170 : i32
    %and3A_3172 = vector.broadcast %not3A_3171 : i32 to vector<1x128xi32>
    %and3A_3173 = arith.andi %select_n3A_3110, %and3A_3172 : vector<1x128xi32>
    %le3A_3174 = vector.broadcast %and3A_3173 : vector<1x128xi32> to vector<256x128xi32>
    %le3A_3175 = arith.cmpi sle, %add3A, %le3A_3174 : vector<256x128xi32>
    %and3A_3176 = arith.andi %eq3A_2220, %le3A_3175 : vector<256x128xi1>
    %convert_element_type3A_3177 = arith.extui %and3A_3176 : vector<256x128xi1> to vector<256x128xi32>
    %convert_element_type3A_3178 = arith.sitofp %convert_element_type3A_3177 : vector<256x128xi32> to vector<256x128xf32>
    %reduce_sum3A_3179 = arith.constant dense<0.000000e+00> : vector<128xf32>
    %reduce_sum3A_3180 = vector.multi_reduction <add>, %convert_element_type3A_3178, %reduce_sum3A_3179 [0] : vector<256x128xf32> to vector<128xf32>
    %broadcast_in_dim3A_3181 = vector.shape_cast %reduce_sum3A_3180 : vector<128xf32> to vector<1x128xf32>
    %dot_general3A_3182 = arith.constant dense<0.000000e+00> : vector<1x128xf32>
    %dot_general3A_3183 = tpu.matmul %broadcast_in_dim3A_3181, %broadcast_in_dim3A_13, %dot_general3A_3182 {dimension_numbers = #tpu.dot_dimension_numbers<[1], [0], [0], [1], [0, 0, 1, 1], [], []>, transpose_lhs_hint = false} : vector<1x128xf32>, vector<128x128xf32>, vector<1x128xf32> -> vector<1x128xf32>
    %ge3A_3184 = arith.cmpf oge, %dot_general3A_3183, %sub3A_2204 : vector<1x128xf32>
    %select_n3A_3185 = arith.select %ge3A_3184, %and3A_3173, %select_n3A_3110 : vector<1x128xi1>, vector<1x128xi32>
    %shift_left3A_3186 = arith.constant 1 : i32
    %shift_left3A_3187 = arith.shli %shift_left3A_3186, %sub3A_3131 : i32
    %not3A_3188 = arith.constant -1 : i32
    %not3A_3189 = arith.xori %shift_left3A_3187, %not3A_3188 : i32
    %and3A_3190 = vector.broadcast %not3A_3189 : i32 to vector<1x128xi32>
    %and3A_3191 = arith.andi %select_n3A_3128, %and3A_3190 : vector<1x128xi32>
    %le3A_3192 = vector.broadcast %and3A_3191 : vector<1x128xi32> to vector<256x128xi32>
    %le3A_3193 = arith.cmpi sle, %add3A, %le3A_3192 : vector<256x128xi32>
    %and3A_3194 = arith.andi %eq3A_2222, %le3A_3193 : vector<256x128xi1>
    %convert_element_type3A_3195 = arith.extui %and3A_3194 : vector<256x128xi1> to vector<256x128xi32>
    %convert_element_type3A_3196 = arith.sitofp %convert_element_type3A_3195 : vector<256x128xi32> to vector<256x128xf32>
    %reduce_sum3A_3197 = arith.constant dense<0.000000e+00> : vector<128xf32>
    %reduce_sum3A_3198 = vector.multi_reduction <add>, %convert_element_type3A_3196, %reduce_sum3A_3197 [0] : vector<256x128xf32> to vector<128xf32>
    %broadcast_in_dim3A_3199 = vector.shape_cast %reduce_sum3A_3198 : vector<128xf32> to vector<1x128xf32>
    %dot_general3A_3200 = arith.constant dense<0.000000e+00> : vector<1x128xf32>
    %dot_general3A_3201 = tpu.matmul %broadcast_in_dim3A_3199, %broadcast_in_dim3A_13, %dot_general3A_3200 {dimension_numbers = #tpu.dot_dimension_numbers<[1], [0], [0], [1], [0, 0, 1, 1], [], []>, transpose_lhs_hint = false} : vector<1x128xf32>, vector<128x128xf32>, vector<1x128xf32> -> vector<1x128xf32>
    %ge3A_3202 = arith.cmpf oge, %dot_general3A_3201, %sub3A_2215 : vector<1x128xf32>
    %select_n3A_3203 = arith.select %ge3A_3202, %and3A_3191, %select_n3A_3128 : vector<1x128xi1>, vector<1x128xi32>
    %scan3A_3204 = arith.constant 13 : i32
    %sub3A_3205 = arith.constant 14 : i32
    %sub3A_3206 = arith.subi %sub3A_3205, %scan3A_3204 : i32
    %shift_left3A_3207 = arith.constant 1 : i32
    %shift_left3A_3208 = arith.shli %shift_left3A_3207, %sub3A_3206 : i32
    %not3A_3209 = arith.constant -1 : i32
    %not3A_3210 = arith.xori %shift_left3A_3208, %not3A_3209 : i32
    %and3A_3211 = vector.broadcast %not3A_3210 : i32 to vector<1x128xi32>
    %and3A_3212 = arith.andi %select_n3A_3149, %and3A_3211 : vector<1x128xi32>
    %le3A_3213 = vector.broadcast %and3A_3212 : vector<1x128xi32> to vector<256x128xi32>
    %le3A_3214 = arith.cmpi sle, %add3A, %le3A_3213 : vector<256x128xi32>
    %and3A_3215 = arith.andi %eq3A_2216, %le3A_3214 : vector<256x128xi1>
    %convert_element_type3A_3216 = arith.extui %and3A_3215 : vector<256x128xi1> to vector<256x128xi32>
    %convert_element_type3A_3217 = arith.sitofp %convert_element_type3A_3216 : vector<256x128xi32> to vector<256x128xf32>
    %reduce_sum3A_3218 = arith.constant dense<0.000000e+00> : vector<128xf32>
    %reduce_sum3A_3219 = vector.multi_reduction <add>, %convert_element_type3A_3217, %reduce_sum3A_3218 [0] : vector<256x128xf32> to vector<128xf32>
    %broadcast_in_dim3A_3220 = vector.shape_cast %reduce_sum3A_3219 : vector<128xf32> to vector<1x128xf32>
    %dot_general3A_3221 = arith.constant dense<0.000000e+00> : vector<1x128xf32>
    %dot_general3A_3222 = tpu.matmul %broadcast_in_dim3A_3220, %broadcast_in_dim3A_13, %dot_general3A_3221 {dimension_numbers = #tpu.dot_dimension_numbers<[1], [0], [0], [1], [0, 0, 1, 1], [], []>, transpose_lhs_hint = false} : vector<1x128xf32>, vector<128x128xf32>, vector<1x128xf32> -> vector<1x128xf32>
    %ge3A_3223 = arith.cmpf oge, %dot_general3A_3222, %sub3A_2182 : vector<1x128xf32>
    %select_n3A_3224 = arith.select %ge3A_3223, %and3A_3212, %select_n3A_3149 : vector<1x128xi1>, vector<1x128xi32>
    %shift_left3A_3225 = arith.constant 1 : i32
    %shift_left3A_3226 = arith.shli %shift_left3A_3225, %sub3A_3206 : i32
    %not3A_3227 = arith.constant -1 : i32
    %not3A_3228 = arith.xori %shift_left3A_3226, %not3A_3227 : i32
    %and3A_3229 = vector.broadcast %not3A_3228 : i32 to vector<1x128xi32>
    %and3A_3230 = arith.andi %select_n3A_3167, %and3A_3229 : vector<1x128xi32>
    %le3A_3231 = vector.broadcast %and3A_3230 : vector<1x128xi32> to vector<256x128xi32>
    %le3A_3232 = arith.cmpi sle, %add3A, %le3A_3231 : vector<256x128xi32>
    %and3A_3233 = arith.andi %eq3A_2218, %le3A_3232 : vector<256x128xi1>
    %convert_element_type3A_3234 = arith.extui %and3A_3233 : vector<256x128xi1> to vector<256x128xi32>
    %convert_element_type3A_3235 = arith.sitofp %convert_element_type3A_3234 : vector<256x128xi32> to vector<256x128xf32>
    %reduce_sum3A_3236 = arith.constant dense<0.000000e+00> : vector<128xf32>
    %reduce_sum3A_3237 = vector.multi_reduction <add>, %convert_element_type3A_3235, %reduce_sum3A_3236 [0] : vector<256x128xf32> to vector<128xf32>
    %broadcast_in_dim3A_3238 = vector.shape_cast %reduce_sum3A_3237 : vector<128xf32> to vector<1x128xf32>
    %dot_general3A_3239 = arith.constant dense<0.000000e+00> : vector<1x128xf32>
    %dot_general3A_3240 = tpu.matmul %broadcast_in_dim3A_3238, %broadcast_in_dim3A_13, %dot_general3A_3239 {dimension_numbers = #tpu.dot_dimension_numbers<[1], [0], [0], [1], [0, 0, 1, 1], [], []>, transpose_lhs_hint = false} : vector<1x128xf32>, vector<128x128xf32>, vector<1x128xf32> -> vector<1x128xf32>
    %ge3A_3241 = arith.cmpf oge, %dot_general3A_3240, %sub3A_2193 : vector<1x128xf32>
    %select_n3A_3242 = arith.select %ge3A_3241, %and3A_3230, %select_n3A_3167 : vector<1x128xi1>, vector<1x128xi32>
    %shift_left3A_3243 = arith.constant 1 : i32
    %shift_left3A_3244 = arith.shli %shift_left3A_3243, %sub3A_3206 : i32
    %not3A_3245 = arith.constant -1 : i32
    %not3A_3246 = arith.xori %shift_left3A_3244, %not3A_3245 : i32
    %and3A_3247 = vector.broadcast %not3A_3246 : i32 to vector<1x128xi32>
    %and3A_3248 = arith.andi %select_n3A_3185, %and3A_3247 : vector<1x128xi32>
    %le3A_3249 = vector.broadcast %and3A_3248 : vector<1x128xi32> to vector<256x128xi32>
    %le3A_3250 = arith.cmpi sle, %add3A, %le3A_3249 : vector<256x128xi32>
    %and3A_3251 = arith.andi %eq3A_2220, %le3A_3250 : vector<256x128xi1>
    %convert_element_type3A_3252 = arith.extui %and3A_3251 : vector<256x128xi1> to vector<256x128xi32>
    %convert_element_type3A_3253 = arith.sitofp %convert_element_type3A_3252 : vector<256x128xi32> to vector<256x128xf32>
    %reduce_sum3A_3254 = arith.constant dense<0.000000e+00> : vector<128xf32>
    %reduce_sum3A_3255 = vector.multi_reduction <add>, %convert_element_type3A_3253, %reduce_sum3A_3254 [0] : vector<256x128xf32> to vector<128xf32>
    %broadcast_in_dim3A_3256 = vector.shape_cast %reduce_sum3A_3255 : vector<128xf32> to vector<1x128xf32>
    %dot_general3A_3257 = arith.constant dense<0.000000e+00> : vector<1x128xf32>
    %dot_general3A_3258 = tpu.matmul %broadcast_in_dim3A_3256, %broadcast_in_dim3A_13, %dot_general3A_3257 {dimension_numbers = #tpu.dot_dimension_numbers<[1], [0], [0], [1], [0, 0, 1, 1], [], []>, transpose_lhs_hint = false} : vector<1x128xf32>, vector<128x128xf32>, vector<1x128xf32> -> vector<1x128xf32>
    %ge3A_3259 = arith.cmpf oge, %dot_general3A_3258, %sub3A_2204 : vector<1x128xf32>
    %select_n3A_3260 = arith.select %ge3A_3259, %and3A_3248, %select_n3A_3185 : vector<1x128xi1>, vector<1x128xi32>
    %shift_left3A_3261 = arith.constant 1 : i32
    %shift_left3A_3262 = arith.shli %shift_left3A_3261, %sub3A_3206 : i32
    %not3A_3263 = arith.constant -1 : i32
    %not3A_3264 = arith.xori %shift_left3A_3262, %not3A_3263 : i32
    %and3A_3265 = vector.broadcast %not3A_3264 : i32 to vector<1x128xi32>
    %and3A_3266 = arith.andi %select_n3A_3203, %and3A_3265 : vector<1x128xi32>
    %le3A_3267 = vector.broadcast %and3A_3266 : vector<1x128xi32> to vector<256x128xi32>
    %le3A_3268 = arith.cmpi sle, %add3A, %le3A_3267 : vector<256x128xi32>
    %and3A_3269 = arith.andi %eq3A_2222, %le3A_3268 : vector<256x128xi1>
    %convert_element_type3A_3270 = arith.extui %and3A_3269 : vector<256x128xi1> to vector<256x128xi32>
    %convert_element_type3A_3271 = arith.sitofp %convert_element_type3A_3270 : vector<256x128xi32> to vector<256x128xf32>
    %reduce_sum3A_3272 = arith.constant dense<0.000000e+00> : vector<128xf32>
    %reduce_sum3A_3273 = vector.multi_reduction <add>, %convert_element_type3A_3271, %reduce_sum3A_3272 [0] : vector<256x128xf32> to vector<128xf32>
    %broadcast_in_dim3A_3274 = vector.shape_cast %reduce_sum3A_3273 : vector<128xf32> to vector<1x128xf32>
    %dot_general3A_3275 = arith.constant dense<0.000000e+00> : vector<1x128xf32>
    %dot_general3A_3276 = tpu.matmul %broadcast_in_dim3A_3274, %broadcast_in_dim3A_13, %dot_general3A_3275 {dimension_numbers = #tpu.dot_dimension_numbers<[1], [0], [0], [1], [0, 0, 1, 1], [], []>, transpose_lhs_hint = false} : vector<1x128xf32>, vector<128x128xf32>, vector<1x128xf32> -> vector<1x128xf32>
    %ge3A_3277 = arith.cmpf oge, %dot_general3A_3276, %sub3A_2215 : vector<1x128xf32>
    %select_n3A_3278 = arith.select %ge3A_3277, %and3A_3266, %select_n3A_3203 : vector<1x128xi1>, vector<1x128xi32>
    %scan3A_3279 = arith.constant 14 : i32
    %sub3A_3280 = arith.constant 14 : i32
    %sub3A_3281 = arith.subi %sub3A_3280, %scan3A_3279 : i32
    %shift_left3A_3282 = arith.constant 1 : i32
    %shift_left3A_3283 = arith.shli %shift_left3A_3282, %sub3A_3281 : i32
    %not3A_3284 = arith.constant -1 : i32
    %not3A_3285 = arith.xori %shift_left3A_3283, %not3A_3284 : i32
    %and3A_3286 = vector.broadcast %not3A_3285 : i32 to vector<1x128xi32>
    %and3A_3287 = arith.andi %select_n3A_3224, %and3A_3286 : vector<1x128xi32>
    %le3A_3288 = vector.broadcast %and3A_3287 : vector<1x128xi32> to vector<256x128xi32>
    %le3A_3289 = arith.cmpi sle, %add3A, %le3A_3288 : vector<256x128xi32>
    %and3A_3290 = arith.andi %eq3A_2216, %le3A_3289 : vector<256x128xi1>
    %convert_element_type3A_3291 = arith.extui %and3A_3290 : vector<256x128xi1> to vector<256x128xi32>
    %convert_element_type3A_3292 = arith.sitofp %convert_element_type3A_3291 : vector<256x128xi32> to vector<256x128xf32>
    %reduce_sum3A_3293 = arith.constant dense<0.000000e+00> : vector<128xf32>
    %reduce_sum3A_3294 = vector.multi_reduction <add>, %convert_element_type3A_3292, %reduce_sum3A_3293 [0] : vector<256x128xf32> to vector<128xf32>
    %broadcast_in_dim3A_3295 = vector.shape_cast %reduce_sum3A_3294 : vector<128xf32> to vector<1x128xf32>
    %dot_general3A_3296 = arith.constant dense<0.000000e+00> : vector<1x128xf32>
    %dot_general3A_3297 = tpu.matmul %broadcast_in_dim3A_3295, %broadcast_in_dim3A_13, %dot_general3A_3296 {dimension_numbers = #tpu.dot_dimension_numbers<[1], [0], [0], [1], [0, 0, 1, 1], [], []>, transpose_lhs_hint = false} : vector<1x128xf32>, vector<128x128xf32>, vector<1x128xf32> -> vector<1x128xf32>
    %ge3A_3298 = arith.cmpf oge, %dot_general3A_3297, %sub3A_2182 : vector<1x128xf32>
    %select_n3A_3299 = arith.select %ge3A_3298, %and3A_3287, %select_n3A_3224 : vector<1x128xi1>, vector<1x128xi32>
    %shift_left3A_3300 = arith.constant 1 : i32
    %shift_left3A_3301 = arith.shli %shift_left3A_3300, %sub3A_3281 : i32
    %not3A_3302 = arith.constant -1 : i32
    %not3A_3303 = arith.xori %shift_left3A_3301, %not3A_3302 : i32
    %and3A_3304 = vector.broadcast %not3A_3303 : i32 to vector<1x128xi32>
    %and3A_3305 = arith.andi %select_n3A_3242, %and3A_3304 : vector<1x128xi32>
    %le3A_3306 = vector.broadcast %and3A_3305 : vector<1x128xi32> to vector<256x128xi32>
    %le3A_3307 = arith.cmpi sle, %add3A, %le3A_3306 : vector<256x128xi32>
    %and3A_3308 = arith.andi %eq3A_2218, %le3A_3307 : vector<256x128xi1>
    %convert_element_type3A_3309 = arith.extui %and3A_3308 : vector<256x128xi1> to vector<256x128xi32>
    %convert_element_type3A_3310 = arith.sitofp %convert_element_type3A_3309 : vector<256x128xi32> to vector<256x128xf32>
    %reduce_sum3A_3311 = arith.constant dense<0.000000e+00> : vector<128xf32>
    %reduce_sum3A_3312 = vector.multi_reduction <add>, %convert_element_type3A_3310, %reduce_sum3A_3311 [0] : vector<256x128xf32> to vector<128xf32>
    %broadcast_in_dim3A_3313 = vector.shape_cast %reduce_sum3A_3312 : vector<128xf32> to vector<1x128xf32>
    %dot_general3A_3314 = arith.constant dense<0.000000e+00> : vector<1x128xf32>
    %dot_general3A_3315 = tpu.matmul %broadcast_in_dim3A_3313, %broadcast_in_dim3A_13, %dot_general3A_3314 {dimension_numbers = #tpu.dot_dimension_numbers<[1], [0], [0], [1], [0, 0, 1, 1], [], []>, transpose_lhs_hint = false} : vector<1x128xf32>, vector<128x128xf32>, vector<1x128xf32> -> vector<1x128xf32>
    %ge3A_3316 = arith.cmpf oge, %dot_general3A_3315, %sub3A_2193 : vector<1x128xf32>
    %select_n3A_3317 = arith.select %ge3A_3316, %and3A_3305, %select_n3A_3242 : vector<1x128xi1>, vector<1x128xi32>
    %shift_left3A_3318 = arith.constant 1 : i32
    %shift_left3A_3319 = arith.shli %shift_left3A_3318, %sub3A_3281 : i32
    %not3A_3320 = arith.constant -1 : i32
    %not3A_3321 = arith.xori %shift_left3A_3319, %not3A_3320 : i32
    %and3A_3322 = vector.broadcast %not3A_3321 : i32 to vector<1x128xi32>
    %and3A_3323 = arith.andi %select_n3A_3260, %and3A_3322 : vector<1x128xi32>
    %le3A_3324 = vector.broadcast %and3A_3323 : vector<1x128xi32> to vector<256x128xi32>
    %le3A_3325 = arith.cmpi sle, %add3A, %le3A_3324 : vector<256x128xi32>
    %and3A_3326 = arith.andi %eq3A_2220, %le3A_3325 : vector<256x128xi1>
    %convert_element_type3A_3327 = arith.extui %and3A_3326 : vector<256x128xi1> to vector<256x128xi32>
    %convert_element_type3A_3328 = arith.sitofp %convert_element_type3A_3327 : vector<256x128xi32> to vector<256x128xf32>
    %reduce_sum3A_3329 = arith.constant dense<0.000000e+00> : vector<128xf32>
    %reduce_sum3A_3330 = vector.multi_reduction <add>, %convert_element_type3A_3328, %reduce_sum3A_3329 [0] : vector<256x128xf32> to vector<128xf32>
    %broadcast_in_dim3A_3331 = vector.shape_cast %reduce_sum3A_3330 : vector<128xf32> to vector<1x128xf32>
    %dot_general3A_3332 = arith.constant dense<0.000000e+00> : vector<1x128xf32>
    %dot_general3A_3333 = tpu.matmul %broadcast_in_dim3A_3331, %broadcast_in_dim3A_13, %dot_general3A_3332 {dimension_numbers = #tpu.dot_dimension_numbers<[1], [0], [0], [1], [0, 0, 1, 1], [], []>, transpose_lhs_hint = false} : vector<1x128xf32>, vector<128x128xf32>, vector<1x128xf32> -> vector<1x128xf32>
    %ge3A_3334 = arith.cmpf oge, %dot_general3A_3333, %sub3A_2204 : vector<1x128xf32>
    %select_n3A_3335 = arith.select %ge3A_3334, %and3A_3323, %select_n3A_3260 : vector<1x128xi1>, vector<1x128xi32>
    %shift_left3A_3336 = arith.constant 1 : i32
    %shift_left3A_3337 = arith.shli %shift_left3A_3336, %sub3A_3281 : i32
    %not3A_3338 = arith.constant -1 : i32
    %not3A_3339 = arith.xori %shift_left3A_3337, %not3A_3338 : i32
    %and3A_3340 = vector.broadcast %not3A_3339 : i32 to vector<1x128xi32>
    %and3A_3341 = arith.andi %select_n3A_3278, %and3A_3340 : vector<1x128xi32>
    %le3A_3342 = vector.broadcast %and3A_3341 : vector<1x128xi32> to vector<256x128xi32>
    %le3A_3343 = arith.cmpi sle, %add3A, %le3A_3342 : vector<256x128xi32>
    %and3A_3344 = arith.andi %eq3A_2222, %le3A_3343 : vector<256x128xi1>
    %convert_element_type3A_3345 = arith.extui %and3A_3344 : vector<256x128xi1> to vector<256x128xi32>
    %convert_element_type3A_3346 = arith.sitofp %convert_element_type3A_3345 : vector<256x128xi32> to vector<256x128xf32>
    %reduce_sum3A_3347 = arith.constant dense<0.000000e+00> : vector<128xf32>
    %reduce_sum3A_3348 = vector.multi_reduction <add>, %convert_element_type3A_3346, %reduce_sum3A_3347 [0] : vector<256x128xf32> to vector<128xf32>
    %broadcast_in_dim3A_3349 = vector.shape_cast %reduce_sum3A_3348 : vector<128xf32> to vector<1x128xf32>
    %dot_general3A_3350 = arith.constant dense<0.000000e+00> : vector<1x128xf32>
    %dot_general3A_3351 = tpu.matmul %broadcast_in_dim3A_3349, %broadcast_in_dim3A_13, %dot_general3A_3350 {dimension_numbers = #tpu.dot_dimension_numbers<[1], [0], [0], [1], [0, 0, 1, 1], [], []>, transpose_lhs_hint = false} : vector<1x128xf32>, vector<128x128xf32>, vector<1x128xf32> -> vector<1x128xf32>
    %ge3A_3352 = arith.cmpf oge, %dot_general3A_3351, %sub3A_2215 : vector<1x128xf32>
    %select_n3A_3353 = arith.select %ge3A_3352, %and3A_3341, %select_n3A_3278 : vector<1x128xi1>, vector<1x128xi32>
    %scan3A_3354 = arith.constant 15 : i32
    %xor3A_3355 = arith.constant -2147483648 : i32
    %xor3A_3356 = vector.broadcast %xor3A_3355 : i32 to vector<1x128xi32>
    %xor3A_3357 = arith.xori %select_n3A_2123, %xor3A_3356 : vector<1x128xi32>
    %bitcast_convert_type3A_3358 = tpu.bitcast %xor3A_3357 : vector<1x128xi32> -> vector<1x128xi32>
    %swap3A = arith.constant 0 : index
    %swap3A_3359 = arith.constant 0 : index
    %swap3A_3360 = vector.load %arg2[%swap3A, %swap3A_3359] : memref<8x128xi32, #tpu.memory_space<vmem>>, vector<1x128xi32>
    tpu.vector_store %arg2[%swap3A, %swap3A_3359], %bitcast_convert_type3A_3358 {strides = array<i32>} : memref<8x128xi32, #tpu.memory_space<vmem>>, vector<1x128xi32>,
    %swap3A_3361 = arith.constant 1 : index
    %swap3A_3362 = arith.constant 0 : index
    %swap3A_3363 = vector.load %arg2[%swap3A_3361, %swap3A_3362] : memref<8x128xi32, #tpu.memory_space<vmem>>, vector<1x128xi32>
    tpu.vector_store %arg2[%swap3A_3361, %swap3A_3362], %select_n3A_3299 {strides = array<i32>} : memref<8x128xi32, #tpu.memory_space<vmem>>, vector<1x128xi32>,
    %xor3A_3364 = arith.constant -2147483648 : i32
    %xor3A_3365 = vector.broadcast %xor3A_3364 : i32 to vector<1x128xi32>
    %xor3A_3366 = arith.xori %select_n3A_2139, %xor3A_3365 : vector<1x128xi32>
    %bitcast_convert_type3A_3367 = tpu.bitcast %xor3A_3366 : vector<1x128xi32> -> vector<1x128xi32>
    %swap3A_3368 = arith.constant 2 : index
    %swap3A_3369 = arith.constant 0 : index
    %swap3A_3370 = vector.load %arg2[%swap3A_3368, %swap3A_3369] : memref<8x128xi32, #tpu.memory_space<vmem>>, vector<1x128xi32>
    tpu.vector_store %arg2[%swap3A_3368, %swap3A_3369], %bitcast_convert_type3A_3367 {strides = array<i32>} : memref<8x128xi32, #tpu.memory_space<vmem>>, vector<1x128xi32>,
    %swap3A_3371 = arith.constant 3 : index
    %swap3A_3372 = arith.constant 0 : index
    %swap3A_3373 = vector.load %arg2[%swap3A_3371, %swap3A_3372] : memref<8x128xi32, #tpu.memory_space<vmem>>, vector<1x128xi32>
    tpu.vector_store %arg2[%swap3A_3371, %swap3A_3372], %select_n3A_3317 {strides = array<i32>} : memref<8x128xi32, #tpu.memory_space<vmem>>, vector<1x128xi32>,
    %xor3A_3374 = arith.constant -2147483648 : i32
    %xor3A_3375 = vector.broadcast %xor3A_3374 : i32 to vector<1x128xi32>
    %xor3A_3376 = arith.xori %select_n3A_2155, %xor3A_3375 : vector<1x128xi32>
    %bitcast_convert_type3A_3377 = tpu.bitcast %xor3A_3376 : vector<1x128xi32> -> vector<1x128xi32>
    %swap3A_3378 = arith.constant 4 : index
    %swap3A_3379 = arith.constant 0 : index
    %swap3A_3380 = vector.load %arg2[%swap3A_3378, %swap3A_3379] : memref<8x128xi32, #tpu.memory_space<vmem>>, vector<1x128xi32>
    tpu.vector_store %arg2[%swap3A_3378, %swap3A_3379], %bitcast_convert_type3A_3377 {strides = array<i32>} : memref<8x128xi32, #tpu.memory_space<vmem>>, vector<1x128xi32>,
    %swap3A_3381 = arith.constant 5 : index
    %swap3A_3382 = arith.constant 0 : index
    %swap3A_3383 = vector.load %arg2[%swap3A_3381, %swap3A_3382] : memref<8x128xi32, #tpu.memory_space<vmem>>, vector<1x128xi32>
    tpu.vector_store %arg2[%swap3A_3381, %swap3A_3382], %select_n3A_3335 {strides = array<i32>} : memref<8x128xi32, #tpu.memory_space<vmem>>, vector<1x128xi32>,
    %xor3A_3384 = arith.constant -2147483648 : i32
    %xor3A_3385 = vector.broadcast %xor3A_3384 : i32 to vector<1x128xi32>
    %xor3A_3386 = arith.xori %select_n3A_2171, %xor3A_3385 : vector<1x128xi32>
    %bitcast_convert_type3A_3387 = tpu.bitcast %xor3A_3386 : vector<1x128xi32> -> vector<1x128xi32>
    %swap3A_3388 = arith.constant 6 : index
    %swap3A_3389 = arith.constant 0 : index
    %swap3A_3390 = vector.load %arg2[%swap3A_3388, %swap3A_3389] : memref<8x128xi32, #tpu.memory_space<vmem>>, vector<1x128xi32>
    tpu.vector_store %arg2[%swap3A_3388, %swap3A_3389], %bitcast_convert_type3A_3387 {strides = array<i32>} : memref<8x128xi32, #tpu.memory_space<vmem>>, vector<1x128xi32>,
    %swap3A_3391 = arith.constant 7 : index
    %swap3A_3392 = arith.constant 0 : index
    %swap3A_3393 = vector.load %arg2[%swap3A_3391, %swap3A_3392] : memref<8x128xi32, #tpu.memory_space<vmem>>, vector<1x128xi32>
    tpu.vector_store %arg2[%swap3A_3391, %swap3A_3392], %select_n3A_3353 {strides = array<i32>} : memref<8x128xi32, #tpu.memory_space<vmem>>, vector<1x128xi32>,
    return
  }
}

module attributes {stable_mosaic.version = 14 : i64} {
  func.func @_apply_body(%arg0: i32, %arg1: memref<1024x256xf32, #tpu.memory_space<vmem>>, %arg2: memref<1024x8xf32, #tpu.memory_space<vmem>>, %arg3: memref<8x128xi32, #tpu.memory_space<vmem>>, %arg4: memref<256x2048xbf16, #tpu.memory_space<vmem>>, %arg5: memref<1x2048xf32, #tpu.memory_space<vmem>>, %arg6: memref<1024x8x256xf32, #tpu.memory_space<vmem>>) attributes {dimension_semantics = [#tpu.dimension_semantics<parallel>], iteration_bounds = array<i64: 16>, scalar_prefetch = 0 : i64, scratch_operands = 0 : i64, tpu.core_type = #tpu.core_type<tc>, window_params = [{transform_indices = @transform_0, window_bounds = array<i64: 1024, 256>}, {transform_indices = @transform_1, window_bounds = array<i64: 1024, 8>}, {pipeline_mode = #tpu.pipeline_mode<synchronous>, transform_indices = @transform_2, window_bounds = array<i64: 8, 128>}, {pipeline_mode = #tpu.pipeline_mode<synchronous>, transform_indices = @transform_3, window_bounds = array<i64: 256, 2048>}, {pipeline_mode = #tpu.pipeline_mode<synchronous>, transform_indices = @transform_4, window_bounds = array<i64: 1, 2048>}, {transform_indices = @transform_5, window_bounds = array<i64: 1024, 8, 256>}]} {
    %jit3A = arith.constant 4 : i32
    %div3A = arith.divsi %arg0, %jit3A : i32
    %sign3A = arith.constant 0 : i32
    %sign3A_0 = arith.cmpi sgt, %arg0, %sign3A : i32
    %sign3A_1 = arith.extui %sign3A_0 : i1 to i32
    %sign3A_2 = arith.constant 0 : i32
    %sign3A_3 = arith.cmpi slt, %arg0, %sign3A_2 : i32
    %sign3A_4 = arith.extui %sign3A_3 : i1 to i32
    %sign3A_5 = arith.subi %sign3A_1, %sign3A_4 : i32
    %sign3A_6 = arith.constant 0 : i32
    %sign3A_7 = arith.cmpi sgt, %jit3A, %sign3A_6 : i32
    %sign3A_8 = arith.extui %sign3A_7 : i1 to i32
    %sign3A_9 = arith.constant 0 : i32
    %sign3A_10 = arith.cmpi slt, %jit3A, %sign3A_9 : i32
    %sign3A_11 = arith.extui %sign3A_10 : i1 to i32
    %sign3A_12 = arith.subi %sign3A_8, %sign3A_11 : i32
    %ne3A = arith.cmpi ne, %sign3A_5, %sign3A_12 : i32
    %rem3A = arith.remsi %arg0, %jit3A : i32
    %ne3A_13 = arith.constant 0 : i32
    %ne3A_14 = arith.cmpi ne, %rem3A, %ne3A_13 : i32
    %and3A = arith.andi %ne3A, %ne3A_14 : i1
    %sub3A = arith.constant 1 : i32
    %sub3A_15 = arith.subi %div3A, %sub3A : i32
    %select_n3A = arith.select %and3A, %sub3A_15, %div3A : i32
    %get3A = arith.constant 0 : index
    %get3A_16 = arith.constant 0 : index
    %get3A_17 = vector.load %arg3[%get3A, %get3A_16] : memref<8x128xi32, #tpu.memory_space<vmem>>, vector<8x128xi32>
    %slice3A = vector.extract_strided_slice %get3A_17 {offsets = [6, 0], sizes = [1, 1], strides = [1, 1]} : vector<8x128xi32> to vector<1x1xi32>
    %eq3A = arith.constant 2 : i32
    %eq3A_18 = arith.cmpi eq, %select_n3A, %eq3A : i32
    %slice3A_19 = vector.extract_strided_slice %get3A_17 {offsets = [4, 0], sizes = [1, 1], strides = [1, 1]} : vector<8x128xi32> to vector<1x1xi32>
    %select_n3A_20 = arith.select %eq3A_18, %slice3A_19, %slice3A : vector<1x1xi32>
    %eq3A_21 = arith.constant 1 : i32
    %eq3A_22 = arith.cmpi eq, %select_n3A, %eq3A_21 : i32
    %slice3A_23 = vector.extract_strided_slice %get3A_17 {offsets = [2, 0], sizes = [1, 1], strides = [1, 1]} : vector<8x128xi32> to vector<1x1xi32>
    %select_n3A_24 = arith.select %eq3A_22, %slice3A_23, %select_n3A_20 : vector<1x1xi32>
    %eq3A_25 = arith.constant 0 : i32
    %eq3A_26 = arith.cmpi eq, %select_n3A, %eq3A_25 : i32
    %slice3A_27 = vector.extract_strided_slice %get3A_17 {offsets = [0, 0], sizes = [1, 1], strides = [1, 1]} : vector<8x128xi32> to vector<1x1xi32>
    %select_n3A_28 = arith.select %eq3A_26, %slice3A_27, %select_n3A_24 : vector<1x1xi32>
    %slice3A_29 = vector.extract_strided_slice %get3A_17 {offsets = [7, 0], sizes = [1, 1], strides = [1, 1]} : vector<8x128xi32> to vector<1x1xi32>
    %eq3A_30 = arith.constant 2 : i32
    %eq3A_31 = arith.cmpi eq, %select_n3A, %eq3A_30 : i32
    %slice3A_32 = vector.extract_strided_slice %get3A_17 {offsets = [5, 0], sizes = [1, 1], strides = [1, 1]} : vector<8x128xi32> to vector<1x1xi32>
    %select_n3A_33 = arith.select %eq3A_31, %slice3A_32, %slice3A_29 : vector<1x1xi32>
    %eq3A_34 = arith.constant 1 : i32
    %eq3A_35 = arith.cmpi eq, %select_n3A, %eq3A_34 : i32
    %slice3A_36 = vector.extract_strided_slice %get3A_17 {offsets = [3, 0], sizes = [1, 1], strides = [1, 1]} : vector<8x128xi32> to vector<1x1xi32>
    %select_n3A_37 = arith.select %eq3A_35, %slice3A_36, %select_n3A_33 : vector<1x1xi32>
    %eq3A_38 = arith.constant 0 : i32
    %eq3A_39 = arith.cmpi eq, %select_n3A, %eq3A_38 : i32
    %slice3A_40 = vector.extract_strided_slice %get3A_17 {offsets = [1, 0], sizes = [1, 1], strides = [1, 1]} : vector<8x128xi32> to vector<1x1xi32>
    %select_n3A_41 = arith.select %eq3A_39, %slice3A_40, %select_n3A_37 : vector<1x1xi32>
    %get3A_42 = arith.constant 0 : index
    %get3A_43 = arith.constant 0 : index
    %get3A_44 = vector.load %arg2[%get3A_42, %get3A_43] : memref<1024x8xf32, #tpu.memory_space<vmem>>, vector<1024x8xf32>
    %bitcast_convert_type3A = tpu.bitcast %get3A_44 : vector<1024x8xf32> -> vector<1024x8xi32>
    %shift_right_arithmetic3A = arith.constant 31 : i32
    %shift_right_arithmetic3A_45 = vector.broadcast %shift_right_arithmetic3A : i32 to vector<1024x8xi32>
    %shift_right_arithmetic3A_46 = arith.shrsi %bitcast_convert_type3A, %shift_right_arithmetic3A_45 : vector<1024x8xi32>
    %and3A_47 = arith.constant 2147483647 : i32
    %and3A_48 = vector.broadcast %and3A_47 : i32 to vector<1024x8xi32>
    %and3A_49 = arith.andi %shift_right_arithmetic3A_46, %and3A_48 : vector<1024x8xi32>
    %xor3A = arith.xori %bitcast_convert_type3A, %and3A_49 : vector<1024x8xi32>
    %iota3A = tpu.iota {dimensions = array<i32: 0>} : vector<1024x8xi32>
    %iota3A_50 = tpu.iota {dimensions = array<i32: 1>} : vector<1024x8xi32>
    %jit3A_51 = arith.constant 4 : i32
    %eq3A_52 = arith.constant 0 : i32
    %eq3A_53 = arith.cmpi eq, %jit3A_51, %eq3A_52 : i32
    %jit3A_54 = arith.constant 1 : i32
    %select_n3A_55 = arith.select %eq3A_53, %jit3A_54, %jit3A_51 : i32
    %rem3A_56 = arith.remsi %arg0, %select_n3A_55 : i32
    %ne3A_57 = arith.constant 0 : i32
    %ne3A_58 = arith.cmpi ne, %rem3A_56, %ne3A_57 : i32
    %lt3A = arith.constant 0 : i32
    %lt3A_59 = arith.cmpi slt, %rem3A_56, %lt3A : i32
    %lt3A_60 = arith.constant 0 : i32
    %lt3A_61 = arith.cmpi slt, %select_n3A_55, %lt3A_60 : i32
    %ne3A_62 = arith.xori %lt3A_59, %lt3A_61 : i1
    %and3A_63 = arith.andi %ne3A_62, %ne3A_58 : i1
    %add3A = arith.addi %rem3A_56, %select_n3A_55 : i32
    %select_n3A_64 = arith.select %and3A_63, %add3A, %rem3A_56 : i32
    %mul3A = arith.constant 1024 : i32
    %mul3A_65 = arith.muli %select_n3A_64, %mul3A : i32
    %add3A_66 = vector.broadcast %mul3A_65 : i32 to vector<1024x8xi32>
    %add3A_67 = arith.addi %add3A_66, %iota3A : vector<1024x8xi32>
    %mul3A_68 = arith.constant 8 : i32
    %mul3A_69 = vector.broadcast %mul3A_68 : i32 to vector<1024x8xi32>
    %mul3A_70 = arith.muli %add3A_67, %mul3A_69 : vector<1024x8xi32>
    %add3A_71 = arith.addi %mul3A_70, %iota3A_50 : vector<1024x8xi32>
    %gt3A = vector.broadcast %select_n3A_28 : vector<1x1xi32> to vector<1024x8xi32>
    %gt3A_72 = arith.cmpi sgt, %xor3A, %gt3A : vector<1024x8xi32>
    %eq3A_73 = vector.broadcast %select_n3A_28 : vector<1x1xi32> to vector<1024x8xi32>
    %eq3A_74 = arith.cmpi eq, %xor3A, %eq3A_73 : vector<1024x8xi32>
    %le3A = vector.broadcast %select_n3A_41 : vector<1x1xi32> to vector<1024x8xi32>
    %le3A_75 = arith.cmpi sle, %add3A_71, %le3A : vector<1024x8xi32>
    %and3A_76 = arith.andi %eq3A_74, %le3A_75 : vector<1024x8xi1>
    %or3A = arith.ori %gt3A_72, %and3A_76 : vector<1024x8xi1>
    %get3A_77 = arith.constant 0 : index
    %get3A_78 = arith.constant 0 : index
    %get3A_79 = vector.load %arg1[%get3A_77, %get3A_78] : memref<1024x256xf32, #tpu.memory_space<vmem>>, vector<1024x256xf32>
    %convert_element_type3A = arith.truncf %get3A_79 : vector<1024x256xf32> to vector<1024x256xbf16>
    %get3A_80 = arith.constant 0 : index
    %get3A_81 = arith.constant 0 : index
    %get3A_82 = vector.load %arg4[%get3A_80, %get3A_81] : memref<256x2048xbf16, #tpu.memory_space<vmem>>, vector<256x2048xbf16>
    %dot_general3A = arith.constant dense<0.000000e+00> : vector<1024x2048xf32>
    %dot_general3A_83 = tpu.matmul %convert_element_type3A, %get3A_82, %dot_general3A {dimension_numbers = #tpu.dot_dimension_numbers<[1], [0], [0], [1], [0, 0, 1, 1], [], []>, transpose_lhs_hint = false} : vector<1024x256xbf16>, vector<256x2048xbf16>, vector<1024x2048xf32> -> vector<1024x2048xf32>
    %get3A_84 = arith.constant 0 : index
    %get3A_85 = arith.constant 0 : index
    %get3A_86 = vector.load %arg5[%get3A_84, %get3A_85] : memref<1x2048xf32, #tpu.memory_space<vmem>>, vector<1x2048xf32>
    %add3A_87 = vector.broadcast %get3A_86 : vector<1x2048xf32> to vector<1024x2048xf32>
    %add3A_88 = arith.addf %dot_general3A_83, %add3A_87 : vector<1024x2048xf32>
    %slice3A_89 = vector.extract_strided_slice %or3A {offsets = [0, 0], sizes = [1024, 1], strides = [1, 1]} : vector<1024x8xi1> to vector<1024x1xi1>
    %slice3A_90 = vector.extract_strided_slice %add3A_88 {offsets = [0, 0], sizes = [1024, 256], strides = [1, 1]} : vector<1024x2048xf32> to vector<1024x256xf32>
    %jit3A_91 = arith.constant 0.000000e+00 : f32
    %broadcast_in_dim3A = vector.shape_cast %slice3A_89 : vector<1024x1xi1> to vector<1024x1xi1>
    %broadcast_in_dim3A_92 = vector.broadcast %broadcast_in_dim3A : vector<1024x1xi1> to vector<1024x256xi1>
    %broadcast_in_dim3A_93 = vector.broadcast %jit3A_91 : f32 to vector<1024x256xf32>
    %select_n3A_94 = arith.select %broadcast_in_dim3A_92, %slice3A_90, %broadcast_in_dim3A_93 : vector<1024x256xi1>, vector<1024x256xf32>
    %swap3A = arith.constant 0 : index
    %swap3A_95 = arith.constant 0 : index
    %swap3A_96 = arith.constant 0 : index
    %swap3A_97 = vector.load %arg6[%swap3A, %swap3A_95, %swap3A_96] : memref<1024x8x256xf32, #tpu.memory_space<vmem>>, vector<1024x1x256xf32>
    %swap3A_98 = vector.shape_cast %swap3A_97 : vector<1024x1x256xf32> to vector<1024x256xf32>
    %swap3A_99 = vector.shape_cast %select_n3A_94 : vector<1024x256xf32> to vector<1024x1x256xf32>
    tpu.vector_store %arg6[%swap3A, %swap3A_95, %swap3A_96], %swap3A_99 {strides = array<i32>} : memref<1024x8x256xf32, #tpu.memory_space<vmem>>, vector<1024x1x256xf32>,
    %slice3A_100 = vector.extract_strided_slice %or3A {offsets = [0, 1], sizes = [1024, 1], strides = [1, 1]} : vector<1024x8xi1> to vector<1024x1xi1>
    %slice3A_101 = vector.extract_strided_slice %add3A_88 {offsets = [0, 256], sizes = [1024, 256], strides = [1, 1]} : vector<1024x2048xf32> to vector<1024x256xf32>
    %jit3A_102 = arith.constant 0.000000e+00 : f32
    %broadcast_in_dim3A_103 = vector.shape_cast %slice3A_100 : vector<1024x1xi1> to vector<1024x1xi1>
    %broadcast_in_dim3A_104 = vector.broadcast %broadcast_in_dim3A_103 : vector<1024x1xi1> to vector<1024x256xi1>
    %broadcast_in_dim3A_105 = vector.broadcast %jit3A_102 : f32 to vector<1024x256xf32>
    %select_n3A_106 = arith.select %broadcast_in_dim3A_104, %slice3A_101, %broadcast_in_dim3A_105 : vector<1024x256xi1>, vector<1024x256xf32>
    %swap3A_107 = arith.constant 0 : index
    %swap3A_108 = arith.constant 1 : index
    %swap3A_109 = arith.constant 0 : index
    %swap3A_110 = vector.load %arg6[%swap3A_107, %swap3A_108, %swap3A_109] : memref<1024x8x256xf32, #tpu.memory_space<vmem>>, vector<1024x1x256xf32>
    %swap3A_111 = vector.shape_cast %swap3A_110 : vector<1024x1x256xf32> to vector<1024x256xf32>
    %swap3A_112 = vector.shape_cast %select_n3A_106 : vector<1024x256xf32> to vector<1024x1x256xf32>
    tpu.vector_store %arg6[%swap3A_107, %swap3A_108, %swap3A_109], %swap3A_112 {strides = array<i32>} : memref<1024x8x256xf32, #tpu.memory_space<vmem>>, vector<1024x1x256xf32>,
    %slice3A_113 = vector.extract_strided_slice %or3A {offsets = [0, 2], sizes = [1024, 1], strides = [1, 1]} : vector<1024x8xi1> to vector<1024x1xi1>
    %slice3A_114 = vector.extract_strided_slice %add3A_88 {offsets = [0, 512], sizes = [1024, 256], strides = [1, 1]} : vector<1024x2048xf32> to vector<1024x256xf32>
    %jit3A_115 = arith.constant 0.000000e+00 : f32
    %broadcast_in_dim3A_116 = vector.shape_cast %slice3A_113 : vector<1024x1xi1> to vector<1024x1xi1>
    %broadcast_in_dim3A_117 = vector.broadcast %broadcast_in_dim3A_116 : vector<1024x1xi1> to vector<1024x256xi1>
    %broadcast_in_dim3A_118 = vector.broadcast %jit3A_115 : f32 to vector<1024x256xf32>
    %select_n3A_119 = arith.select %broadcast_in_dim3A_117, %slice3A_114, %broadcast_in_dim3A_118 : vector<1024x256xi1>, vector<1024x256xf32>
    %swap3A_120 = arith.constant 0 : index
    %swap3A_121 = arith.constant 2 : index
    %swap3A_122 = arith.constant 0 : index
    %swap3A_123 = vector.load %arg6[%swap3A_120, %swap3A_121, %swap3A_122] : memref<1024x8x256xf32, #tpu.memory_space<vmem>>, vector<1024x1x256xf32>
    %swap3A_124 = vector.shape_cast %swap3A_123 : vector<1024x1x256xf32> to vector<1024x256xf32>
    %swap3A_125 = vector.shape_cast %select_n3A_119 : vector<1024x256xf32> to vector<1024x1x256xf32>
    tpu.vector_store %arg6[%swap3A_120, %swap3A_121, %swap3A_122], %swap3A_125 {strides = array<i32>} : memref<1024x8x256xf32, #tpu.memory_space<vmem>>, vector<1024x1x256xf32>,
    %slice3A_126 = vector.extract_strided_slice %or3A {offsets = [0, 3], sizes = [1024, 1], strides = [1, 1]} : vector<1024x8xi1> to vector<1024x1xi1>
    %slice3A_127 = vector.extract_strided_slice %add3A_88 {offsets = [0, 768], sizes = [1024, 256], strides = [1, 1]} : vector<1024x2048xf32> to vector<1024x256xf32>
    %jit3A_128 = arith.constant 0.000000e+00 : f32
    %broadcast_in_dim3A_129 = vector.shape_cast %slice3A_126 : vector<1024x1xi1> to vector<1024x1xi1>
    %broadcast_in_dim3A_130 = vector.broadcast %broadcast_in_dim3A_129 : vector<1024x1xi1> to vector<1024x256xi1>
    %broadcast_in_dim3A_131 = vector.broadcast %jit3A_128 : f32 to vector<1024x256xf32>
    %select_n3A_132 = arith.select %broadcast_in_dim3A_130, %slice3A_127, %broadcast_in_dim3A_131 : vector<1024x256xi1>, vector<1024x256xf32>
    %swap3A_133 = arith.constant 0 : index
    %swap3A_134 = arith.constant 3 : index
    %swap3A_135 = arith.constant 0 : index
    %swap3A_136 = vector.load %arg6[%swap3A_133, %swap3A_134, %swap3A_135] : memref<1024x8x256xf32, #tpu.memory_space<vmem>>, vector<1024x1x256xf32>
    %swap3A_137 = vector.shape_cast %swap3A_136 : vector<1024x1x256xf32> to vector<1024x256xf32>
    %swap3A_138 = vector.shape_cast %select_n3A_132 : vector<1024x256xf32> to vector<1024x1x256xf32>
    tpu.vector_store %arg6[%swap3A_133, %swap3A_134, %swap3A_135], %swap3A_138 {strides = array<i32>} : memref<1024x8x256xf32, #tpu.memory_space<vmem>>, vector<1024x1x256xf32>,
    %slice3A_139 = vector.extract_strided_slice %or3A {offsets = [0, 4], sizes = [1024, 1], strides = [1, 1]} : vector<1024x8xi1> to vector<1024x1xi1>
    %slice3A_140 = vector.extract_strided_slice %add3A_88 {offsets = [0, 1024], sizes = [1024, 256], strides = [1, 1]} : vector<1024x2048xf32> to vector<1024x256xf32>
    %jit3A_141 = arith.constant 0.000000e+00 : f32
    %broadcast_in_dim3A_142 = vector.shape_cast %slice3A_139 : vector<1024x1xi1> to vector<1024x1xi1>
    %broadcast_in_dim3A_143 = vector.broadcast %broadcast_in_dim3A_142 : vector<1024x1xi1> to vector<1024x256xi1>
    %broadcast_in_dim3A_144 = vector.broadcast %jit3A_141 : f32 to vector<1024x256xf32>
    %select_n3A_145 = arith.select %broadcast_in_dim3A_143, %slice3A_140, %broadcast_in_dim3A_144 : vector<1024x256xi1>, vector<1024x256xf32>
    %swap3A_146 = arith.constant 0 : index
    %swap3A_147 = arith.constant 4 : index
    %swap3A_148 = arith.constant 0 : index
    %swap3A_149 = vector.load %arg6[%swap3A_146, %swap3A_147, %swap3A_148] : memref<1024x8x256xf32, #tpu.memory_space<vmem>>, vector<1024x1x256xf32>
    %swap3A_150 = vector.shape_cast %swap3A_149 : vector<1024x1x256xf32> to vector<1024x256xf32>
    %swap3A_151 = vector.shape_cast %select_n3A_145 : vector<1024x256xf32> to vector<1024x1x256xf32>
    tpu.vector_store %arg6[%swap3A_146, %swap3A_147, %swap3A_148], %swap3A_151 {strides = array<i32>} : memref<1024x8x256xf32, #tpu.memory_space<vmem>>, vector<1024x1x256xf32>,
    %slice3A_152 = vector.extract_strided_slice %or3A {offsets = [0, 5], sizes = [1024, 1], strides = [1, 1]} : vector<1024x8xi1> to vector<1024x1xi1>
    %slice3A_153 = vector.extract_strided_slice %add3A_88 {offsets = [0, 1280], sizes = [1024, 256], strides = [1, 1]} : vector<1024x2048xf32> to vector<1024x256xf32>
    %jit3A_154 = arith.constant 0.000000e+00 : f32
    %broadcast_in_dim3A_155 = vector.shape_cast %slice3A_152 : vector<1024x1xi1> to vector<1024x1xi1>
    %broadcast_in_dim3A_156 = vector.broadcast %broadcast_in_dim3A_155 : vector<1024x1xi1> to vector<1024x256xi1>
    %broadcast_in_dim3A_157 = vector.broadcast %jit3A_154 : f32 to vector<1024x256xf32>
    %select_n3A_158 = arith.select %broadcast_in_dim3A_156, %slice3A_153, %broadcast_in_dim3A_157 : vector<1024x256xi1>, vector<1024x256xf32>
    %swap3A_159 = arith.constant 0 : index
    %swap3A_160 = arith.constant 5 : index
    %swap3A_161 = arith.constant 0 : index
    %swap3A_162 = vector.load %arg6[%swap3A_159, %swap3A_160, %swap3A_161] : memref<1024x8x256xf32, #tpu.memory_space<vmem>>, vector<1024x1x256xf32>
    %swap3A_163 = vector.shape_cast %swap3A_162 : vector<1024x1x256xf32> to vector<1024x256xf32>
    %swap3A_164 = vector.shape_cast %select_n3A_158 : vector<1024x256xf32> to vector<1024x1x256xf32>
    tpu.vector_store %arg6[%swap3A_159, %swap3A_160, %swap3A_161], %swap3A_164 {strides = array<i32>} : memref<1024x8x256xf32, #tpu.memory_space<vmem>>, vector<1024x1x256xf32>,
    %slice3A_165 = vector.extract_strided_slice %or3A {offsets = [0, 6], sizes = [1024, 1], strides = [1, 1]} : vector<1024x8xi1> to vector<1024x1xi1>
    %slice3A_166 = vector.extract_strided_slice %add3A_88 {offsets = [0, 1536], sizes = [1024, 256], strides = [1, 1]} : vector<1024x2048xf32> to vector<1024x256xf32>
    %jit3A_167 = arith.constant 0.000000e+00 : f32
    %broadcast_in_dim3A_168 = vector.shape_cast %slice3A_165 : vector<1024x1xi1> to vector<1024x1xi1>
    %broadcast_in_dim3A_169 = vector.broadcast %broadcast_in_dim3A_168 : vector<1024x1xi1> to vector<1024x256xi1>
    %broadcast_in_dim3A_170 = vector.broadcast %jit3A_167 : f32 to vector<1024x256xf32>
    %select_n3A_171 = arith.select %broadcast_in_dim3A_169, %slice3A_166, %broadcast_in_dim3A_170 : vector<1024x256xi1>, vector<1024x256xf32>
    %swap3A_172 = arith.constant 0 : index
    %swap3A_173 = arith.constant 6 : index
    %swap3A_174 = arith.constant 0 : index
    %swap3A_175 = vector.load %arg6[%swap3A_172, %swap3A_173, %swap3A_174] : memref<1024x8x256xf32, #tpu.memory_space<vmem>>, vector<1024x1x256xf32>
    %swap3A_176 = vector.shape_cast %swap3A_175 : vector<1024x1x256xf32> to vector<1024x256xf32>
    %swap3A_177 = vector.shape_cast %select_n3A_171 : vector<1024x256xf32> to vector<1024x1x256xf32>
    tpu.vector_store %arg6[%swap3A_172, %swap3A_173, %swap3A_174], %swap3A_177 {strides = array<i32>} : memref<1024x8x256xf32, #tpu.memory_space<vmem>>, vector<1024x1x256xf32>,
    %slice3A_178 = vector.extract_strided_slice %or3A {offsets = [0, 7], sizes = [1024, 1], strides = [1, 1]} : vector<1024x8xi1> to vector<1024x1xi1>
    %slice3A_179 = vector.extract_strided_slice %add3A_88 {offsets = [0, 1792], sizes = [1024, 256], strides = [1, 1]} : vector<1024x2048xf32> to vector<1024x256xf32>
    %jit3A_180 = arith.constant 0.000000e+00 : f32
    %broadcast_in_dim3A_181 = vector.shape_cast %slice3A_178 : vector<1024x1xi1> to vector<1024x1xi1>
    %broadcast_in_dim3A_182 = vector.broadcast %broadcast_in_dim3A_181 : vector<1024x1xi1> to vector<1024x256xi1>
    %broadcast_in_dim3A_183 = vector.broadcast %jit3A_180 : f32 to vector<1024x256xf32>
    %select_n3A_184 = arith.select %broadcast_in_dim3A_182, %slice3A_179, %broadcast_in_dim3A_183 : vector<1024x256xi1>, vector<1024x256xf32>
    %swap3A_185 = arith.constant 0 : index
    %swap3A_186 = arith.constant 7 : index
    %swap3A_187 = arith.constant 0 : index
    %swap3A_188 = vector.load %arg6[%swap3A_185, %swap3A_186, %swap3A_187] : memref<1024x8x256xf32, #tpu.memory_space<vmem>>, vector<1024x1x256xf32>
    %swap3A_189 = vector.shape_cast %swap3A_188 : vector<1024x1x256xf32> to vector<1024x256xf32>
    %swap3A_190 = vector.shape_cast %select_n3A_184 : vector<1024x256xf32> to vector<1024x1x256xf32>
    tpu.vector_store %arg6[%swap3A_185, %swap3A_186, %swap3A_187], %swap3A_190 {strides = array<i32>} : memref<1024x8x256xf32, #tpu.memory_space<vmem>>, vector<1024x1x256xf32>,
    return
  }
  func.func @transform_0(%arg0: i32) -> (i32, i32) {
    %c0_i32 = arith.constant 0 : i32
    %c0_i32_0 = arith.constant 0 : i32
    return %arg0, %c0_i32 : i32, i32
  }
  func.func @transform_1(%arg0: i32) -> (i32, i32) {
    %c0_i32 = arith.constant 0 : i32
    %c0_i32_0 = arith.constant 0 : i32
    return %arg0, %c0_i32 : i32, i32
  }
  func.func @transform_2(%arg0: i32) -> (i32, i32) {
    %c0_i32 = arith.constant 0 : i32
    %c0_i32_0 = arith.constant 0 : i32
    %c0_i32_1 = arith.constant 0 : i32
    return %c0_i32, %c0_i32_0 : i32, i32
  }
  func.func @transform_3(%arg0: i32) -> (i32, i32) {
    %c0_i32 = arith.constant 0 : i32
    %c0_i32_0 = arith.constant 0 : i32
    %c0_i32_1 = arith.constant 0 : i32
    return %c0_i32, %c0_i32_0 : i32, i32
  }
  func.func @transform_4(%arg0: i32) -> (i32, i32) {
    %c0_i32 = arith.constant 0 : i32
    %c0_i32_0 = arith.constant 0 : i32
    %c0_i32_1 = arith.constant 0 : i32
    return %c0_i32, %c0_i32_0 : i32, i32
  }
  func.func @transform_5(%arg0: i32) -> (i32, i32, i32) {
    %c0_i32 = arith.constant 0 : i32
    %c0_i32_0 = arith.constant 0 : i32
    %c0_i32_1 = arith.constant 0 : i32
    return %arg0, %c0_i32, %c0_i32_0 : i32, i32, i32
  }
}

</mosaic_0001>

<sc_bundles>
// kernel: kernel.6.cloned.1.call-start
scs
__scs_entry_jumppad:
0x0: {  	(pc) =	sbr.rel $0x88, $3  }
0x1: {  	(tag) =	ssettag $0x0;
	lr =	simm.s32 $0x1  }
0x2: {  	[smem:$0x3F98] =	sst lr;
	_ =	strace $0xD0000000  }
0x3: {  	_ = 	snop  }
0x4: {  	_ = 	snop  }
0x5: {  	_ = 	snop  }
0x6: {  	_ = 	snop  }
0x7: {  	_ = 	snop  }
__scs_overlays_trampoline_lowered:
0x8: {  	[smem:$0x3FA7] =	sst s0  }
0x9: {  	[smem:$0x3FA8] =	sst s1  }
0xa: {  	[smem:$0x3FA9] =	sst s2  }
0xb: {  	[smem:$0x3FAA] =	sst s3  }
0xc: {  	[smem:$0x3FAB] =	sst s4  }
0xd: {  	[smem:$0x3FAC] =	sst s5  }
0xe: {  	[smem:$0x3FAD] =	sst s6  }
0xf: {  	[smem:$0x3FAE] =	sst s7  }
0x10: {  	[smem:$0x3FAF] =	sst s8  }
0x11: {  	[smem:$0x3FB0] =	sst s9;
	s0 =	simm.s32 @!p0 $0x0  }
0x12: {  	s1 =	sld [smem:$0x3F96];
	s0 =	simm.s32 @p0 $0x1  }
0x13: {  	[smem:$0x3FB1] =	sst s0;
	s0 =	simm.s32 @!p1 $0x0  }
0x14: {  	s2 =	sld [smem:$0x3F95];
	s0 =	simm.s32 @p1 $0x1  }
0x15: {  	[smem:$0x3FB2] =	sst s0;
	s0 =	simm.s32 @!p2 $0x0  }
0x16: {  	s3 =	sld [smem:$0x3FDB];
	s0 =	simm.s32 @p2 $0x1  }
0x17: {  	s4 =	simm.s32 $0x1BF5;
	[smem:$0x3FB4] =	sst s0  }
0x18: {  	s0 =	sld [smem:$0x3F97];
	_ =	swait.ge [sflag:s4], $0x0  }
0x19: {  	s7 =	sld [smem:$0x3F98]  }
0x1a: {  	s8 =	sadd.s32 $0xFFFFE003, lr  }
0x1b: {  	s9 =	sadd.s32 $0xFFFFFEF7, lr;
	s5 =	simm.s32 $0xFFFFFFFF;
	p2 =	slt.u32 s8, $0xFFFFF086  }
0x1c: {  	p1 =	slt.u32 s9, $0xF7A;
	s5 =	simm.s32 @!p2 $0x0  }
0x1d: {  	s5 =	simm.s32 @p1 $0x1;
	p0 =	seq.s32 s7, s2  }
0x1e: {  	s7 =	smul.u32 @!p0 $0xF7A, s2;
	p2 =	seq.s32 @!p0 s5, $0x0  }
0x1f: {  	s9 =	smul.u32 $0xF7A, s1;
	s8 =	simm.s32 @!p0 $0x1BF5;
	p2 =	por !p2, p0  }
0x20: {  	[sflag:s8] =	ssyncset.s32 @!p0 $0xFFFFF086;
	s6 =	sadd.s32 @!p0 s3, s7;
	s7 =	simm.s32 @!p0 $0x108  }
0x21: {  	s3 =	sadd.s32 s3, s9;
	s6 =	sadd.s32 @!p0 $0x88, s6;
	s7 =	simm.s32 @p2 $0x1082  }
0x22: {  	[simem:s7], [sflag:s8] =	dma.local @!p0 [hbm:s6], $0xF7A  }
0x23: {  	s9 =	sor.u32 $0xD0000000, s2;
	s6 =	simm.s32 $0x108;
	_ =	swait.ge @!p0 [sflag:s8], $0x0  }
0x24: {  	s3 =	sadd.s32 $0x88, s3;
	s6 =	simm.s32 @!p1 $0x1082;
	[sflag:s4] =	ssyncset.s32 $0xFFFFF086  }
0x25: {  	[simem:s6], [sflag:s4] =	dma.local [hbm:s3], $0xF7A  }
0x26: {  	[smem:$0x3F98] =	sst s1;
	(tag) =	ssettag s2;
	_ =	strace s9  }
0x27: {  	s1 =	sld [smem:$0x3FA8]  }
0x28: {  	s2 =	sld [smem:$0x3FA9]  }
0x29: {  	s4 =	sld [smem:$0x3FAB]  }
0x2a: {  	p0 =	seq.s32 s5, $0x0;
	s5 =	sld [smem:$0x3FAC]  }
0x2b: {  	s6 =	sld [smem:$0x3FAD]  }
0x2c: {  	s7 =	sld [smem:$0x3FAE]  }
0x2d: {  	s3 =	simm.s32 $0x108;
	s8 =	sld [smem:$0x3FAF]  }
0x2e: {  	s3 =	simm.s32 @!p0 $0x1082;
	s9 =	sld [smem:$0x3FB0]  }
0x2f: {  	lr =	sadd.s32 s0, s3;
	s0 =	sld [smem:$0x3FA7]  }
0x30: {  	s3 =	sld [smem:$0x3FAA]  }
0x31: {  	[smem:$0x3FB3] =	sst s10  }
0x32: {  	s10 =	sld [smem:$0x3FB1];
	_ =	sdelay $0x3  }
0x33: {  	p0 =	seq.s32 s10, $0x1;
	s10 =	sld [smem:$0x3FB3];
	_ =	sdelay $0x3  }
0x34: {  	[smem:$0x3FB3] =	sst s10  }
0x35: {  	s10 =	sld [smem:$0x3FB2];
	_ =	sdelay $0x3  }
0x36: {  	p1 =	seq.s32 s10, $0x1;
	s10 =	sld [smem:$0x3FB3];
	_ =	sdelay $0x3  }
0x37: {  	[smem:$0x3FB3] =	sst s10  }
0x38: {  	s10 =	sld [smem:$0x3FB4]  }
0x39: {  	_ = 	snop;
	(pc) =	sbr.ind lr, $3  }
0x3a: {  	_ = 	snop  }
0x3b: {  	_ = 	snop  }
0x3c: {  	p2 =	seq.s32 s10, $0x1;
	s10 =	sld [smem:$0x3FB3]  }
0x3d: {  	_ =	shalt  }
0x3e: {  	_ =	shalt  }
0x3f: {  	_ =	shalt  }
0x40: {  	_ =	shalt  }
0x41: {  	_ =	shalt  }
0x42: {  	_ =	shalt  }
0x43: {  	_ =	shalt  }
0x44: {  	_ =	shalt  }
0x45: {  	_ =	shalt  }
0x46: {  	_ =	shalt  }
0x47: {  	_ =	shalt  }
0x48: {  	_ =	shalt  }
0x49: {  	_ =	shalt  }
0x4a: {  	_ =	shalt  }
0x4b: {  	_ =	shalt  }
0x4c: {  	_ =	shalt  }
0x4d: {  	_ =	shalt  }
0x4e: {  	_ =	shalt  }
0x4f: {  	_ =	shalt  }
0x50: {  	_ =	shalt  }
0x51: {  	_ =	shalt  }
0x52: {  	_ =	shalt  }
0x53: {  	_ =	shalt  }
0x54: {  	_ =	shalt  }
0x55: {  	_ =	shalt  }
0x56: {  	_ =	shalt  }
0x57: {  	_ =	shalt  }
0x58: {  	_ =	shalt  }
0x59: {  	_ =	shalt  }
0x5a: {  	_ =	shalt  }
0x5b: {  	_ =	shalt  }
0x5c: {  	_ =	shalt  }
0x5d: {  	_ =	shalt  }
0x5e: {  	_ =	shalt  }
0x5f: {  	_ =	shalt  }
0x60: {  	_ =	shalt  }
0x61: {  	_ =	shalt  }
0x62: {  	_ =	shalt  }
0x63: {  	_ =	shalt  }
0x64: {  	_ =	shalt  }
0x65: {  	_ =	shalt  }
0x66: {  	_ =	shalt  }
0x67: {  	_ =	shalt  }
0x68: {  	_ =	shalt  }
0x69: {  	_ =	shalt  }
0x6a: {  	_ =	shalt  }
0x6b: {  	_ =	shalt  }
0x6c: {  	_ =	shalt  }
0x6d: {  	_ =	shalt  }
0x6e: {  	_ =	shalt  }
0x6f: {  	_ =	shalt  }
0x70: {  	_ =	shalt  }
0x71: {  	_ =	shalt  }
0x72: {  	_ =	shalt  }
0x73: {  	_ =	shalt  }
0x74: {  	_ =	shalt  }
0x75: {  	_ =	shalt  }
0x76: {  	_ =	shalt  }
0x77: {  	_ =	shalt  }
0x78: {  	_ =	shalt  }
0x79: {  	_ =	shalt  }
0x7a: {  	_ =	shalt  }
0x7b: {  	_ =	shalt  }
0x7c: {  	_ =	shalt  }
0x7d: {  	_ =	shalt  }
0x7e: {  	_ =	shalt  }
0x7f: {  	_ =	shalt  }
0x80: {  	_ =	shalt  }
0x81: {  	_ =	shalt  }
0x82: {  	_ =	shalt  }
0x83: {  	_ =	shalt  }
0x84: {  	_ =	shalt  }
0x85: {  	_ =	shalt  }
0x86: {  	_ =	shalt  }
0x87: {  	_ =	shalt  }
.Lfunc_end0:
.L_simem_size_0:
called_computation_lowered:
.L_overlay_start_0:
0x88: {  	s2 =	sld [smem:$0x3FD9]  }
0x89: {  	s3 =	sld [smem:$0x3FFE];
	_ =	sdelay $0x1  }
0x8a: {  	s1 =	srdreg.scid  }
0x8b: {  	s0 =	sand.u32 $0x1, s1  }
0x8c: {  	s14 =	sshll.u32 s0, $0xA;
	s2 =	sadd.s32 s3, s2  }
0x8d: {  	s2 =	sadd.s32 s2, s14  }
0x8e: {  	[smem:$0x3FBF] =	sst s2  }
0x8f: {  	_ = 	snop  }
0x90: {  	s2 =	sld [smem:$0x3FD0];
	_ =	sdelay $0x2  }
0x91: {  	s15 =	simm.s32 $0xA;
	s4 =	simm.s32 $0x10  }
0x92: {  	[smem:s4], [sflag:s15] =	dma.local [hbm:s2], $0x1  }
0x93: {  	_ =	swait.eq [sflag:s15], $0x1  }
0x94: {  	[sflag:s15] =	ssyncset.done $0x0  }
0x95: {  	[sflag:s15] =	ssyncadd.s32 $0xFFFFFFFF  }
0x96: {  	s16 =	sld [smem:$0x12];
	(tm) =	ssettm $0x1  }
0x97: {  	s17 =	sld [smem:$0x3FFB];
	_ =	sdelay $0x3  }
0x98: {  	_ =	strace s17  }
0x99: {  	s3 =	sld [smem:$0x3FFC];
	_ =	sdelay $0x3  }
0x9a: {  	_ =	strace s3  }
0x9b: {  	s3 =	sld [smem:$0x3FFD];
	_ =	sdelay $0x3  }
0x9c: {  	_ =	strace s3  }
0x9d: {  	_ =	strace $0x8FFFFFFF  }
0x9e: {  	s18 =	sld [smem:$0x3FDB];
	_ =	sdelay $0x1  }
0x9f: {  	s19 =	simm.s32 $_scs_section_size  }
0xa0: {  	s5 =	simm.s32 $_size__tile_overlayer_lowered;
	s6 =	simm.s32 $_tile_overlayer_lowered  }
0xa1: {  	s22 =	simm.s32 $0x1BFF;
	s21 =	sshll.u32 s6, $0x1;
	s3 =	sadd.s32 s19, s18  }
0xa2: {  	s7 =	simm.s32 $0x0;
	s20 =	sshll.u32 s5, $0x1;
	s5 =	sadd.s32 s21, s3  }
0xa3: {  	[timem:s7], [sflag:s22] =	dma.local [hbm:s5], s20  }
0xa4: {  	_ =	swait.ge [sflag:s22], s20  }
0xa5: {  	s4 =	ssub.s32 $0x0, s20;
	[sflag:s22] =	ssyncset.done $0x0  }
0xa6: {  	[sflag:s22] =	ssyncadd.s32 s4;
	_ =	sdelay $0x1  }
0xa7: {  	s23 =	simm.s32 $0x1B8B  }
0xa8: {  	_ =	swait.ge [sflag:s23], $0x1  }
0xa9: {  	[sflag:s23] =	ssyncset.done $0x0  }
0xaa: {  	s25 =	simm.s32 $0x1B8E;
	s24 =	sld [smem:$0x3FFE];
	[sflag:s23] =	ssyncadd.s32 $0xFFFFFFFF  }
0xab: {  	s26 =	simm.s32 $execute0_lowered;
	[smem:$0x3FD2] =	sst s25  }
0xac: {  	s5 =	sshll.u32 s26, $0x1;
	_ =	strace $0x80000046;
	[dreg:$0x1] =	wrdreg $0xFFFFFFFF  }
0xad: {  	s28 =	simm.s32 $_size_execute0_lowered;
	s3 =	sadd.s32 s3, s5;
	[dreg:$0x0] =	wrdreg $0x0  }
0xae: {  	s5 =	sshll.u32 s28, $0x1;
	[dreg:$0x2] =	wrdreg s3  }
0xaf: {  	[dreg:$0x3] =	wrdreg s5  }
0xb0: {  	[dreg:$0x4] =	wrdreg $0xC0  }
0xb1: {  	_ =	task [dreg:s7], $0x5FFFF  }
0xb2: {  	[dreg:$0x1] =	wrdreg $0xFFFFFFFF  }
0xb3: {  	[dreg:$0x0] =	wrdreg $0x60  }
0xb4: {  	[dreg:$0x2] =	wrdreg s16  }
0xb5: {  	[dreg:$0x3] =	wrdreg s24  }
0xb6: {  	[dreg:$0x4] =	wrdreg $0x9  }
0xb7: {  	_ =	task.clear_ibuf [dreg:s7], $0x5FFFF;
	_ =	strace $0x90000046  }
0xb8: {  	s29 =	simm.s32 $0x9;
	_ =	strace $0x80000048  }
0xb9: {  	_ =	swait.ge [sflag:s29], $0x1  }
0xba: {  	[sflag:s29] =	ssyncadd.s32 $0xFFFFFFFF  }
0xbb: {  	_ =	strace $0x90000048  }
0xbc: {  	_ =	sfence  }
0xbd: {  	s30 =	sld [smem:$0x0];
	_ =	sdelay $0x2  }
0xbe: {  	s31 =	sshll.u32 s1, $0xD;
	s1 =	sshrl.u32 s1, $0x2  }
0xbf: {  	s3 =	sand.u32 $0x4000, s31;
	s1 =	sadd.s32 s1, s30  }
0xc0: {  	s0 =	sor.u32 s3, s0;
	s1 =	sshll.u32 s1, $0x11  }
0xc1: {  	s0 =	sor.u32 s1, s0  }
0xc2: {  	s0 =	sadd.s32 $0x8F2B, s0  }
0xc3: {  	[sflag:s0] =	ssyncadd.remote.s32 $0x1  }
0xc4: {  	_ =	sfence.sel $0xFFFF  }
0xc5: {  	[dreg:$0x0] =	wrdreg $0xFFFFFFFF;
	(pc) =	sbr.abs _section_cstart, $3  }
0xc6: {  	[dreg:$0x1] =	wrdreg $0xFFFFFFFF  }
0xc7: {  	_ =	task.clear_ibuf [dreg:s7], $0x2FFFF;
	_ =	strace $0x9FFFFFFF  }
0xc8: {  	(tm) =	ssettm $0x7FFFFFFF  }
0xc9: {  	_ =	shalt  }
tec
execute0_lowered:
.L_overlay_start_1:
0x0: {  	(tag) =	ssettag $0x1  }
0x1: {  	s0 =	rddreg [dreg:$0x0]  }
0x2: {  	s4 =	rddreg [dreg:$0x1];
	s3 =	srdreg.scid  }
0x3: {  	s1 =	stileid.u32;
	s2 =	simm.s32 $0x0;
	s14 =	simm.s32 $0x1  }
0x4: {  	s17 =	simm.s32 $0x5200;
	s19 =	simm.s32 $0x5280;
	s21 =	simm.s32 $0x5000  }
0x5: {  	s23 =	simm.s32 $0x6400;
	s24 =	simm.s32 $0x7400;
	s25 =	simm.s32 $0x8400  }
0x6: {  	s26 =	simm.s32 $0x0;
	s3 =	sand.u32 $0x1, s3;
	s5 =	sshll.u32 s1, $0x1  }
0x7: {  	[smem:$0x7FF] =	sst s2;
	s31 =	sshrl.u32 s1, $0x2;
	s5 =	sor.u32 s3, s5  }
0x8: {  	s6 =	ssub.s32 $0x2, s3;
	_ =	strace $0x80000047;
	s3 =	sadd.s32 $0x11C00, s4  }
0x9: {  	s10 =	sshll.u32 s31, $0xF;
	p0 =	seq.s32 s31, $0x0;
	p1 =	seq.s32 s31, $0x1  }
0xa: {  	p2 =	seq.s32 s31, $0x2;
	s7 =	sshll.u32 s5, $0x9;
	s8 =	sshrl.u32 s6, $0x1  }
0xb: {  	s9 =	sshll.u32 s5, $0xC;
	s17 =	simm.s32 @!p2 $0x5300;
	s19 =	simm.s32 @!p2 $0x5380  }
0xc: {  	s12 =	sadd.s32 s7, s4;
	s13 =	ssub.s32 s6, s8;
	s4 =	sadd.s32 s0, s7  }
0xd: {  	s22 =	ssub.s32 s9, s10;
	s17 =	simm.s32 @p1 $0x5100;
	s19 =	simm.s32 @p1 $0x5180  }
0xe: {  	s5 =	sadd.s32 $0x1C00, s12;
	s6 =	sadd.s32 $0x5C00, s12;
	s7 =	sadd.s32 $0x9C00, s12  }
0xf: {  	v0 =	vlaneseq.u32;
	s8 =	sadd.s32 $0xDC00, s12;
	s9 =	sadd.s32 $0x11E00, s12;
	s10 =	sadd.s32 $0x15E00, s12  }
0x10: {  	v2 =	vshrl.u32 v0, $0x2;
	v3 =	vshrl.u32 v0, $0x1;
	v4 =	vand.u32 $0x1, v0;
	s11 =	sadd.s32 $0x19E00, s12;
	s12 =	sadd.s32 $0x1DE00, s12;
	s13 =	smax.u32 s13, $0x1  }
0x11: {  	v2 =	vand.u32 $0x1, v2;
	v3 =	vand.u32 $0x1, v3;
	s17 =	simm.s32 @p0 $0x5000;
	v1 =	vmov s22;
	s19 =	simm.s32 @p0 $0x5080;
	s22 =	simm.s32 $0x5400  }
.LBB2_1:
0x12: {  	[tilespmem:s2], [sflag:$0x1] =	stream.linear.gather [hbm4b:s4+s2], $0x1000, $0x38;
	[tilespmem:$0x9400] =	vst v63  }
0x13: {  	_ =	swait.ge [sflag:s14], $0x1000  }
0x14: {  	[sflag:s14] =	ssyncset.done $0x0  }
0x15: {  	s0 =	simm.s32 $0x1000;
	[sflag:s14] =	ssyncadd.s32 $0xFFFFF000  }
0x16: {  	[tilespmem:s0], [sflag:$0x1] =	stream.linear.gather [hbm4b:s5+s2], $0x1000, $0x38;
	[tilespmem:$0x9400] =	vst v63  }
0x17: {  	_ =	swait.ge [sflag:s14], $0x1000  }
0x18: {  	[sflag:s14] =	ssyncset.done $0x0  }
0x19: {  	s20 =	simm.s32 $0x2000;
	[sflag:s14] =	ssyncadd.s32 $0xFFFFF000  }
0x1a: {  	[tilespmem:s20], [sflag:$0x1] =	stream.linear.gather [hbm4b:s6+s2], $0x1000, $0x38;
	[tilespmem:$0x9400] =	vst v63  }
0x1b: {  	_ =	swait.ge [sflag:s14], $0x1000  }
0x1c: {  	[sflag:s14] =	ssyncset.done $0x0  }
0x1d: {  	s1 =	simm.s32 $0x3000;
	[sflag:s14] =	ssyncadd.s32 $0xFFFFF000  }
0x1e: {  	[tilespmem:s1], [sflag:$0x1] =	stream.linear.gather [hbm4b:s7+s2], $0x1000, $0x38;
	[tilespmem:$0x9400] =	vst v63  }
0x1f: {  	_ =	swait.ge [sflag:s14], $0x1000  }
0x20: {  	[sflag:s14] =	ssyncset.done $0x0  }
0x21: {  	s15 =	simm.s32 $0x4000;
	[sflag:s14] =	ssyncadd.s32 $0xFFFFF000  }
0x22: {  	[tilespmem:s15], [sflag:$0x1] =	stream.linear.gather [hbm4b:s8+s2], $0x1000, $0x38;
	[tilespmem:$0x9400] =	vst v63  }
0x23: {  	_ =	swait.ge [sflag:s14], $0x1000  }
0x24: {  	[sflag:s14] =	ssyncset.done $0x0  }
0x25: {  	[sflag:s14] =	ssyncadd.s32 $0xFFFFF000  }
0x26: {  	[tilespmem:s21], [sflag:$0x1] =	stream.linear.gather [hbm4b:s3+s2], $0x400, $0x38;
	[tilespmem:$0x9400] =	vst v63  }
0x27: {  	_ =	swait.ge [sflag:s14], $0x400  }
0x28: {  	[sflag:s14] =	ssyncset.done $0x0  }
0x29: {  	[sflag:s14] =	ssyncadd.s32 $0xFFFFFC00  }
0x2a: {  	s28 =	simm.s32 $0x0;
	v6 =	vld [tilespmem:s19+$0x0]  }
0x2b: {  	v7 =	vld [tilespmem:s28+$0x70]  }
0x2c: {  	v8 =	vld [tilespmem:s28+$0x0]  }
0x2d: {  	v9 =	vld [tilespmem:s28+$0x10]  }
0x2e: {  	v16 =	vld [tilespmem:s28+$0x40]  }
0x2f: {  	v19 =	vld [tilespmem:s28+$0x50]  }
0x30: {  	s16 =	simm.s32 $0x70;
	v20 =	vld [tilespmem:s28+$0x60]  }
0x31: {  	v12 =	vadd.s32 s2, v1;
	s29 =	simm.s32 $0x20;
	s30 =	simm.s32 $0x30;
	s31 =	simm.s32 $0x40;
	v17 =	vadd.s32 s16, v1  }
0x32: {  	v28 =	vadd.s32 s29, v1;
	v29 =	vadd.s32 s30, v1;
	v30 =	vadd.s32 s31, v1;
	s1 =	simm.s32 $0x60  }
0x33: {  	v12 =	vadd.s32 v0, v12;
	v32 =	vadd.s32 s1, v1;
	v10 =	vld [tilespmem:s28+$0x20];
	v14 =	vshra.s32 v7, $0x1F  }
0x34: {  	v15 =	vshra.s32 v8, $0x1F;
	v18 =	vshra.s32 v9, $0x1F;
	v22 =	vshra.s32 v16, $0x1F  }
0x35: {  	v24 =	vshra.s32 v19, $0x1F;
	v26 =	vshra.s32 v20, $0x1F;
	vm3 =	vle.s32 v12, v6  }
0x36: {  	v5 =	vld [tilespmem:s17+$0x0];
	v14 =	vand.u32 $0x7FFFFFFF, v14;
	v15 =	vand.u32 $0x7FFFFFFF, v15;
	v18 =	vand.u32 $0x7FFFFFFF, v18  }
0x37: {  	v11 =	vld [tilespmem:s28+$0x4070];
	v22 =	vand.u32 $0x7FFFFFFF, v22;
	v24 =	vand.u32 $0x7FFFFFFF, v24;
	v26 =	vand.u32 $0x7FFFFFFF, v26  }
0x38: {  	s20 =	simm.s32 $0x50;
	v13 =	vld [tilespmem:s28+$0x30];
	v7 =	vxor.u32 v7, v14;
	v14 =	vadd.s32 v0, v17;
	v17 =	vshra.s32 v10, $0x1F  }
0x39: {  	v8 =	vxor.u32 v8, v15;
	v15 =	vadd.s32 s20, v1;
	v9 =	vxor.u32 v9, v18  }
0x3a: {  	v16 =	vxor.u32 v16, v22;
	v18 =	vxor.u32 v20, v26;
	v20 =	vadd.s32 v0, v28  }
0x3b: {  	v22 =	vadd.s32 v0, v29;
	v26 =	vadd.s32 v0, v30;
	v28 =	vadd.s32 v0, v32  }
0x3c: {  	v21 =	vld [tilespmem:s28+$0x3000];
	vm0 =	veq.s32 v7, v5;
	vm1 =	vle.s32 v14, v6;
	vm2 =	vgt.s32 v7, v5  }
0x3d: {  	v25 =	vld [tilespmem:s28+$0x2010];
	v7 =	vshll.u32 v11, $0x1;
	v14 =	vshra.s32 v13, $0x1F;
	v17 =	vand.u32 $0x7FFFFFFF, v17  }
0x3e: {  	v27 =	vld [tilespmem:s28+$0x3010];
	v15 =	vadd.s32 v0, v15;
	vm8 =	veq.s32 v16, v5;
	vm10 =	veq.s32 v18, v5  }
0x3f: {  	v33 =	vld [tilespmem:s28+$0x2020];
	vm7 =	vle.s32 v20, v6;
	vm11 =	vle.s32 v22, v6;
	vm12 =	vle.s32 v26, v6  }
0x40: {  	v60 =	vld [tilespmem:s28+$0x2040];
	vm14 =	vle.s32 v28, v6;
	vm15 =	vgt.s32 v18, v5;
	vm0 =	vmand vm1, vm0  }
0x41: {  	v12 =	vld [tilespmem:s28+$0x2050];
	v7 =	vor.u32 v4, v7;
	v14 =	vand.u32 $0x7FFFFFFF, v14;
	v10 =	vxor.u32 v10, v17  }
0x42: {  	v29 =	vld [tilespmem:s28+$0x3030];
	v17 =	vxor.u32 v19, v24;
	vm1 =	veq.s32 v8, v5;
	vm13 =	vle.s32 v15, v6  }
0x43: {  	v30 =	vld [tilespmem:s28+$0x4030];
	vm8 =	vmand vm12, vm8;
	vm10 =	vmand vm14, vm10;
	vm0 =	vmor vm2, vm0  }
0x44: {  	v11 =	vld [tilespmem:s28+$0x2000];
	v13 =	vxor.u32 v13, v14;
	vm2 =	veq.s32 v9, v5;
	vm5 =	veq.s32 v10, v5  }
0x45: {  	v20 =	vld [tilespmem:s28+$0x4040];
	vm9 =	veq.s32 v17, v5;
	vm3 =	vmand vm3, vm1;
	vm14 =	vgt.s32 v17, v5  }
0x46: {  	v22 =	vld [tilespmem:s28+$0x4050];
	v17 =	vshll.u32 v25, $0x1;
	v25 =	vshll.u32 v33, $0x1;
	v12 =	vshll.u32 v12, $0x1  }
0x47: {  	v18 =	vld [tilespmem:s28+$0x2070];
	v7 =	vnsel vm0, $0xFFFFFFFF, v7;
	vm6 =	veq.s32 v13, v5;
	vm1 =	vmand vm7, vm5  }
0x48: {  	v26 =	vld [tilespmem:s28+$0x3070];
	vm5 =	vgt.s32 v8, v5;
	vm12 =	vgt.s32 v13, v5;
	v13 =	vshll.u32 v21, $0x1  }
0x49: {  	s18 =	simm.s32 $0x10;
	v19 =	vld [tilespmem:s28+$0x4020];
	v21 =	vshll.u32 v27, $0x1;
	v37 =	vor.u32 v2, v17;
	v25 =	vor.u32 v2, v25  }
0x4a: {  	v24 =	vld [tilespmem:s28+$0x2030];
	[tilespmem:s28+$0x8470] =	vst v7;
	v7 =	vadd.s32 s18, v1;
	vm7 =	vmand vm11, vm6;
	vm6 =	vgt.s32 v9, v5  }
0x4b: {  	v15 =	vld [tilespmem:s28+$0x3050];
	vm11 =	vgt.s32 v10, v5;
	v27 =	vshll.u32 v29, $0x1;
	v28 =	vshll.u32 v30, $0x1  }
0x4c: {  	v23 =	vld [tilespmem:s28+$0x4000];
	v29 =	vshll.u32 v60, $0x1;
	v35 =	vor.u32 v3, v13;
	v21 =	vor.u32 v3, v21  }
0x4d: {  	v31 =	vld [tilespmem:s28+$0x4010];
	v7 =	vadd.s32 v0, v7;
	v10 =	vshll.u32 v11, $0x1;
	v30 =	vshll.u32 v20, $0x1  }
0x4e: {  	v14 =	vld [tilespmem:s28+$0x3020];
	v22 =	vshll.u32 v22, $0x1;
	v61 =	vshll.u32 v18, $0x1;
	v26 =	vshll.u32 v26, $0x1  }
0x4f: {  	v43 =	vor.u32 v3, v27;
	v44 =	vor.u32 v4, v28;
	vm4 =	vle.s32 v7, v6  }
0x50: {  	v19 =	vshll.u32 v19, $0x1;
	v24 =	vshll.u32 v24, $0x1;
	v15 =	vshll.u32 v15, $0x1  }
0x51: {  	v8 =	vld [tilespmem:s28+$0x2060];
	v62 =	vor.u32 v2, v10;
	v18 =	vor.u32 v4, v30;
	v10 =	vor.u32 v2, v61  }
0x52: {  	vm4 =	vmand vm4, vm2;
	vm2 =	vmand vm13, vm9;
	vm13 =	vgt.s32 v16, v5  }
0x53: {  	v16 =	vshll.u32 v23, $0x1;
	v23 =	vshll.u32 v31, $0x1;
	v14 =	vshll.u32 v14, $0x1  }
0x54: {  	v34 =	vld [tilespmem:s28+$0x1000];
	vm9 =	vmor vm5, vm3;
	vm5 =	vmor vm11, vm1;
	vm1 =	vmor vm12, vm7  }
0x55: {  	v39 =	vld [tilespmem:s28+$0x1020];
	v41 =	vor.u32 v4, v19;
	v24 =	vor.u32 v2, v24;
	v19 =	vor.u32 v2, v29  }
0x56: {  	v42 =	vld [tilespmem:s28+$0x1030];
	v17 =	vor.u32 v3, v15;
	v15 =	vor.u32 v4, v22;
	v8 =	vshll.u32 v8, $0x1  }
0x57: {  	v9 =	vld [tilespmem:s28+$0x3060];
	vm6 =	vmor vm6, vm4;
	vm4 =	vmor vm13, vm8;
	vm3 =	vmor vm14, vm2  }
0x58: {  	v38 =	vld [tilespmem:s28+$0x1010];
	vm2 =	vmor vm15, vm10;
	v36 =	vor.u32 v4, v16;
	v23 =	vor.u32 v4, v23  }
0x59: {  	v11 =	vld [tilespmem:s28+$0x4060];
	v40 =	vor.u32 v3, v14;
	v16 =	vor.u32 v2, v12;
	v22 =	vnsel vm9, $0xFFFFFFFF, v34  }
0x5a: {  	v7 =	vld [tilespmem:s28+$0x3040];
	v27 =	vnsel vm9, $0xFFFFFFFF, v62;
	v12 =	vor.u32 v3, v26;
	v29 =	vnsel vm5, $0xFFFFFFFF, v39  }
0x5b: {  	v28 =	vnsel vm5, $0xFFFFFFFF, v25;
	v25 =	vnsel vm1, $0xFFFFFFFF, v42;
	v24 =	vnsel vm1, $0xFFFFFFFF, v24  }
0x5c: {  	v45 =	vld [tilespmem:s28+$0x1040];
	v31 =	vshll.u32 v9, $0x1;
	v14 =	vor.u32 v2, v8;
	[tilespmem:s28+$0x5400] =	vst v22;
	v22 =	vnsel vm9, $0xFFFFFFFF, v35  }
0x5d: {  	v26 =	vnsel vm9, $0xFFFFFFFF, v36;
	v63 =	vnsel vm6, $0xFFFFFFFF, v38;
	v32 =	vnsel vm6, $0xFFFFFFFF, v37  }
0x5e: {  	v9 =	vld [tilespmem:s28+$0x1050];
	[tilespmem:s28+$0x6400] =	vst v27;
	v30 =	vnsel vm6, $0xFFFFFFFF, v23;
	v27 =	vnsel vm5, $0xFFFFFFFF, v40;
	v23 =	vnsel vm1, $0xFFFFFFFF, v43  }
0x5f: {  	v8 =	vld [tilespmem:s28+$0x1060];
	v11 =	vshll.u32 v11, $0x1;
	v13 =	vor.u32 v3, v31;
	[tilespmem:s28+$0x7400] =	vst v22;
	v7 =	vshll.u32 v7, $0x1  }
0x60: {  	v31 =	vnsel vm6, $0xFFFFFFFF, v21;
	[tilespmem:s28+$0x8400] =	vst v26;
	v26 =	vnsel vm5, $0xFFFFFFFF, v41;
	v20 =	vor.u32 v3, v7;
	v7 =	vld [tilespmem:s28+$0x1070]  }
0x61: {  	s29 =	simm.s32 $0x80;
	s31 =	simm.s32 $0x400;
	s30 =	simm.s32 $0x0;
	[tilespmem:s28+$0x5410] =	vst v63;
	v22 =	vnsel vm1, $0xFFFFFFFF, v44;
	v21 =	vnsel vm4, $0xFFFFFFFF, v45;
	v11 =	vor.u32 v4, v11  }
.LBB2_2:
0x62: {  	p0 =	sne.s32 s31, $0x3E00;
	v33 =	vld [tilespmem:s29+$0x70];
	[tilespmem:s28+$0x6410] =	vst v32;
	v19 =	vnsel vm4, $0xFFFFFFFF, v19;
	v20 =	vnsel vm4, $0xFFFFFFFF, v20;
	v18 =	vnsel vm4, $0xFFFFFFFF, v18  }
0x63: {  	v16 =	vnsel vm3, $0xFFFFFFFF, v16;
	v17 =	vnsel vm3, $0xFFFFFFFF, v17;
	v32 =	vld [tilespmem:s29+$0x0];
	[tilespmem:s28+$0x7410] =	vst v31;
	v31 =	vnsel vm3, $0xFFFFFFFF, v9  }
0x64: {  	v15 =	vnsel vm3, $0xFFFFFFFF, v15;
	v14 =	vnsel vm2, $0xFFFFFFFF, v14;
	v34 =	vld [tilespmem:s29+$0x10];
	[tilespmem:s28+$0x8410] =	vst v30;
	v30 =	vnsel vm2, $0xFFFFFFFF, v8  }
0x65: {  	v13 =	vnsel vm2, $0xFFFFFFFF, v13;
	v11 =	vnsel vm2, $0xFFFFFFFF, v11;
	s30 =	sadd.s32 $0x80, s30;
	v9 =	vnsel vm0, $0xFFFFFFFF, v7;
	v35 =	vld [tilespmem:s29+$0x20];
	[tilespmem:s28+$0x5420] =	vst v29  }
0x66: {  	v7 =	vnsel vm0, $0xFFFFFFFF, v12;
	s15 =	sadd.s32 $0x70, s30;
	v8 =	vnsel vm0, $0xFFFFFFFF, v10;
	v29 =	vld [tilespmem:s29+$0x4070];
	[tilespmem:s28+$0x6420] =	vst v28  }
0x67: {  	s1 =	sadd.s32 $0x10, s30;
	s0 =	sadd.s32 $0x20, s30;
	s16 =	sadd.s32 $0x30, s30;
	v10 =	vadd.s32 s30, v1;
	v37 =	vadd.s32 s15, v1;
	v12 =	vld [tilespmem:s29+$0x30];
	v28 =	vshra.s32 v33, $0x1F;
	[tilespmem:s28+$0x7420] =	vst v27  }
0x68: {  	s18 =	sadd.s32 $0x40, s30;
	s20 =	sadd.s32 $0x50, s30;
	v43 =	vadd.s32 s16, v1;
	v27 =	vshra.s32 v32, $0x1F;
	v36 =	vld [tilespmem:s29+$0x40];
	v28 =	vand.u32 $0x7FFFFFFF, v28;
	[tilespmem:s28+$0x8420] =	vst v26  }
0x69: {  	s15 =	sadd.s32 $0x60, s30;
	v26 =	vshra.s32 v34, $0x1F;
	v38 =	vld [tilespmem:s29+$0x50];
	v28 =	vxor.u32 v33, v28;
	v33 =	vadd.s32 v0, v37;
	[tilespmem:s28+$0x5430] =	vst v25  }
0x6a: {  	v25 =	vshra.s32 v35, $0x1F;
	v37 =	vld [tilespmem:s29+$0x60];
	vm0 =	veq.s32 v28, v5;
	vm1 =	vle.s32 v33, v6;
	[tilespmem:s28+$0x6430] =	vst v24  }
0x6b: {  	vm2 =	vgt.s32 v28, v5;
	v24 =	vld [tilespmem:s29+$0x2000];
	vm0 =	vmand vm1, vm0;
	v28 =	vshll.u32 v29, $0x1;
	[tilespmem:s28+$0x7430] =	vst v23  }
0x6c: {  	v23 =	vld [tilespmem:s29+$0x3000];
	v29 =	vshra.s32 v12, $0x1F;
	vm0 =	vmor vm2, vm0;
	v28 =	vor.u32 v4, v28;
	[tilespmem:s28+$0x8430] =	vst v22  }
0x6d: {  	v22 =	vand.u32 $0x7FFFFFFF, v27;
	v27 =	vld [tilespmem:s29+$0x4000];
	v33 =	vshra.s32 v36, $0x1F;
	v28 =	vnsel vm0, $0xFFFFFFFF, v28;
	[tilespmem:s28+$0x5440] =	vst v21  }
0x6e: {  	v25 =	vand.u32 $0x7FFFFFFF, v25;
	v21 =	vand.u32 $0x7FFFFFFF, v26;
	v26 =	vld [tilespmem:s29+$0x2010];
	v39 =	vshra.s32 v38, $0x1F;
	[tilespmem:s29+$0x8470] =	vst v28  }
0x6f: {  	v29 =	vand.u32 $0x7FFFFFFF, v29;
	v33 =	vand.u32 $0x7FFFFFFF, v33;
	v28 =	vld [tilespmem:s29+$0x3010];
	v40 =	vshra.s32 v37, $0x1F;
	[tilespmem:s28+$0x6440] =	vst v19  }
0x70: {  	v19 =	vadd.s32 s1, v1;
	v39 =	vand.u32 $0x7FFFFFFF, v39;
	v41 =	vld [tilespmem:s29+$0x4010];
	v40 =	vand.u32 $0x7FFFFFFF, v40;
	[tilespmem:s28+$0x7440] =	vst v20  }
0x71: {  	v44 =	vadd.s32 s18, v1;
	v20 =	vadd.s32 s0, v1;
	v42 =	vld [tilespmem:s29+$0x2020];
	[tilespmem:s28+$0x8440] =	vst v18  }
0x72: {  	v45 =	vadd.s32 s15, v1;
	v18 =	vxor.u32 v32, v22;
	v32 =	vadd.s32 s20, v1;
	v22 =	vld [tilespmem:s29+$0x3020];
	[tilespmem:s28+$0x5450] =	vst v31  }
0x73: {  	v25 =	vxor.u32 v35, v25;
	v21 =	vxor.u32 v34, v21;
	v12 =	vxor.u32 v12, v29;
	v31 =	vld [tilespmem:s29+$0x4020];
	[tilespmem:s28+$0x6450] =	vst v16  }
0x74: {  	v29 =	vxor.u32 v36, v33;
	v33 =	vxor.u32 v38, v39;
	v34 =	vxor.u32 v37, v40;
	v16 =	vld [tilespmem:s29+$0x2030];
	[tilespmem:s28+$0x7450] =	vst v17  }
0x75: {  	v17 =	vadd.s32 v0, v19;
	v19 =	vadd.s32 v0, v20;
	v20 =	vadd.s32 v0, v43;
	v35 =	vld [tilespmem:s29+$0x3030];
	[tilespmem:s28+$0x8450] =	vst v15  }
0x76: {  	v36 =	vadd.s32 v0, v44;
	v37 =	vadd.s32 v0, v45;
	v32 =	vadd.s32 v0, v32;
	v15 =	vld [tilespmem:s29+$0x4030];
	[tilespmem:s28+$0x5460] =	vst v30  }
0x77: {  	v10 =	vadd.s32 v0, v10;
	vm2 =	veq.s32 v21, v5;
	vm1 =	veq.s32 v18, v5;
	v30 =	vld [tilespmem:s29+$0x2040];
	[tilespmem:s28+$0x6460] =	vst v14  }
0x78: {  	vm5 =	veq.s32 v25, v5;
	vm6 =	veq.s32 v12, v5;
	vm7 =	veq.s32 v29, v5;
	v14 =	vld [tilespmem:s29+$0x3040];
	[tilespmem:s28+$0x7460] =	vst v13  }
0x79: {  	vm8 =	veq.s32 v33, v5;
	vm10 =	veq.s32 v34, v5;
	vm4 =	vle.s32 v17, v6;
	v13 =	vld [tilespmem:s29+$0x4040];
	[tilespmem:s28+$0x8460] =	vst v11  }
0x7a: {  	vm12 =	vle.s32 v36, v6;
	vm9 =	vle.s32 v19, v6;
	vm11 =	vle.s32 v20, v6;
	v11 =	vld [tilespmem:s29+$0x2050];
	[tilespmem:s28+$0x5470] =	vst v9  }
0x7b: {  	vm3 =	vle.s32 v10, v6;
	vm14 =	vle.s32 v37, v6;
	vm13 =	vle.s32 v32, v6;
	v9 =	vld [tilespmem:s29+$0x3050];
	[tilespmem:s28+$0x6470] =	vst v8  }
0x7c: {  	vm3 =	vmand vm3, vm1;
	vm4 =	vmand vm4, vm2;
	vm1 =	vmand vm9, vm5;
	v8 =	vld [tilespmem:s29+$0x4050];
	[tilespmem:s28+$0x7470] =	vst v7;
	s28 =	smov.u32 s29  }
0x7d: {  	vm5 =	vmand vm11, vm6;
	vm6 =	vmand vm12, vm7;
	vm2 =	vmand vm13, vm8;
	v7 =	vld [tilespmem:s28+$0x2060]  }
0x7e: {  	vm8 =	vgt.s32 v18, v5;
	vm9 =	vgt.s32 v21, v5;
	vm7 =	vmand vm14, vm10;
	v10 =	vld [tilespmem:s28+$0x3060]  }
0x7f: {  	vm10 =	vgt.s32 v25, v5;
	vm11 =	vgt.s32 v12, v5;
	vm12 =	vgt.s32 v29, v5;
	v12 =	vld [tilespmem:s28+$0x4060]  }
0x80: {  	v17 =	vshll.u32 v24, $0x1;
	vm13 =	vgt.s32 v33, v5;
	vm14 =	vgt.s32 v34, v5;
	v18 =	vld [tilespmem:s28+$0x2070]  }
0x81: {  	v19 =	vshll.u32 v23, $0x1;
	v20 =	vshll.u32 v27, $0x1;
	v21 =	vshll.u32 v26, $0x1;
	v23 =	vld [tilespmem:s28+$0x3070]  }
0x82: {  	v25 =	vshll.u32 v28, $0x1;
	v26 =	vshll.u32 v41, $0x1;
	v27 =	vshll.u32 v42, $0x1;
	v24 =	vld [tilespmem:s28+$0x1000]  }
0x83: {  	v22 =	vshll.u32 v22, $0x1;
	v29 =	vshll.u32 v31, $0x1;
	v16 =	vshll.u32 v16, $0x1;
	v28 =	vld [tilespmem:s28+$0x1010]  }
0x84: {  	v31 =	vshll.u32 v35, $0x1;
	v15 =	vshll.u32 v15, $0x1;
	v30 =	vshll.u32 v30, $0x1;
	v33 =	vld [tilespmem:s28+$0x1020]  }
0x85: {  	v14 =	vshll.u32 v14, $0x1;
	v13 =	vshll.u32 v13, $0x1;
	v11 =	vshll.u32 v11, $0x1;
	v34 =	vld [tilespmem:s28+$0x1030]  }
0x86: {  	v32 =	vshll.u32 v9, $0x1;
	v36 =	vshll.u32 v8, $0x1;
	v37 =	vshll.u32 v7, $0x1;
	v35 =	vld [tilespmem:s28+$0x1040]  }
0x87: {  	v10 =	vshll.u32 v10, $0x1;
	v12 =	vshll.u32 v12, $0x1;
	v38 =	vshll.u32 v18, $0x1;
	v9 =	vld [tilespmem:s28+$0x1050]  }
0x88: {  	vm15 =	vmor vm8, vm3;
	vm9 =	vmor vm9, vm4;
	v23 =	vshll.u32 v23, $0x1;
	v8 =	vld [tilespmem:s28+$0x1060]  }
0x89: {  	vm8 =	vmor vm10, vm1;
	vm1 =	vmor vm11, vm5;
	vm4 =	vmor vm12, vm6;
	v7 =	vld [tilespmem:s28+$0x1070]  }
0x8a: {  	v39 =	vor.u32 v2, v17;
	vm3 =	vmor vm13, vm2;
	vm2 =	vmor vm14, vm7  }
0x8b: {  	v40 =	vor.u32 v3, v19;
	v41 =	vor.u32 v4, v20;
	v21 =	vor.u32 v2, v21  }
0x8c: {  	v25 =	vor.u32 v3, v25;
	v26 =	vor.u32 v4, v26;
	v27 =	vor.u32 v2, v27  }
0x8d: {  	v22 =	vor.u32 v3, v22;
	v42 =	vor.u32 v4, v29;
	v43 =	vor.u32 v2, v16  }
0x8e: {  	v44 =	vor.u32 v3, v31;
	v45 =	vor.u32 v4, v15;
	v19 =	vor.u32 v2, v30  }
0x8f: {  	v20 =	vor.u32 v3, v14;
	v16 =	vor.u32 v2, v11;
	v18 =	vor.u32 v4, v13  }
0x90: {  	v17 =	vor.u32 v3, v32;
	v15 =	vor.u32 v4, v36;
	v14 =	vor.u32 v2, v37  }
0x91: {  	v13 =	vor.u32 v3, v10;
	v11 =	vor.u32 v4, v12;
	v10 =	vor.u32 v2, v38  }
0x92: {  	v29 =	vnsel vm15, $0xFFFFFFFF, v39;
	v24 =	vnsel vm15, $0xFFFFFFFF, v24;
	v12 =	vor.u32 v3, v23  }
.Ltmp0:
0x93: {  	v23 =	vnsel vm15, $0xFFFFFFFF, v40;
	v36 =	vnsel vm9, $0xFFFFFFFF, v28;
	[tilespmem:s28+$0x5400] =	vst v24;
	v24 =	vnsel vm15, $0xFFFFFFFF, v41;
	(pc) =	sbr.rel @p0 .LBB2_2-.Ltmp0, $4  }
0x94: {  	v31 =	vnsel vm9, $0xFFFFFFFF, v25;
	v30 =	vnsel vm9, $0xFFFFFFFF, v26;
	v32 =	vnsel vm9, $0xFFFFFFFF, v21;
	[tilespmem:s28+$0x6400] =	vst v29  }
0x95: {  	v28 =	vnsel vm8, $0xFFFFFFFF, v27;
	v27 =	vnsel vm8, $0xFFFFFFFF, v22;
	v29 =	vnsel vm8, $0xFFFFFFFF, v33;
	[tilespmem:s28+$0x7400] =	vst v23  }
0x96: {  	v26 =	vnsel vm8, $0xFFFFFFFF, v42;
	v25 =	vnsel vm1, $0xFFFFFFFF, v34;
	[tilespmem:s28+$0x8400] =	vst v24;
	v24 =	vnsel vm1, $0xFFFFFFFF, v43  }
0x97: {  	s29 =	sshra.s32 s31, $0x2;
	s31 =	sadd.s32 $0x200, s31;
	v22 =	vnsel vm1, $0xFFFFFFFF, v45;
	v21 =	vnsel vm4, $0xFFFFFFFF, v35;
	v23 =	vnsel vm1, $0xFFFFFFFF, v44;
	[tilespmem:s28+$0x5410] =	vst v36  }
0x98: {  	v19 =	vnsel vm4, $0xFFFFFFFF, v19;
	v56 =	vnsel vm4, $0xFFFFFFFF, v20;
	v18 =	vnsel vm4, $0xFFFFFFFF, v18  }
0x99: {  	v33 =	vld [tilespmem:s29+$0x70];
	[tilespmem:s28+$0x6410] =	vst v32;
	v9 =	vnsel vm3, $0xFFFFFFFF, v9;
	v57 =	vnsel vm3, $0xFFFFFFFF, v16;
	v58 =	vnsel vm3, $0xFFFFFFFF, v17  }
0x9a: {  	s30 =	sadd.s32 $0x80, s30;
	v59 =	vnsel vm3, $0xFFFFFFFF, v15;
	v8 =	vnsel vm2, $0xFFFFFFFF, v8;
	v60 =	vnsel vm2, $0xFFFFFFFF, v14;
	v32 =	vld [tilespmem:s29+$0x0];
	[tilespmem:s28+$0x7410] =	vst v31  }
0x9b: {  	v13 =	vnsel vm2, $0xFFFFFFFF, v13;
	v11 =	vnsel vm2, $0xFFFFFFFF, v11;
	v61 =	vnsel vm0, $0xFFFFFFFF, v7;
	s0 =	sadd.s32 $0x70, s30;
	v31 =	vld [tilespmem:s29+$0x10];
	[tilespmem:s28+$0x8410] =	vst v30  }
0x9c: {  	v62 =	vnsel vm0, $0xFFFFFFFF, v10;
	v63 =	vadd.s32 s30, v1;
	s18 =	sadd.s32 $0x10, s30;
	s1 =	sadd.s32 $0x20, s30;
	v51 =	vadd.s32 s0, v1;
	v30 =	vld [tilespmem:s29+$0x20];
	[tilespmem:s28+$0x5420] =	vst v29  }
0x9d: {  	v12 =	vnsel vm0, $0xFFFFFFFF, v12;
	s20 =	sadd.s32 $0x30, s30;
	s15 =	sadd.s32 $0x40, s30;
	v41 =	vadd.s32 s18, v1;
	v43 =	vadd.s32 s1, v1;
	v29 =	vld [tilespmem:s29+$0x4070];
	[tilespmem:s28+$0x6420] =	vst v28  }
0x9e: {  	s16 =	sadd.s32 $0x60, s30;
	v44 =	vadd.s32 s20, v1;
	v45 =	vadd.s32 s15, v1;
	v53 =	vadd.s32 v0, v51;
	v34 =	vld [tilespmem:s29+$0x30];
	[tilespmem:s28+$0x7420] =	vst v27  }
0x9f: {  	s31 =	sadd.s32 $0x50, s30;
	v46 =	vadd.s32 s16, v1;
	vm5 =	vle.s32 v53, v6;
	v50 =	vshra.s32 v33, $0x1F;
	v35 =	vld [tilespmem:s29+$0x40];
	[tilespmem:s28+$0x8420] =	vst v26  }
0xa0: {  	v53 =	vadd.s32 s31, v1;
	v47 =	vshra.s32 v32, $0x1F;
	v36 =	vld [tilespmem:s29+$0x50];
	[tilespmem:s28+$0x5430] =	vst v25;
	v25 =	vand.u32 $0x7FFFFFFF, v50  }
0xa1: {  	v48 =	vshra.s32 v31, $0x1F;
	v38 =	vand.u32 $0x7FFFFFFF, v47;
	v52 =	vxor.u32 v33, v25  }
0xa2: {  	v49 =	vshra.s32 v30, $0x1F;
	v32 =	vxor.u32 v32, v38;
	v38 =	vadd.s32 v0, v53  }
0xa3: {  	v37 =	vld [tilespmem:s29+$0x60];
	[tilespmem:s28+$0x6430] =	vst v24;
	vm1 =	veq.s32 v52, v5;
	vm6 =	vgt.s32 v52, v5;
	v54 =	vshll.u32 v29, $0x1  }
0xa4: {  	v24 =	vld [tilespmem:s29+$0x2000];
	[tilespmem:s28+$0x7430] =	vst v23;
	v23 =	vand.u32 $0x7FFFFFFF, v49;
	vm14 =	veq.s32 v32, v5;
	vm10 =	vle.s32 v38, v6  }
0xa5: {  	v27 =	vld [tilespmem:s29+$0x3000];
	[tilespmem:s28+$0x8430] =	vst v22;
	vm1 =	vmand vm5, vm1;
	v22 =	vor.u32 v4, v54;
	v50 =	vshra.s32 v34, $0x1F  }
0xa6: {  	v47 =	vxor.u32 v30, v23;
	v54 =	vadd.s32 v0, v41;
	vm1 =	vmor vm6, vm1  }
0xa7: {  	v51 =	vshra.s32 v35, $0x1F;
	v33 =	vand.u32 $0x7FFFFFFF, v50;
	vm3 =	veq.s32 v47, v5  }
0xa8: {  	vm12 =	vle.s32 v54, v6;
	v55 =	vnsel vm1, $0xFFFFFFFF, v22;
	v22 =	vand.u32 $0x7FFFFFFF, v48  }
0xa9: {  	v29 =	vld [tilespmem:s29+$0x4000];
	[tilespmem:s28+$0x5440] =	vst v21;
	v39 =	vshra.s32 v36, $0x1F;
	v40 =	vand.u32 $0x7FFFFFFF, v51;
	v33 =	vxor.u32 v34, v33  }
0xaa: {  	v28 =	vld [tilespmem:s29+$0x2010];
	[tilespmem:s29+$0x8470] =	vst v55;
	v52 =	vshra.s32 v37, $0x1F;
	v39 =	vand.u32 $0x7FFFFFFF, v39;
	v31 =	vxor.u32 v31, v22  }
0xab: {  	v26 =	vld [tilespmem:s29+$0x3010];
	v34 =	vxor.u32 v35, v40;
	v55 =	vadd.s32 v0, v43;
	vm4 =	veq.s32 v33, v5;
	[tilespmem:s28+$0x6440] =	vst v19  }
0xac: {  	v42 =	vand.u32 $0x7FFFFFFF, v52;
	v35 =	vxor.u32 v36, v39;
	vm15 =	veq.s32 v31, v5;
	v25 =	vld [tilespmem:s29+$0x4010];
	[tilespmem:s28+$0x7440] =	vst v56  }
0xad: {  	vm6 =	vle.s32 v55, v6;
	vm0 =	veq.s32 v34, v5;
	v24 =	vshll.u32 v24, $0x1;
	v20 =	vld [tilespmem:s29+$0x2020];
	[tilespmem:s28+$0x8440] =	vst v18  }
0xae: {  	v30 =	vxor.u32 v37, v42;
	v56 =	vadd.s32 v0, v44;
	vm12 =	vmand vm12, vm15;
	v19 =	vld [tilespmem:s29+$0x3020];
	[tilespmem:s28+$0x5450] =	vst v9  }
0xaf: {  	vm5 =	vmand vm6, vm3;
	vm13 =	veq.s32 v35, v5;
	vm15 =	vgt.s32 v32, v5;
	v18 =	vld [tilespmem:s29+$0x4020];
	[tilespmem:s28+$0x6450] =	vst v57  }
0xb0: {  	v27 =	vshll.u32 v27, $0x1;
	v24 =	vor.u32 v2, v24;
	vm7 =	vle.s32 v56, v6;
	v17 =	vld [tilespmem:s29+$0x2030];
	[tilespmem:s28+$0x7450] =	vst v58  }
0xb1: {  	vm2 =	vmand vm10, vm13;
	v29 =	vshll.u32 v29, $0x1;
	v27 =	vor.u32 v3, v27;
	v16 =	vld [tilespmem:s29+$0x3030];
	[tilespmem:s28+$0x8450] =	vst v59  }
0xb2: {  	vm10 =	vgt.s32 v31, v5;
	vm13 =	vgt.s32 v34, v5;
	vm4 =	vmand vm7, vm4;
	v15 =	vld [tilespmem:s29+$0x4030];
	[tilespmem:s28+$0x5460] =	vst v8  }
0xb3: {  	v28 =	vshll.u32 v28, $0x1;
	vm7 =	vmor vm10, vm12;
	v26 =	vshll.u32 v26, $0x1;
	v9 =	vld [tilespmem:s29+$0x2040];
	[tilespmem:s28+$0x6460] =	vst v60  }
0xb4: {  	vm12 =	vgt.s32 v33, v5;
	v57 =	vadd.s32 v0, v45;
	v59 =	vadd.s32 v0, v63;
	v8 =	vld [tilespmem:s29+$0x3040];
	[tilespmem:s28+$0x7460] =	vst v13  }
0xb5: {  	v49 =	vor.u32 v2, v28;
	v52 =	vor.u32 v3, v26;
	vm9 =	vle.s32 v59, v6;
	v7 =	vld [tilespmem:s29+$0x4040];
	[tilespmem:s28+$0x8460] =	vst v11  }
0xb6: {  	v58 =	vadd.s32 v0, v46;
	vm8 =	vle.s32 v57, v6;
	vm9 =	vmand vm9, vm14;
	v10 =	vld [tilespmem:s29+$0x2050];
	[tilespmem:s28+$0x5470] =	vst v61  }
0xb7: {  	v53 =	vnsel vm7, $0xFFFFFFFF, v49;
	vm11 =	vle.s32 v58, v6;
	vm6 =	vmor vm15, vm9;
	v11 =	vld [tilespmem:s29+$0x3050];
	[tilespmem:s28+$0x6470] =	vst v62  }
0xb8: {  	vm3 =	vmand vm8, vm0;
	v51 =	vshll.u32 v25, $0x1;
	v24 =	vnsel vm6, $0xFFFFFFFF, v24;
	v14 =	vld [tilespmem:s29+$0x4050];
	[tilespmem:s28+$0x7470] =	vst v12  }
0xb9: {  	v25 =	vnsel vm7, $0xFFFFFFFF, v52;
	vm14 =	veq.s32 v30, v5;
	v27 =	vnsel vm6, $0xFFFFFFFF, v27;
	[tilespmem:s29+$0x6400] =	vst v24  }
0xba: {  	v20 =	vshll.u32 v20, $0x1;
	vm0 =	vmand vm11, vm14;
	vm11 =	vgt.s32 v47, v5;
	[tilespmem:s29+$0x7400] =	vst v27  }
0xbb: {  	v19 =	vshll.u32 v19, $0x1;
	v20 =	vor.u32 v2, v20;
	vm5 =	vmor vm11, vm5;
	[tilespmem:s29+$0x6410] =	vst v53  }
0xbc: {  	v19 =	vor.u32 v3, v19;
	v17 =	vshll.u32 v17, $0x1;
	v20 =	vnsel vm5, $0xFFFFFFFF, v20;
	[tilespmem:s29+$0x7410] =	vst v25  }
0xbd: {  	vm4 =	vmor vm12, vm4;
	v54 =	vnsel vm5, $0xFFFFFFFF, v19;
	v17 =	vor.u32 v2, v17;
	v60 =	vld [tilespmem:s29+$0x1000];
	[tilespmem:s29+$0x6420] =	vst v20  }
0xbe: {  	v48 =	vor.u32 v4, v29;
	v57 =	vnsel vm4, $0xFFFFFFFF, v17;
	v9 =	vshll.u32 v9, $0x1;
	v61 =	vld [tilespmem:s29+$0x1010];
	[tilespmem:s29+$0x7420] =	vst v54  }
0xbf: {  	vm3 =	vmor vm13, vm3;
	v6 =	vld [tilespmem:s29+$0x1020];
	v24 =	vnsel vm6, $0xFFFFFFFF, v48;
	[tilespmem:s29+$0x6430] =	vst v57;
	v9 =	vor.u32 v2, v9  }
0xc0: {  	v62 =	vld [tilespmem:s29+$0x1030];
	[tilespmem:s29+$0x8400] =	vst v24;
	v24 =	vor.u32 v4, v51;
	v59 =	vnsel vm3, $0xFFFFFFFF, v9  }
0xc1: {  	v63 =	vld [tilespmem:s29+$0x1040];
	v24 =	vnsel vm7, $0xFFFFFFFF, v24;
	[tilespmem:s29+$0x6440] =	vst v59  }
0xc2: {  	v44 =	vld [tilespmem:s29+$0x1050];
	[tilespmem:s29+$0x8410] =	vst v24;
	v36 =	vnsel vm6, $0xFFFFFFFF, v60  }
0xc3: {  	v50 =	vnsel vm7, $0xFFFFFFFF, v61;
	[tilespmem:s29+$0x5400] =	vst v36  }
0xc4: {  	v45 =	vld [tilespmem:s29+$0x1060];
	v6 =	vnsel vm5, $0xFFFFFFFF, v6;
	[tilespmem:s29+$0x5410] =	vst v50  }
0xc5: {  	vm14 =	vgt.s32 v35, v5;
	v46 =	vld [tilespmem:s29+$0x1070];
	v55 =	vnsel vm4, $0xFFFFFFFF, v62;
	[tilespmem:s29+$0x5420] =	vst v6  }
0xc6: {  	v18 =	vshll.u32 v18, $0x1;
	vm2 =	vmor vm14, vm2;
	v58 =	vnsel vm3, $0xFFFFFFFF, v63;
	[tilespmem:s29+$0x5430] =	vst v55  }
0xc7: {  	vm15 =	vgt.s32 v30, v5;
	v61 =	vnsel vm2, $0xFFFFFFFF, v44;
	v6 =	vor.u32 v4, v18;
	[tilespmem:s29+$0x5440] =	vst v58  }
0xc8: {  	vm0 =	vmor vm15, vm0;
	[tilespmem:s29+$0x5450] =	vst v61;
	v6 =	vnsel vm5, $0xFFFFFFFF, v6  }
0xc9: {  	v62 =	vnsel vm0, $0xFFFFFFFF, v45;
	[tilespmem:s29+$0x8420] =	vst v6;
	v6 =	vshll.u32 v15, $0x1  }
0xca: {  	v16 =	vshll.u32 v16, $0x1;
	v63 =	vnsel vm1, $0xFFFFFFFF, v46;
	[tilespmem:s29+$0x5460] =	vst v62;
	v6 =	vor.u32 v4, v6  }
0xcb: {  	v56 =	vor.u32 v3, v16;
	v21 =	vld [tilespmem:s29+$0x2060];
	v8 =	vshll.u32 v8, $0x1;
	[tilespmem:s29+$0x5470] =	vst v63;
	v6 =	vnsel vm4, $0xFFFFFFFF, v6  }
0xcc: {  	v22 =	vld [tilespmem:s29+$0x3060];
	v15 =	vnsel vm4, $0xFFFFFFFF, v56;
	[tilespmem:s29+$0x8430] =	vst v6;
	v6 =	vshll.u32 v7, $0x1;
	v7 =	vor.u32 v3, v8  }
0xcd: {  	v23 =	vld [tilespmem:s29+$0x4060];
	v60 =	vshll.u32 v10, $0x1;
	[tilespmem:s29+$0x7430] =	vst v15;
	v6 =	vor.u32 v4, v6;
	v7 =	vnsel vm3, $0xFFFFFFFF, v7  }
0xce: {  	v12 =	vld [tilespmem:s29+$0x2070];
	v8 =	vor.u32 v2, v60;
	v6 =	vnsel vm3, $0xFFFFFFFF, v6;
	[tilespmem:s29+$0x7440] =	vst v7;
	v7 =	vshll.u32 v11, $0x1  }
0xcf: {  	v13 =	vld [tilespmem:s29+$0x3070];
	v8 =	vnsel vm2, $0xFFFFFFFF, v8;
	[tilespmem:s29+$0x8440] =	vst v6;
	v6 =	vshll.u32 v14, $0x1;
	v7 =	vor.u32 v3, v7  }
0xd0: {  	[tilespmem:s29+$0x6450] =	vst v8;
	v5 =	vor.u32 v4, v6;
	v6 =	vnsel vm2, $0xFFFFFFFF, v7;
	v7 =	vshll.u32 v21, $0x1  }
0xd1: {  	v5 =	vnsel vm2, $0xFFFFFFFF, v5;
	[tilespmem:s29+$0x7450] =	vst v6;
	v6 =	vshll.u32 v22, $0x1;
	v7 =	vor.u32 v2, v7  }
0xd2: {  	[tilespmem:s29+$0x8450] =	vst v5;
	v5 =	vshll.u32 v23, $0x1;
	v6 =	vor.u32 v3, v6;
	v7 =	vnsel vm0, $0xFFFFFFFF, v7  }
0xd3: {  	v5 =	vor.u32 v4, v5;
	v6 =	vnsel vm0, $0xFFFFFFFF, v6;
	[tilespmem:s29+$0x6460] =	vst v7;
	v7 =	vshll.u32 v12, $0x1  }
0xd4: {  	v5 =	vnsel vm0, $0xFFFFFFFF, v5;
	[tilespmem:s29+$0x7460] =	vst v6;
	v6 =	vshll.u32 v13, $0x1;
	v7 =	vor.u32 v2, v7  }
0xd5: {  	[tilespmem:s29+$0x8460] =	vst v5;
	v5 =	vor.u32 v3, v6;
	v6 =	vnsel vm1, $0xFFFFFFFF, v7  }
0xd6: {  	v5 =	vnsel vm1, $0xFFFFFFFF, v5;
	[tilespmem:s29+$0x6470] =	vst v6  }
0xd7: {  	[tilespmem:s29+$0x7470] =	vst v5  }
0xd8: {  	[hbm4b:s9+s2] =	stream.linear.scatter [tilespmem:s22], [sflag:$0x1], $0x1000, $0x38;
	[tilespmem:$0x9400] =	vst v63  }
0xd9: {  	_ =	swait.ge [sflag:s14], $0x1000  }
0xda: {  	[sflag:s14] =	ssyncset.done $0x0  }
0xdb: {  	[sflag:s14] =	ssyncadd.s32 $0xFFFFF000  }
0xdc: {  	[hbm4b:s10+s2] =	stream.linear.scatter [tilespmem:s23], [sflag:$0x1], $0x1000, $0x38;
	[tilespmem:$0x9400] =	vst v63  }
0xdd: {  	_ =	swait.ge [sflag:s14], $0x1000  }
0xde: {  	[sflag:s14] =	ssyncset.done $0x0  }
0xdf: {  	[sflag:s14] =	ssyncadd.s32 $0xFFFFF000  }
0xe0: {  	[hbm4b:s11+s2] =	stream.linear.scatter [tilespmem:s24], [sflag:$0x1], $0x1000, $0x38;
	[tilespmem:$0x9400] =	vst v63  }
0xe1: {  	s26 =	sadd.s32 $0x1, s26;
	_ =	swait.ge [sflag:s14], $0x1000  }
0xe2: {  	p0 =	sne.s32 s26, s13;
	[sflag:s14] =	ssyncset.done $0x0  }
.Ltmp1:
0xe3: {  	[sflag:s14] =	ssyncadd.s32 $0xFFFFF000;
	(pc) =	sbr.rel @p0 .LBB2_1-.Ltmp1, $4  }
0xe4: {  	[hbm4b:s12+s2] =	stream.linear.scatter [tilespmem:s25], [sflag:$0x1], $0x1000, $0x38;
	[tilespmem:$0x9400] =	vst v63  }
0xe5: {  	_ =	swait.ge [sflag:s14], $0x1000  }
0xe6: {  	[sflag:s14] =	ssyncset.done $0x0  }
0xe7: {  	[sflag:s14] =	ssyncadd.s32 $0xFFFFF000  }
0xe8: {  	_ =	sfence.sel $0x180000  }
0xe9: {  	[bflag:$0x0] =	sbarrier.arrive $0xFFFF  }
0xea: {  	_ =	strace $0x90000047  }
0xeb: {  	s0 =	stileid.u32;
	[bflag:$0x2] =	sbarrier.arrive $0xFFFF  }
0xec: {  	p0 =	sne.s32 s0, $0x0;
	s0 =	rddreg [dreg:$0x2]  }
0xed: {  	s0 =	sadd.s32 @!p0 $0x100000, s0  }
0xee: {  	[sflag:s0] =	ssyncadd.tile.s32 @!p0 $0x1;
	_ =	shalt  }
.Lfunc_end2:
_tile_overlayer_lowered:
.L_overlay_start_2:
0xef: {  	(tag) =	ssettag $0x2  }
0xf0: {  	s0 =	rddreg [dreg:$0x0];
	s2 =	stileid.u32  }
0xf1: {  	s1 =	rddreg [dreg:$0x1];
	p0 =	sne.s32 s2, $0x0  }
0xf2: {  	s3 =	rddreg [dreg:$0x2];
	[bflag:$0x3] =	sbarrier.arrive $0xFFFF;
	s2 =	simm.s32 @!p0 $0x1C01  }
0xf3: {  	[timem:s3], [sflag:s2] =	dma.local @!p0 [hbm:s0], s1  }
0xf4: {  	s0 =	simm.s32 @!p0 $0x1  }
0xf5: {  	_ =	swait.ge @!p0 [sflag:s0], s1  }
0xf6: {  	s1 =	ssub.s32 @!p0 $0x0, s1;
	[sflag:s0] =	ssyncset.done @!p0 $0x0  }
0xf7: {  	[sflag:s0] =	ssyncadd.s32 @!p0 s1  }
0xf8: {  	[bflag:$0x3] =	sbarrier.arrive $0xFFFF  }
0xf9: {  	_ =	shalt  }

</sc_bundles>
